<compile_context>
chip_gen: v7x
topology: tpu7x:2x2x1
jax: 0.10.2.dev20260603
libtpu: 0.0.44.dev20260713+nightly
codegen_flags: <defaults>
</compile_context>

<pallas_src>
import functools

import jax
import jax.numpy as jnp
from jax import lax
from jax.experimental import pallas as pl
from jax.experimental.pallas import tpu as pltpu
from jax.experimental.pallas import tpu_sc as plsc

B = 32
N = 1048576
NBINS = 100
OUTPAD = 128
CHUNK = 16384
N_SC = 393216
N_TC = N - N_SC
NCHUNKS = N_SC // CHUNK
VPC = CHUNK // 16
NC = 2
GRP = 7
BIN_POS = [0, 12, 25, 37, 50, 62, 75, 87, 99]
_LE_THRESH = (-4.0, -3.0, -2.0, -1.0)
_LT_THRESH = (1.0, 2.0, 3.0, 4.0)
CB = 8192
G_TC = N_TC // CB
TC0 = N_SC // CB


def _hist_body(x_hbm, out_hbm, buf0, buf1, row_v, sem0, sem1):
  wid = lax.axis_index("s") * NC + lax.axis_index("c")
  iota = lax.iota(jnp.int32, 16)
  one = jnp.ones((16,), jnp.int32)
  zi = jnp.zeros((16,), jnp.int32)
  m63 = jnp.full((16,), 63, jnp.int32)

  def pack_one(acc, v):
    c = jnp.minimum(jnp.maximum(v.astype(jnp.int32), -4), 4)
    return acc + (one << (c * 3 + 12))

  def fold_l2(l2, acc):
    l2e, l2o = l2
    return (l2e + (acc & MASK_E), l2o + ((acc >> 3) & MASK_O))

  def unpack_l2(wides, l2):
    l2e, l2o = l2
    new = list(wides)
    for k2 in range(5):
      new[2 * k2] = new[2 * k2] + ((l2e >> (6 * k2)) & m63)
    for k2 in range(4):
      new[2 * k2 + 1] = new[2 * k2 + 1] + ((l2o >> (6 * k2)) & m63)
    return tuple(new)

  def start_copy(buf, sem, ci):
    off = jnp.minimum(ci, NCHUNKS - 1) * CHUNK
    pltpu.make_async_copy(
        x_hbm.at[wid, pl.ds(off, CHUNK)], buf, sem).start()

  def wait_copy(buf, sem):
    pltpu.make_async_copy(
        x_hbm.at[wid, pl.ds(0, CHUNK)], buf, sem).wait()

  seven = jnp.full((16,), 7, jnp.int32)

  def unpack_into(wides, acc):
    return tuple(w + ((acc >> (3 * k)) & seven)
                 for k, w in enumerate(wides))

  NG = VPC // GRP
  REM2 = VPC - NG * GRP

  def process_chunk(buf, wides):
    @plsc.parallel_loop(0, NG, carry=wides, unroll=2)
    def chunk_loop(g, wides):
      base = g * (GRP * 16)
      acc_a = zi
      acc_b = zi
      for u in range(GRP):
        if u % 2 == 0:
          acc_a = pack_one(acc_a, buf[pl.ds(base + u * 16, 16)])
        else:
          acc_b = pack_one(acc_b, buf[pl.ds(base + u * 16, 16)])
      return unpack_into(wides, acc_a + acc_b)

    wides = chunk_loop
    acc = zi
    for u in range(REM2):
      acc = pack_one(acc, buf[pl.ds((NG * GRP + u) * 16, 16)])
    return unpack_into(wides, acc)

  start_copy(buf0, sem0, 0)
  start_copy(buf1, sem1, 1)

  wides = tuple(zi for _ in range(9))

  @pl.loop(0, NCHUNKS // 2, init_carry=wides)
  def pair_loop(p, wides):
    ci = p * 2
    wait_copy(buf0, sem0)
    wides = process_chunk(buf0, wides)
    start_copy(buf0, sem0, ci + 2)
    wait_copy(buf1, sem1)
    wides = process_chunk(buf1, wides)
    start_copy(buf1, sem1, ci + 3)
    return wides

  wides = pair_loop
  wait_copy(buf0, sem0)
  wait_copy(buf1, sem1)

  def lane_sum(a):
    for sh in (1, 2, 4, 8):
      perm = iota ^ sh
      a = a + jnp.take_along_axis(a, perm, axis=0, mode="promise_in_bounds")
    return a

  df = [lane_sum(w).astype(jnp.float32) for w in wides]

  zf = jnp.zeros((16,), jnp.float32)
  for j in range(OUTPAD // 16):
    vreg = zf
    for k, p in enumerate(BIN_POS):
      if j * 16 <= p < (j + 1) * 16:
        vreg = jnp.where(iota == (p - j * 16), df[k], vreg)
    row_v[pl.ds(j * 16, 16)] = vreg

  pltpu.sync_copy(row_v, out_hbm.at[wid])


def _tc_body(x_ref, out_ref, *wides):
  i = pl.program_id(0)

  @pl.when(i == 0)
  def _():
    for w in wides:
      w[...] = jnp.zeros((B, 128), jnp.int32)

  ones = jnp.ones((B, 128), jnp.int32)

  def pack_slice(j):
    sl = x_ref[:, j * 128:(j + 1) * 128].astype(jnp.int32)
    c = jnp.minimum(jnp.maximum(sl, -4), 4)
    return ones << (c * 3 + 12)

  NSL = CB // 128
  for g in range((NSL + GRP - 1) // GRP):
    lo = g * GRP
    hi = min(lo + GRP, NSL)
    acc = pack_slice(lo)
    for j in range(lo + 1, hi):
      acc = acc + pack_slice(j)
    for k, w in enumerate(wides):
      w[...] += (acc >> (3 * k)) & 7

  @pl.when(i == G_TC - 1)
  def _():
    s = [jnp.sum(w[...], axis=1, keepdims=True).astype(jnp.float32)
         for w in wides]
    iot = lax.broadcasted_iota(jnp.int32, (B, 128), 1)
    o = jnp.zeros((B, 128), jnp.float32)
    for k, p in enumerate(BIN_POS):
      o = jnp.where(iot == p, s[k], o)
    out_ref[...] = o


def _tc_call(x):
  return pl.pallas_call(
      _tc_body,
      grid=(G_TC,),
      in_specs=[pl.BlockSpec((B, CB), lambda i: (0, TC0 + i))],
      out_specs=pl.BlockSpec((B, 128), lambda i: (0, 0)),
      out_shape=jax.ShapeDtypeStruct((B, 128), jnp.float32),
      scratch_shapes=[pltpu.VMEM((B, 128), jnp.int32)] * 9,
      compiler_params=pltpu.CompilerParams(
          dimension_semantics=("arbitrary",)),
  )(x)


@jax.jit
def kernel(x):
  mesh = plsc.VectorSubcoreMesh(core_axis_name="c", subcore_axis_name="s")
  sc_out = pl.kernel(
      _hist_body,
      out_type=jax.ShapeDtypeStruct((B, OUTPAD), jnp.float32),
      mesh=mesh,
      scratch_types=[
          pltpu.VMEM((CHUNK,), jnp.float32),
          pltpu.VMEM((CHUNK,), jnp.float32),
          pltpu.VMEM((OUTPAD,), jnp.float32),
          pltpu.SemaphoreType.DMA,
          pltpu.SemaphoreType.DMA,
      ],
  )(x)
  tc_out = _tc_call(x)
  return (sc_out + tc_out)[:, :NBINS]

# --- scband reference (transcript-rebuilt; emitter-appended) ---
"""Pipeline reference for scband-histcounts-21311627723520 (READ-ONLY COPY).

The authoritative reference and input builder live on the scoring server;
editing this copy changes nothing except your own understanding.
"""

import jax, jax.numpy as jnp
import numpy as np

VALUE_RANGE = (-4, 4)  # math.floor(low), math.ceil(high) already applied
NBINS = 100


def setup_inputs(seed: int = 0) -> dict:
    key = jax.random.key(seed)
    x = jax.random.normal(key, (32, 1048576), dtype=jnp.float32)
    return {"x": x}


def reference(x):
    # Faithful to Histcounts.call:
    #   hcunt = tf.map_fn(lambda r: tf.histogram_fixed_width(r, value_range, nbins), tf.cast(x, tf.int32))
    #   return tf.cast(hcunt, tf.float32)
    lo, hi = VALUE_RANGE
    nbins = NBINS
    # cast input to int32 first (as the layer does)
    xi = x.astype(jnp.int32)
    # histogram_fixed_width semantics: clip to range, scale, floor, clip bin index
    clipped = jnp.clip(xi, lo, hi)
    scaled = (clipped - lo).astype(jnp.float32) / jnp.float32(hi - lo)
    idx = jnp.floor(jnp.float32(nbins) * scaled).astype(jnp.int32)
    idx = jnp.clip(idx, 0, nbins - 1)
    # per-row histogram via scatter-add (maps to SparseCore scatter-add)
    B = x.shape[0]
    rows = jnp.arange(B, dtype=jnp.int32)[:, None]  # (B,1) broadcast against (B,N)
    counts = jnp.zeros((B, nbins), dtype=jnp.float32).at[rows, idx].add(1.0)
    return counts

if __name__ == "__main__":
    import jax
    _d = setup_inputs()
    print(jax.jit(kernel)(*tuple(_d.values())))

</pallas_src>

<mosaic_0001>
#map = affine_map<(d0, d1) -> (0, 0)>
module attributes {stable_mosaic.version = 14 : i64} {
  func.func @_hist_body(%arg0: i32, %arg1: i32, %arg2: memref<32x1048576xf32, #tpu.memory_space<hbm>>, %arg3: memref<32x128xf32, #tpu.memory_space<hbm>>, %arg4: memref<16384xf32, #tpu.memory_space<vmem>>, %arg5: memref<16384xf32, #tpu.memory_space<vmem>>, %arg6: memref<128xf32, #tpu.memory_space<vmem>>, %arg7: memref<!tpu.dma_semaphore, #tpu.memory_space<semaphore_mem>>, %arg8: memref<!tpu.dma_semaphore, #tpu.memory_space<semaphore_mem>>) attributes {dimension_semantics = [#tpu.dimension_semantics<core_parallel>, #tpu.dimension_semantics<subcore_parallel>], iteration_bounds = array<i64: 2, 16>, scalar_prefetch = 0 : i64, scratch_operands = 5 : i64, tpu.core_type = #tpu.core_type<sc_vector_subcore>, window_params = [{transform_indices = #map}, {transform_indices = #map}]} {
    %mul3A = arith.constant 2 : i32
    %mul3A_0 = arith.muli %arg1, %mul3A : i32
    %add3A = arith.addi %mul3A_0, %arg0 : i32
    %iota3A = tpu.iota {dimensions = array<i32: 0>} : vector<16xi32>
    %broadcast_in_dim3A = arith.constant 1 : i32
    %broadcast_in_dim3A_1 = vector.broadcast %broadcast_in_dim3A : i32 to vector<16xi32>
    %broadcast_in_dim3A_2 = arith.constant 0 : i32
    %broadcast_in_dim3A_3 = vector.broadcast %broadcast_in_dim3A_2 : i32 to vector<16xi32>
    %broadcast_in_dim3A_4 = arith.constant 63 : i32
    %broadcast_in_dim3A_5 = vector.broadcast %broadcast_in_dim3A_4 : i32 to vector<16xi32>
    %broadcast_in_dim3A_6 = arith.constant 7 : i32
    %broadcast_in_dim3A_7 = vector.broadcast %broadcast_in_dim3A_6 : i32 to vector<16xi32>
    %min3A = arith.constant 0 : i32
    %min3A_8 = arith.constant 23 : i32
    %min3A_9 = arith.minsi %min3A, %min3A_8 : i32
    %mul3A_10 = arith.constant 16384 : i32
    %mul3A_11 = arith.muli %min3A_9, %mul3A_10 : i32
    %dma_start3A = tpu.memref_slice %arg2[%add3A, %mul3A_11] : memref<32x1048576xf32, #tpu.memory_space<hbm>> -> memref<1x16384xf32, #tpu.memory_space<hbm>>
    %dma_start3A_12 = tpu.memref_squeeze %dma_start3A : memref<1x16384xf32, #tpu.memory_space<hbm>> -> memref<16384xf32, #tpu.memory_space<hbm>>
    %dma_start3A_13 = tpu.memref_slice %arg2[%add3A, %mul3A_11] : memref<32x1048576xf32, #tpu.memory_space<hbm>> -> memref<1x16384xf32, #tpu.memory_space<hbm>>
    %dma_start3A_14 = tpu.memref_squeeze %dma_start3A_13 : memref<1x16384xf32, #tpu.memory_space<hbm>> -> memref<16384xf32, #tpu.memory_space<hbm>>
    tpu.enqueue_dma source(%dma_start3A_14 : memref<16384xf32, #tpu.memory_space<hbm>>) target(%arg4 : memref<16384xf32, #tpu.memory_space<vmem>>) target_semaphore(%arg7 : memref<!tpu.dma_semaphore, #tpu.memory_space<semaphore_mem>>)
    %min3A_15 = arith.constant 1 : i32
    %min3A_16 = arith.constant 23 : i32
    %min3A_17 = arith.minsi %min3A_15, %min3A_16 : i32
    %mul3A_18 = arith.constant 16384 : i32
    %mul3A_19 = arith.muli %min3A_17, %mul3A_18 : i32
    %dma_start3A_20 = tpu.memref_slice %arg2[%add3A, %mul3A_19] : memref<32x1048576xf32, #tpu.memory_space<hbm>> -> memref<1x16384xf32, #tpu.memory_space<hbm>>
    %dma_start3A_21 = tpu.memref_squeeze %dma_start3A_20 : memref<1x16384xf32, #tpu.memory_space<hbm>> -> memref<16384xf32, #tpu.memory_space<hbm>>
    %dma_start3A_22 = tpu.memref_slice %arg2[%add3A, %mul3A_19] : memref<32x1048576xf32, #tpu.memory_space<hbm>> -> memref<1x16384xf32, #tpu.memory_space<hbm>>
    %dma_start3A_23 = tpu.memref_squeeze %dma_start3A_22 : memref<1x16384xf32, #tpu.memory_space<hbm>> -> memref<16384xf32, #tpu.memory_space<hbm>>
    tpu.enqueue_dma source(%dma_start3A_23 : memref<16384xf32, #tpu.memory_space<hbm>>) target(%arg5 : memref<16384xf32, #tpu.memory_space<vmem>>) target_semaphore(%arg8 : memref<!tpu.dma_semaphore, #tpu.memory_space<semaphore_mem>>)
    %scan3A = arith.constant 0 : i32
    %scan3A_24 = arith.constant 12 : i32
    %scan3A_25 = arith.addi %scan3A, %scan3A_24 : i32
    %scan3A_26 = arith.constant 1 : i32
    %scan3A_27:9 = scf.for %scan3A_364 = %scan3A to %scan3A_25 step %scan3A_26 iter_args(%scan3A_365 = %broadcast_in_dim3A_3, %scan3A_366 = %broadcast_in_dim3A_3, %scan3A_367 = %broadcast_in_dim3A_3, %scan3A_368 = %broadcast_in_dim3A_3, %scan3A_369 = %broadcast_in_dim3A_3, %scan3A_370 = %broadcast_in_dim3A_3, %scan3A_371 = %broadcast_in_dim3A_3, %scan3A_372 = %broadcast_in_dim3A_3, %scan3A_373 = %broadcast_in_dim3A_3) -> (vector<16xi32>, vector<16xi32>, vector<16xi32>, vector<16xi32>, vector<16xi32>, vector<16xi32>, vector<16xi32>, vector<16xi32>, vector<16xi32>)  : i32 {
      %mul3A_374 = arith.constant 1 : i32
      %mul3A_375 = arith.muli %scan3A_364, %mul3A_374 : i32
      %add3A_376 = arith.constant 0 : i32
      %add3A_377 = arith.addi %add3A_376, %mul3A_375 : i32
      %mul3A_378 = arith.constant 2 : i32
      %mul3A_379 = arith.muli %add3A_377, %mul3A_378 : i32
      %dma_wait3A_380 = arith.constant 0 : i32
      %dma_wait3A_381 = tpu.memref_slice %arg2[%add3A, %dma_wait3A_380] : memref<32x1048576xf32, #tpu.memory_space<hbm>> -> memref<1x16384xf32, #tpu.memory_space<hbm>>
      %dma_wait3A_382 = tpu.memref_squeeze %dma_wait3A_381 : memref<1x16384xf32, #tpu.memory_space<hbm>> -> memref<16384xf32, #tpu.memory_space<hbm>>
      %dma_wait3A_383 = arith.constant 0 : i32
      %dma_wait3A_384 = tpu.memref_slice %arg2[%add3A, %dma_wait3A_383] : memref<32x1048576xf32, #tpu.memory_space<hbm>> -> memref<1x16384xf32, #tpu.memory_space<hbm>>
      %dma_wait3A_385 = tpu.memref_squeeze %dma_wait3A_384 : memref<1x16384xf32, #tpu.memory_space<hbm>> -> memref<16384xf32, #tpu.memory_space<hbm>>
      tpu.wait_dma2 semaphore(%arg7 : memref<!tpu.dma_semaphore, #tpu.memory_space<semaphore_mem>>) src(%dma_wait3A_385 : memref<16384xf32, #tpu.memory_space<hbm>>) dst(%arg4 : memref<16384xf32, #tpu.memory_space<vmem>>)
      %parallel_loop3A = arith.constant 0 : i32
      %parallel_loop3A_386 = arith.constant 146 : i32
      %parallel_loop3A_387 = arith.constant 1 : i32
      %parallel_loop3A_388:9 = scf.for %parallel_loop3A_576 = %parallel_loop3A to %parallel_loop3A_386 step %parallel_loop3A_387 iter_args(%parallel_loop3A_577 = %scan3A_365, %parallel_loop3A_578 = %scan3A_366, %parallel_loop3A_579 = %scan3A_367, %parallel_loop3A_580 = %scan3A_368, %parallel_loop3A_581 = %scan3A_369, %parallel_loop3A_582 = %scan3A_370, %parallel_loop3A_583 = %scan3A_371, %parallel_loop3A_584 = %scan3A_372, %parallel_loop3A_585 = %scan3A_373) -> (vector<16xi32>, vector<16xi32>, vector<16xi32>, vector<16xi32>, vector<16xi32>, vector<16xi32>, vector<16xi32>, vector<16xi32>, vector<16xi32>)  : i32 {
        %parallel_loop3A_586 = arith.constant 112 : i32
        %parallel_loop3A_587 = arith.muli %parallel_loop3A_576, %parallel_loop3A_586 : i32
        %parallel_loop3A_588 = arith.constant 0 : i32
        %parallel_loop3A_589 = arith.addi %parallel_loop3A_587, %parallel_loop3A_588 : i32
        %parallel_loop3A_590 = arith.index_cast %parallel_loop3A_589 : i32 to index
        %parallel_loop3A_591 = tpu.vector_load %arg4[%parallel_loop3A_590] {strides = array<i32>} : memref<16384xf32, #tpu.memory_space<vmem>>, vector<16xf32>,
        %parallel_loop3A_592 = vector.shape_cast %parallel_loop3A_591 : vector<16xf32> to vector<16xf32>
        %parallel_loop3A_593 = arith.fptosi %parallel_loop3A_592 : vector<16xf32> to vector<16xi32>
        %parallel_loop3A_594 = arith.constant -4 : i32
        %parallel_loop3A_595 = vector.broadcast %parallel_loop3A_594 : i32 to vector<16xi32>
        %parallel_loop3A_596 = arith.maxsi %parallel_loop3A_593, %parallel_loop3A_595 : vector<16xi32>
        %parallel_loop3A_597 = arith.constant 4 : i32
        %parallel_loop3A_598 = vector.broadcast %parallel_loop3A_597 : i32 to vector<16xi32>
        %parallel_loop3A_599 = arith.minsi %parallel_loop3A_596, %parallel_loop3A_598 : vector<16xi32>
        %parallel_loop3A_600 = arith.constant 3 : i32
        %parallel_loop3A_601 = vector.broadcast %parallel_loop3A_600 : i32 to vector<16xi32>
        %parallel_loop3A_602 = arith.muli %parallel_loop3A_599, %parallel_loop3A_601 : vector<16xi32>
        %parallel_loop3A_603 = arith.constant 12 : i32
        %parallel_loop3A_604 = vector.broadcast %parallel_loop3A_603 : i32 to vector<16xi32>
        %parallel_loop3A_605 = arith.addi %parallel_loop3A_602, %parallel_loop3A_604 : vector<16xi32>
        %parallel_loop3A_606 = arith.shli %broadcast_in_dim3A_1, %parallel_loop3A_605 : vector<16xi32>
        %parallel_loop3A_607 = arith.addi %broadcast_in_dim3A_3, %parallel_loop3A_606 : vector<16xi32>
        %parallel_loop3A_608 = arith.constant 16 : i32
        %parallel_loop3A_609 = arith.addi %parallel_loop3A_587, %parallel_loop3A_608 : i32
        %parallel_loop3A_610 = arith.index_cast %parallel_loop3A_609 : i32 to index
        %parallel_loop3A_611 = tpu.vector_load %arg4[%parallel_loop3A_610] {strides = array<i32>} : memref<16384xf32, #tpu.memory_space<vmem>>, vector<16xf32>,
        %parallel_loop3A_612 = vector.shape_cast %parallel_loop3A_611 : vector<16xf32> to vector<16xf32>
        %parallel_loop3A_613 = arith.fptosi %parallel_loop3A_612 : vector<16xf32> to vector<16xi32>
        %parallel_loop3A_614 = arith.constant -4 : i32
        %parallel_loop3A_615 = vector.broadcast %parallel_loop3A_614 : i32 to vector<16xi32>
        %parallel_loop3A_616 = arith.maxsi %parallel_loop3A_613, %parallel_loop3A_615 : vector<16xi32>
        %parallel_loop3A_617 = arith.constant 4 : i32
        %parallel_loop3A_618 = vector.broadcast %parallel_loop3A_617 : i32 to vector<16xi32>
        %parallel_loop3A_619 = arith.minsi %parallel_loop3A_616, %parallel_loop3A_618 : vector<16xi32>
        %parallel_loop3A_620 = arith.constant 3 : i32
        %parallel_loop3A_621 = vector.broadcast %parallel_loop3A_620 : i32 to vector<16xi32>
        %parallel_loop3A_622 = arith.muli %parallel_loop3A_619, %parallel_loop3A_621 : vector<16xi32>
        %parallel_loop3A_623 = arith.constant 12 : i32
        %parallel_loop3A_624 = vector.broadcast %parallel_loop3A_623 : i32 to vector<16xi32>
        %parallel_loop3A_625 = arith.addi %parallel_loop3A_622, %parallel_loop3A_624 : vector<16xi32>
        %parallel_loop3A_626 = arith.shli %broadcast_in_dim3A_1, %parallel_loop3A_625 : vector<16xi32>
        %parallel_loop3A_627 = arith.addi %broadcast_in_dim3A_3, %parallel_loop3A_626 : vector<16xi32>
        %parallel_loop3A_628 = arith.constant 32 : i32
        %parallel_loop3A_629 = arith.addi %parallel_loop3A_587, %parallel_loop3A_628 : i32
        %parallel_loop3A_630 = arith.index_cast %parallel_loop3A_629 : i32 to index
        %parallel_loop3A_631 = tpu.vector_load %arg4[%parallel_loop3A_630] {strides = array<i32>} : memref<16384xf32, #tpu.memory_space<vmem>>, vector<16xf32>,
        %parallel_loop3A_632 = vector.shape_cast %parallel_loop3A_631 : vector<16xf32> to vector<16xf32>
        %parallel_loop3A_633 = arith.fptosi %parallel_loop3A_632 : vector<16xf32> to vector<16xi32>
        %parallel_loop3A_634 = arith.constant -4 : i32
        %parallel_loop3A_635 = vector.broadcast %parallel_loop3A_634 : i32 to vector<16xi32>
        %parallel_loop3A_636 = arith.maxsi %parallel_loop3A_633, %parallel_loop3A_635 : vector<16xi32>
        %parallel_loop3A_637 = arith.constant 4 : i32
        %parallel_loop3A_638 = vector.broadcast %parallel_loop3A_637 : i32 to vector<16xi32>
        %parallel_loop3A_639 = arith.minsi %parallel_loop3A_636, %parallel_loop3A_638 : vector<16xi32>
        %parallel_loop3A_640 = arith.constant 3 : i32
        %parallel_loop3A_641 = vector.broadcast %parallel_loop3A_640 : i32 to vector<16xi32>
        %parallel_loop3A_642 = arith.muli %parallel_loop3A_639, %parallel_loop3A_641 : vector<16xi32>
        %parallel_loop3A_643 = arith.constant 12 : i32
        %parallel_loop3A_644 = vector.broadcast %parallel_loop3A_643 : i32 to vector<16xi32>
        %parallel_loop3A_645 = arith.addi %parallel_loop3A_642, %parallel_loop3A_644 : vector<16xi32>
        %parallel_loop3A_646 = arith.shli %broadcast_in_dim3A_1, %parallel_loop3A_645 : vector<16xi32>
        %parallel_loop3A_647 = arith.addi %parallel_loop3A_607, %parallel_loop3A_646 : vector<16xi32>
        %parallel_loop3A_648 = arith.constant 48 : i32
        %parallel_loop3A_649 = arith.addi %parallel_loop3A_587, %parallel_loop3A_648 : i32
        %parallel_loop3A_650 = arith.index_cast %parallel_loop3A_649 : i32 to index
        %parallel_loop3A_651 = tpu.vector_load %arg4[%parallel_loop3A_650] {strides = array<i32>} : memref<16384xf32, #tpu.memory_space<vmem>>, vector<16xf32>,
        %parallel_loop3A_652 = vector.shape_cast %parallel_loop3A_651 : vector<16xf32> to vector<16xf32>
        %parallel_loop3A_653 = arith.fptosi %parallel_loop3A_652 : vector<16xf32> to vector<16xi32>
        %parallel_loop3A_654 = arith.constant -4 : i32
        %parallel_loop3A_655 = vector.broadcast %parallel_loop3A_654 : i32 to vector<16xi32>
        %parallel_loop3A_656 = arith.maxsi %parallel_loop3A_653, %parallel_loop3A_655 : vector<16xi32>
        %parallel_loop3A_657 = arith.constant 4 : i32
        %parallel_loop3A_658 = vector.broadcast %parallel_loop3A_657 : i32 to vector<16xi32>
        %parallel_loop3A_659 = arith.minsi %parallel_loop3A_656, %parallel_loop3A_658 : vector<16xi32>
        %parallel_loop3A_660 = arith.constant 3 : i32
        %parallel_loop3A_661 = vector.broadcast %parallel_loop3A_660 : i32 to vector<16xi32>
        %parallel_loop3A_662 = arith.muli %parallel_loop3A_659, %parallel_loop3A_661 : vector<16xi32>
        %parallel_loop3A_663 = arith.constant 12 : i32
        %parallel_loop3A_664 = vector.broadcast %parallel_loop3A_663 : i32 to vector<16xi32>
        %parallel_loop3A_665 = arith.addi %parallel_loop3A_662, %parallel_loop3A_664 : vector<16xi32>
        %parallel_loop3A_666 = arith.shli %broadcast_in_dim3A_1, %parallel_loop3A_665 : vector<16xi32>
        %parallel_loop3A_667 = arith.addi %parallel_loop3A_627, %parallel_loop3A_666 : vector<16xi32>
        %parallel_loop3A_668 = arith.constant 64 : i32
        %parallel_loop3A_669 = arith.addi %parallel_loop3A_587, %parallel_loop3A_668 : i32
        %parallel_loop3A_670 = arith.index_cast %parallel_loop3A_669 : i32 to index
        %parallel_loop3A_671 = tpu.vector_load %arg4[%parallel_loop3A_670] {strides = array<i32>} : memref<16384xf32, #tpu.memory_space<vmem>>, vector<16xf32>,
        %parallel_loop3A_672 = vector.shape_cast %parallel_loop3A_671 : vector<16xf32> to vector<16xf32>
        %parallel_loop3A_673 = arith.fptosi %parallel_loop3A_672 : vector<16xf32> to vector<16xi32>
        %parallel_loop3A_674 = arith.constant -4 : i32
        %parallel_loop3A_675 = vector.broadcast %parallel_loop3A_674 : i32 to vector<16xi32>
        %parallel_loop3A_676 = arith.maxsi %parallel_loop3A_673, %parallel_loop3A_675 : vector<16xi32>
        %parallel_loop3A_677 = arith.constant 4 : i32
        %parallel_loop3A_678 = vector.broadcast %parallel_loop3A_677 : i32 to vector<16xi32>
        %parallel_loop3A_679 = arith.minsi %parallel_loop3A_676, %parallel_loop3A_678 : vector<16xi32>
        %parallel_loop3A_680 = arith.constant 3 : i32
        %parallel_loop3A_681 = vector.broadcast %parallel_loop3A_680 : i32 to vector<16xi32>
        %parallel_loop3A_682 = arith.muli %parallel_loop3A_679, %parallel_loop3A_681 : vector<16xi32>
        %parallel_loop3A_683 = arith.constant 12 : i32
        %parallel_loop3A_684 = vector.broadcast %parallel_loop3A_683 : i32 to vector<16xi32>
        %parallel_loop3A_685 = arith.addi %parallel_loop3A_682, %parallel_loop3A_684 : vector<16xi32>
        %parallel_loop3A_686 = arith.shli %broadcast_in_dim3A_1, %parallel_loop3A_685 : vector<16xi32>
        %parallel_loop3A_687 = arith.addi %parallel_loop3A_647, %parallel_loop3A_686 : vector<16xi32>
        %parallel_loop3A_688 = arith.constant 80 : i32
        %parallel_loop3A_689 = arith.addi %parallel_loop3A_587, %parallel_loop3A_688 : i32
        %parallel_loop3A_690 = arith.index_cast %parallel_loop3A_689 : i32 to index
        %parallel_loop3A_691 = tpu.vector_load %arg4[%parallel_loop3A_690] {strides = array<i32>} : memref<16384xf32, #tpu.memory_space<vmem>>, vector<16xf32>,
        %parallel_loop3A_692 = vector.shape_cast %parallel_loop3A_691 : vector<16xf32> to vector<16xf32>
        %parallel_loop3A_693 = arith.fptosi %parallel_loop3A_692 : vector<16xf32> to vector<16xi32>
        %parallel_loop3A_694 = arith.constant -4 : i32
        %parallel_loop3A_695 = vector.broadcast %parallel_loop3A_694 : i32 to vector<16xi32>
        %parallel_loop3A_696 = arith.maxsi %parallel_loop3A_693, %parallel_loop3A_695 : vector<16xi32>
        %parallel_loop3A_697 = arith.constant 4 : i32
        %parallel_loop3A_698 = vector.broadcast %parallel_loop3A_697 : i32 to vector<16xi32>
        %parallel_loop3A_699 = arith.minsi %parallel_loop3A_696, %parallel_loop3A_698 : vector<16xi32>
        %parallel_loop3A_700 = arith.constant 3 : i32
        %parallel_loop3A_701 = vector.broadcast %parallel_loop3A_700 : i32 to vector<16xi32>
        %parallel_loop3A_702 = arith.muli %parallel_loop3A_699, %parallel_loop3A_701 : vector<16xi32>
        %parallel_loop3A_703 = arith.constant 12 : i32
        %parallel_loop3A_704 = vector.broadcast %parallel_loop3A_703 : i32 to vector<16xi32>
        %parallel_loop3A_705 = arith.addi %parallel_loop3A_702, %parallel_loop3A_704 : vector<16xi32>
        %parallel_loop3A_706 = arith.shli %broadcast_in_dim3A_1, %parallel_loop3A_705 : vector<16xi32>
        %parallel_loop3A_707 = arith.addi %parallel_loop3A_667, %parallel_loop3A_706 : vector<16xi32>
        %parallel_loop3A_708 = arith.constant 96 : i32
        %parallel_loop3A_709 = arith.addi %parallel_loop3A_587, %parallel_loop3A_708 : i32
        %parallel_loop3A_710 = arith.index_cast %parallel_loop3A_709 : i32 to index
        %parallel_loop3A_711 = tpu.vector_load %arg4[%parallel_loop3A_710] {strides = array<i32>} : memref<16384xf32, #tpu.memory_space<vmem>>, vector<16xf32>,
        %parallel_loop3A_712 = vector.shape_cast %parallel_loop3A_711 : vector<16xf32> to vector<16xf32>
        %parallel_loop3A_713 = arith.fptosi %parallel_loop3A_712 : vector<16xf32> to vector<16xi32>
        %parallel_loop3A_714 = arith.constant -4 : i32
        %parallel_loop3A_715 = vector.broadcast %parallel_loop3A_714 : i32 to vector<16xi32>
        %parallel_loop3A_716 = arith.maxsi %parallel_loop3A_713, %parallel_loop3A_715 : vector<16xi32>
        %parallel_loop3A_717 = arith.constant 4 : i32
        %parallel_loop3A_718 = vector.broadcast %parallel_loop3A_717 : i32 to vector<16xi32>
        %parallel_loop3A_719 = arith.minsi %parallel_loop3A_716, %parallel_loop3A_718 : vector<16xi32>
        %parallel_loop3A_720 = arith.constant 3 : i32
        %parallel_loop3A_721 = vector.broadcast %parallel_loop3A_720 : i32 to vector<16xi32>
        %parallel_loop3A_722 = arith.muli %parallel_loop3A_719, %parallel_loop3A_721 : vector<16xi32>
        %parallel_loop3A_723 = arith.constant 12 : i32
        %parallel_loop3A_724 = vector.broadcast %parallel_loop3A_723 : i32 to vector<16xi32>
        %parallel_loop3A_725 = arith.addi %parallel_loop3A_722, %parallel_loop3A_724 : vector<16xi32>
        %parallel_loop3A_726 = arith.shli %broadcast_in_dim3A_1, %parallel_loop3A_725 : vector<16xi32>
        %parallel_loop3A_727 = arith.addi %parallel_loop3A_687, %parallel_loop3A_726 : vector<16xi32>
        %parallel_loop3A_728 = arith.addi %parallel_loop3A_727, %parallel_loop3A_707 : vector<16xi32>
        %parallel_loop3A_729 = arith.constant 0 : i32
        %parallel_loop3A_730 = vector.broadcast %parallel_loop3A_729 : i32 to vector<16xi32>
        %parallel_loop3A_731 = arith.shrsi %parallel_loop3A_728, %parallel_loop3A_730 : vector<16xi32>
        %parallel_loop3A_732 = arith.andi %parallel_loop3A_731, %broadcast_in_dim3A_7 : vector<16xi32>
        %parallel_loop3A_733 = arith.addi %parallel_loop3A_577, %parallel_loop3A_732 : vector<16xi32>
        %parallel_loop3A_734 = arith.constant 3 : i32
        %parallel_loop3A_735 = vector.broadcast %parallel_loop3A_734 : i32 to vector<16xi32>
        %parallel_loop3A_736 = arith.shrsi %parallel_loop3A_728, %parallel_loop3A_735 : vector<16xi32>
        %parallel_loop3A_737 = arith.andi %parallel_loop3A_736, %broadcast_in_dim3A_7 : vector<16xi32>
        %parallel_loop3A_738 = arith.addi %parallel_loop3A_578, %parallel_loop3A_737 : vector<16xi32>
        %parallel_loop3A_739 = arith.constant 6 : i32
        %parallel_loop3A_740 = vector.broadcast %parallel_loop3A_739 : i32 to vector<16xi32>
        %parallel_loop3A_741 = arith.shrsi %parallel_loop3A_728, %parallel_loop3A_740 : vector<16xi32>
        %parallel_loop3A_742 = arith.andi %parallel_loop3A_741, %broadcast_in_dim3A_7 : vector<16xi32>
        %parallel_loop3A_743 = arith.addi %parallel_loop3A_579, %parallel_loop3A_742 : vector<16xi32>
        %parallel_loop3A_744 = arith.constant 9 : i32
        %parallel_loop3A_745 = vector.broadcast %parallel_loop3A_744 : i32 to vector<16xi32>
        %parallel_loop3A_746 = arith.shrsi %parallel_loop3A_728, %parallel_loop3A_745 : vector<16xi32>
        %parallel_loop3A_747 = arith.andi %parallel_loop3A_746, %broadcast_in_dim3A_7 : vector<16xi32>
        %parallel_loop3A_748 = arith.addi %parallel_loop3A_580, %parallel_loop3A_747 : vector<16xi32>
        %parallel_loop3A_749 = arith.constant 12 : i32
        %parallel_loop3A_750 = vector.broadcast %parallel_loop3A_749 : i32 to vector<16xi32>
        %parallel_loop3A_751 = arith.shrsi %parallel_loop3A_728, %parallel_loop3A_750 : vector<16xi32>
        %parallel_loop3A_752 = arith.andi %parallel_loop3A_751, %broadcast_in_dim3A_7 : vector<16xi32>
        %parallel_loop3A_753 = arith.addi %parallel_loop3A_581, %parallel_loop3A_752 : vector<16xi32>
        %parallel_loop3A_754 = arith.constant 15 : i32
        %parallel_loop3A_755 = vector.broadcast %parallel_loop3A_754 : i32 to vector<16xi32>
        %parallel_loop3A_756 = arith.shrsi %parallel_loop3A_728, %parallel_loop3A_755 : vector<16xi32>
        %parallel_loop3A_757 = arith.andi %parallel_loop3A_756, %broadcast_in_dim3A_7 : vector<16xi32>
        %parallel_loop3A_758 = arith.addi %parallel_loop3A_582, %parallel_loop3A_757 : vector<16xi32>
        %parallel_loop3A_759 = arith.constant 18 : i32
        %parallel_loop3A_760 = vector.broadcast %parallel_loop3A_759 : i32 to vector<16xi32>
        %parallel_loop3A_761 = arith.shrsi %parallel_loop3A_728, %parallel_loop3A_760 : vector<16xi32>
        %parallel_loop3A_762 = arith.andi %parallel_loop3A_761, %broadcast_in_dim3A_7 : vector<16xi32>
        %parallel_loop3A_763 = arith.addi %parallel_loop3A_583, %parallel_loop3A_762 : vector<16xi32>
        %parallel_loop3A_764 = arith.constant 21 : i32
        %parallel_loop3A_765 = vector.broadcast %parallel_loop3A_764 : i32 to vector<16xi32>
        %parallel_loop3A_766 = arith.shrsi %parallel_loop3A_728, %parallel_loop3A_765 : vector<16xi32>
        %parallel_loop3A_767 = arith.andi %parallel_loop3A_766, %broadcast_in_dim3A_7 : vector<16xi32>
        %parallel_loop3A_768 = arith.addi %parallel_loop3A_584, %parallel_loop3A_767 : vector<16xi32>
        %parallel_loop3A_769 = arith.constant 24 : i32
        %parallel_loop3A_770 = vector.broadcast %parallel_loop3A_769 : i32 to vector<16xi32>
        %parallel_loop3A_771 = arith.shrsi %parallel_loop3A_728, %parallel_loop3A_770 : vector<16xi32>
        %parallel_loop3A_772 = arith.andi %parallel_loop3A_771, %broadcast_in_dim3A_7 : vector<16xi32>
        %parallel_loop3A_773 = arith.addi %parallel_loop3A_585, %parallel_loop3A_772 : vector<16xi32>
        scf.yield %parallel_loop3A_733, %parallel_loop3A_738, %parallel_loop3A_743, %parallel_loop3A_748, %parallel_loop3A_753, %parallel_loop3A_758, %parallel_loop3A_763, %parallel_loop3A_768, %parallel_loop3A_773 : vector<16xi32>, vector<16xi32>, vector<16xi32>, vector<16xi32>, vector<16xi32>, vector<16xi32>, vector<16xi32>, vector<16xi32>, vector<16xi32>
      } {sc.loop_unroll_factor = 2 : i64, sc.parallel_access}
      %get3A = arith.constant 16352 : index
      %get3A_389 = tpu.vector_load %arg4[%get3A] {strides = array<i32>} : memref<16384xf32, #tpu.memory_space<vmem>>, vector<16xf32>,
      %get3A_390 = vector.shape_cast %get3A_389 : vector<16xf32> to vector<16xf32>
      %convert_element_type3A_391 = arith.fptosi %get3A_390 : vector<16xf32> to vector<16xi32>
      %max3A = arith.constant -4 : i32
      %max3A_392 = vector.broadcast %max3A : i32 to vector<16xi32>
      %max3A_393 = arith.maxsi %convert_element_type3A_391, %max3A_392 : vector<16xi32>
      %min3A_394 = arith.constant 4 : i32
      %min3A_395 = vector.broadcast %min3A_394 : i32 to vector<16xi32>
      %min3A_396 = arith.minsi %max3A_393, %min3A_395 : vector<16xi32>
      %mul3A_397 = arith.constant 3 : i32
      %mul3A_398 = vector.broadcast %mul3A_397 : i32 to vector<16xi32>
      %mul3A_399 = arith.muli %min3A_396, %mul3A_398 : vector<16xi32>
      %add3A_400 = arith.constant 12 : i32
      %add3A_401 = vector.broadcast %add3A_400 : i32 to vector<16xi32>
      %add3A_402 = arith.addi %mul3A_399, %add3A_401 : vector<16xi32>
      %shift_left3A = arith.shli %broadcast_in_dim3A_1, %add3A_402 : vector<16xi32>
      %add3A_403 = arith.addi %broadcast_in_dim3A_3, %shift_left3A : vector<16xi32>
      %get3A_404 = arith.constant 16368 : index
      %get3A_405 = tpu.vector_load %arg4[%get3A_404] {strides = array<i32>} : memref<16384xf32, #tpu.memory_space<vmem>>, vector<16xf32>,
      %get3A_406 = vector.shape_cast %get3A_405 : vector<16xf32> to vector<16xf32>
      %convert_element_type3A_407 = arith.fptosi %get3A_406 : vector<16xf32> to vector<16xi32>
      %max3A_408 = arith.constant -4 : i32
      %max3A_409 = vector.broadcast %max3A_408 : i32 to vector<16xi32>
      %max3A_410 = arith.maxsi %convert_element_type3A_407, %max3A_409 : vector<16xi32>
      %min3A_411 = arith.constant 4 : i32
      %min3A_412 = vector.broadcast %min3A_411 : i32 to vector<16xi32>
      %min3A_413 = arith.minsi %max3A_410, %min3A_412 : vector<16xi32>
      %mul3A_414 = arith.constant 3 : i32
      %mul3A_415 = vector.broadcast %mul3A_414 : i32 to vector<16xi32>
      %mul3A_416 = arith.muli %min3A_413, %mul3A_415 : vector<16xi32>
      %add3A_417 = arith.constant 12 : i32
      %add3A_418 = vector.broadcast %add3A_417 : i32 to vector<16xi32>
      %add3A_419 = arith.addi %mul3A_416, %add3A_418 : vector<16xi32>
      %shift_left3A_420 = arith.shli %broadcast_in_dim3A_1, %add3A_419 : vector<16xi32>
      %add3A_421 = arith.addi %add3A_403, %shift_left3A_420 : vector<16xi32>
      %shift_right_arithmetic3A = arith.constant 0 : i32
      %shift_right_arithmetic3A_422 = vector.broadcast %shift_right_arithmetic3A : i32 to vector<16xi32>
      %shift_right_arithmetic3A_423 = arith.shrsi %add3A_421, %shift_right_arithmetic3A_422 : vector<16xi32>
      %and3A = arith.andi %shift_right_arithmetic3A_423, %broadcast_in_dim3A_7 : vector<16xi32>
      %add3A_424 = arith.addi %parallel_loop3A_388#0, %and3A : vector<16xi32>
      %shift_right_arithmetic3A_425 = arith.constant 3 : i32
      %shift_right_arithmetic3A_426 = vector.broadcast %shift_right_arithmetic3A_425 : i32 to vector<16xi32>
      %shift_right_arithmetic3A_427 = arith.shrsi %add3A_421, %shift_right_arithmetic3A_426 : vector<16xi32>
      %and3A_428 = arith.andi %shift_right_arithmetic3A_427, %broadcast_in_dim3A_7 : vector<16xi32>
      %add3A_429 = arith.addi %parallel_loop3A_388#1, %and3A_428 : vector<16xi32>
      %shift_right_arithmetic3A_430 = arith.constant 6 : i32
      %shift_right_arithmetic3A_431 = vector.broadcast %shift_right_arithmetic3A_430 : i32 to vector<16xi32>
      %shift_right_arithmetic3A_432 = arith.shrsi %add3A_421, %shift_right_arithmetic3A_431 : vector<16xi32>
      %and3A_433 = arith.andi %shift_right_arithmetic3A_432, %broadcast_in_dim3A_7 : vector<16xi32>
      %add3A_434 = arith.addi %parallel_loop3A_388#2, %and3A_433 : vector<16xi32>
      %shift_right_arithmetic3A_435 = arith.constant 9 : i32
      %shift_right_arithmetic3A_436 = vector.broadcast %shift_right_arithmetic3A_435 : i32 to vector<16xi32>
      %shift_right_arithmetic3A_437 = arith.shrsi %add3A_421, %shift_right_arithmetic3A_436 : vector<16xi32>
      %and3A_438 = arith.andi %shift_right_arithmetic3A_437, %broadcast_in_dim3A_7 : vector<16xi32>
      %add3A_439 = arith.addi %parallel_loop3A_388#3, %and3A_438 : vector<16xi32>
      %shift_right_arithmetic3A_440 = arith.constant 12 : i32
      %shift_right_arithmetic3A_441 = vector.broadcast %shift_right_arithmetic3A_440 : i32 to vector<16xi32>
      %shift_right_arithmetic3A_442 = arith.shrsi %add3A_421, %shift_right_arithmetic3A_441 : vector<16xi32>
      %and3A_443 = arith.andi %shift_right_arithmetic3A_442, %broadcast_in_dim3A_7 : vector<16xi32>
      %add3A_444 = arith.addi %parallel_loop3A_388#4, %and3A_443 : vector<16xi32>
      %shift_right_arithmetic3A_445 = arith.constant 15 : i32
      %shift_right_arithmetic3A_446 = vector.broadcast %shift_right_arithmetic3A_445 : i32 to vector<16xi32>
      %shift_right_arithmetic3A_447 = arith.shrsi %add3A_421, %shift_right_arithmetic3A_446 : vector<16xi32>
      %and3A_448 = arith.andi %shift_right_arithmetic3A_447, %broadcast_in_dim3A_7 : vector<16xi32>
      %add3A_449 = arith.addi %parallel_loop3A_388#5, %and3A_448 : vector<16xi32>
      %shift_right_arithmetic3A_450 = arith.constant 18 : i32
      %shift_right_arithmetic3A_451 = vector.broadcast %shift_right_arithmetic3A_450 : i32 to vector<16xi32>
      %shift_right_arithmetic3A_452 = arith.shrsi %add3A_421, %shift_right_arithmetic3A_451 : vector<16xi32>
      %and3A_453 = arith.andi %shift_right_arithmetic3A_452, %broadcast_in_dim3A_7 : vector<16xi32>
      %add3A_454 = arith.addi %parallel_loop3A_388#6, %and3A_453 : vector<16xi32>
      %shift_right_arithmetic3A_455 = arith.constant 21 : i32
      %shift_right_arithmetic3A_456 = vector.broadcast %shift_right_arithmetic3A_455 : i32 to vector<16xi32>
      %shift_right_arithmetic3A_457 = arith.shrsi %add3A_421, %shift_right_arithmetic3A_456 : vector<16xi32>
      %and3A_458 = arith.andi %shift_right_arithmetic3A_457, %broadcast_in_dim3A_7 : vector<16xi32>
      %add3A_459 = arith.addi %parallel_loop3A_388#7, %and3A_458 : vector<16xi32>
      %shift_right_arithmetic3A_460 = arith.constant 24 : i32
      %shift_right_arithmetic3A_461 = vector.broadcast %shift_right_arithmetic3A_460 : i32 to vector<16xi32>
      %shift_right_arithmetic3A_462 = arith.shrsi %add3A_421, %shift_right_arithmetic3A_461 : vector<16xi32>
      %and3A_463 = arith.andi %shift_right_arithmetic3A_462, %broadcast_in_dim3A_7 : vector<16xi32>
      %add3A_464 = arith.addi %parallel_loop3A_388#8, %and3A_463 : vector<16xi32>
      %add3A_465 = arith.constant 2 : i32
      %add3A_466 = arith.addi %mul3A_379, %add3A_465 : i32
      %min3A_467 = arith.constant 23 : i32
      %min3A_468 = arith.minsi %add3A_466, %min3A_467 : i32
      %mul3A_469 = arith.constant 16384 : i32
      %mul3A_470 = arith.muli %min3A_468, %mul3A_469 : i32
      %dma_start3A_471 = tpu.memref_slice %arg2[%add3A, %mul3A_470] : memref<32x1048576xf32, #tpu.memory_space<hbm>> -> memref<1x16384xf32, #tpu.memory_space<hbm>>
      %dma_start3A_472 = tpu.memref_squeeze %dma_start3A_471 : memref<1x16384xf32, #tpu.memory_space<hbm>> -> memref<16384xf32, #tpu.memory_space<hbm>>
      %dma_start3A_473 = tpu.memref_slice %arg2[%add3A, %mul3A_470] : memref<32x1048576xf32, #tpu.memory_space<hbm>> -> memref<1x16384xf32, #tpu.memory_space<hbm>>
      %dma_start3A_474 = tpu.memref_squeeze %dma_start3A_473 : memref<1x16384xf32, #tpu.memory_space<hbm>> -> memref<16384xf32, #tpu.memory_space<hbm>>
      tpu.enqueue_dma source(%dma_start3A_474 : memref<16384xf32, #tpu.memory_space<hbm>>) target(%arg4 : memref<16384xf32, #tpu.memory_space<vmem>>) target_semaphore(%arg7 : memref<!tpu.dma_semaphore, #tpu.memory_space<semaphore_mem>>)
      %dma_wait3A_475 = arith.constant 0 : i32
      %dma_wait3A_476 = tpu.memref_slice %arg2[%add3A, %dma_wait3A_475] : memref<32x1048576xf32, #tpu.memory_space<hbm>> -> memref<1x16384xf32, #tpu.memory_space<hbm>>
      %dma_wait3A_477 = tpu.memref_squeeze %dma_wait3A_476 : memref<1x16384xf32, #tpu.memory_space<hbm>> -> memref<16384xf32, #tpu.memory_space<hbm>>
      %dma_wait3A_478 = arith.constant 0 : i32
      %dma_wait3A_479 = tpu.memref_slice %arg2[%add3A, %dma_wait3A_478] : memref<32x1048576xf32, #tpu.memory_space<hbm>> -> memref<1x16384xf32, #tpu.memory_space<hbm>>
      %dma_wait3A_480 = tpu.memref_squeeze %dma_wait3A_479 : memref<1x16384xf32, #tpu.memory_space<hbm>> -> memref<16384xf32, #tpu.memory_space<hbm>>
      tpu.wait_dma2 semaphore(%arg8 : memref<!tpu.dma_semaphore, #tpu.memory_space<semaphore_mem>>) src(%dma_wait3A_480 : memref<16384xf32, #tpu.memory_space<hbm>>) dst(%arg5 : memref<16384xf32, #tpu.memory_space<vmem>>)
      %parallel_loop3A_481 = arith.constant 0 : i32
      %parallel_loop3A_482 = arith.constant 146 : i32
      %parallel_loop3A_483 = arith.constant 1 : i32
      %parallel_loop3A_484:9 = scf.for %parallel_loop3A_576 = %parallel_loop3A_481 to %parallel_loop3A_482 step %parallel_loop3A_483 iter_args(%parallel_loop3A_577 = %add3A_424, %parallel_loop3A_578 = %add3A_429, %parallel_loop3A_579 = %add3A_434, %parallel_loop3A_580 = %add3A_439, %parallel_loop3A_581 = %add3A_444, %parallel_loop3A_582 = %add3A_449, %parallel_loop3A_583 = %add3A_454, %parallel_loop3A_584 = %add3A_459, %parallel_loop3A_585 = %add3A_464) -> (vector<16xi32>, vector<16xi32>, vector<16xi32>, vector<16xi32>, vector<16xi32>, vector<16xi32>, vector<16xi32>, vector<16xi32>, vector<16xi32>)  : i32 {
        %parallel_loop3A_586 = arith.constant 112 : i32
        %parallel_loop3A_587 = arith.muli %parallel_loop3A_576, %parallel_loop3A_586 : i32
        %parallel_loop3A_588 = arith.constant 0 : i32
        %parallel_loop3A_589 = arith.addi %parallel_loop3A_587, %parallel_loop3A_588 : i32
        %parallel_loop3A_590 = arith.index_cast %parallel_loop3A_589 : i32 to index
        %parallel_loop3A_591 = tpu.vector_load %arg5[%parallel_loop3A_590] {strides = array<i32>} : memref<16384xf32, #tpu.memory_space<vmem>>, vector<16xf32>,
        %parallel_loop3A_592 = vector.shape_cast %parallel_loop3A_591 : vector<16xf32> to vector<16xf32>
        %parallel_loop3A_593 = arith.fptosi %parallel_loop3A_592 : vector<16xf32> to vector<16xi32>
        %parallel_loop3A_594 = arith.constant -4 : i32
        %parallel_loop3A_595 = vector.broadcast %parallel_loop3A_594 : i32 to vector<16xi32>
        %parallel_loop3A_596 = arith.maxsi %parallel_loop3A_593, %parallel_loop3A_595 : vector<16xi32>
        %parallel_loop3A_597 = arith.constant 4 : i32
        %parallel_loop3A_598 = vector.broadcast %parallel_loop3A_597 : i32 to vector<16xi32>
        %parallel_loop3A_599 = arith.minsi %parallel_loop3A_596, %parallel_loop3A_598 : vector<16xi32>
        %parallel_loop3A_600 = arith.constant 3 : i32
        %parallel_loop3A_601 = vector.broadcast %parallel_loop3A_600 : i32 to vector<16xi32>
        %parallel_loop3A_602 = arith.muli %parallel_loop3A_599, %parallel_loop3A_601 : vector<16xi32>
        %parallel_loop3A_603 = arith.constant 12 : i32
        %parallel_loop3A_604 = vector.broadcast %parallel_loop3A_603 : i32 to vector<16xi32>
        %parallel_loop3A_605 = arith.addi %parallel_loop3A_602, %parallel_loop3A_604 : vector<16xi32>
        %parallel_loop3A_606 = arith.shli %broadcast_in_dim3A_1, %parallel_loop3A_605 : vector<16xi32>
        %parallel_loop3A_607 = arith.addi %broadcast_in_dim3A_3, %parallel_loop3A_606 : vector<16xi32>
        %parallel_loop3A_608 = arith.constant 16 : i32
        %parallel_loop3A_609 = arith.addi %parallel_loop3A_587, %parallel_loop3A_608 : i32
        %parallel_loop3A_610 = arith.index_cast %parallel_loop3A_609 : i32 to index
        %parallel_loop3A_611 = tpu.vector_load %arg5[%parallel_loop3A_610] {strides = array<i32>} : memref<16384xf32, #tpu.memory_space<vmem>>, vector<16xf32>,
        %parallel_loop3A_612 = vector.shape_cast %parallel_loop3A_611 : vector<16xf32> to vector<16xf32>
        %parallel_loop3A_613 = arith.fptosi %parallel_loop3A_612 : vector<16xf32> to vector<16xi32>
        %parallel_loop3A_614 = arith.constant -4 : i32
        %parallel_loop3A_615 = vector.broadcast %parallel_loop3A_614 : i32 to vector<16xi32>
        %parallel_loop3A_616 = arith.maxsi %parallel_loop3A_613, %parallel_loop3A_615 : vector<16xi32>
        %parallel_loop3A_617 = arith.constant 4 : i32
        %parallel_loop3A_618 = vector.broadcast %parallel_loop3A_617 : i32 to vector<16xi32>
        %parallel_loop3A_619 = arith.minsi %parallel_loop3A_616, %parallel_loop3A_618 : vector<16xi32>
        %parallel_loop3A_620 = arith.constant 3 : i32
        %parallel_loop3A_621 = vector.broadcast %parallel_loop3A_620 : i32 to vector<16xi32>
        %parallel_loop3A_622 = arith.muli %parallel_loop3A_619, %parallel_loop3A_621 : vector<16xi32>
        %parallel_loop3A_623 = arith.constant 12 : i32
        %parallel_loop3A_624 = vector.broadcast %parallel_loop3A_623 : i32 to vector<16xi32>
        %parallel_loop3A_625 = arith.addi %parallel_loop3A_622, %parallel_loop3A_624 : vector<16xi32>
        %parallel_loop3A_626 = arith.shli %broadcast_in_dim3A_1, %parallel_loop3A_625 : vector<16xi32>
        %parallel_loop3A_627 = arith.addi %broadcast_in_dim3A_3, %parallel_loop3A_626 : vector<16xi32>
        %parallel_loop3A_628 = arith.constant 32 : i32
        %parallel_loop3A_629 = arith.addi %parallel_loop3A_587, %parallel_loop3A_628 : i32
        %parallel_loop3A_630 = arith.index_cast %parallel_loop3A_629 : i32 to index
        %parallel_loop3A_631 = tpu.vector_load %arg5[%parallel_loop3A_630] {strides = array<i32>} : memref<16384xf32, #tpu.memory_space<vmem>>, vector<16xf32>,
        %parallel_loop3A_632 = vector.shape_cast %parallel_loop3A_631 : vector<16xf32> to vector<16xf32>
        %parallel_loop3A_633 = arith.fptosi %parallel_loop3A_632 : vector<16xf32> to vector<16xi32>
        %parallel_loop3A_634 = arith.constant -4 : i32
        %parallel_loop3A_635 = vector.broadcast %parallel_loop3A_634 : i32 to vector<16xi32>
        %parallel_loop3A_636 = arith.maxsi %parallel_loop3A_633, %parallel_loop3A_635 : vector<16xi32>
        %parallel_loop3A_637 = arith.constant 4 : i32
        %parallel_loop3A_638 = vector.broadcast %parallel_loop3A_637 : i32 to vector<16xi32>
        %parallel_loop3A_639 = arith.minsi %parallel_loop3A_636, %parallel_loop3A_638 : vector<16xi32>
        %parallel_loop3A_640 = arith.constant 3 : i32
        %parallel_loop3A_641 = vector.broadcast %parallel_loop3A_640 : i32 to vector<16xi32>
        %parallel_loop3A_642 = arith.muli %parallel_loop3A_639, %parallel_loop3A_641 : vector<16xi32>
        %parallel_loop3A_643 = arith.constant 12 : i32
        %parallel_loop3A_644 = vector.broadcast %parallel_loop3A_643 : i32 to vector<16xi32>
        %parallel_loop3A_645 = arith.addi %parallel_loop3A_642, %parallel_loop3A_644 : vector<16xi32>
        %parallel_loop3A_646 = arith.shli %broadcast_in_dim3A_1, %parallel_loop3A_645 : vector<16xi32>
        %parallel_loop3A_647 = arith.addi %parallel_loop3A_607, %parallel_loop3A_646 : vector<16xi32>
        %parallel_loop3A_648 = arith.constant 48 : i32
        %parallel_loop3A_649 = arith.addi %parallel_loop3A_587, %parallel_loop3A_648 : i32
        %parallel_loop3A_650 = arith.index_cast %parallel_loop3A_649 : i32 to index
        %parallel_loop3A_651 = tpu.vector_load %arg5[%parallel_loop3A_650] {strides = array<i32>} : memref<16384xf32, #tpu.memory_space<vmem>>, vector<16xf32>,
        %parallel_loop3A_652 = vector.shape_cast %parallel_loop3A_651 : vector<16xf32> to vector<16xf32>
        %parallel_loop3A_653 = arith.fptosi %parallel_loop3A_652 : vector<16xf32> to vector<16xi32>
        %parallel_loop3A_654 = arith.constant -4 : i32
        %parallel_loop3A_655 = vector.broadcast %parallel_loop3A_654 : i32 to vector<16xi32>
        %parallel_loop3A_656 = arith.maxsi %parallel_loop3A_653, %parallel_loop3A_655 : vector<16xi32>
        %parallel_loop3A_657 = arith.constant 4 : i32
        %parallel_loop3A_658 = vector.broadcast %parallel_loop3A_657 : i32 to vector<16xi32>
        %parallel_loop3A_659 = arith.minsi %parallel_loop3A_656, %parallel_loop3A_658 : vector<16xi32>
        %parallel_loop3A_660 = arith.constant 3 : i32
        %parallel_loop3A_661 = vector.broadcast %parallel_loop3A_660 : i32 to vector<16xi32>
        %parallel_loop3A_662 = arith.muli %parallel_loop3A_659, %parallel_loop3A_661 : vector<16xi32>
        %parallel_loop3A_663 = arith.constant 12 : i32
        %parallel_loop3A_664 = vector.broadcast %parallel_loop3A_663 : i32 to vector<16xi32>
        %parallel_loop3A_665 = arith.addi %parallel_loop3A_662, %parallel_loop3A_664 : vector<16xi32>
        %parallel_loop3A_666 = arith.shli %broadcast_in_dim3A_1, %parallel_loop3A_665 : vector<16xi32>
        %parallel_loop3A_667 = arith.addi %parallel_loop3A_627, %parallel_loop3A_666 : vector<16xi32>
        %parallel_loop3A_668 = arith.constant 64 : i32
        %parallel_loop3A_669 = arith.addi %parallel_loop3A_587, %parallel_loop3A_668 : i32
        %parallel_loop3A_670 = arith.index_cast %parallel_loop3A_669 : i32 to index
        %parallel_loop3A_671 = tpu.vector_load %arg5[%parallel_loop3A_670] {strides = array<i32>} : memref<16384xf32, #tpu.memory_space<vmem>>, vector<16xf32>,
        %parallel_loop3A_672 = vector.shape_cast %parallel_loop3A_671 : vector<16xf32> to vector<16xf32>
        %parallel_loop3A_673 = arith.fptosi %parallel_loop3A_672 : vector<16xf32> to vector<16xi32>
        %parallel_loop3A_674 = arith.constant -4 : i32
        %parallel_loop3A_675 = vector.broadcast %parallel_loop3A_674 : i32 to vector<16xi32>
        %parallel_loop3A_676 = arith.maxsi %parallel_loop3A_673, %parallel_loop3A_675 : vector<16xi32>
        %parallel_loop3A_677 = arith.constant 4 : i32
        %parallel_loop3A_678 = vector.broadcast %parallel_loop3A_677 : i32 to vector<16xi32>
        %parallel_loop3A_679 = arith.minsi %parallel_loop3A_676, %parallel_loop3A_678 : vector<16xi32>
        %parallel_loop3A_680 = arith.constant 3 : i32
        %parallel_loop3A_681 = vector.broadcast %parallel_loop3A_680 : i32 to vector<16xi32>
        %parallel_loop3A_682 = arith.muli %parallel_loop3A_679, %parallel_loop3A_681 : vector<16xi32>
        %parallel_loop3A_683 = arith.constant 12 : i32
        %parallel_loop3A_684 = vector.broadcast %parallel_loop3A_683 : i32 to vector<16xi32>
        %parallel_loop3A_685 = arith.addi %parallel_loop3A_682, %parallel_loop3A_684 : vector<16xi32>
        %parallel_loop3A_686 = arith.shli %broadcast_in_dim3A_1, %parallel_loop3A_685 : vector<16xi32>
        %parallel_loop3A_687 = arith.addi %parallel_loop3A_647, %parallel_loop3A_686 : vector<16xi32>
        %parallel_loop3A_688 = arith.constant 80 : i32
        %parallel_loop3A_689 = arith.addi %parallel_loop3A_587, %parallel_loop3A_688 : i32
        %parallel_loop3A_690 = arith.index_cast %parallel_loop3A_689 : i32 to index
        %parallel_loop3A_691 = tpu.vector_load %arg5[%parallel_loop3A_690] {strides = array<i32>} : memref<16384xf32, #tpu.memory_space<vmem>>, vector<16xf32>,
        %parallel_loop3A_692 = vector.shape_cast %parallel_loop3A_691 : vector<16xf32> to vector<16xf32>
        %parallel_loop3A_693 = arith.fptosi %parallel_loop3A_692 : vector<16xf32> to vector<16xi32>
        %parallel_loop3A_694 = arith.constant -4 : i32
        %parallel_loop3A_695 = vector.broadcast %parallel_loop3A_694 : i32 to vector<16xi32>
        %parallel_loop3A_696 = arith.maxsi %parallel_loop3A_693, %parallel_loop3A_695 : vector<16xi32>
        %parallel_loop3A_697 = arith.constant 4 : i32
        %parallel_loop3A_698 = vector.broadcast %parallel_loop3A_697 : i32 to vector<16xi32>
        %parallel_loop3A_699 = arith.minsi %parallel_loop3A_696, %parallel_loop3A_698 : vector<16xi32>
        %parallel_loop3A_700 = arith.constant 3 : i32
        %parallel_loop3A_701 = vector.broadcast %parallel_loop3A_700 : i32 to vector<16xi32>
        %parallel_loop3A_702 = arith.muli %parallel_loop3A_699, %parallel_loop3A_701 : vector<16xi32>
        %parallel_loop3A_703 = arith.constant 12 : i32
        %parallel_loop3A_704 = vector.broadcast %parallel_loop3A_703 : i32 to vector<16xi32>
        %parallel_loop3A_705 = arith.addi %parallel_loop3A_702, %parallel_loop3A_704 : vector<16xi32>
        %parallel_loop3A_706 = arith.shli %broadcast_in_dim3A_1, %parallel_loop3A_705 : vector<16xi32>
        %parallel_loop3A_707 = arith.addi %parallel_loop3A_667, %parallel_loop3A_706 : vector<16xi32>
        %parallel_loop3A_708 = arith.constant 96 : i32
        %parallel_loop3A_709 = arith.addi %parallel_loop3A_587, %parallel_loop3A_708 : i32
        %parallel_loop3A_710 = arith.index_cast %parallel_loop3A_709 : i32 to index
        %parallel_loop3A_711 = tpu.vector_load %arg5[%parallel_loop3A_710] {strides = array<i32>} : memref<16384xf32, #tpu.memory_space<vmem>>, vector<16xf32>,
        %parallel_loop3A_712 = vector.shape_cast %parallel_loop3A_711 : vector<16xf32> to vector<16xf32>
        %parallel_loop3A_713 = arith.fptosi %parallel_loop3A_712 : vector<16xf32> to vector<16xi32>
        %parallel_loop3A_714 = arith.constant -4 : i32
        %parallel_loop3A_715 = vector.broadcast %parallel_loop3A_714 : i32 to vector<16xi32>
        %parallel_loop3A_716 = arith.maxsi %parallel_loop3A_713, %parallel_loop3A_715 : vector<16xi32>
        %parallel_loop3A_717 = arith.constant 4 : i32
        %parallel_loop3A_718 = vector.broadcast %parallel_loop3A_717 : i32 to vector<16xi32>
        %parallel_loop3A_719 = arith.minsi %parallel_loop3A_716, %parallel_loop3A_718 : vector<16xi32>
        %parallel_loop3A_720 = arith.constant 3 : i32
        %parallel_loop3A_721 = vector.broadcast %parallel_loop3A_720 : i32 to vector<16xi32>
        %parallel_loop3A_722 = arith.muli %parallel_loop3A_719, %parallel_loop3A_721 : vector<16xi32>
        %parallel_loop3A_723 = arith.constant 12 : i32
        %parallel_loop3A_724 = vector.broadcast %parallel_loop3A_723 : i32 to vector<16xi32>
        %parallel_loop3A_725 = arith.addi %parallel_loop3A_722, %parallel_loop3A_724 : vector<16xi32>
        %parallel_loop3A_726 = arith.shli %broadcast_in_dim3A_1, %parallel_loop3A_725 : vector<16xi32>
        %parallel_loop3A_727 = arith.addi %parallel_loop3A_687, %parallel_loop3A_726 : vector<16xi32>
        %parallel_loop3A_728 = arith.addi %parallel_loop3A_727, %parallel_loop3A_707 : vector<16xi32>
        %parallel_loop3A_729 = arith.constant 0 : i32
        %parallel_loop3A_730 = vector.broadcast %parallel_loop3A_729 : i32 to vector<16xi32>
        %parallel_loop3A_731 = arith.shrsi %parallel_loop3A_728, %parallel_loop3A_730 : vector<16xi32>
        %parallel_loop3A_732 = arith.andi %parallel_loop3A_731, %broadcast_in_dim3A_7 : vector<16xi32>
        %parallel_loop3A_733 = arith.addi %parallel_loop3A_577, %parallel_loop3A_732 : vector<16xi32>
        %parallel_loop3A_734 = arith.constant 3 : i32
        %parallel_loop3A_735 = vector.broadcast %parallel_loop3A_734 : i32 to vector<16xi32>
        %parallel_loop3A_736 = arith.shrsi %parallel_loop3A_728, %parallel_loop3A_735 : vector<16xi32>
        %parallel_loop3A_737 = arith.andi %parallel_loop3A_736, %broadcast_in_dim3A_7 : vector<16xi32>
        %parallel_loop3A_738 = arith.addi %parallel_loop3A_578, %parallel_loop3A_737 : vector<16xi32>
        %parallel_loop3A_739 = arith.constant 6 : i32
        %parallel_loop3A_740 = vector.broadcast %parallel_loop3A_739 : i32 to vector<16xi32>
        %parallel_loop3A_741 = arith.shrsi %parallel_loop3A_728, %parallel_loop3A_740 : vector<16xi32>
        %parallel_loop3A_742 = arith.andi %parallel_loop3A_741, %broadcast_in_dim3A_7 : vector<16xi32>
        %parallel_loop3A_743 = arith.addi %parallel_loop3A_579, %parallel_loop3A_742 : vector<16xi32>
        %parallel_loop3A_744 = arith.constant 9 : i32
        %parallel_loop3A_745 = vector.broadcast %parallel_loop3A_744 : i32 to vector<16xi32>
        %parallel_loop3A_746 = arith.shrsi %parallel_loop3A_728, %parallel_loop3A_745 : vector<16xi32>
        %parallel_loop3A_747 = arith.andi %parallel_loop3A_746, %broadcast_in_dim3A_7 : vector<16xi32>
        %parallel_loop3A_748 = arith.addi %parallel_loop3A_580, %parallel_loop3A_747 : vector<16xi32>
        %parallel_loop3A_749 = arith.constant 12 : i32
        %parallel_loop3A_750 = vector.broadcast %parallel_loop3A_749 : i32 to vector<16xi32>
        %parallel_loop3A_751 = arith.shrsi %parallel_loop3A_728, %parallel_loop3A_750 : vector<16xi32>
        %parallel_loop3A_752 = arith.andi %parallel_loop3A_751, %broadcast_in_dim3A_7 : vector<16xi32>
        %parallel_loop3A_753 = arith.addi %parallel_loop3A_581, %parallel_loop3A_752 : vector<16xi32>
        %parallel_loop3A_754 = arith.constant 15 : i32
        %parallel_loop3A_755 = vector.broadcast %parallel_loop3A_754 : i32 to vector<16xi32>
        %parallel_loop3A_756 = arith.shrsi %parallel_loop3A_728, %parallel_loop3A_755 : vector<16xi32>
        %parallel_loop3A_757 = arith.andi %parallel_loop3A_756, %broadcast_in_dim3A_7 : vector<16xi32>
        %parallel_loop3A_758 = arith.addi %parallel_loop3A_582, %parallel_loop3A_757 : vector<16xi32>
        %parallel_loop3A_759 = arith.constant 18 : i32
        %parallel_loop3A_760 = vector.broadcast %parallel_loop3A_759 : i32 to vector<16xi32>
        %parallel_loop3A_761 = arith.shrsi %parallel_loop3A_728, %parallel_loop3A_760 : vector<16xi32>
        %parallel_loop3A_762 = arith.andi %parallel_loop3A_761, %broadcast_in_dim3A_7 : vector<16xi32>
        %parallel_loop3A_763 = arith.addi %parallel_loop3A_583, %parallel_loop3A_762 : vector<16xi32>
        %parallel_loop3A_764 = arith.constant 21 : i32
        %parallel_loop3A_765 = vector.broadcast %parallel_loop3A_764 : i32 to vector<16xi32>
        %parallel_loop3A_766 = arith.shrsi %parallel_loop3A_728, %parallel_loop3A_765 : vector<16xi32>
        %parallel_loop3A_767 = arith.andi %parallel_loop3A_766, %broadcast_in_dim3A_7 : vector<16xi32>
        %parallel_loop3A_768 = arith.addi %parallel_loop3A_584, %parallel_loop3A_767 : vector<16xi32>
        %parallel_loop3A_769 = arith.constant 24 : i32
        %parallel_loop3A_770 = vector.broadcast %parallel_loop3A_769 : i32 to vector<16xi32>
        %parallel_loop3A_771 = arith.shrsi %parallel_loop3A_728, %parallel_loop3A_770 : vector<16xi32>
        %parallel_loop3A_772 = arith.andi %parallel_loop3A_771, %broadcast_in_dim3A_7 : vector<16xi32>
        %parallel_loop3A_773 = arith.addi %parallel_loop3A_585, %parallel_loop3A_772 : vector<16xi32>
        scf.yield %parallel_loop3A_733, %parallel_loop3A_738, %parallel_loop3A_743, %parallel_loop3A_748, %parallel_loop3A_753, %parallel_loop3A_758, %parallel_loop3A_763, %parallel_loop3A_768, %parallel_loop3A_773 : vector<16xi32>, vector<16xi32>, vector<16xi32>, vector<16xi32>, vector<16xi32>, vector<16xi32>, vector<16xi32>, vector<16xi32>, vector<16xi32>
      } {sc.loop_unroll_factor = 2 : i64, sc.parallel_access}
      %get3A_485 = arith.constant 16352 : index
      %get3A_486 = tpu.vector_load %arg5[%get3A_485] {strides = array<i32>} : memref<16384xf32, #tpu.memory_space<vmem>>, vector<16xf32>,
      %get3A_487 = vector.shape_cast %get3A_486 : vector<16xf32> to vector<16xf32>
      %convert_element_type3A_488 = arith.fptosi %get3A_487 : vector<16xf32> to vector<16xi32>
      %max3A_489 = arith.constant -4 : i32
      %max3A_490 = vector.broadcast %max3A_489 : i32 to vector<16xi32>
      %max3A_491 = arith.maxsi %convert_element_type3A_488, %max3A_490 : vector<16xi32>
      %min3A_492 = arith.constant 4 : i32
      %min3A_493 = vector.broadcast %min3A_492 : i32 to vector<16xi32>
      %min3A_494 = arith.minsi %max3A_491, %min3A_493 : vector<16xi32>
      %mul3A_495 = arith.constant 3 : i32
      %mul3A_496 = vector.broadcast %mul3A_495 : i32 to vector<16xi32>
      %mul3A_497 = arith.muli %min3A_494, %mul3A_496 : vector<16xi32>
      %add3A_498 = arith.constant 12 : i32
      %add3A_499 = vector.broadcast %add3A_498 : i32 to vector<16xi32>
      %add3A_500 = arith.addi %mul3A_497, %add3A_499 : vector<16xi32>
      %shift_left3A_501 = arith.shli %broadcast_in_dim3A_1, %add3A_500 : vector<16xi32>
      %add3A_502 = arith.addi %broadcast_in_dim3A_3, %shift_left3A_501 : vector<16xi32>
      %get3A_503 = arith.constant 16368 : index
      %get3A_504 = tpu.vector_load %arg5[%get3A_503] {strides = array<i32>} : memref<16384xf32, #tpu.memory_space<vmem>>, vector<16xf32>,
      %get3A_505 = vector.shape_cast %get3A_504 : vector<16xf32> to vector<16xf32>
      %convert_element_type3A_506 = arith.fptosi %get3A_505 : vector<16xf32> to vector<16xi32>
      %max3A_507 = arith.constant -4 : i32
      %max3A_508 = vector.broadcast %max3A_507 : i32 to vector<16xi32>
      %max3A_509 = arith.maxsi %convert_element_type3A_506, %max3A_508 : vector<16xi32>
      %min3A_510 = arith.constant 4 : i32
      %min3A_511 = vector.broadcast %min3A_510 : i32 to vector<16xi32>
      %min3A_512 = arith.minsi %max3A_509, %min3A_511 : vector<16xi32>
      %mul3A_513 = arith.constant 3 : i32
      %mul3A_514 = vector.broadcast %mul3A_513 : i32 to vector<16xi32>
      %mul3A_515 = arith.muli %min3A_512, %mul3A_514 : vector<16xi32>
      %add3A_516 = arith.constant 12 : i32
      %add3A_517 = vector.broadcast %add3A_516 : i32 to vector<16xi32>
      %add3A_518 = arith.addi %mul3A_515, %add3A_517 : vector<16xi32>
      %shift_left3A_519 = arith.shli %broadcast_in_dim3A_1, %add3A_518 : vector<16xi32>
      %add3A_520 = arith.addi %add3A_502, %shift_left3A_519 : vector<16xi32>
      %shift_right_arithmetic3A_521 = arith.constant 0 : i32
      %shift_right_arithmetic3A_522 = vector.broadcast %shift_right_arithmetic3A_521 : i32 to vector<16xi32>
      %shift_right_arithmetic3A_523 = arith.shrsi %add3A_520, %shift_right_arithmetic3A_522 : vector<16xi32>
      %and3A_524 = arith.andi %shift_right_arithmetic3A_523, %broadcast_in_dim3A_7 : vector<16xi32>
      %add3A_525 = arith.addi %parallel_loop3A_484#0, %and3A_524 : vector<16xi32>
      %shift_right_arithmetic3A_526 = arith.constant 3 : i32
      %shift_right_arithmetic3A_527 = vector.broadcast %shift_right_arithmetic3A_526 : i32 to vector<16xi32>
      %shift_right_arithmetic3A_528 = arith.shrsi %add3A_520, %shift_right_arithmetic3A_527 : vector<16xi32>
      %and3A_529 = arith.andi %shift_right_arithmetic3A_528, %broadcast_in_dim3A_7 : vector<16xi32>
      %add3A_530 = arith.addi %parallel_loop3A_484#1, %and3A_529 : vector<16xi32>
      %shift_right_arithmetic3A_531 = arith.constant 6 : i32
      %shift_right_arithmetic3A_532 = vector.broadcast %shift_right_arithmetic3A_531 : i32 to vector<16xi32>
      %shift_right_arithmetic3A_533 = arith.shrsi %add3A_520, %shift_right_arithmetic3A_532 : vector<16xi32>
      %and3A_534 = arith.andi %shift_right_arithmetic3A_533, %broadcast_in_dim3A_7 : vector<16xi32>
      %add3A_535 = arith.addi %parallel_loop3A_484#2, %and3A_534 : vector<16xi32>
      %shift_right_arithmetic3A_536 = arith.constant 9 : i32
      %shift_right_arithmetic3A_537 = vector.broadcast %shift_right_arithmetic3A_536 : i32 to vector<16xi32>
      %shift_right_arithmetic3A_538 = arith.shrsi %add3A_520, %shift_right_arithmetic3A_537 : vector<16xi32>
      %and3A_539 = arith.andi %shift_right_arithmetic3A_538, %broadcast_in_dim3A_7 : vector<16xi32>
      %add3A_540 = arith.addi %parallel_loop3A_484#3, %and3A_539 : vector<16xi32>
      %shift_right_arithmetic3A_541 = arith.constant 12 : i32
      %shift_right_arithmetic3A_542 = vector.broadcast %shift_right_arithmetic3A_541 : i32 to vector<16xi32>
      %shift_right_arithmetic3A_543 = arith.shrsi %add3A_520, %shift_right_arithmetic3A_542 : vector<16xi32>
      %and3A_544 = arith.andi %shift_right_arithmetic3A_543, %broadcast_in_dim3A_7 : vector<16xi32>
      %add3A_545 = arith.addi %parallel_loop3A_484#4, %and3A_544 : vector<16xi32>
      %shift_right_arithmetic3A_546 = arith.constant 15 : i32
      %shift_right_arithmetic3A_547 = vector.broadcast %shift_right_arithmetic3A_546 : i32 to vector<16xi32>
      %shift_right_arithmetic3A_548 = arith.shrsi %add3A_520, %shift_right_arithmetic3A_547 : vector<16xi32>
      %and3A_549 = arith.andi %shift_right_arithmetic3A_548, %broadcast_in_dim3A_7 : vector<16xi32>
      %add3A_550 = arith.addi %parallel_loop3A_484#5, %and3A_549 : vector<16xi32>
      %shift_right_arithmetic3A_551 = arith.constant 18 : i32
      %shift_right_arithmetic3A_552 = vector.broadcast %shift_right_arithmetic3A_551 : i32 to vector<16xi32>
      %shift_right_arithmetic3A_553 = arith.shrsi %add3A_520, %shift_right_arithmetic3A_552 : vector<16xi32>
      %and3A_554 = arith.andi %shift_right_arithmetic3A_553, %broadcast_in_dim3A_7 : vector<16xi32>
      %add3A_555 = arith.addi %parallel_loop3A_484#6, %and3A_554 : vector<16xi32>
      %shift_right_arithmetic3A_556 = arith.constant 21 : i32
      %shift_right_arithmetic3A_557 = vector.broadcast %shift_right_arithmetic3A_556 : i32 to vector<16xi32>
      %shift_right_arithmetic3A_558 = arith.shrsi %add3A_520, %shift_right_arithmetic3A_557 : vector<16xi32>
      %and3A_559 = arith.andi %shift_right_arithmetic3A_558, %broadcast_in_dim3A_7 : vector<16xi32>
      %add3A_560 = arith.addi %parallel_loop3A_484#7, %and3A_559 : vector<16xi32>
      %shift_right_arithmetic3A_561 = arith.constant 24 : i32
      %shift_right_arithmetic3A_562 = vector.broadcast %shift_right_arithmetic3A_561 : i32 to vector<16xi32>
      %shift_right_arithmetic3A_563 = arith.shrsi %add3A_520, %shift_right_arithmetic3A_562 : vector<16xi32>
      %and3A_564 = arith.andi %shift_right_arithmetic3A_563, %broadcast_in_dim3A_7 : vector<16xi32>
      %add3A_565 = arith.addi %parallel_loop3A_484#8, %and3A_564 : vector<16xi32>
      %add3A_566 = arith.constant 3 : i32
      %add3A_567 = arith.addi %mul3A_379, %add3A_566 : i32
      %min3A_568 = arith.constant 23 : i32
      %min3A_569 = arith.minsi %add3A_567, %min3A_568 : i32
      %mul3A_570 = arith.constant 16384 : i32
      %mul3A_571 = arith.muli %min3A_569, %mul3A_570 : i32
      %dma_start3A_572 = tpu.memref_slice %arg2[%add3A, %mul3A_571] : memref<32x1048576xf32, #tpu.memory_space<hbm>> -> memref<1x16384xf32, #tpu.memory_space<hbm>>
      %dma_start3A_573 = tpu.memref_squeeze %dma_start3A_572 : memref<1x16384xf32, #tpu.memory_space<hbm>> -> memref<16384xf32, #tpu.memory_space<hbm>>
      %dma_start3A_574 = tpu.memref_slice %arg2[%add3A, %mul3A_571] : memref<32x1048576xf32, #tpu.memory_space<hbm>> -> memref<1x16384xf32, #tpu.memory_space<hbm>>
      %dma_start3A_575 = tpu.memref_squeeze %dma_start3A_574 : memref<1x16384xf32, #tpu.memory_space<hbm>> -> memref<16384xf32, #tpu.memory_space<hbm>>
      tpu.enqueue_dma source(%dma_start3A_575 : memref<16384xf32, #tpu.memory_space<hbm>>) target(%arg5 : memref<16384xf32, #tpu.memory_space<vmem>>) target_semaphore(%arg8 : memref<!tpu.dma_semaphore, #tpu.memory_space<semaphore_mem>>)
      scf.yield %add3A_525, %add3A_530, %add3A_535, %add3A_540, %add3A_545, %add3A_550, %add3A_555, %add3A_560, %add3A_565 : vector<16xi32>, vector<16xi32>, vector<16xi32>, vector<16xi32>, vector<16xi32>, vector<16xi32>, vector<16xi32>, vector<16xi32>, vector<16xi32>
    }
    %scan3A_28 = arith.constant 12 : i32
    %dma_wait3A = arith.constant 0 : i32
    %dma_wait3A_29 = tpu.memref_slice %arg2[%add3A, %dma_wait3A] : memref<32x1048576xf32, #tpu.memory_space<hbm>> -> memref<1x16384xf32, #tpu.memory_space<hbm>>
    %dma_wait3A_30 = tpu.memref_squeeze %dma_wait3A_29 : memref<1x16384xf32, #tpu.memory_space<hbm>> -> memref<16384xf32, #tpu.memory_space<hbm>>
    %dma_wait3A_31 = arith.constant 0 : i32
    %dma_wait3A_32 = tpu.memref_slice %arg2[%add3A, %dma_wait3A_31] : memref<32x1048576xf32, #tpu.memory_space<hbm>> -> memref<1x16384xf32, #tpu.memory_space<hbm>>
    %dma_wait3A_33 = tpu.memref_squeeze %dma_wait3A_32 : memref<1x16384xf32, #tpu.memory_space<hbm>> -> memref<16384xf32, #tpu.memory_space<hbm>>
    tpu.wait_dma2 semaphore(%arg7 : memref<!tpu.dma_semaphore, #tpu.memory_space<semaphore_mem>>) src(%dma_wait3A_33 : memref<16384xf32, #tpu.memory_space<hbm>>) dst(%arg4 : memref<16384xf32, #tpu.memory_space<vmem>>)
    %dma_wait3A_34 = arith.constant 0 : i32
    %dma_wait3A_35 = tpu.memref_slice %arg2[%add3A, %dma_wait3A_34] : memref<32x1048576xf32, #tpu.memory_space<hbm>> -> memref<1x16384xf32, #tpu.memory_space<hbm>>
    %dma_wait3A_36 = tpu.memref_squeeze %dma_wait3A_35 : memref<1x16384xf32, #tpu.memory_space<hbm>> -> memref<16384xf32, #tpu.memory_space<hbm>>
    %dma_wait3A_37 = arith.constant 0 : i32
    %dma_wait3A_38 = tpu.memref_slice %arg2[%add3A, %dma_wait3A_37] : memref<32x1048576xf32, #tpu.memory_space<hbm>> -> memref<1x16384xf32, #tpu.memory_space<hbm>>
    %dma_wait3A_39 = tpu.memref_squeeze %dma_wait3A_38 : memref<1x16384xf32, #tpu.memory_space<hbm>> -> memref<16384xf32, #tpu.memory_space<hbm>>
    tpu.wait_dma2 semaphore(%arg8 : memref<!tpu.dma_semaphore, #tpu.memory_space<semaphore_mem>>) src(%dma_wait3A_39 : memref<16384xf32, #tpu.memory_space<hbm>>) dst(%arg5 : memref<16384xf32, #tpu.memory_space<vmem>>)
    %xor3A = arith.constant 1 : i32
    %xor3A_40 = vector.broadcast %xor3A : i32 to vector<16xi32>
    %xor3A_41 = arith.xori %iota3A, %xor3A_40 : vector<16xi32>
    %reshape3A = vector.shape_cast %xor3A_41 : vector<16xi32> to vector<16x1xi32>
    %gather3A = vector.shape_cast %reshape3A : vector<16x1xi32> to vector<16xi32>
    %gather3A_42 = tpu.dynamic_gather %scan3A_27#0[%gather3A] in [0] : vector<16xi32>, vector<16xi32> -> vector<16xi32>
    %add3A_43 = arith.addi %scan3A_27#0, %gather3A_42 : vector<16xi32>
    %xor3A_44 = arith.constant 2 : i32
    %xor3A_45 = vector.broadcast %xor3A_44 : i32 to vector<16xi32>
    %xor3A_46 = arith.xori %iota3A, %xor3A_45 : vector<16xi32>
    %reshape3A_47 = vector.shape_cast %xor3A_46 : vector<16xi32> to vector<16x1xi32>
    %gather3A_48 = vector.shape_cast %reshape3A_47 : vector<16x1xi32> to vector<16xi32>
    %gather3A_49 = tpu.dynamic_gather %add3A_43[%gather3A_48] in [0] : vector<16xi32>, vector<16xi32> -> vector<16xi32>
    %add3A_50 = arith.addi %add3A_43, %gather3A_49 : vector<16xi32>
    %xor3A_51 = arith.constant 4 : i32
    %xor3A_52 = vector.broadcast %xor3A_51 : i32 to vector<16xi32>
    %xor3A_53 = arith.xori %iota3A, %xor3A_52 : vector<16xi32>
    %reshape3A_54 = vector.shape_cast %xor3A_53 : vector<16xi32> to vector<16x1xi32>
    %gather3A_55 = vector.shape_cast %reshape3A_54 : vector<16x1xi32> to vector<16xi32>
    %gather3A_56 = tpu.dynamic_gather %add3A_50[%gather3A_55] in [0] : vector<16xi32>, vector<16xi32> -> vector<16xi32>
    %add3A_57 = arith.addi %add3A_50, %gather3A_56 : vector<16xi32>
    %xor3A_58 = arith.constant 8 : i32
    %xor3A_59 = vector.broadcast %xor3A_58 : i32 to vector<16xi32>
    %xor3A_60 = arith.xori %iota3A, %xor3A_59 : vector<16xi32>
    %reshape3A_61 = vector.shape_cast %xor3A_60 : vector<16xi32> to vector<16x1xi32>
    %gather3A_62 = vector.shape_cast %reshape3A_61 : vector<16x1xi32> to vector<16xi32>
    %gather3A_63 = tpu.dynamic_gather %add3A_57[%gather3A_62] in [0] : vector<16xi32>, vector<16xi32> -> vector<16xi32>
    %add3A_64 = arith.addi %add3A_57, %gather3A_63 : vector<16xi32>
    %convert_element_type3A = arith.sitofp %add3A_64 : vector<16xi32> to vector<16xf32>
    %xor3A_65 = arith.constant 1 : i32
    %xor3A_66 = vector.broadcast %xor3A_65 : i32 to vector<16xi32>
    %xor3A_67 = arith.xori %iota3A, %xor3A_66 : vector<16xi32>
    %reshape3A_68 = vector.shape_cast %xor3A_67 : vector<16xi32> to vector<16x1xi32>
    %gather3A_69 = vector.shape_cast %reshape3A_68 : vector<16x1xi32> to vector<16xi32>
    %gather3A_70 = tpu.dynamic_gather %scan3A_27#1[%gather3A_69] in [0] : vector<16xi32>, vector<16xi32> -> vector<16xi32>
    %add3A_71 = arith.addi %scan3A_27#1, %gather3A_70 : vector<16xi32>
    %xor3A_72 = arith.constant 2 : i32
    %xor3A_73 = vector.broadcast %xor3A_72 : i32 to vector<16xi32>
    %xor3A_74 = arith.xori %iota3A, %xor3A_73 : vector<16xi32>
    %reshape3A_75 = vector.shape_cast %xor3A_74 : vector<16xi32> to vector<16x1xi32>
    %gather3A_76 = vector.shape_cast %reshape3A_75 : vector<16x1xi32> to vector<16xi32>
    %gather3A_77 = tpu.dynamic_gather %add3A_71[%gather3A_76] in [0] : vector<16xi32>, vector<16xi32> -> vector<16xi32>
    %add3A_78 = arith.addi %add3A_71, %gather3A_77 : vector<16xi32>
    %xor3A_79 = arith.constant 4 : i32
    %xor3A_80 = vector.broadcast %xor3A_79 : i32 to vector<16xi32>
    %xor3A_81 = arith.xori %iota3A, %xor3A_80 : vector<16xi32>
    %reshape3A_82 = vector.shape_cast %xor3A_81 : vector<16xi32> to vector<16x1xi32>
    %gather3A_83 = vector.shape_cast %reshape3A_82 : vector<16x1xi32> to vector<16xi32>
    %gather3A_84 = tpu.dynamic_gather %add3A_78[%gather3A_83] in [0] : vector<16xi32>, vector<16xi32> -> vector<16xi32>
    %add3A_85 = arith.addi %add3A_78, %gather3A_84 : vector<16xi32>
    %xor3A_86 = arith.constant 8 : i32
    %xor3A_87 = vector.broadcast %xor3A_86 : i32 to vector<16xi32>
    %xor3A_88 = arith.xori %iota3A, %xor3A_87 : vector<16xi32>
    %reshape3A_89 = vector.shape_cast %xor3A_88 : vector<16xi32> to vector<16x1xi32>
    %gather3A_90 = vector.shape_cast %reshape3A_89 : vector<16x1xi32> to vector<16xi32>
    %gather3A_91 = tpu.dynamic_gather %add3A_85[%gather3A_90] in [0] : vector<16xi32>, vector<16xi32> -> vector<16xi32>
    %add3A_92 = arith.addi %add3A_85, %gather3A_91 : vector<16xi32>
    %convert_element_type3A_93 = arith.sitofp %add3A_92 : vector<16xi32> to vector<16xf32>
    %xor3A_94 = arith.constant 1 : i32
    %xor3A_95 = vector.broadcast %xor3A_94 : i32 to vector<16xi32>
    %xor3A_96 = arith.xori %iota3A, %xor3A_95 : vector<16xi32>
    %reshape3A_97 = vector.shape_cast %xor3A_96 : vector<16xi32> to vector<16x1xi32>
    %gather3A_98 = vector.shape_cast %reshape3A_97 : vector<16x1xi32> to vector<16xi32>
    %gather3A_99 = tpu.dynamic_gather %scan3A_27#2[%gather3A_98] in [0] : vector<16xi32>, vector<16xi32> -> vector<16xi32>
    %add3A_100 = arith.addi %scan3A_27#2, %gather3A_99 : vector<16xi32>
    %xor3A_101 = arith.constant 2 : i32
    %xor3A_102 = vector.broadcast %xor3A_101 : i32 to vector<16xi32>
    %xor3A_103 = arith.xori %iota3A, %xor3A_102 : vector<16xi32>
    %reshape3A_104 = vector.shape_cast %xor3A_103 : vector<16xi32> to vector<16x1xi32>
    %gather3A_105 = vector.shape_cast %reshape3A_104 : vector<16x1xi32> to vector<16xi32>
    %gather3A_106 = tpu.dynamic_gather %add3A_100[%gather3A_105] in [0] : vector<16xi32>, vector<16xi32> -> vector<16xi32>
    %add3A_107 = arith.addi %add3A_100, %gather3A_106 : vector<16xi32>
    %xor3A_108 = arith.constant 4 : i32
    %xor3A_109 = vector.broadcast %xor3A_108 : i32 to vector<16xi32>
    %xor3A_110 = arith.xori %iota3A, %xor3A_109 : vector<16xi32>
    %reshape3A_111 = vector.shape_cast %xor3A_110 : vector<16xi32> to vector<16x1xi32>
    %gather3A_112 = vector.shape_cast %reshape3A_111 : vector<16x1xi32> to vector<16xi32>
    %gather3A_113 = tpu.dynamic_gather %add3A_107[%gather3A_112] in [0] : vector<16xi32>, vector<16xi32> -> vector<16xi32>
    %add3A_114 = arith.addi %add3A_107, %gather3A_113 : vector<16xi32>
    %xor3A_115 = arith.constant 8 : i32
    %xor3A_116 = vector.broadcast %xor3A_115 : i32 to vector<16xi32>
    %xor3A_117 = arith.xori %iota3A, %xor3A_116 : vector<16xi32>
    %reshape3A_118 = vector.shape_cast %xor3A_117 : vector<16xi32> to vector<16x1xi32>
    %gather3A_119 = vector.shape_cast %reshape3A_118 : vector<16x1xi32> to vector<16xi32>
    %gather3A_120 = tpu.dynamic_gather %add3A_114[%gather3A_119] in [0] : vector<16xi32>, vector<16xi32> -> vector<16xi32>
    %add3A_121 = arith.addi %add3A_114, %gather3A_120 : vector<16xi32>
    %convert_element_type3A_122 = arith.sitofp %add3A_121 : vector<16xi32> to vector<16xf32>
    %xor3A_123 = arith.constant 1 : i32
    %xor3A_124 = vector.broadcast %xor3A_123 : i32 to vector<16xi32>
    %xor3A_125 = arith.xori %iota3A, %xor3A_124 : vector<16xi32>
    %reshape3A_126 = vector.shape_cast %xor3A_125 : vector<16xi32> to vector<16x1xi32>
    %gather3A_127 = vector.shape_cast %reshape3A_126 : vector<16x1xi32> to vector<16xi32>
    %gather3A_128 = tpu.dynamic_gather %scan3A_27#3[%gather3A_127] in [0] : vector<16xi32>, vector<16xi32> -> vector<16xi32>
    %add3A_129 = arith.addi %scan3A_27#3, %gather3A_128 : vector<16xi32>
    %xor3A_130 = arith.constant 2 : i32
    %xor3A_131 = vector.broadcast %xor3A_130 : i32 to vector<16xi32>
    %xor3A_132 = arith.xori %iota3A, %xor3A_131 : vector<16xi32>
    %reshape3A_133 = vector.shape_cast %xor3A_132 : vector<16xi32> to vector<16x1xi32>
    %gather3A_134 = vector.shape_cast %reshape3A_133 : vector<16x1xi32> to vector<16xi32>
    %gather3A_135 = tpu.dynamic_gather %add3A_129[%gather3A_134] in [0] : vector<16xi32>, vector<16xi32> -> vector<16xi32>
    %add3A_136 = arith.addi %add3A_129, %gather3A_135 : vector<16xi32>
    %xor3A_137 = arith.constant 4 : i32
    %xor3A_138 = vector.broadcast %xor3A_137 : i32 to vector<16xi32>
    %xor3A_139 = arith.xori %iota3A, %xor3A_138 : vector<16xi32>
    %reshape3A_140 = vector.shape_cast %xor3A_139 : vector<16xi32> to vector<16x1xi32>
    %gather3A_141 = vector.shape_cast %reshape3A_140 : vector<16x1xi32> to vector<16xi32>
    %gather3A_142 = tpu.dynamic_gather %add3A_136[%gather3A_141] in [0] : vector<16xi32>, vector<16xi32> -> vector<16xi32>
    %add3A_143 = arith.addi %add3A_136, %gather3A_142 : vector<16xi32>
    %xor3A_144 = arith.constant 8 : i32
    %xor3A_145 = vector.broadcast %xor3A_144 : i32 to vector<16xi32>
    %xor3A_146 = arith.xori %iota3A, %xor3A_145 : vector<16xi32>
    %reshape3A_147 = vector.shape_cast %xor3A_146 : vector<16xi32> to vector<16x1xi32>
    %gather3A_148 = vector.shape_cast %reshape3A_147 : vector<16x1xi32> to vector<16xi32>
    %gather3A_149 = tpu.dynamic_gather %add3A_143[%gather3A_148] in [0] : vector<16xi32>, vector<16xi32> -> vector<16xi32>
    %add3A_150 = arith.addi %add3A_143, %gather3A_149 : vector<16xi32>
    %convert_element_type3A_151 = arith.sitofp %add3A_150 : vector<16xi32> to vector<16xf32>
    %xor3A_152 = arith.constant 1 : i32
    %xor3A_153 = vector.broadcast %xor3A_152 : i32 to vector<16xi32>
    %xor3A_154 = arith.xori %iota3A, %xor3A_153 : vector<16xi32>
    %reshape3A_155 = vector.shape_cast %xor3A_154 : vector<16xi32> to vector<16x1xi32>
    %gather3A_156 = vector.shape_cast %reshape3A_155 : vector<16x1xi32> to vector<16xi32>
    %gather3A_157 = tpu.dynamic_gather %scan3A_27#4[%gather3A_156] in [0] : vector<16xi32>, vector<16xi32> -> vector<16xi32>
    %add3A_158 = arith.addi %scan3A_27#4, %gather3A_157 : vector<16xi32>
    %xor3A_159 = arith.constant 2 : i32
    %xor3A_160 = vector.broadcast %xor3A_159 : i32 to vector<16xi32>
    %xor3A_161 = arith.xori %iota3A, %xor3A_160 : vector<16xi32>
    %reshape3A_162 = vector.shape_cast %xor3A_161 : vector<16xi32> to vector<16x1xi32>
    %gather3A_163 = vector.shape_cast %reshape3A_162 : vector<16x1xi32> to vector<16xi32>
    %gather3A_164 = tpu.dynamic_gather %add3A_158[%gather3A_163] in [0] : vector<16xi32>, vector<16xi32> -> vector<16xi32>
    %add3A_165 = arith.addi %add3A_158, %gather3A_164 : vector<16xi32>
    %xor3A_166 = arith.constant 4 : i32
    %xor3A_167 = vector.broadcast %xor3A_166 : i32 to vector<16xi32>
    %xor3A_168 = arith.xori %iota3A, %xor3A_167 : vector<16xi32>
    %reshape3A_169 = vector.shape_cast %xor3A_168 : vector<16xi32> to vector<16x1xi32>
    %gather3A_170 = vector.shape_cast %reshape3A_169 : vector<16x1xi32> to vector<16xi32>
    %gather3A_171 = tpu.dynamic_gather %add3A_165[%gather3A_170] in [0] : vector<16xi32>, vector<16xi32> -> vector<16xi32>
    %add3A_172 = arith.addi %add3A_165, %gather3A_171 : vector<16xi32>
    %xor3A_173 = arith.constant 8 : i32
    %xor3A_174 = vector.broadcast %xor3A_173 : i32 to vector<16xi32>
    %xor3A_175 = arith.xori %iota3A, %xor3A_174 : vector<16xi32>
    %reshape3A_176 = vector.shape_cast %xor3A_175 : vector<16xi32> to vector<16x1xi32>
    %gather3A_177 = vector.shape_cast %reshape3A_176 : vector<16x1xi32> to vector<16xi32>
    %gather3A_178 = tpu.dynamic_gather %add3A_172[%gather3A_177] in [0] : vector<16xi32>, vector<16xi32> -> vector<16xi32>
    %add3A_179 = arith.addi %add3A_172, %gather3A_178 : vector<16xi32>
    %convert_element_type3A_180 = arith.sitofp %add3A_179 : vector<16xi32> to vector<16xf32>
    %xor3A_181 = arith.constant 1 : i32
    %xor3A_182 = vector.broadcast %xor3A_181 : i32 to vector<16xi32>
    %xor3A_183 = arith.xori %iota3A, %xor3A_182 : vector<16xi32>
    %reshape3A_184 = vector.shape_cast %xor3A_183 : vector<16xi32> to vector<16x1xi32>
    %gather3A_185 = vector.shape_cast %reshape3A_184 : vector<16x1xi32> to vector<16xi32>
    %gather3A_186 = tpu.dynamic_gather %scan3A_27#5[%gather3A_185] in [0] : vector<16xi32>, vector<16xi32> -> vector<16xi32>
    %add3A_187 = arith.addi %scan3A_27#5, %gather3A_186 : vector<16xi32>
    %xor3A_188 = arith.constant 2 : i32
    %xor3A_189 = vector.broadcast %xor3A_188 : i32 to vector<16xi32>
    %xor3A_190 = arith.xori %iota3A, %xor3A_189 : vector<16xi32>
    %reshape3A_191 = vector.shape_cast %xor3A_190 : vector<16xi32> to vector<16x1xi32>
    %gather3A_192 = vector.shape_cast %reshape3A_191 : vector<16x1xi32> to vector<16xi32>
    %gather3A_193 = tpu.dynamic_gather %add3A_187[%gather3A_192] in [0] : vector<16xi32>, vector<16xi32> -> vector<16xi32>
    %add3A_194 = arith.addi %add3A_187, %gather3A_193 : vector<16xi32>
    %xor3A_195 = arith.constant 4 : i32
    %xor3A_196 = vector.broadcast %xor3A_195 : i32 to vector<16xi32>
    %xor3A_197 = arith.xori %iota3A, %xor3A_196 : vector<16xi32>
    %reshape3A_198 = vector.shape_cast %xor3A_197 : vector<16xi32> to vector<16x1xi32>
    %gather3A_199 = vector.shape_cast %reshape3A_198 : vector<16x1xi32> to vector<16xi32>
    %gather3A_200 = tpu.dynamic_gather %add3A_194[%gather3A_199] in [0] : vector<16xi32>, vector<16xi32> -> vector<16xi32>
    %add3A_201 = arith.addi %add3A_194, %gather3A_200 : vector<16xi32>
    %xor3A_202 = arith.constant 8 : i32
    %xor3A_203 = vector.broadcast %xor3A_202 : i32 to vector<16xi32>
    %xor3A_204 = arith.xori %iota3A, %xor3A_203 : vector<16xi32>
    %reshape3A_205 = vector.shape_cast %xor3A_204 : vector<16xi32> to vector<16x1xi32>
    %gather3A_206 = vector.shape_cast %reshape3A_205 : vector<16x1xi32> to vector<16xi32>
    %gather3A_207 = tpu.dynamic_gather %add3A_201[%gather3A_206] in [0] : vector<16xi32>, vector<16xi32> -> vector<16xi32>
    %add3A_208 = arith.addi %add3A_201, %gather3A_207 : vector<16xi32>
    %convert_element_type3A_209 = arith.sitofp %add3A_208 : vector<16xi32> to vector<16xf32>
    %xor3A_210 = arith.constant 1 : i32
    %xor3A_211 = vector.broadcast %xor3A_210 : i32 to vector<16xi32>
    %xor3A_212 = arith.xori %iota3A, %xor3A_211 : vector<16xi32>
    %reshape3A_213 = vector.shape_cast %xor3A_212 : vector<16xi32> to vector<16x1xi32>
    %gather3A_214 = vector.shape_cast %reshape3A_213 : vector<16x1xi32> to vector<16xi32>
    %gather3A_215 = tpu.dynamic_gather %scan3A_27#6[%gather3A_214] in [0] : vector<16xi32>, vector<16xi32> -> vector<16xi32>
    %add3A_216 = arith.addi %scan3A_27#6, %gather3A_215 : vector<16xi32>
    %xor3A_217 = arith.constant 2 : i32
    %xor3A_218 = vector.broadcast %xor3A_217 : i32 to vector<16xi32>
    %xor3A_219 = arith.xori %iota3A, %xor3A_218 : vector<16xi32>
    %reshape3A_220 = vector.shape_cast %xor3A_219 : vector<16xi32> to vector<16x1xi32>
    %gather3A_221 = vector.shape_cast %reshape3A_220 : vector<16x1xi32> to vector<16xi32>
    %gather3A_222 = tpu.dynamic_gather %add3A_216[%gather3A_221] in [0] : vector<16xi32>, vector<16xi32> -> vector<16xi32>
    %add3A_223 = arith.addi %add3A_216, %gather3A_222 : vector<16xi32>
    %xor3A_224 = arith.constant 4 : i32
    %xor3A_225 = vector.broadcast %xor3A_224 : i32 to vector<16xi32>
    %xor3A_226 = arith.xori %iota3A, %xor3A_225 : vector<16xi32>
    %reshape3A_227 = vector.shape_cast %xor3A_226 : vector<16xi32> to vector<16x1xi32>
    %gather3A_228 = vector.shape_cast %reshape3A_227 : vector<16x1xi32> to vector<16xi32>
    %gather3A_229 = tpu.dynamic_gather %add3A_223[%gather3A_228] in [0] : vector<16xi32>, vector<16xi32> -> vector<16xi32>
    %add3A_230 = arith.addi %add3A_223, %gather3A_229 : vector<16xi32>
    %xor3A_231 = arith.constant 8 : i32
    %xor3A_232 = vector.broadcast %xor3A_231 : i32 to vector<16xi32>
    %xor3A_233 = arith.xori %iota3A, %xor3A_232 : vector<16xi32>
    %reshape3A_234 = vector.shape_cast %xor3A_233 : vector<16xi32> to vector<16x1xi32>
    %gather3A_235 = vector.shape_cast %reshape3A_234 : vector<16x1xi32> to vector<16xi32>
    %gather3A_236 = tpu.dynamic_gather %add3A_230[%gather3A_235] in [0] : vector<16xi32>, vector<16xi32> -> vector<16xi32>
    %add3A_237 = arith.addi %add3A_230, %gather3A_236 : vector<16xi32>
    %convert_element_type3A_238 = arith.sitofp %add3A_237 : vector<16xi32> to vector<16xf32>
    %xor3A_239 = arith.constant 1 : i32
    %xor3A_240 = vector.broadcast %xor3A_239 : i32 to vector<16xi32>
    %xor3A_241 = arith.xori %iota3A, %xor3A_240 : vector<16xi32>
    %reshape3A_242 = vector.shape_cast %xor3A_241 : vector<16xi32> to vector<16x1xi32>
    %gather3A_243 = vector.shape_cast %reshape3A_242 : vector<16x1xi32> to vector<16xi32>
    %gather3A_244 = tpu.dynamic_gather %scan3A_27#7[%gather3A_243] in [0] : vector<16xi32>, vector<16xi32> -> vector<16xi32>
    %add3A_245 = arith.addi %scan3A_27#7, %gather3A_244 : vector<16xi32>
    %xor3A_246 = arith.constant 2 : i32
    %xor3A_247 = vector.broadcast %xor3A_246 : i32 to vector<16xi32>
    %xor3A_248 = arith.xori %iota3A, %xor3A_247 : vector<16xi32>
    %reshape3A_249 = vector.shape_cast %xor3A_248 : vector<16xi32> to vector<16x1xi32>
    %gather3A_250 = vector.shape_cast %reshape3A_249 : vector<16x1xi32> to vector<16xi32>
    %gather3A_251 = tpu.dynamic_gather %add3A_245[%gather3A_250] in [0] : vector<16xi32>, vector<16xi32> -> vector<16xi32>
    %add3A_252 = arith.addi %add3A_245, %gather3A_251 : vector<16xi32>
    %xor3A_253 = arith.constant 4 : i32
    %xor3A_254 = vector.broadcast %xor3A_253 : i32 to vector<16xi32>
    %xor3A_255 = arith.xori %iota3A, %xor3A_254 : vector<16xi32>
    %reshape3A_256 = vector.shape_cast %xor3A_255 : vector<16xi32> to vector<16x1xi32>
    %gather3A_257 = vector.shape_cast %reshape3A_256 : vector<16x1xi32> to vector<16xi32>
    %gather3A_258 = tpu.dynamic_gather %add3A_252[%gather3A_257] in [0] : vector<16xi32>, vector<16xi32> -> vector<16xi32>
    %add3A_259 = arith.addi %add3A_252, %gather3A_258 : vector<16xi32>
    %xor3A_260 = arith.constant 8 : i32
    %xor3A_261 = vector.broadcast %xor3A_260 : i32 to vector<16xi32>
    %xor3A_262 = arith.xori %iota3A, %xor3A_261 : vector<16xi32>
    %reshape3A_263 = vector.shape_cast %xor3A_262 : vector<16xi32> to vector<16x1xi32>
    %gather3A_264 = vector.shape_cast %reshape3A_263 : vector<16x1xi32> to vector<16xi32>
    %gather3A_265 = tpu.dynamic_gather %add3A_259[%gather3A_264] in [0] : vector<16xi32>, vector<16xi32> -> vector<16xi32>
    %add3A_266 = arith.addi %add3A_259, %gather3A_265 : vector<16xi32>
    %convert_element_type3A_267 = arith.sitofp %add3A_266 : vector<16xi32> to vector<16xf32>
    %xor3A_268 = arith.constant 1 : i32
    %xor3A_269 = vector.broadcast %xor3A_268 : i32 to vector<16xi32>
    %xor3A_270 = arith.xori %iota3A, %xor3A_269 : vector<16xi32>
    %reshape3A_271 = vector.shape_cast %xor3A_270 : vector<16xi32> to vector<16x1xi32>
    %gather3A_272 = vector.shape_cast %reshape3A_271 : vector<16x1xi32> to vector<16xi32>
    %gather3A_273 = tpu.dynamic_gather %scan3A_27#8[%gather3A_272] in [0] : vector<16xi32>, vector<16xi32> -> vector<16xi32>
    %add3A_274 = arith.addi %scan3A_27#8, %gather3A_273 : vector<16xi32>
    %xor3A_275 = arith.constant 2 : i32
    %xor3A_276 = vector.broadcast %xor3A_275 : i32 to vector<16xi32>
    %xor3A_277 = arith.xori %iota3A, %xor3A_276 : vector<16xi32>
    %reshape3A_278 = vector.shape_cast %xor3A_277 : vector<16xi32> to vector<16x1xi32>
    %gather3A_279 = vector.shape_cast %reshape3A_278 : vector<16x1xi32> to vector<16xi32>
    %gather3A_280 = tpu.dynamic_gather %add3A_274[%gather3A_279] in [0] : vector<16xi32>, vector<16xi32> -> vector<16xi32>
    %add3A_281 = arith.addi %add3A_274, %gather3A_280 : vector<16xi32>
    %xor3A_282 = arith.constant 4 : i32
    %xor3A_283 = vector.broadcast %xor3A_282 : i32 to vector<16xi32>
    %xor3A_284 = arith.xori %iota3A, %xor3A_283 : vector<16xi32>
    %reshape3A_285 = vector.shape_cast %xor3A_284 : vector<16xi32> to vector<16x1xi32>
    %gather3A_286 = vector.shape_cast %reshape3A_285 : vector<16x1xi32> to vector<16xi32>
    %gather3A_287 = tpu.dynamic_gather %add3A_281[%gather3A_286] in [0] : vector<16xi32>, vector<16xi32> -> vector<16xi32>
    %add3A_288 = arith.addi %add3A_281, %gather3A_287 : vector<16xi32>
    %xor3A_289 = arith.constant 8 : i32
    %xor3A_290 = vector.broadcast %xor3A_289 : i32 to vector<16xi32>
    %xor3A_291 = arith.xori %iota3A, %xor3A_290 : vector<16xi32>
    %reshape3A_292 = vector.shape_cast %xor3A_291 : vector<16xi32> to vector<16x1xi32>
    %gather3A_293 = vector.shape_cast %reshape3A_292 : vector<16x1xi32> to vector<16xi32>
    %gather3A_294 = tpu.dynamic_gather %add3A_288[%gather3A_293] in [0] : vector<16xi32>, vector<16xi32> -> vector<16xi32>
    %add3A_295 = arith.addi %add3A_288, %gather3A_294 : vector<16xi32>
    %convert_element_type3A_296 = arith.sitofp %add3A_295 : vector<16xi32> to vector<16xf32>
    %broadcast_in_dim3A_297 = arith.constant 0.000000e+00 : f32
    %broadcast_in_dim3A_298 = vector.broadcast %broadcast_in_dim3A_297 : f32 to vector<16xf32>
    %eq3A = arith.constant 0 : i32
    %eq3A_299 = vector.broadcast %eq3A : i32 to vector<16xi32>
    %eq3A_300 = arith.cmpi eq, %iota3A, %eq3A_299 : vector<16xi32>
    %select_n3A = arith.select %eq3A_300, %convert_element_type3A, %broadcast_in_dim3A_298 : vector<16xi1>, vector<16xf32>
    %eq3A_301 = arith.constant 12 : i32
    %eq3A_302 = vector.broadcast %eq3A_301 : i32 to vector<16xi32>
    %eq3A_303 = arith.cmpi eq, %iota3A, %eq3A_302 : vector<16xi32>
    %select_n3A_304 = arith.select %eq3A_303, %convert_element_type3A_93, %select_n3A : vector<16xi1>, vector<16xf32>
    %swap3A = arith.constant 0 : index
    %swap3A_305 = tpu.vector_load %arg6[%swap3A] {strides = array<i32>} : memref<128xf32, #tpu.memory_space<vmem>>, vector<16xf32>,
    %swap3A_306 = vector.shape_cast %swap3A_305 : vector<16xf32> to vector<16xf32>
    %swap3A_307 = vector.shape_cast %select_n3A_304 : vector<16xf32> to vector<16xf32>
    tpu.vector_store %arg6[%swap3A], %swap3A_307 {strides = array<i32>} : memref<128xf32, #tpu.memory_space<vmem>>, vector<16xf32>,
    %eq3A_308 = arith.constant 9 : i32
    %eq3A_309 = vector.broadcast %eq3A_308 : i32 to vector<16xi32>
    %eq3A_310 = arith.cmpi eq, %iota3A, %eq3A_309 : vector<16xi32>
    %select_n3A_311 = arith.select %eq3A_310, %convert_element_type3A_122, %broadcast_in_dim3A_298 : vector<16xi1>, vector<16xf32>
    %swap3A_312 = arith.constant 16 : index
    %swap3A_313 = tpu.vector_load %arg6[%swap3A_312] {strides = array<i32>} : memref<128xf32, #tpu.memory_space<vmem>>, vector<16xf32>,
    %swap3A_314 = vector.shape_cast %swap3A_313 : vector<16xf32> to vector<16xf32>
    %swap3A_315 = vector.shape_cast %select_n3A_311 : vector<16xf32> to vector<16xf32>
    tpu.vector_store %arg6[%swap3A_312], %swap3A_315 {strides = array<i32>} : memref<128xf32, #tpu.memory_space<vmem>>, vector<16xf32>,
    %eq3A_316 = arith.constant 5 : i32
    %eq3A_317 = vector.broadcast %eq3A_316 : i32 to vector<16xi32>
    %eq3A_318 = arith.cmpi eq, %iota3A, %eq3A_317 : vector<16xi32>
    %select_n3A_319 = arith.select %eq3A_318, %convert_element_type3A_151, %broadcast_in_dim3A_298 : vector<16xi1>, vector<16xf32>
    %swap3A_320 = arith.constant 32 : index
    %swap3A_321 = tpu.vector_load %arg6[%swap3A_320] {strides = array<i32>} : memref<128xf32, #tpu.memory_space<vmem>>, vector<16xf32>,
    %swap3A_322 = vector.shape_cast %swap3A_321 : vector<16xf32> to vector<16xf32>
    %swap3A_323 = vector.shape_cast %select_n3A_319 : vector<16xf32> to vector<16xf32>
    tpu.vector_store %arg6[%swap3A_320], %swap3A_323 {strides = array<i32>} : memref<128xf32, #tpu.memory_space<vmem>>, vector<16xf32>,
    %eq3A_324 = arith.constant 2 : i32
    %eq3A_325 = vector.broadcast %eq3A_324 : i32 to vector<16xi32>
    %eq3A_326 = arith.cmpi eq, %iota3A, %eq3A_325 : vector<16xi32>
    %select_n3A_327 = arith.select %eq3A_326, %convert_element_type3A_180, %broadcast_in_dim3A_298 : vector<16xi1>, vector<16xf32>
    %eq3A_328 = arith.constant 14 : i32
    %eq3A_329 = vector.broadcast %eq3A_328 : i32 to vector<16xi32>
    %eq3A_330 = arith.cmpi eq, %iota3A, %eq3A_329 : vector<16xi32>
    %select_n3A_331 = arith.select %eq3A_330, %convert_element_type3A_209, %select_n3A_327 : vector<16xi1>, vector<16xf32>
    %swap3A_332 = arith.constant 48 : index
    %swap3A_333 = tpu.vector_load %arg6[%swap3A_332] {strides = array<i32>} : memref<128xf32, #tpu.memory_space<vmem>>, vector<16xf32>,
    %swap3A_334 = vector.shape_cast %swap3A_333 : vector<16xf32> to vector<16xf32>
    %swap3A_335 = vector.shape_cast %select_n3A_331 : vector<16xf32> to vector<16xf32>
    tpu.vector_store %arg6[%swap3A_332], %swap3A_335 {strides = array<i32>} : memref<128xf32, #tpu.memory_space<vmem>>, vector<16xf32>,
    %eq3A_336 = arith.constant 11 : i32
    %eq3A_337 = vector.broadcast %eq3A_336 : i32 to vector<16xi32>
    %eq3A_338 = arith.cmpi eq, %iota3A, %eq3A_337 : vector<16xi32>
    %select_n3A_339 = arith.select %eq3A_338, %convert_element_type3A_238, %broadcast_in_dim3A_298 : vector<16xi1>, vector<16xf32>
    %swap3A_340 = arith.constant 64 : index
    %swap3A_341 = tpu.vector_load %arg6[%swap3A_340] {strides = array<i32>} : memref<128xf32, #tpu.memory_space<vmem>>, vector<16xf32>,
    %swap3A_342 = vector.shape_cast %swap3A_341 : vector<16xf32> to vector<16xf32>
    %swap3A_343 = vector.shape_cast %select_n3A_339 : vector<16xf32> to vector<16xf32>
    tpu.vector_store %arg6[%swap3A_340], %swap3A_343 {strides = array<i32>} : memref<128xf32, #tpu.memory_space<vmem>>, vector<16xf32>,
    %eq3A_344 = arith.constant 7 : i32
    %eq3A_345 = vector.broadcast %eq3A_344 : i32 to vector<16xi32>
    %eq3A_346 = arith.cmpi eq, %iota3A, %eq3A_345 : vector<16xi32>
    %select_n3A_347 = arith.select %eq3A_346, %convert_element_type3A_267, %broadcast_in_dim3A_298 : vector<16xi1>, vector<16xf32>
    %swap3A_348 = arith.constant 80 : index
    %swap3A_349 = tpu.vector_load %arg6[%swap3A_348] {strides = array<i32>} : memref<128xf32, #tpu.memory_space<vmem>>, vector<16xf32>,
    %swap3A_350 = vector.shape_cast %swap3A_349 : vector<16xf32> to vector<16xf32>
    %swap3A_351 = vector.shape_cast %select_n3A_347 : vector<16xf32> to vector<16xf32>
    tpu.vector_store %arg6[%swap3A_348], %swap3A_351 {strides = array<i32>} : memref<128xf32, #tpu.memory_space<vmem>>, vector<16xf32>,
    %eq3A_352 = arith.constant 3 : i32
    %eq3A_353 = vector.broadcast %eq3A_352 : i32 to vector<16xi32>
    %eq3A_354 = arith.cmpi eq, %iota3A, %eq3A_353 : vector<16xi32>
    %select_n3A_355 = arith.select %eq3A_354, %convert_element_type3A_296, %broadcast_in_dim3A_298 : vector<16xi1>, vector<16xf32>
    %swap3A_356 = arith.constant 96 : index
    %swap3A_357 = tpu.vector_load %arg6[%swap3A_356] {strides = array<i32>} : memref<128xf32, #tpu.memory_space<vmem>>, vector<16xf32>,
    %swap3A_358 = vector.shape_cast %swap3A_357 : vector<16xf32> to vector<16xf32>
    %swap3A_359 = vector.shape_cast %select_n3A_355 : vector<16xf32> to vector<16xf32>
    tpu.vector_store %arg6[%swap3A_356], %swap3A_359 {strides = array<i32>} : memref<128xf32, #tpu.memory_space<vmem>>, vector<16xf32>,
    %swap3A_360 = arith.constant 112 : index
    %swap3A_361 = tpu.vector_load %arg6[%swap3A_360] {strides = array<i32>} : memref<128xf32, #tpu.memory_space<vmem>>, vector<16xf32>,
    %swap3A_362 = vector.shape_cast %swap3A_361 : vector<16xf32> to vector<16xf32>
    %swap3A_363 = vector.shape_cast %broadcast_in_dim3A_298 : vector<16xf32> to vector<16xf32>
    tpu.vector_store %arg6[%swap3A_360], %swap3A_363 {strides = array<i32>} : memref<128xf32, #tpu.memory_space<vmem>>, vector<16xf32>,
    "tpu.region"() ({
      %run_scoped3A = tpu.sem_alloc : memref<!tpu.dma_semaphore, #tpu.memory_space<semaphore_mem>>
      %dma_start3A_364 = arith.constant 0 : i32
      %dma_start3A_365 = tpu.memref_slice %arg3[%add3A, %dma_start3A_364] : memref<32x128xf32, #tpu.memory_space<hbm>> -> memref<1x128xf32, #tpu.memory_space<hbm>>
      %dma_start3A_366 = tpu.memref_squeeze %dma_start3A_365 : memref<1x128xf32, #tpu.memory_space<hbm>> -> memref<128xf32, #tpu.memory_space<hbm>>
      %dma_start3A_367 = arith.constant 0 : i32
      %dma_start3A_368 = tpu.memref_slice %arg3[%add3A, %dma_start3A_367] : memref<32x128xf32, #tpu.memory_space<hbm>> -> memref<1x128xf32, #tpu.memory_space<hbm>>
      %dma_start3A_369 = tpu.memref_squeeze %dma_start3A_368 : memref<1x128xf32, #tpu.memory_space<hbm>> -> memref<128xf32, #tpu.memory_space<hbm>>
      tpu.enqueue_dma source(%arg6 : memref<128xf32, #tpu.memory_space<vmem>>) target(%dma_start3A_369 : memref<128xf32, #tpu.memory_space<hbm>>) target_semaphore(%run_scoped3A : memref<!tpu.dma_semaphore, #tpu.memory_space<semaphore_mem>>)
      %dma_wait3A_370 = arith.constant 0 : i32
      %dma_wait3A_371 = tpu.memref_slice %arg3[%add3A, %dma_wait3A_370] : memref<32x128xf32, #tpu.memory_space<hbm>> -> memref<1x128xf32, #tpu.memory_space<hbm>>
      %dma_wait3A_372 = tpu.memref_squeeze %dma_wait3A_371 : memref<1x128xf32, #tpu.memory_space<hbm>> -> memref<128xf32, #tpu.memory_space<hbm>>
      %dma_wait3A_373 = arith.constant 0 : i32
      %dma_wait3A_374 = tpu.memref_slice %arg3[%add3A, %dma_wait3A_373] : memref<32x128xf32, #tpu.memory_space<hbm>> -> memref<1x128xf32, #tpu.memory_space<hbm>>
      %dma_wait3A_375 = tpu.memref_squeeze %dma_wait3A_374 : memref<1x128xf32, #tpu.memory_space<hbm>> -> memref<128xf32, #tpu.memory_space<hbm>>
      tpu.wait_dma2 semaphore(%run_scoped3A : memref<!tpu.dma_semaphore, #tpu.memory_space<semaphore_mem>>) src(%arg6 : memref<128xf32, #tpu.memory_space<vmem>>) dst(%dma_wait3A_375 : memref<128xf32, #tpu.memory_space<hbm>>)
      tpu.yield
    }) : () -> ()
    return
  }
}

module attributes {stable_mosaic.version = 14 : i64} {
  func.func @_tc_body(%arg0: i32, %arg1: memref<32x8192xf32, #tpu.memory_space<vmem>>, %arg2: memref<32x128xf32, #tpu.memory_space<vmem>>, %arg3: memref<32x128xi32, #tpu.memory_space<vmem>>, %arg4: memref<32x128xi32, #tpu.memory_space<vmem>>, %arg5: memref<32x128xi32, #tpu.memory_space<vmem>>, %arg6: memref<32x128xi32, #tpu.memory_space<vmem>>, %arg7: memref<32x128xi32, #tpu.memory_space<vmem>>, %arg8: memref<32x128xi32, #tpu.memory_space<vmem>>, %arg9: memref<32x128xi32, #tpu.memory_space<vmem>>, %arg10: memref<32x128xi32, #tpu.memory_space<vmem>>, %arg11: memref<32x128xi32, #tpu.memory_space<vmem>>) attributes {dimension_semantics = [#tpu.dimension_semantics<arbitrary>], iteration_bounds = array<i64: 80>, scalar_prefetch = 0 : i64, scratch_operands = 9 : i64, tpu.core_type = #tpu.core_type<tc>, window_params = [{transform_indices = @transform_0, window_bounds = array<i64: 32, 8192>}, {pipeline_mode = #tpu.pipeline_mode<synchronous>, transform_indices = @transform_1, window_bounds = array<i64: 32, 128>}]} {
    %eq3A = arith.constant 0 : i32
    %eq3A_0 = arith.cmpi eq, %arg0, %eq3A : i32
    %convert_element_type3A = arith.extui %eq3A_0 : i1 to i32
    %cond3A = arith.constant 0 : i32
    %cond3A_1 = arith.cmpi ne, %convert_element_type3A, %cond3A : i32
    scf.if %cond3A_1 {
      %broadcast_in_dim3A_2311 = arith.constant 0 : i32
      %broadcast_in_dim3A_2312 = vector.broadcast %broadcast_in_dim3A_2311 : i32 to vector<32x128xi32>
      %swap3A_2313 = arith.constant 0 : index
      %swap3A_2314 = arith.constant 0 : index
      %swap3A_2315 = vector.load %arg3[%swap3A_2313, %swap3A_2314] : memref<32x128xi32, #tpu.memory_space<vmem>>, vector<32x128xi32>
      tpu.vector_store %arg3[%swap3A_2313, %swap3A_2314], %broadcast_in_dim3A_2312 {strides = array<i32>} : memref<32x128xi32, #tpu.memory_space<vmem>>, vector<32x128xi32>,
      %broadcast_in_dim3A_2316 = arith.constant 0 : i32
      %broadcast_in_dim3A_2317 = vector.broadcast %broadcast_in_dim3A_2316 : i32 to vector<32x128xi32>
      %swap3A_2318 = arith.constant 0 : index
      %swap3A_2319 = arith.constant 0 : index
      %swap3A_2320 = vector.load %arg4[%swap3A_2318, %swap3A_2319] : memref<32x128xi32, #tpu.memory_space<vmem>>, vector<32x128xi32>
      tpu.vector_store %arg4[%swap3A_2318, %swap3A_2319], %broadcast_in_dim3A_2317 {strides = array<i32>} : memref<32x128xi32, #tpu.memory_space<vmem>>, vector<32x128xi32>,
      %broadcast_in_dim3A_2321 = arith.constant 0 : i32
      %broadcast_in_dim3A_2322 = vector.broadcast %broadcast_in_dim3A_2321 : i32 to vector<32x128xi32>
      %swap3A_2323 = arith.constant 0 : index
      %swap3A_2324 = arith.constant 0 : index
      %swap3A_2325 = vector.load %arg5[%swap3A_2323, %swap3A_2324] : memref<32x128xi32, #tpu.memory_space<vmem>>, vector<32x128xi32>
      tpu.vector_store %arg5[%swap3A_2323, %swap3A_2324], %broadcast_in_dim3A_2322 {strides = array<i32>} : memref<32x128xi32, #tpu.memory_space<vmem>>, vector<32x128xi32>,
      %broadcast_in_dim3A_2326 = arith.constant 0 : i32
      %broadcast_in_dim3A_2327 = vector.broadcast %broadcast_in_dim3A_2326 : i32 to vector<32x128xi32>
      %swap3A_2328 = arith.constant 0 : index
      %swap3A_2329 = arith.constant 0 : index
      %swap3A_2330 = vector.load %arg6[%swap3A_2328, %swap3A_2329] : memref<32x128xi32, #tpu.memory_space<vmem>>, vector<32x128xi32>
      tpu.vector_store %arg6[%swap3A_2328, %swap3A_2329], %broadcast_in_dim3A_2327 {strides = array<i32>} : memref<32x128xi32, #tpu.memory_space<vmem>>, vector<32x128xi32>,
      %broadcast_in_dim3A_2331 = arith.constant 0 : i32
      %broadcast_in_dim3A_2332 = vector.broadcast %broadcast_in_dim3A_2331 : i32 to vector<32x128xi32>
      %swap3A_2333 = arith.constant 0 : index
      %swap3A_2334 = arith.constant 0 : index
      %swap3A_2335 = vector.load %arg7[%swap3A_2333, %swap3A_2334] : memref<32x128xi32, #tpu.memory_space<vmem>>, vector<32x128xi32>
      tpu.vector_store %arg7[%swap3A_2333, %swap3A_2334], %broadcast_in_dim3A_2332 {strides = array<i32>} : memref<32x128xi32, #tpu.memory_space<vmem>>, vector<32x128xi32>,
      %broadcast_in_dim3A_2336 = arith.constant 0 : i32
      %broadcast_in_dim3A_2337 = vector.broadcast %broadcast_in_dim3A_2336 : i32 to vector<32x128xi32>
      %swap3A_2338 = arith.constant 0 : index
      %swap3A_2339 = arith.constant 0 : index
      %swap3A_2340 = vector.load %arg8[%swap3A_2338, %swap3A_2339] : memref<32x128xi32, #tpu.memory_space<vmem>>, vector<32x128xi32>
      tpu.vector_store %arg8[%swap3A_2338, %swap3A_2339], %broadcast_in_dim3A_2337 {strides = array<i32>} : memref<32x128xi32, #tpu.memory_space<vmem>>, vector<32x128xi32>,
      %broadcast_in_dim3A_2341 = arith.constant 0 : i32
      %broadcast_in_dim3A_2342 = vector.broadcast %broadcast_in_dim3A_2341 : i32 to vector<32x128xi32>
      %swap3A_2343 = arith.constant 0 : index
      %swap3A_2344 = arith.constant 0 : index
      %swap3A_2345 = vector.load %arg9[%swap3A_2343, %swap3A_2344] : memref<32x128xi32, #tpu.memory_space<vmem>>, vector<32x128xi32>
      tpu.vector_store %arg9[%swap3A_2343, %swap3A_2344], %broadcast_in_dim3A_2342 {strides = array<i32>} : memref<32x128xi32, #tpu.memory_space<vmem>>, vector<32x128xi32>,
      %broadcast_in_dim3A_2346 = arith.constant 0 : i32
      %broadcast_in_dim3A_2347 = vector.broadcast %broadcast_in_dim3A_2346 : i32 to vector<32x128xi32>
      %swap3A_2348 = arith.constant 0 : index
      %swap3A_2349 = arith.constant 0 : index
      %swap3A_2350 = vector.load %arg10[%swap3A_2348, %swap3A_2349] : memref<32x128xi32, #tpu.memory_space<vmem>>, vector<32x128xi32>
      tpu.vector_store %arg10[%swap3A_2348, %swap3A_2349], %broadcast_in_dim3A_2347 {strides = array<i32>} : memref<32x128xi32, #tpu.memory_space<vmem>>, vector<32x128xi32>,
      %broadcast_in_dim3A_2351 = arith.constant 0 : i32
      %broadcast_in_dim3A_2352 = vector.broadcast %broadcast_in_dim3A_2351 : i32 to vector<32x128xi32>
      %swap3A_2353 = arith.constant 0 : index
      %swap3A_2354 = arith.constant 0 : index
      %swap3A_2355 = vector.load %arg11[%swap3A_2353, %swap3A_2354] : memref<32x128xi32, #tpu.memory_space<vmem>>, vector<32x128xi32>
      tpu.vector_store %arg11[%swap3A_2353, %swap3A_2354], %broadcast_in_dim3A_2352 {strides = array<i32>} : memref<32x128xi32, #tpu.memory_space<vmem>>, vector<32x128xi32>,
    } else {
    }
    %broadcast_in_dim3A = arith.constant 1 : i32
    %broadcast_in_dim3A_2 = vector.broadcast %broadcast_in_dim3A : i32 to vector<32x128xi32>
    %get3A = arith.constant 0 : index
    %get3A_3 = arith.constant 0 : index
    %get3A_4 = vector.load %arg1[%get3A, %get3A_3] : memref<32x8192xf32, #tpu.memory_space<vmem>>, vector<32x128xf32>
    %convert_element_type3A_5 = arith.fptosi %get3A_4 : vector<32x128xf32> to vector<32x128xi32>
    %max3A = arith.constant -4 : i32
    %max3A_6 = vector.broadcast %max3A : i32 to vector<32x128xi32>
    %max3A_7 = arith.maxsi %convert_element_type3A_5, %max3A_6 : vector<32x128xi32>
    %min3A = arith.constant 4 : i32
    %min3A_8 = vector.broadcast %min3A : i32 to vector<32x128xi32>
    %min3A_9 = arith.minsi %max3A_7, %min3A_8 : vector<32x128xi32>
    %mul3A = arith.constant 3 : i32
    %mul3A_10 = vector.broadcast %mul3A : i32 to vector<32x128xi32>
    %mul3A_11 = arith.muli %min3A_9, %mul3A_10 : vector<32x128xi32>
    %add3A = arith.constant 12 : i32
    %add3A_12 = vector.broadcast %add3A : i32 to vector<32x128xi32>
    %add3A_13 = arith.addi %mul3A_11, %add3A_12 : vector<32x128xi32>
    %shift_left3A = arith.shli %broadcast_in_dim3A_2, %add3A_13 : vector<32x128xi32>
    %get3A_14 = arith.constant 0 : index
    %get3A_15 = arith.constant 128 : index
    %get3A_16 = vector.load %arg1[%get3A_14, %get3A_15] : memref<32x8192xf32, #tpu.memory_space<vmem>>, vector<32x128xf32>
    %convert_element_type3A_17 = arith.fptosi %get3A_16 : vector<32x128xf32> to vector<32x128xi32>
    %max3A_18 = arith.constant -4 : i32
    %max3A_19 = vector.broadcast %max3A_18 : i32 to vector<32x128xi32>
    %max3A_20 = arith.maxsi %convert_element_type3A_17, %max3A_19 : vector<32x128xi32>
    %min3A_21 = arith.constant 4 : i32
    %min3A_22 = vector.broadcast %min3A_21 : i32 to vector<32x128xi32>
    %min3A_23 = arith.minsi %max3A_20, %min3A_22 : vector<32x128xi32>
    %mul3A_24 = arith.constant 3 : i32
    %mul3A_25 = vector.broadcast %mul3A_24 : i32 to vector<32x128xi32>
    %mul3A_26 = arith.muli %min3A_23, %mul3A_25 : vector<32x128xi32>
    %add3A_27 = arith.constant 12 : i32
    %add3A_28 = vector.broadcast %add3A_27 : i32 to vector<32x128xi32>
    %add3A_29 = arith.addi %mul3A_26, %add3A_28 : vector<32x128xi32>
    %shift_left3A_30 = arith.shli %broadcast_in_dim3A_2, %add3A_29 : vector<32x128xi32>
    %add3A_31 = arith.addi %shift_left3A, %shift_left3A_30 : vector<32x128xi32>
    %get3A_32 = arith.constant 0 : index
    %get3A_33 = arith.constant 256 : index
    %get3A_34 = vector.load %arg1[%get3A_32, %get3A_33] : memref<32x8192xf32, #tpu.memory_space<vmem>>, vector<32x128xf32>
    %convert_element_type3A_35 = arith.fptosi %get3A_34 : vector<32x128xf32> to vector<32x128xi32>
    %max3A_36 = arith.constant -4 : i32
    %max3A_37 = vector.broadcast %max3A_36 : i32 to vector<32x128xi32>
    %max3A_38 = arith.maxsi %convert_element_type3A_35, %max3A_37 : vector<32x128xi32>
    %min3A_39 = arith.constant 4 : i32
    %min3A_40 = vector.broadcast %min3A_39 : i32 to vector<32x128xi32>
    %min3A_41 = arith.minsi %max3A_38, %min3A_40 : vector<32x128xi32>
    %mul3A_42 = arith.constant 3 : i32
    %mul3A_43 = vector.broadcast %mul3A_42 : i32 to vector<32x128xi32>
    %mul3A_44 = arith.muli %min3A_41, %mul3A_43 : vector<32x128xi32>
    %add3A_45 = arith.constant 12 : i32
    %add3A_46 = vector.broadcast %add3A_45 : i32 to vector<32x128xi32>
    %add3A_47 = arith.addi %mul3A_44, %add3A_46 : vector<32x128xi32>
    %shift_left3A_48 = arith.shli %broadcast_in_dim3A_2, %add3A_47 : vector<32x128xi32>
    %add3A_49 = arith.addi %add3A_31, %shift_left3A_48 : vector<32x128xi32>
    %get3A_50 = arith.constant 0 : index
    %get3A_51 = arith.constant 384 : index
    %get3A_52 = vector.load %arg1[%get3A_50, %get3A_51] : memref<32x8192xf32, #tpu.memory_space<vmem>>, vector<32x128xf32>
    %convert_element_type3A_53 = arith.fptosi %get3A_52 : vector<32x128xf32> to vector<32x128xi32>
    %max3A_54 = arith.constant -4 : i32
    %max3A_55 = vector.broadcast %max3A_54 : i32 to vector<32x128xi32>
    %max3A_56 = arith.maxsi %convert_element_type3A_53, %max3A_55 : vector<32x128xi32>
    %min3A_57 = arith.constant 4 : i32
    %min3A_58 = vector.broadcast %min3A_57 : i32 to vector<32x128xi32>
    %min3A_59 = arith.minsi %max3A_56, %min3A_58 : vector<32x128xi32>
    %mul3A_60 = arith.constant 3 : i32
    %mul3A_61 = vector.broadcast %mul3A_60 : i32 to vector<32x128xi32>
    %mul3A_62 = arith.muli %min3A_59, %mul3A_61 : vector<32x128xi32>
    %add3A_63 = arith.constant 12 : i32
    %add3A_64 = vector.broadcast %add3A_63 : i32 to vector<32x128xi32>
    %add3A_65 = arith.addi %mul3A_62, %add3A_64 : vector<32x128xi32>
    %shift_left3A_66 = arith.shli %broadcast_in_dim3A_2, %add3A_65 : vector<32x128xi32>
    %add3A_67 = arith.addi %add3A_49, %shift_left3A_66 : vector<32x128xi32>
    %get3A_68 = arith.constant 0 : index
    %get3A_69 = arith.constant 512 : index
    %get3A_70 = vector.load %arg1[%get3A_68, %get3A_69] : memref<32x8192xf32, #tpu.memory_space<vmem>>, vector<32x128xf32>
    %convert_element_type3A_71 = arith.fptosi %get3A_70 : vector<32x128xf32> to vector<32x128xi32>
    %max3A_72 = arith.constant -4 : i32
    %max3A_73 = vector.broadcast %max3A_72 : i32 to vector<32x128xi32>
    %max3A_74 = arith.maxsi %convert_element_type3A_71, %max3A_73 : vector<32x128xi32>
    %min3A_75 = arith.constant 4 : i32
    %min3A_76 = vector.broadcast %min3A_75 : i32 to vector<32x128xi32>
    %min3A_77 = arith.minsi %max3A_74, %min3A_76 : vector<32x128xi32>
    %mul3A_78 = arith.constant 3 : i32
    %mul3A_79 = vector.broadcast %mul3A_78 : i32 to vector<32x128xi32>
    %mul3A_80 = arith.muli %min3A_77, %mul3A_79 : vector<32x128xi32>
    %add3A_81 = arith.constant 12 : i32
    %add3A_82 = vector.broadcast %add3A_81 : i32 to vector<32x128xi32>
    %add3A_83 = arith.addi %mul3A_80, %add3A_82 : vector<32x128xi32>
    %shift_left3A_84 = arith.shli %broadcast_in_dim3A_2, %add3A_83 : vector<32x128xi32>
    %add3A_85 = arith.addi %add3A_67, %shift_left3A_84 : vector<32x128xi32>
    %get3A_86 = arith.constant 0 : index
    %get3A_87 = arith.constant 640 : index
    %get3A_88 = vector.load %arg1[%get3A_86, %get3A_87] : memref<32x8192xf32, #tpu.memory_space<vmem>>, vector<32x128xf32>
    %convert_element_type3A_89 = arith.fptosi %get3A_88 : vector<32x128xf32> to vector<32x128xi32>
    %max3A_90 = arith.constant -4 : i32
    %max3A_91 = vector.broadcast %max3A_90 : i32 to vector<32x128xi32>
    %max3A_92 = arith.maxsi %convert_element_type3A_89, %max3A_91 : vector<32x128xi32>
    %min3A_93 = arith.constant 4 : i32
    %min3A_94 = vector.broadcast %min3A_93 : i32 to vector<32x128xi32>
    %min3A_95 = arith.minsi %max3A_92, %min3A_94 : vector<32x128xi32>
    %mul3A_96 = arith.constant 3 : i32
    %mul3A_97 = vector.broadcast %mul3A_96 : i32 to vector<32x128xi32>
    %mul3A_98 = arith.muli %min3A_95, %mul3A_97 : vector<32x128xi32>
    %add3A_99 = arith.constant 12 : i32
    %add3A_100 = vector.broadcast %add3A_99 : i32 to vector<32x128xi32>
    %add3A_101 = arith.addi %mul3A_98, %add3A_100 : vector<32x128xi32>
    %shift_left3A_102 = arith.shli %broadcast_in_dim3A_2, %add3A_101 : vector<32x128xi32>
    %add3A_103 = arith.addi %add3A_85, %shift_left3A_102 : vector<32x128xi32>
    %get3A_104 = arith.constant 0 : index
    %get3A_105 = arith.constant 768 : index
    %get3A_106 = vector.load %arg1[%get3A_104, %get3A_105] : memref<32x8192xf32, #tpu.memory_space<vmem>>, vector<32x128xf32>
    %convert_element_type3A_107 = arith.fptosi %get3A_106 : vector<32x128xf32> to vector<32x128xi32>
    %max3A_108 = arith.constant -4 : i32
    %max3A_109 = vector.broadcast %max3A_108 : i32 to vector<32x128xi32>
    %max3A_110 = arith.maxsi %convert_element_type3A_107, %max3A_109 : vector<32x128xi32>
    %min3A_111 = arith.constant 4 : i32
    %min3A_112 = vector.broadcast %min3A_111 : i32 to vector<32x128xi32>
    %min3A_113 = arith.minsi %max3A_110, %min3A_112 : vector<32x128xi32>
    %mul3A_114 = arith.constant 3 : i32
    %mul3A_115 = vector.broadcast %mul3A_114 : i32 to vector<32x128xi32>
    %mul3A_116 = arith.muli %min3A_113, %mul3A_115 : vector<32x128xi32>
    %add3A_117 = arith.constant 12 : i32
    %add3A_118 = vector.broadcast %add3A_117 : i32 to vector<32x128xi32>
    %add3A_119 = arith.addi %mul3A_116, %add3A_118 : vector<32x128xi32>
    %shift_left3A_120 = arith.shli %broadcast_in_dim3A_2, %add3A_119 : vector<32x128xi32>
    %add3A_121 = arith.addi %add3A_103, %shift_left3A_120 : vector<32x128xi32>
    %get3A_122 = arith.constant 0 : index
    %get3A_123 = arith.constant 0 : index
    %get3A_124 = vector.load %arg3[%get3A_122, %get3A_123] : memref<32x128xi32, #tpu.memory_space<vmem>>, vector<32x128xi32>
    %shift_right_arithmetic3A = arith.constant 0 : i32
    %shift_right_arithmetic3A_125 = vector.broadcast %shift_right_arithmetic3A : i32 to vector<32x128xi32>
    %shift_right_arithmetic3A_126 = arith.shrsi %add3A_121, %shift_right_arithmetic3A_125 : vector<32x128xi32>
    %and3A = arith.constant 7 : i32
    %and3A_127 = vector.broadcast %and3A : i32 to vector<32x128xi32>
    %and3A_128 = arith.andi %shift_right_arithmetic3A_126, %and3A_127 : vector<32x128xi32>
    %add3A_129 = arith.addi %get3A_124, %and3A_128 : vector<32x128xi32>
    %swap3A = arith.constant 0 : index
    %swap3A_130 = arith.constant 0 : index
    %swap3A_131 = vector.load %arg3[%swap3A, %swap3A_130] : memref<32x128xi32, #tpu.memory_space<vmem>>, vector<32x128xi32>
    tpu.vector_store %arg3[%swap3A, %swap3A_130], %add3A_129 {strides = array<i32>} : memref<32x128xi32, #tpu.memory_space<vmem>>, vector<32x128xi32>,
    %get3A_132 = arith.constant 0 : index
    %get3A_133 = arith.constant 0 : index
    %get3A_134 = vector.load %arg4[%get3A_132, %get3A_133] : memref<32x128xi32, #tpu.memory_space<vmem>>, vector<32x128xi32>
    %shift_right_arithmetic3A_135 = arith.constant 3 : i32
    %shift_right_arithmetic3A_136 = vector.broadcast %shift_right_arithmetic3A_135 : i32 to vector<32x128xi32>
    %shift_right_arithmetic3A_137 = arith.shrsi %add3A_121, %shift_right_arithmetic3A_136 : vector<32x128xi32>
    %and3A_138 = arith.constant 7 : i32
    %and3A_139 = vector.broadcast %and3A_138 : i32 to vector<32x128xi32>
    %and3A_140 = arith.andi %shift_right_arithmetic3A_137, %and3A_139 : vector<32x128xi32>
    %add3A_141 = arith.addi %get3A_134, %and3A_140 : vector<32x128xi32>
    %swap3A_142 = arith.constant 0 : index
    %swap3A_143 = arith.constant 0 : index
    %swap3A_144 = vector.load %arg4[%swap3A_142, %swap3A_143] : memref<32x128xi32, #tpu.memory_space<vmem>>, vector<32x128xi32>
    tpu.vector_store %arg4[%swap3A_142, %swap3A_143], %add3A_141 {strides = array<i32>} : memref<32x128xi32, #tpu.memory_space<vmem>>, vector<32x128xi32>,
    %get3A_145 = arith.constant 0 : index
    %get3A_146 = arith.constant 0 : index
    %get3A_147 = vector.load %arg5[%get3A_145, %get3A_146] : memref<32x128xi32, #tpu.memory_space<vmem>>, vector<32x128xi32>
    %shift_right_arithmetic3A_148 = arith.constant 6 : i32
    %shift_right_arithmetic3A_149 = vector.broadcast %shift_right_arithmetic3A_148 : i32 to vector<32x128xi32>
    %shift_right_arithmetic3A_150 = arith.shrsi %add3A_121, %shift_right_arithmetic3A_149 : vector<32x128xi32>
    %and3A_151 = arith.constant 7 : i32
    %and3A_152 = vector.broadcast %and3A_151 : i32 to vector<32x128xi32>
    %and3A_153 = arith.andi %shift_right_arithmetic3A_150, %and3A_152 : vector<32x128xi32>
    %add3A_154 = arith.addi %get3A_147, %and3A_153 : vector<32x128xi32>
    %swap3A_155 = arith.constant 0 : index
    %swap3A_156 = arith.constant 0 : index
    %swap3A_157 = vector.load %arg5[%swap3A_155, %swap3A_156] : memref<32x128xi32, #tpu.memory_space<vmem>>, vector<32x128xi32>
    tpu.vector_store %arg5[%swap3A_155, %swap3A_156], %add3A_154 {strides = array<i32>} : memref<32x128xi32, #tpu.memory_space<vmem>>, vector<32x128xi32>,
    %get3A_158 = arith.constant 0 : index
    %get3A_159 = arith.constant 0 : index
    %get3A_160 = vector.load %arg6[%get3A_158, %get3A_159] : memref<32x128xi32, #tpu.memory_space<vmem>>, vector<32x128xi32>
    %shift_right_arithmetic3A_161 = arith.constant 9 : i32
    %shift_right_arithmetic3A_162 = vector.broadcast %shift_right_arithmetic3A_161 : i32 to vector<32x128xi32>
    %shift_right_arithmetic3A_163 = arith.shrsi %add3A_121, %shift_right_arithmetic3A_162 : vector<32x128xi32>
    %and3A_164 = arith.constant 7 : i32
    %and3A_165 = vector.broadcast %and3A_164 : i32 to vector<32x128xi32>
    %and3A_166 = arith.andi %shift_right_arithmetic3A_163, %and3A_165 : vector<32x128xi32>
    %add3A_167 = arith.addi %get3A_160, %and3A_166 : vector<32x128xi32>
    %swap3A_168 = arith.constant 0 : index
    %swap3A_169 = arith.constant 0 : index
    %swap3A_170 = vector.load %arg6[%swap3A_168, %swap3A_169] : memref<32x128xi32, #tpu.memory_space<vmem>>, vector<32x128xi32>
    tpu.vector_store %arg6[%swap3A_168, %swap3A_169], %add3A_167 {strides = array<i32>} : memref<32x128xi32, #tpu.memory_space<vmem>>, vector<32x128xi32>,
    %get3A_171 = arith.constant 0 : index
    %get3A_172 = arith.constant 0 : index
    %get3A_173 = vector.load %arg7[%get3A_171, %get3A_172] : memref<32x128xi32, #tpu.memory_space<vmem>>, vector<32x128xi32>
    %shift_right_arithmetic3A_174 = arith.constant 12 : i32
    %shift_right_arithmetic3A_175 = vector.broadcast %shift_right_arithmetic3A_174 : i32 to vector<32x128xi32>
    %shift_right_arithmetic3A_176 = arith.shrsi %add3A_121, %shift_right_arithmetic3A_175 : vector<32x128xi32>
    %and3A_177 = arith.constant 7 : i32
    %and3A_178 = vector.broadcast %and3A_177 : i32 to vector<32x128xi32>
    %and3A_179 = arith.andi %shift_right_arithmetic3A_176, %and3A_178 : vector<32x128xi32>
    %add3A_180 = arith.addi %get3A_173, %and3A_179 : vector<32x128xi32>
    %swap3A_181 = arith.constant 0 : index
    %swap3A_182 = arith.constant 0 : index
    %swap3A_183 = vector.load %arg7[%swap3A_181, %swap3A_182] : memref<32x128xi32, #tpu.memory_space<vmem>>, vector<32x128xi32>
    tpu.vector_store %arg7[%swap3A_181, %swap3A_182], %add3A_180 {strides = array<i32>} : memref<32x128xi32, #tpu.memory_space<vmem>>, vector<32x128xi32>,
    %get3A_184 = arith.constant 0 : index
    %get3A_185 = arith.constant 0 : index
    %get3A_186 = vector.load %arg8[%get3A_184, %get3A_185] : memref<32x128xi32, #tpu.memory_space<vmem>>, vector<32x128xi32>
    %shift_right_arithmetic3A_187 = arith.constant 15 : i32
    %shift_right_arithmetic3A_188 = vector.broadcast %shift_right_arithmetic3A_187 : i32 to vector<32x128xi32>
    %shift_right_arithmetic3A_189 = arith.shrsi %add3A_121, %shift_right_arithmetic3A_188 : vector<32x128xi32>
    %and3A_190 = arith.constant 7 : i32
    %and3A_191 = vector.broadcast %and3A_190 : i32 to vector<32x128xi32>
    %and3A_192 = arith.andi %shift_right_arithmetic3A_189, %and3A_191 : vector<32x128xi32>
    %add3A_193 = arith.addi %get3A_186, %and3A_192 : vector<32x128xi32>
    %swap3A_194 = arith.constant 0 : index
    %swap3A_195 = arith.constant 0 : index
    %swap3A_196 = vector.load %arg8[%swap3A_194, %swap3A_195] : memref<32x128xi32, #tpu.memory_space<vmem>>, vector<32x128xi32>
    tpu.vector_store %arg8[%swap3A_194, %swap3A_195], %add3A_193 {strides = array<i32>} : memref<32x128xi32, #tpu.memory_space<vmem>>, vector<32x128xi32>,
    %get3A_197 = arith.constant 0 : index
    %get3A_198 = arith.constant 0 : index
    %get3A_199 = vector.load %arg9[%get3A_197, %get3A_198] : memref<32x128xi32, #tpu.memory_space<vmem>>, vector<32x128xi32>
    %shift_right_arithmetic3A_200 = arith.constant 18 : i32
    %shift_right_arithmetic3A_201 = vector.broadcast %shift_right_arithmetic3A_200 : i32 to vector<32x128xi32>
    %shift_right_arithmetic3A_202 = arith.shrsi %add3A_121, %shift_right_arithmetic3A_201 : vector<32x128xi32>
    %and3A_203 = arith.constant 7 : i32
    %and3A_204 = vector.broadcast %and3A_203 : i32 to vector<32x128xi32>
    %and3A_205 = arith.andi %shift_right_arithmetic3A_202, %and3A_204 : vector<32x128xi32>
    %add3A_206 = arith.addi %get3A_199, %and3A_205 : vector<32x128xi32>
    %swap3A_207 = arith.constant 0 : index
    %swap3A_208 = arith.constant 0 : index
    %swap3A_209 = vector.load %arg9[%swap3A_207, %swap3A_208] : memref<32x128xi32, #tpu.memory_space<vmem>>, vector<32x128xi32>
    tpu.vector_store %arg9[%swap3A_207, %swap3A_208], %add3A_206 {strides = array<i32>} : memref<32x128xi32, #tpu.memory_space<vmem>>, vector<32x128xi32>,
    %get3A_210 = arith.constant 0 : index
    %get3A_211 = arith.constant 0 : index
    %get3A_212 = vector.load %arg10[%get3A_210, %get3A_211] : memref<32x128xi32, #tpu.memory_space<vmem>>, vector<32x128xi32>
    %shift_right_arithmetic3A_213 = arith.constant 21 : i32
    %shift_right_arithmetic3A_214 = vector.broadcast %shift_right_arithmetic3A_213 : i32 to vector<32x128xi32>
    %shift_right_arithmetic3A_215 = arith.shrsi %add3A_121, %shift_right_arithmetic3A_214 : vector<32x128xi32>
    %and3A_216 = arith.constant 7 : i32
    %and3A_217 = vector.broadcast %and3A_216 : i32 to vector<32x128xi32>
    %and3A_218 = arith.andi %shift_right_arithmetic3A_215, %and3A_217 : vector<32x128xi32>
    %add3A_219 = arith.addi %get3A_212, %and3A_218 : vector<32x128xi32>
    %swap3A_220 = arith.constant 0 : index
    %swap3A_221 = arith.constant 0 : index
    %swap3A_222 = vector.load %arg10[%swap3A_220, %swap3A_221] : memref<32x128xi32, #tpu.memory_space<vmem>>, vector<32x128xi32>
    tpu.vector_store %arg10[%swap3A_220, %swap3A_221], %add3A_219 {strides = array<i32>} : memref<32x128xi32, #tpu.memory_space<vmem>>, vector<32x128xi32>,
    %get3A_223 = arith.constant 0 : index
    %get3A_224 = arith.constant 0 : index
    %get3A_225 = vector.load %arg11[%get3A_223, %get3A_224] : memref<32x128xi32, #tpu.memory_space<vmem>>, vector<32x128xi32>
    %shift_right_arithmetic3A_226 = arith.constant 24 : i32
    %shift_right_arithmetic3A_227 = vector.broadcast %shift_right_arithmetic3A_226 : i32 to vector<32x128xi32>
    %shift_right_arithmetic3A_228 = arith.shrsi %add3A_121, %shift_right_arithmetic3A_227 : vector<32x128xi32>
    %and3A_229 = arith.constant 7 : i32
    %and3A_230 = vector.broadcast %and3A_229 : i32 to vector<32x128xi32>
    %and3A_231 = arith.andi %shift_right_arithmetic3A_228, %and3A_230 : vector<32x128xi32>
    %add3A_232 = arith.addi %get3A_225, %and3A_231 : vector<32x128xi32>
    %swap3A_233 = arith.constant 0 : index
    %swap3A_234 = arith.constant 0 : index
    %swap3A_235 = vector.load %arg11[%swap3A_233, %swap3A_234] : memref<32x128xi32, #tpu.memory_space<vmem>>, vector<32x128xi32>
    tpu.vector_store %arg11[%swap3A_233, %swap3A_234], %add3A_232 {strides = array<i32>} : memref<32x128xi32, #tpu.memory_space<vmem>>, vector<32x128xi32>,
    %get3A_236 = arith.constant 0 : index
    %get3A_237 = arith.constant 896 : index
    %get3A_238 = vector.load %arg1[%get3A_236, %get3A_237] : memref<32x8192xf32, #tpu.memory_space<vmem>>, vector<32x128xf32>
    %convert_element_type3A_239 = arith.fptosi %get3A_238 : vector<32x128xf32> to vector<32x128xi32>
    %max3A_240 = arith.constant -4 : i32
    %max3A_241 = vector.broadcast %max3A_240 : i32 to vector<32x128xi32>
    %max3A_242 = arith.maxsi %convert_element_type3A_239, %max3A_241 : vector<32x128xi32>
    %min3A_243 = arith.constant 4 : i32
    %min3A_244 = vector.broadcast %min3A_243 : i32 to vector<32x128xi32>
    %min3A_245 = arith.minsi %max3A_242, %min3A_244 : vector<32x128xi32>
    %mul3A_246 = arith.constant 3 : i32
    %mul3A_247 = vector.broadcast %mul3A_246 : i32 to vector<32x128xi32>
    %mul3A_248 = arith.muli %min3A_245, %mul3A_247 : vector<32x128xi32>
    %add3A_249 = arith.constant 12 : i32
    %add3A_250 = vector.broadcast %add3A_249 : i32 to vector<32x128xi32>
    %add3A_251 = arith.addi %mul3A_248, %add3A_250 : vector<32x128xi32>
    %shift_left3A_252 = arith.shli %broadcast_in_dim3A_2, %add3A_251 : vector<32x128xi32>
    %get3A_253 = arith.constant 0 : index
    %get3A_254 = arith.constant 1024 : index
    %get3A_255 = vector.load %arg1[%get3A_253, %get3A_254] : memref<32x8192xf32, #tpu.memory_space<vmem>>, vector<32x128xf32>
    %convert_element_type3A_256 = arith.fptosi %get3A_255 : vector<32x128xf32> to vector<32x128xi32>
    %max3A_257 = arith.constant -4 : i32
    %max3A_258 = vector.broadcast %max3A_257 : i32 to vector<32x128xi32>
    %max3A_259 = arith.maxsi %convert_element_type3A_256, %max3A_258 : vector<32x128xi32>
    %min3A_260 = arith.constant 4 : i32
    %min3A_261 = vector.broadcast %min3A_260 : i32 to vector<32x128xi32>
    %min3A_262 = arith.minsi %max3A_259, %min3A_261 : vector<32x128xi32>
    %mul3A_263 = arith.constant 3 : i32
    %mul3A_264 = vector.broadcast %mul3A_263 : i32 to vector<32x128xi32>
    %mul3A_265 = arith.muli %min3A_262, %mul3A_264 : vector<32x128xi32>
    %add3A_266 = arith.constant 12 : i32
    %add3A_267 = vector.broadcast %add3A_266 : i32 to vector<32x128xi32>
    %add3A_268 = arith.addi %mul3A_265, %add3A_267 : vector<32x128xi32>
    %shift_left3A_269 = arith.shli %broadcast_in_dim3A_2, %add3A_268 : vector<32x128xi32>
    %add3A_270 = arith.addi %shift_left3A_252, %shift_left3A_269 : vector<32x128xi32>
    %get3A_271 = arith.constant 0 : index
    %get3A_272 = arith.constant 1152 : index
    %get3A_273 = vector.load %arg1[%get3A_271, %get3A_272] : memref<32x8192xf32, #tpu.memory_space<vmem>>, vector<32x128xf32>
    %convert_element_type3A_274 = arith.fptosi %get3A_273 : vector<32x128xf32> to vector<32x128xi32>
    %max3A_275 = arith.constant -4 : i32
    %max3A_276 = vector.broadcast %max3A_275 : i32 to vector<32x128xi32>
    %max3A_277 = arith.maxsi %convert_element_type3A_274, %max3A_276 : vector<32x128xi32>
    %min3A_278 = arith.constant 4 : i32
    %min3A_279 = vector.broadcast %min3A_278 : i32 to vector<32x128xi32>
    %min3A_280 = arith.minsi %max3A_277, %min3A_279 : vector<32x128xi32>
    %mul3A_281 = arith.constant 3 : i32
    %mul3A_282 = vector.broadcast %mul3A_281 : i32 to vector<32x128xi32>
    %mul3A_283 = arith.muli %min3A_280, %mul3A_282 : vector<32x128xi32>
    %add3A_284 = arith.constant 12 : i32
    %add3A_285 = vector.broadcast %add3A_284 : i32 to vector<32x128xi32>
    %add3A_286 = arith.addi %mul3A_283, %add3A_285 : vector<32x128xi32>
    %shift_left3A_287 = arith.shli %broadcast_in_dim3A_2, %add3A_286 : vector<32x128xi32>
    %add3A_288 = arith.addi %add3A_270, %shift_left3A_287 : vector<32x128xi32>
    %get3A_289 = arith.constant 0 : index
    %get3A_290 = arith.constant 1280 : index
    %get3A_291 = vector.load %arg1[%get3A_289, %get3A_290] : memref<32x8192xf32, #tpu.memory_space<vmem>>, vector<32x128xf32>
    %convert_element_type3A_292 = arith.fptosi %get3A_291 : vector<32x128xf32> to vector<32x128xi32>
    %max3A_293 = arith.constant -4 : i32
    %max3A_294 = vector.broadcast %max3A_293 : i32 to vector<32x128xi32>
    %max3A_295 = arith.maxsi %convert_element_type3A_292, %max3A_294 : vector<32x128xi32>
    %min3A_296 = arith.constant 4 : i32
    %min3A_297 = vector.broadcast %min3A_296 : i32 to vector<32x128xi32>
    %min3A_298 = arith.minsi %max3A_295, %min3A_297 : vector<32x128xi32>
    %mul3A_299 = arith.constant 3 : i32
    %mul3A_300 = vector.broadcast %mul3A_299 : i32 to vector<32x128xi32>
    %mul3A_301 = arith.muli %min3A_298, %mul3A_300 : vector<32x128xi32>
    %add3A_302 = arith.constant 12 : i32
    %add3A_303 = vector.broadcast %add3A_302 : i32 to vector<32x128xi32>
    %add3A_304 = arith.addi %mul3A_301, %add3A_303 : vector<32x128xi32>
    %shift_left3A_305 = arith.shli %broadcast_in_dim3A_2, %add3A_304 : vector<32x128xi32>
    %add3A_306 = arith.addi %add3A_288, %shift_left3A_305 : vector<32x128xi32>
    %get3A_307 = arith.constant 0 : index
    %get3A_308 = arith.constant 1408 : index
    %get3A_309 = vector.load %arg1[%get3A_307, %get3A_308] : memref<32x8192xf32, #tpu.memory_space<vmem>>, vector<32x128xf32>
    %convert_element_type3A_310 = arith.fptosi %get3A_309 : vector<32x128xf32> to vector<32x128xi32>
    %max3A_311 = arith.constant -4 : i32
    %max3A_312 = vector.broadcast %max3A_311 : i32 to vector<32x128xi32>
    %max3A_313 = arith.maxsi %convert_element_type3A_310, %max3A_312 : vector<32x128xi32>
    %min3A_314 = arith.constant 4 : i32
    %min3A_315 = vector.broadcast %min3A_314 : i32 to vector<32x128xi32>
    %min3A_316 = arith.minsi %max3A_313, %min3A_315 : vector<32x128xi32>
    %mul3A_317 = arith.constant 3 : i32
    %mul3A_318 = vector.broadcast %mul3A_317 : i32 to vector<32x128xi32>
    %mul3A_319 = arith.muli %min3A_316, %mul3A_318 : vector<32x128xi32>
    %add3A_320 = arith.constant 12 : i32
    %add3A_321 = vector.broadcast %add3A_320 : i32 to vector<32x128xi32>
    %add3A_322 = arith.addi %mul3A_319, %add3A_321 : vector<32x128xi32>
    %shift_left3A_323 = arith.shli %broadcast_in_dim3A_2, %add3A_322 : vector<32x128xi32>
    %add3A_324 = arith.addi %add3A_306, %shift_left3A_323 : vector<32x128xi32>
    %get3A_325 = arith.constant 0 : index
    %get3A_326 = arith.constant 1536 : index
    %get3A_327 = vector.load %arg1[%get3A_325, %get3A_326] : memref<32x8192xf32, #tpu.memory_space<vmem>>, vector<32x128xf32>
    %convert_element_type3A_328 = arith.fptosi %get3A_327 : vector<32x128xf32> to vector<32x128xi32>
    %max3A_329 = arith.constant -4 : i32
    %max3A_330 = vector.broadcast %max3A_329 : i32 to vector<32x128xi32>
    %max3A_331 = arith.maxsi %convert_element_type3A_328, %max3A_330 : vector<32x128xi32>
    %min3A_332 = arith.constant 4 : i32
    %min3A_333 = vector.broadcast %min3A_332 : i32 to vector<32x128xi32>
    %min3A_334 = arith.minsi %max3A_331, %min3A_333 : vector<32x128xi32>
    %mul3A_335 = arith.constant 3 : i32
    %mul3A_336 = vector.broadcast %mul3A_335 : i32 to vector<32x128xi32>
    %mul3A_337 = arith.muli %min3A_334, %mul3A_336 : vector<32x128xi32>
    %add3A_338 = arith.constant 12 : i32
    %add3A_339 = vector.broadcast %add3A_338 : i32 to vector<32x128xi32>
    %add3A_340 = arith.addi %mul3A_337, %add3A_339 : vector<32x128xi32>
    %shift_left3A_341 = arith.shli %broadcast_in_dim3A_2, %add3A_340 : vector<32x128xi32>
    %add3A_342 = arith.addi %add3A_324, %shift_left3A_341 : vector<32x128xi32>
    %get3A_343 = arith.constant 0 : index
    %get3A_344 = arith.constant 1664 : index
    %get3A_345 = vector.load %arg1[%get3A_343, %get3A_344] : memref<32x8192xf32, #tpu.memory_space<vmem>>, vector<32x128xf32>
    %convert_element_type3A_346 = arith.fptosi %get3A_345 : vector<32x128xf32> to vector<32x128xi32>
    %max3A_347 = arith.constant -4 : i32
    %max3A_348 = vector.broadcast %max3A_347 : i32 to vector<32x128xi32>
    %max3A_349 = arith.maxsi %convert_element_type3A_346, %max3A_348 : vector<32x128xi32>
    %min3A_350 = arith.constant 4 : i32
    %min3A_351 = vector.broadcast %min3A_350 : i32 to vector<32x128xi32>
    %min3A_352 = arith.minsi %max3A_349, %min3A_351 : vector<32x128xi32>
    %mul3A_353 = arith.constant 3 : i32
    %mul3A_354 = vector.broadcast %mul3A_353 : i32 to vector<32x128xi32>
    %mul3A_355 = arith.muli %min3A_352, %mul3A_354 : vector<32x128xi32>
    %add3A_356 = arith.constant 12 : i32
    %add3A_357 = vector.broadcast %add3A_356 : i32 to vector<32x128xi32>
    %add3A_358 = arith.addi %mul3A_355, %add3A_357 : vector<32x128xi32>
    %shift_left3A_359 = arith.shli %broadcast_in_dim3A_2, %add3A_358 : vector<32x128xi32>
    %add3A_360 = arith.addi %add3A_342, %shift_left3A_359 : vector<32x128xi32>
    %get3A_361 = arith.constant 0 : index
    %get3A_362 = arith.constant 0 : index
    %get3A_363 = vector.load %arg3[%get3A_361, %get3A_362] : memref<32x128xi32, #tpu.memory_space<vmem>>, vector<32x128xi32>
    %shift_right_arithmetic3A_364 = arith.constant 0 : i32
    %shift_right_arithmetic3A_365 = vector.broadcast %shift_right_arithmetic3A_364 : i32 to vector<32x128xi32>
    %shift_right_arithmetic3A_366 = arith.shrsi %add3A_360, %shift_right_arithmetic3A_365 : vector<32x128xi32>
    %and3A_367 = arith.constant 7 : i32
    %and3A_368 = vector.broadcast %and3A_367 : i32 to vector<32x128xi32>
    %and3A_369 = arith.andi %shift_right_arithmetic3A_366, %and3A_368 : vector<32x128xi32>
    %add3A_370 = arith.addi %get3A_363, %and3A_369 : vector<32x128xi32>
    %swap3A_371 = arith.constant 0 : index
    %swap3A_372 = arith.constant 0 : index
    %swap3A_373 = vector.load %arg3[%swap3A_371, %swap3A_372] : memref<32x128xi32, #tpu.memory_space<vmem>>, vector<32x128xi32>
    tpu.vector_store %arg3[%swap3A_371, %swap3A_372], %add3A_370 {strides = array<i32>} : memref<32x128xi32, #tpu.memory_space<vmem>>, vector<32x128xi32>,
    %get3A_374 = arith.constant 0 : index
    %get3A_375 = arith.constant 0 : index
    %get3A_376 = vector.load %arg4[%get3A_374, %get3A_375] : memref<32x128xi32, #tpu.memory_space<vmem>>, vector<32x128xi32>
    %shift_right_arithmetic3A_377 = arith.constant 3 : i32
    %shift_right_arithmetic3A_378 = vector.broadcast %shift_right_arithmetic3A_377 : i32 to vector<32x128xi32>
    %shift_right_arithmetic3A_379 = arith.shrsi %add3A_360, %shift_right_arithmetic3A_378 : vector<32x128xi32>
    %and3A_380 = arith.constant 7 : i32
    %and3A_381 = vector.broadcast %and3A_380 : i32 to vector<32x128xi32>
    %and3A_382 = arith.andi %shift_right_arithmetic3A_379, %and3A_381 : vector<32x128xi32>
    %add3A_383 = arith.addi %get3A_376, %and3A_382 : vector<32x128xi32>
    %swap3A_384 = arith.constant 0 : index
    %swap3A_385 = arith.constant 0 : index
    %swap3A_386 = vector.load %arg4[%swap3A_384, %swap3A_385] : memref<32x128xi32, #tpu.memory_space<vmem>>, vector<32x128xi32>
    tpu.vector_store %arg4[%swap3A_384, %swap3A_385], %add3A_383 {strides = array<i32>} : memref<32x128xi32, #tpu.memory_space<vmem>>, vector<32x128xi32>,
    %get3A_387 = arith.constant 0 : index
    %get3A_388 = arith.constant 0 : index
    %get3A_389 = vector.load %arg5[%get3A_387, %get3A_388] : memref<32x128xi32, #tpu.memory_space<vmem>>, vector<32x128xi32>
    %shift_right_arithmetic3A_390 = arith.constant 6 : i32
    %shift_right_arithmetic3A_391 = vector.broadcast %shift_right_arithmetic3A_390 : i32 to vector<32x128xi32>
    %shift_right_arithmetic3A_392 = arith.shrsi %add3A_360, %shift_right_arithmetic3A_391 : vector<32x128xi32>
    %and3A_393 = arith.constant 7 : i32
    %and3A_394 = vector.broadcast %and3A_393 : i32 to vector<32x128xi32>
    %and3A_395 = arith.andi %shift_right_arithmetic3A_392, %and3A_394 : vector<32x128xi32>
    %add3A_396 = arith.addi %get3A_389, %and3A_395 : vector<32x128xi32>
    %swap3A_397 = arith.constant 0 : index
    %swap3A_398 = arith.constant 0 : index
    %swap3A_399 = vector.load %arg5[%swap3A_397, %swap3A_398] : memref<32x128xi32, #tpu.memory_space<vmem>>, vector<32x128xi32>
    tpu.vector_store %arg5[%swap3A_397, %swap3A_398], %add3A_396 {strides = array<i32>} : memref<32x128xi32, #tpu.memory_space<vmem>>, vector<32x128xi32>,
    %get3A_400 = arith.constant 0 : index
    %get3A_401 = arith.constant 0 : index
    %get3A_402 = vector.load %arg6[%get3A_400, %get3A_401] : memref<32x128xi32, #tpu.memory_space<vmem>>, vector<32x128xi32>
    %shift_right_arithmetic3A_403 = arith.constant 9 : i32
    %shift_right_arithmetic3A_404 = vector.broadcast %shift_right_arithmetic3A_403 : i32 to vector<32x128xi32>
    %shift_right_arithmetic3A_405 = arith.shrsi %add3A_360, %shift_right_arithmetic3A_404 : vector<32x128xi32>
    %and3A_406 = arith.constant 7 : i32
    %and3A_407 = vector.broadcast %and3A_406 : i32 to vector<32x128xi32>
    %and3A_408 = arith.andi %shift_right_arithmetic3A_405, %and3A_407 : vector<32x128xi32>
    %add3A_409 = arith.addi %get3A_402, %and3A_408 : vector<32x128xi32>
    %swap3A_410 = arith.constant 0 : index
    %swap3A_411 = arith.constant 0 : index
    %swap3A_412 = vector.load %arg6[%swap3A_410, %swap3A_411] : memref<32x128xi32, #tpu.memory_space<vmem>>, vector<32x128xi32>
    tpu.vector_store %arg6[%swap3A_410, %swap3A_411], %add3A_409 {strides = array<i32>} : memref<32x128xi32, #tpu.memory_space<vmem>>, vector<32x128xi32>,
    %get3A_413 = arith.constant 0 : index
    %get3A_414 = arith.constant 0 : index
    %get3A_415 = vector.load %arg7[%get3A_413, %get3A_414] : memref<32x128xi32, #tpu.memory_space<vmem>>, vector<32x128xi32>
    %shift_right_arithmetic3A_416 = arith.constant 12 : i32
    %shift_right_arithmetic3A_417 = vector.broadcast %shift_right_arithmetic3A_416 : i32 to vector<32x128xi32>
    %shift_right_arithmetic3A_418 = arith.shrsi %add3A_360, %shift_right_arithmetic3A_417 : vector<32x128xi32>
    %and3A_419 = arith.constant 7 : i32
    %and3A_420 = vector.broadcast %and3A_419 : i32 to vector<32x128xi32>
    %and3A_421 = arith.andi %shift_right_arithmetic3A_418, %and3A_420 : vector<32x128xi32>
    %add3A_422 = arith.addi %get3A_415, %and3A_421 : vector<32x128xi32>
    %swap3A_423 = arith.constant 0 : index
    %swap3A_424 = arith.constant 0 : index
    %swap3A_425 = vector.load %arg7[%swap3A_423, %swap3A_424] : memref<32x128xi32, #tpu.memory_space<vmem>>, vector<32x128xi32>
    tpu.vector_store %arg7[%swap3A_423, %swap3A_424], %add3A_422 {strides = array<i32>} : memref<32x128xi32, #tpu.memory_space<vmem>>, vector<32x128xi32>,
    %get3A_426 = arith.constant 0 : index
    %get3A_427 = arith.constant 0 : index
    %get3A_428 = vector.load %arg8[%get3A_426, %get3A_427] : memref<32x128xi32, #tpu.memory_space<vmem>>, vector<32x128xi32>
    %shift_right_arithmetic3A_429 = arith.constant 15 : i32
    %shift_right_arithmetic3A_430 = vector.broadcast %shift_right_arithmetic3A_429 : i32 to vector<32x128xi32>
    %shift_right_arithmetic3A_431 = arith.shrsi %add3A_360, %shift_right_arithmetic3A_430 : vector<32x128xi32>
    %and3A_432 = arith.constant 7 : i32
    %and3A_433 = vector.broadcast %and3A_432 : i32 to vector<32x128xi32>
    %and3A_434 = arith.andi %shift_right_arithmetic3A_431, %and3A_433 : vector<32x128xi32>
    %add3A_435 = arith.addi %get3A_428, %and3A_434 : vector<32x128xi32>
    %swap3A_436 = arith.constant 0 : index
    %swap3A_437 = arith.constant 0 : index
    %swap3A_438 = vector.load %arg8[%swap3A_436, %swap3A_437] : memref<32x128xi32, #tpu.memory_space<vmem>>, vector<32x128xi32>
    tpu.vector_store %arg8[%swap3A_436, %swap3A_437], %add3A_435 {strides = array<i32>} : memref<32x128xi32, #tpu.memory_space<vmem>>, vector<32x128xi32>,
    %get3A_439 = arith.constant 0 : index
    %get3A_440 = arith.constant 0 : index
    %get3A_441 = vector.load %arg9[%get3A_439, %get3A_440] : memref<32x128xi32, #tpu.memory_space<vmem>>, vector<32x128xi32>
    %shift_right_arithmetic3A_442 = arith.constant 18 : i32
    %shift_right_arithmetic3A_443 = vector.broadcast %shift_right_arithmetic3A_442 : i32 to vector<32x128xi32>
    %shift_right_arithmetic3A_444 = arith.shrsi %add3A_360, %shift_right_arithmetic3A_443 : vector<32x128xi32>
    %and3A_445 = arith.constant 7 : i32
    %and3A_446 = vector.broadcast %and3A_445 : i32 to vector<32x128xi32>
    %and3A_447 = arith.andi %shift_right_arithmetic3A_444, %and3A_446 : vector<32x128xi32>
    %add3A_448 = arith.addi %get3A_441, %and3A_447 : vector<32x128xi32>
    %swap3A_449 = arith.constant 0 : index
    %swap3A_450 = arith.constant 0 : index
    %swap3A_451 = vector.load %arg9[%swap3A_449, %swap3A_450] : memref<32x128xi32, #tpu.memory_space<vmem>>, vector<32x128xi32>
    tpu.vector_store %arg9[%swap3A_449, %swap3A_450], %add3A_448 {strides = array<i32>} : memref<32x128xi32, #tpu.memory_space<vmem>>, vector<32x128xi32>,
    %get3A_452 = arith.constant 0 : index
    %get3A_453 = arith.constant 0 : index
    %get3A_454 = vector.load %arg10[%get3A_452, %get3A_453] : memref<32x128xi32, #tpu.memory_space<vmem>>, vector<32x128xi32>
    %shift_right_arithmetic3A_455 = arith.constant 21 : i32
    %shift_right_arithmetic3A_456 = vector.broadcast %shift_right_arithmetic3A_455 : i32 to vector<32x128xi32>
    %shift_right_arithmetic3A_457 = arith.shrsi %add3A_360, %shift_right_arithmetic3A_456 : vector<32x128xi32>
    %and3A_458 = arith.constant 7 : i32
    %and3A_459 = vector.broadcast %and3A_458 : i32 to vector<32x128xi32>
    %and3A_460 = arith.andi %shift_right_arithmetic3A_457, %and3A_459 : vector<32x128xi32>
    %add3A_461 = arith.addi %get3A_454, %and3A_460 : vector<32x128xi32>
    %swap3A_462 = arith.constant 0 : index
    %swap3A_463 = arith.constant 0 : index
    %swap3A_464 = vector.load %arg10[%swap3A_462, %swap3A_463] : memref<32x128xi32, #tpu.memory_space<vmem>>, vector<32x128xi32>
    tpu.vector_store %arg10[%swap3A_462, %swap3A_463], %add3A_461 {strides = array<i32>} : memref<32x128xi32, #tpu.memory_space<vmem>>, vector<32x128xi32>,
    %get3A_465 = arith.constant 0 : index
    %get3A_466 = arith.constant 0 : index
    %get3A_467 = vector.load %arg11[%get3A_465, %get3A_466] : memref<32x128xi32, #tpu.memory_space<vmem>>, vector<32x128xi32>
    %shift_right_arithmetic3A_468 = arith.constant 24 : i32
    %shift_right_arithmetic3A_469 = vector.broadcast %shift_right_arithmetic3A_468 : i32 to vector<32x128xi32>
    %shift_right_arithmetic3A_470 = arith.shrsi %add3A_360, %shift_right_arithmetic3A_469 : vector<32x128xi32>
    %and3A_471 = arith.constant 7 : i32
    %and3A_472 = vector.broadcast %and3A_471 : i32 to vector<32x128xi32>
    %and3A_473 = arith.andi %shift_right_arithmetic3A_470, %and3A_472 : vector<32x128xi32>
    %add3A_474 = arith.addi %get3A_467, %and3A_473 : vector<32x128xi32>
    %swap3A_475 = arith.constant 0 : index
    %swap3A_476 = arith.constant 0 : index
    %swap3A_477 = vector.load %arg11[%swap3A_475, %swap3A_476] : memref<32x128xi32, #tpu.memory_space<vmem>>, vector<32x128xi32>
    tpu.vector_store %arg11[%swap3A_475, %swap3A_476], %add3A_474 {strides = array<i32>} : memref<32x128xi32, #tpu.memory_space<vmem>>, vector<32x128xi32>,
    %get3A_478 = arith.constant 0 : index
    %get3A_479 = arith.constant 1792 : index
    %get3A_480 = vector.load %arg1[%get3A_478, %get3A_479] : memref<32x8192xf32, #tpu.memory_space<vmem>>, vector<32x128xf32>
    %convert_element_type3A_481 = arith.fptosi %get3A_480 : vector<32x128xf32> to vector<32x128xi32>
    %max3A_482 = arith.constant -4 : i32
    %max3A_483 = vector.broadcast %max3A_482 : i32 to vector<32x128xi32>
    %max3A_484 = arith.maxsi %convert_element_type3A_481, %max3A_483 : vector<32x128xi32>
    %min3A_485 = arith.constant 4 : i32
    %min3A_486 = vector.broadcast %min3A_485 : i32 to vector<32x128xi32>
    %min3A_487 = arith.minsi %max3A_484, %min3A_486 : vector<32x128xi32>
    %mul3A_488 = arith.constant 3 : i32
    %mul3A_489 = vector.broadcast %mul3A_488 : i32 to vector<32x128xi32>
    %mul3A_490 = arith.muli %min3A_487, %mul3A_489 : vector<32x128xi32>
    %add3A_491 = arith.constant 12 : i32
    %add3A_492 = vector.broadcast %add3A_491 : i32 to vector<32x128xi32>
    %add3A_493 = arith.addi %mul3A_490, %add3A_492 : vector<32x128xi32>
    %shift_left3A_494 = arith.shli %broadcast_in_dim3A_2, %add3A_493 : vector<32x128xi32>
    %get3A_495 = arith.constant 0 : index
    %get3A_496 = arith.constant 1920 : index
    %get3A_497 = vector.load %arg1[%get3A_495, %get3A_496] : memref<32x8192xf32, #tpu.memory_space<vmem>>, vector<32x128xf32>
    %convert_element_type3A_498 = arith.fptosi %get3A_497 : vector<32x128xf32> to vector<32x128xi32>
    %max3A_499 = arith.constant -4 : i32
    %max3A_500 = vector.broadcast %max3A_499 : i32 to vector<32x128xi32>
    %max3A_501 = arith.maxsi %convert_element_type3A_498, %max3A_500 : vector<32x128xi32>
    %min3A_502 = arith.constant 4 : i32
    %min3A_503 = vector.broadcast %min3A_502 : i32 to vector<32x128xi32>
    %min3A_504 = arith.minsi %max3A_501, %min3A_503 : vector<32x128xi32>
    %mul3A_505 = arith.constant 3 : i32
    %mul3A_506 = vector.broadcast %mul3A_505 : i32 to vector<32x128xi32>
    %mul3A_507 = arith.muli %min3A_504, %mul3A_506 : vector<32x128xi32>
    %add3A_508 = arith.constant 12 : i32
    %add3A_509 = vector.broadcast %add3A_508 : i32 to vector<32x128xi32>
    %add3A_510 = arith.addi %mul3A_507, %add3A_509 : vector<32x128xi32>
    %shift_left3A_511 = arith.shli %broadcast_in_dim3A_2, %add3A_510 : vector<32x128xi32>
    %add3A_512 = arith.addi %shift_left3A_494, %shift_left3A_511 : vector<32x128xi32>
    %get3A_513 = arith.constant 0 : index
    %get3A_514 = arith.constant 2048 : index
    %get3A_515 = vector.load %arg1[%get3A_513, %get3A_514] : memref<32x8192xf32, #tpu.memory_space<vmem>>, vector<32x128xf32>
    %convert_element_type3A_516 = arith.fptosi %get3A_515 : vector<32x128xf32> to vector<32x128xi32>
    %max3A_517 = arith.constant -4 : i32
    %max3A_518 = vector.broadcast %max3A_517 : i32 to vector<32x128xi32>
    %max3A_519 = arith.maxsi %convert_element_type3A_516, %max3A_518 : vector<32x128xi32>
    %min3A_520 = arith.constant 4 : i32
    %min3A_521 = vector.broadcast %min3A_520 : i32 to vector<32x128xi32>
    %min3A_522 = arith.minsi %max3A_519, %min3A_521 : vector<32x128xi32>
    %mul3A_523 = arith.constant 3 : i32
    %mul3A_524 = vector.broadcast %mul3A_523 : i32 to vector<32x128xi32>
    %mul3A_525 = arith.muli %min3A_522, %mul3A_524 : vector<32x128xi32>
    %add3A_526 = arith.constant 12 : i32
    %add3A_527 = vector.broadcast %add3A_526 : i32 to vector<32x128xi32>
    %add3A_528 = arith.addi %mul3A_525, %add3A_527 : vector<32x128xi32>
    %shift_left3A_529 = arith.shli %broadcast_in_dim3A_2, %add3A_528 : vector<32x128xi32>
    %add3A_530 = arith.addi %add3A_512, %shift_left3A_529 : vector<32x128xi32>
    %get3A_531 = arith.constant 0 : index
    %get3A_532 = arith.constant 2176 : index
    %get3A_533 = vector.load %arg1[%get3A_531, %get3A_532] : memref<32x8192xf32, #tpu.memory_space<vmem>>, vector<32x128xf32>
    %convert_element_type3A_534 = arith.fptosi %get3A_533 : vector<32x128xf32> to vector<32x128xi32>
    %max3A_535 = arith.constant -4 : i32
    %max3A_536 = vector.broadcast %max3A_535 : i32 to vector<32x128xi32>
    %max3A_537 = arith.maxsi %convert_element_type3A_534, %max3A_536 : vector<32x128xi32>
    %min3A_538 = arith.constant 4 : i32
    %min3A_539 = vector.broadcast %min3A_538 : i32 to vector<32x128xi32>
    %min3A_540 = arith.minsi %max3A_537, %min3A_539 : vector<32x128xi32>
    %mul3A_541 = arith.constant 3 : i32
    %mul3A_542 = vector.broadcast %mul3A_541 : i32 to vector<32x128xi32>
    %mul3A_543 = arith.muli %min3A_540, %mul3A_542 : vector<32x128xi32>
    %add3A_544 = arith.constant 12 : i32
    %add3A_545 = vector.broadcast %add3A_544 : i32 to vector<32x128xi32>
    %add3A_546 = arith.addi %mul3A_543, %add3A_545 : vector<32x128xi32>
    %shift_left3A_547 = arith.shli %broadcast_in_dim3A_2, %add3A_546 : vector<32x128xi32>
    %add3A_548 = arith.addi %add3A_530, %shift_left3A_547 : vector<32x128xi32>
    %get3A_549 = arith.constant 0 : index
    %get3A_550 = arith.constant 2304 : index
    %get3A_551 = vector.load %arg1[%get3A_549, %get3A_550] : memref<32x8192xf32, #tpu.memory_space<vmem>>, vector<32x128xf32>
    %convert_element_type3A_552 = arith.fptosi %get3A_551 : vector<32x128xf32> to vector<32x128xi32>
    %max3A_553 = arith.constant -4 : i32
    %max3A_554 = vector.broadcast %max3A_553 : i32 to vector<32x128xi32>
    %max3A_555 = arith.maxsi %convert_element_type3A_552, %max3A_554 : vector<32x128xi32>
    %min3A_556 = arith.constant 4 : i32
    %min3A_557 = vector.broadcast %min3A_556 : i32 to vector<32x128xi32>
    %min3A_558 = arith.minsi %max3A_555, %min3A_557 : vector<32x128xi32>
    %mul3A_559 = arith.constant 3 : i32
    %mul3A_560 = vector.broadcast %mul3A_559 : i32 to vector<32x128xi32>
    %mul3A_561 = arith.muli %min3A_558, %mul3A_560 : vector<32x128xi32>
    %add3A_562 = arith.constant 12 : i32
    %add3A_563 = vector.broadcast %add3A_562 : i32 to vector<32x128xi32>
    %add3A_564 = arith.addi %mul3A_561, %add3A_563 : vector<32x128xi32>
    %shift_left3A_565 = arith.shli %broadcast_in_dim3A_2, %add3A_564 : vector<32x128xi32>
    %add3A_566 = arith.addi %add3A_548, %shift_left3A_565 : vector<32x128xi32>
    %get3A_567 = arith.constant 0 : index
    %get3A_568 = arith.constant 2432 : index
    %get3A_569 = vector.load %arg1[%get3A_567, %get3A_568] : memref<32x8192xf32, #tpu.memory_space<vmem>>, vector<32x128xf32>
    %convert_element_type3A_570 = arith.fptosi %get3A_569 : vector<32x128xf32> to vector<32x128xi32>
    %max3A_571 = arith.constant -4 : i32
    %max3A_572 = vector.broadcast %max3A_571 : i32 to vector<32x128xi32>
    %max3A_573 = arith.maxsi %convert_element_type3A_570, %max3A_572 : vector<32x128xi32>
    %min3A_574 = arith.constant 4 : i32
    %min3A_575 = vector.broadcast %min3A_574 : i32 to vector<32x128xi32>
    %min3A_576 = arith.minsi %max3A_573, %min3A_575 : vector<32x128xi32>
    %mul3A_577 = arith.constant 3 : i32
    %mul3A_578 = vector.broadcast %mul3A_577 : i32 to vector<32x128xi32>
    %mul3A_579 = arith.muli %min3A_576, %mul3A_578 : vector<32x128xi32>
    %add3A_580 = arith.constant 12 : i32
    %add3A_581 = vector.broadcast %add3A_580 : i32 to vector<32x128xi32>
    %add3A_582 = arith.addi %mul3A_579, %add3A_581 : vector<32x128xi32>
    %shift_left3A_583 = arith.shli %broadcast_in_dim3A_2, %add3A_582 : vector<32x128xi32>
    %add3A_584 = arith.addi %add3A_566, %shift_left3A_583 : vector<32x128xi32>
    %get3A_585 = arith.constant 0 : index
    %get3A_586 = arith.constant 2560 : index
    %get3A_587 = vector.load %arg1[%get3A_585, %get3A_586] : memref<32x8192xf32, #tpu.memory_space<vmem>>, vector<32x128xf32>
    %convert_element_type3A_588 = arith.fptosi %get3A_587 : vector<32x128xf32> to vector<32x128xi32>
    %max3A_589 = arith.constant -4 : i32
    %max3A_590 = vector.broadcast %max3A_589 : i32 to vector<32x128xi32>
    %max3A_591 = arith.maxsi %convert_element_type3A_588, %max3A_590 : vector<32x128xi32>
    %min3A_592 = arith.constant 4 : i32
    %min3A_593 = vector.broadcast %min3A_592 : i32 to vector<32x128xi32>
    %min3A_594 = arith.minsi %max3A_591, %min3A_593 : vector<32x128xi32>
    %mul3A_595 = arith.constant 3 : i32
    %mul3A_596 = vector.broadcast %mul3A_595 : i32 to vector<32x128xi32>
    %mul3A_597 = arith.muli %min3A_594, %mul3A_596 : vector<32x128xi32>
    %add3A_598 = arith.constant 12 : i32
    %add3A_599 = vector.broadcast %add3A_598 : i32 to vector<32x128xi32>
    %add3A_600 = arith.addi %mul3A_597, %add3A_599 : vector<32x128xi32>
    %shift_left3A_601 = arith.shli %broadcast_in_dim3A_2, %add3A_600 : vector<32x128xi32>
    %add3A_602 = arith.addi %add3A_584, %shift_left3A_601 : vector<32x128xi32>
    %get3A_603 = arith.constant 0 : index
    %get3A_604 = arith.constant 0 : index
    %get3A_605 = vector.load %arg3[%get3A_603, %get3A_604] : memref<32x128xi32, #tpu.memory_space<vmem>>, vector<32x128xi32>
    %shift_right_arithmetic3A_606 = arith.constant 0 : i32
    %shift_right_arithmetic3A_607 = vector.broadcast %shift_right_arithmetic3A_606 : i32 to vector<32x128xi32>
    %shift_right_arithmetic3A_608 = arith.shrsi %add3A_602, %shift_right_arithmetic3A_607 : vector<32x128xi32>
    %and3A_609 = arith.constant 7 : i32
    %and3A_610 = vector.broadcast %and3A_609 : i32 to vector<32x128xi32>
    %and3A_611 = arith.andi %shift_right_arithmetic3A_608, %and3A_610 : vector<32x128xi32>
    %add3A_612 = arith.addi %get3A_605, %and3A_611 : vector<32x128xi32>
    %swap3A_613 = arith.constant 0 : index
    %swap3A_614 = arith.constant 0 : index
    %swap3A_615 = vector.load %arg3[%swap3A_613, %swap3A_614] : memref<32x128xi32, #tpu.memory_space<vmem>>, vector<32x128xi32>
    tpu.vector_store %arg3[%swap3A_613, %swap3A_614], %add3A_612 {strides = array<i32>} : memref<32x128xi32, #tpu.memory_space<vmem>>, vector<32x128xi32>,
    %get3A_616 = arith.constant 0 : index
    %get3A_617 = arith.constant 0 : index
    %get3A_618 = vector.load %arg4[%get3A_616, %get3A_617] : memref<32x128xi32, #tpu.memory_space<vmem>>, vector<32x128xi32>
    %shift_right_arithmetic3A_619 = arith.constant 3 : i32
    %shift_right_arithmetic3A_620 = vector.broadcast %shift_right_arithmetic3A_619 : i32 to vector<32x128xi32>
    %shift_right_arithmetic3A_621 = arith.shrsi %add3A_602, %shift_right_arithmetic3A_620 : vector<32x128xi32>
    %and3A_622 = arith.constant 7 : i32
    %and3A_623 = vector.broadcast %and3A_622 : i32 to vector<32x128xi32>
    %and3A_624 = arith.andi %shift_right_arithmetic3A_621, %and3A_623 : vector<32x128xi32>
    %add3A_625 = arith.addi %get3A_618, %and3A_624 : vector<32x128xi32>
    %swap3A_626 = arith.constant 0 : index
    %swap3A_627 = arith.constant 0 : index
    %swap3A_628 = vector.load %arg4[%swap3A_626, %swap3A_627] : memref<32x128xi32, #tpu.memory_space<vmem>>, vector<32x128xi32>
    tpu.vector_store %arg4[%swap3A_626, %swap3A_627], %add3A_625 {strides = array<i32>} : memref<32x128xi32, #tpu.memory_space<vmem>>, vector<32x128xi32>,
    %get3A_629 = arith.constant 0 : index
    %get3A_630 = arith.constant 0 : index
    %get3A_631 = vector.load %arg5[%get3A_629, %get3A_630] : memref<32x128xi32, #tpu.memory_space<vmem>>, vector<32x128xi32>
    %shift_right_arithmetic3A_632 = arith.constant 6 : i32
    %shift_right_arithmetic3A_633 = vector.broadcast %shift_right_arithmetic3A_632 : i32 to vector<32x128xi32>
    %shift_right_arithmetic3A_634 = arith.shrsi %add3A_602, %shift_right_arithmetic3A_633 : vector<32x128xi32>
    %and3A_635 = arith.constant 7 : i32
    %and3A_636 = vector.broadcast %and3A_635 : i32 to vector<32x128xi32>
    %and3A_637 = arith.andi %shift_right_arithmetic3A_634, %and3A_636 : vector<32x128xi32>
    %add3A_638 = arith.addi %get3A_631, %and3A_637 : vector<32x128xi32>
    %swap3A_639 = arith.constant 0 : index
    %swap3A_640 = arith.constant 0 : index
    %swap3A_641 = vector.load %arg5[%swap3A_639, %swap3A_640] : memref<32x128xi32, #tpu.memory_space<vmem>>, vector<32x128xi32>
    tpu.vector_store %arg5[%swap3A_639, %swap3A_640], %add3A_638 {strides = array<i32>} : memref<32x128xi32, #tpu.memory_space<vmem>>, vector<32x128xi32>,
    %get3A_642 = arith.constant 0 : index
    %get3A_643 = arith.constant 0 : index
    %get3A_644 = vector.load %arg6[%get3A_642, %get3A_643] : memref<32x128xi32, #tpu.memory_space<vmem>>, vector<32x128xi32>
    %shift_right_arithmetic3A_645 = arith.constant 9 : i32
    %shift_right_arithmetic3A_646 = vector.broadcast %shift_right_arithmetic3A_645 : i32 to vector<32x128xi32>
    %shift_right_arithmetic3A_647 = arith.shrsi %add3A_602, %shift_right_arithmetic3A_646 : vector<32x128xi32>
    %and3A_648 = arith.constant 7 : i32
    %and3A_649 = vector.broadcast %and3A_648 : i32 to vector<32x128xi32>
    %and3A_650 = arith.andi %shift_right_arithmetic3A_647, %and3A_649 : vector<32x128xi32>
    %add3A_651 = arith.addi %get3A_644, %and3A_650 : vector<32x128xi32>
    %swap3A_652 = arith.constant 0 : index
    %swap3A_653 = arith.constant 0 : index
    %swap3A_654 = vector.load %arg6[%swap3A_652, %swap3A_653] : memref<32x128xi32, #tpu.memory_space<vmem>>, vector<32x128xi32>
    tpu.vector_store %arg6[%swap3A_652, %swap3A_653], %add3A_651 {strides = array<i32>} : memref<32x128xi32, #tpu.memory_space<vmem>>, vector<32x128xi32>,
    %get3A_655 = arith.constant 0 : index
    %get3A_656 = arith.constant 0 : index
    %get3A_657 = vector.load %arg7[%get3A_655, %get3A_656] : memref<32x128xi32, #tpu.memory_space<vmem>>, vector<32x128xi32>
    %shift_right_arithmetic3A_658 = arith.constant 12 : i32
    %shift_right_arithmetic3A_659 = vector.broadcast %shift_right_arithmetic3A_658 : i32 to vector<32x128xi32>
    %shift_right_arithmetic3A_660 = arith.shrsi %add3A_602, %shift_right_arithmetic3A_659 : vector<32x128xi32>
    %and3A_661 = arith.constant 7 : i32
    %and3A_662 = vector.broadcast %and3A_661 : i32 to vector<32x128xi32>
    %and3A_663 = arith.andi %shift_right_arithmetic3A_660, %and3A_662 : vector<32x128xi32>
    %add3A_664 = arith.addi %get3A_657, %and3A_663 : vector<32x128xi32>
    %swap3A_665 = arith.constant 0 : index
    %swap3A_666 = arith.constant 0 : index
    %swap3A_667 = vector.load %arg7[%swap3A_665, %swap3A_666] : memref<32x128xi32, #tpu.memory_space<vmem>>, vector<32x128xi32>
    tpu.vector_store %arg7[%swap3A_665, %swap3A_666], %add3A_664 {strides = array<i32>} : memref<32x128xi32, #tpu.memory_space<vmem>>, vector<32x128xi32>,
    %get3A_668 = arith.constant 0 : index
    %get3A_669 = arith.constant 0 : index
    %get3A_670 = vector.load %arg8[%get3A_668, %get3A_669] : memref<32x128xi32, #tpu.memory_space<vmem>>, vector<32x128xi32>
    %shift_right_arithmetic3A_671 = arith.constant 15 : i32
    %shift_right_arithmetic3A_672 = vector.broadcast %shift_right_arithmetic3A_671 : i32 to vector<32x128xi32>
    %shift_right_arithmetic3A_673 = arith.shrsi %add3A_602, %shift_right_arithmetic3A_672 : vector<32x128xi32>
    %and3A_674 = arith.constant 7 : i32
    %and3A_675 = vector.broadcast %and3A_674 : i32 to vector<32x128xi32>
    %and3A_676 = arith.andi %shift_right_arithmetic3A_673, %and3A_675 : vector<32x128xi32>
    %add3A_677 = arith.addi %get3A_670, %and3A_676 : vector<32x128xi32>
    %swap3A_678 = arith.constant 0 : index
    %swap3A_679 = arith.constant 0 : index
    %swap3A_680 = vector.load %arg8[%swap3A_678, %swap3A_679] : memref<32x128xi32, #tpu.memory_space<vmem>>, vector<32x128xi32>
    tpu.vector_store %arg8[%swap3A_678, %swap3A_679], %add3A_677 {strides = array<i32>} : memref<32x128xi32, #tpu.memory_space<vmem>>, vector<32x128xi32>,
    %get3A_681 = arith.constant 0 : index
    %get3A_682 = arith.constant 0 : index
    %get3A_683 = vector.load %arg9[%get3A_681, %get3A_682] : memref<32x128xi32, #tpu.memory_space<vmem>>, vector<32x128xi32>
    %shift_right_arithmetic3A_684 = arith.constant 18 : i32
    %shift_right_arithmetic3A_685 = vector.broadcast %shift_right_arithmetic3A_684 : i32 to vector<32x128xi32>
    %shift_right_arithmetic3A_686 = arith.shrsi %add3A_602, %shift_right_arithmetic3A_685 : vector<32x128xi32>
    %and3A_687 = arith.constant 7 : i32
    %and3A_688 = vector.broadcast %and3A_687 : i32 to vector<32x128xi32>
    %and3A_689 = arith.andi %shift_right_arithmetic3A_686, %and3A_688 : vector<32x128xi32>
    %add3A_690 = arith.addi %get3A_683, %and3A_689 : vector<32x128xi32>
    %swap3A_691 = arith.constant 0 : index
    %swap3A_692 = arith.constant 0 : index
    %swap3A_693 = vector.load %arg9[%swap3A_691, %swap3A_692] : memref<32x128xi32, #tpu.memory_space<vmem>>, vector<32x128xi32>
    tpu.vector_store %arg9[%swap3A_691, %swap3A_692], %add3A_690 {strides = array<i32>} : memref<32x128xi32, #tpu.memory_space<vmem>>, vector<32x128xi32>,
    %get3A_694 = arith.constant 0 : index
    %get3A_695 = arith.constant 0 : index
    %get3A_696 = vector.load %arg10[%get3A_694, %get3A_695] : memref<32x128xi32, #tpu.memory_space<vmem>>, vector<32x128xi32>
    %shift_right_arithmetic3A_697 = arith.constant 21 : i32
    %shift_right_arithmetic3A_698 = vector.broadcast %shift_right_arithmetic3A_697 : i32 to vector<32x128xi32>
    %shift_right_arithmetic3A_699 = arith.shrsi %add3A_602, %shift_right_arithmetic3A_698 : vector<32x128xi32>
    %and3A_700 = arith.constant 7 : i32
    %and3A_701 = vector.broadcast %and3A_700 : i32 to vector<32x128xi32>
    %and3A_702 = arith.andi %shift_right_arithmetic3A_699, %and3A_701 : vector<32x128xi32>
    %add3A_703 = arith.addi %get3A_696, %and3A_702 : vector<32x128xi32>
    %swap3A_704 = arith.constant 0 : index
    %swap3A_705 = arith.constant 0 : index
    %swap3A_706 = vector.load %arg10[%swap3A_704, %swap3A_705] : memref<32x128xi32, #tpu.memory_space<vmem>>, vector<32x128xi32>
    tpu.vector_store %arg10[%swap3A_704, %swap3A_705], %add3A_703 {strides = array<i32>} : memref<32x128xi32, #tpu.memory_space<vmem>>, vector<32x128xi32>,
    %get3A_707 = arith.constant 0 : index
    %get3A_708 = arith.constant 0 : index
    %get3A_709 = vector.load %arg11[%get3A_707, %get3A_708] : memref<32x128xi32, #tpu.memory_space<vmem>>, vector<32x128xi32>
    %shift_right_arithmetic3A_710 = arith.constant 24 : i32
    %shift_right_arithmetic3A_711 = vector.broadcast %shift_right_arithmetic3A_710 : i32 to vector<32x128xi32>
    %shift_right_arithmetic3A_712 = arith.shrsi %add3A_602, %shift_right_arithmetic3A_711 : vector<32x128xi32>
    %and3A_713 = arith.constant 7 : i32
    %and3A_714 = vector.broadcast %and3A_713 : i32 to vector<32x128xi32>
    %and3A_715 = arith.andi %shift_right_arithmetic3A_712, %and3A_714 : vector<32x128xi32>
    %add3A_716 = arith.addi %get3A_709, %and3A_715 : vector<32x128xi32>
    %swap3A_717 = arith.constant 0 : index
    %swap3A_718 = arith.constant 0 : index
    %swap3A_719 = vector.load %arg11[%swap3A_717, %swap3A_718] : memref<32x128xi32, #tpu.memory_space<vmem>>, vector<32x128xi32>
    tpu.vector_store %arg11[%swap3A_717, %swap3A_718], %add3A_716 {strides = array<i32>} : memref<32x128xi32, #tpu.memory_space<vmem>>, vector<32x128xi32>,
    %get3A_720 = arith.constant 0 : index
    %get3A_721 = arith.constant 2688 : index
    %get3A_722 = vector.load %arg1[%get3A_720, %get3A_721] : memref<32x8192xf32, #tpu.memory_space<vmem>>, vector<32x128xf32>
    %convert_element_type3A_723 = arith.fptosi %get3A_722 : vector<32x128xf32> to vector<32x128xi32>
    %max3A_724 = arith.constant -4 : i32
    %max3A_725 = vector.broadcast %max3A_724 : i32 to vector<32x128xi32>
    %max3A_726 = arith.maxsi %convert_element_type3A_723, %max3A_725 : vector<32x128xi32>
    %min3A_727 = arith.constant 4 : i32
    %min3A_728 = vector.broadcast %min3A_727 : i32 to vector<32x128xi32>
    %min3A_729 = arith.minsi %max3A_726, %min3A_728 : vector<32x128xi32>
    %mul3A_730 = arith.constant 3 : i32
    %mul3A_731 = vector.broadcast %mul3A_730 : i32 to vector<32x128xi32>
    %mul3A_732 = arith.muli %min3A_729, %mul3A_731 : vector<32x128xi32>
    %add3A_733 = arith.constant 12 : i32
    %add3A_734 = vector.broadcast %add3A_733 : i32 to vector<32x128xi32>
    %add3A_735 = arith.addi %mul3A_732, %add3A_734 : vector<32x128xi32>
    %shift_left3A_736 = arith.shli %broadcast_in_dim3A_2, %add3A_735 : vector<32x128xi32>
    %get3A_737 = arith.constant 0 : index
    %get3A_738 = arith.constant 2816 : index
    %get3A_739 = vector.load %arg1[%get3A_737, %get3A_738] : memref<32x8192xf32, #tpu.memory_space<vmem>>, vector<32x128xf32>
    %convert_element_type3A_740 = arith.fptosi %get3A_739 : vector<32x128xf32> to vector<32x128xi32>
    %max3A_741 = arith.constant -4 : i32
    %max3A_742 = vector.broadcast %max3A_741 : i32 to vector<32x128xi32>
    %max3A_743 = arith.maxsi %convert_element_type3A_740, %max3A_742 : vector<32x128xi32>
    %min3A_744 = arith.constant 4 : i32
    %min3A_745 = vector.broadcast %min3A_744 : i32 to vector<32x128xi32>
    %min3A_746 = arith.minsi %max3A_743, %min3A_745 : vector<32x128xi32>
    %mul3A_747 = arith.constant 3 : i32
    %mul3A_748 = vector.broadcast %mul3A_747 : i32 to vector<32x128xi32>
    %mul3A_749 = arith.muli %min3A_746, %mul3A_748 : vector<32x128xi32>
    %add3A_750 = arith.constant 12 : i32
    %add3A_751 = vector.broadcast %add3A_750 : i32 to vector<32x128xi32>
    %add3A_752 = arith.addi %mul3A_749, %add3A_751 : vector<32x128xi32>
    %shift_left3A_753 = arith.shli %broadcast_in_dim3A_2, %add3A_752 : vector<32x128xi32>
    %add3A_754 = arith.addi %shift_left3A_736, %shift_left3A_753 : vector<32x128xi32>
    %get3A_755 = arith.constant 0 : index
    %get3A_756 = arith.constant 2944 : index
    %get3A_757 = vector.load %arg1[%get3A_755, %get3A_756] : memref<32x8192xf32, #tpu.memory_space<vmem>>, vector<32x128xf32>
    %convert_element_type3A_758 = arith.fptosi %get3A_757 : vector<32x128xf32> to vector<32x128xi32>
    %max3A_759 = arith.constant -4 : i32
    %max3A_760 = vector.broadcast %max3A_759 : i32 to vector<32x128xi32>
    %max3A_761 = arith.maxsi %convert_element_type3A_758, %max3A_760 : vector<32x128xi32>
    %min3A_762 = arith.constant 4 : i32
    %min3A_763 = vector.broadcast %min3A_762 : i32 to vector<32x128xi32>
    %min3A_764 = arith.minsi %max3A_761, %min3A_763 : vector<32x128xi32>
    %mul3A_765 = arith.constant 3 : i32
    %mul3A_766 = vector.broadcast %mul3A_765 : i32 to vector<32x128xi32>
    %mul3A_767 = arith.muli %min3A_764, %mul3A_766 : vector<32x128xi32>
    %add3A_768 = arith.constant 12 : i32
    %add3A_769 = vector.broadcast %add3A_768 : i32 to vector<32x128xi32>
    %add3A_770 = arith.addi %mul3A_767, %add3A_769 : vector<32x128xi32>
    %shift_left3A_771 = arith.shli %broadcast_in_dim3A_2, %add3A_770 : vector<32x128xi32>
    %add3A_772 = arith.addi %add3A_754, %shift_left3A_771 : vector<32x128xi32>
    %get3A_773 = arith.constant 0 : index
    %get3A_774 = arith.constant 3072 : index
    %get3A_775 = vector.load %arg1[%get3A_773, %get3A_774] : memref<32x8192xf32, #tpu.memory_space<vmem>>, vector<32x128xf32>
    %convert_element_type3A_776 = arith.fptosi %get3A_775 : vector<32x128xf32> to vector<32x128xi32>
    %max3A_777 = arith.constant -4 : i32
    %max3A_778 = vector.broadcast %max3A_777 : i32 to vector<32x128xi32>
    %max3A_779 = arith.maxsi %convert_element_type3A_776, %max3A_778 : vector<32x128xi32>
    %min3A_780 = arith.constant 4 : i32
    %min3A_781 = vector.broadcast %min3A_780 : i32 to vector<32x128xi32>
    %min3A_782 = arith.minsi %max3A_779, %min3A_781 : vector<32x128xi32>
    %mul3A_783 = arith.constant 3 : i32
    %mul3A_784 = vector.broadcast %mul3A_783 : i32 to vector<32x128xi32>
    %mul3A_785 = arith.muli %min3A_782, %mul3A_784 : vector<32x128xi32>
    %add3A_786 = arith.constant 12 : i32
    %add3A_787 = vector.broadcast %add3A_786 : i32 to vector<32x128xi32>
    %add3A_788 = arith.addi %mul3A_785, %add3A_787 : vector<32x128xi32>
    %shift_left3A_789 = arith.shli %broadcast_in_dim3A_2, %add3A_788 : vector<32x128xi32>
    %add3A_790 = arith.addi %add3A_772, %shift_left3A_789 : vector<32x128xi32>
    %get3A_791 = arith.constant 0 : index
    %get3A_792 = arith.constant 3200 : index
    %get3A_793 = vector.load %arg1[%get3A_791, %get3A_792] : memref<32x8192xf32, #tpu.memory_space<vmem>>, vector<32x128xf32>
    %convert_element_type3A_794 = arith.fptosi %get3A_793 : vector<32x128xf32> to vector<32x128xi32>
    %max3A_795 = arith.constant -4 : i32
    %max3A_796 = vector.broadcast %max3A_795 : i32 to vector<32x128xi32>
    %max3A_797 = arith.maxsi %convert_element_type3A_794, %max3A_796 : vector<32x128xi32>
    %min3A_798 = arith.constant 4 : i32
    %min3A_799 = vector.broadcast %min3A_798 : i32 to vector<32x128xi32>
    %min3A_800 = arith.minsi %max3A_797, %min3A_799 : vector<32x128xi32>
    %mul3A_801 = arith.constant 3 : i32
    %mul3A_802 = vector.broadcast %mul3A_801 : i32 to vector<32x128xi32>
    %mul3A_803 = arith.muli %min3A_800, %mul3A_802 : vector<32x128xi32>
    %add3A_804 = arith.constant 12 : i32
    %add3A_805 = vector.broadcast %add3A_804 : i32 to vector<32x128xi32>
    %add3A_806 = arith.addi %mul3A_803, %add3A_805 : vector<32x128xi32>
    %shift_left3A_807 = arith.shli %broadcast_in_dim3A_2, %add3A_806 : vector<32x128xi32>
    %add3A_808 = arith.addi %add3A_790, %shift_left3A_807 : vector<32x128xi32>
    %get3A_809 = arith.constant 0 : index
    %get3A_810 = arith.constant 3328 : index
    %get3A_811 = vector.load %arg1[%get3A_809, %get3A_810] : memref<32x8192xf32, #tpu.memory_space<vmem>>, vector<32x128xf32>
    %convert_element_type3A_812 = arith.fptosi %get3A_811 : vector<32x128xf32> to vector<32x128xi32>
    %max3A_813 = arith.constant -4 : i32
    %max3A_814 = vector.broadcast %max3A_813 : i32 to vector<32x128xi32>
    %max3A_815 = arith.maxsi %convert_element_type3A_812, %max3A_814 : vector<32x128xi32>
    %min3A_816 = arith.constant 4 : i32
    %min3A_817 = vector.broadcast %min3A_816 : i32 to vector<32x128xi32>
    %min3A_818 = arith.minsi %max3A_815, %min3A_817 : vector<32x128xi32>
    %mul3A_819 = arith.constant 3 : i32
    %mul3A_820 = vector.broadcast %mul3A_819 : i32 to vector<32x128xi32>
    %mul3A_821 = arith.muli %min3A_818, %mul3A_820 : vector<32x128xi32>
    %add3A_822 = arith.constant 12 : i32
    %add3A_823 = vector.broadcast %add3A_822 : i32 to vector<32x128xi32>
    %add3A_824 = arith.addi %mul3A_821, %add3A_823 : vector<32x128xi32>
    %shift_left3A_825 = arith.shli %broadcast_in_dim3A_2, %add3A_824 : vector<32x128xi32>
    %add3A_826 = arith.addi %add3A_808, %shift_left3A_825 : vector<32x128xi32>
    %get3A_827 = arith.constant 0 : index
    %get3A_828 = arith.constant 3456 : index
    %get3A_829 = vector.load %arg1[%get3A_827, %get3A_828] : memref<32x8192xf32, #tpu.memory_space<vmem>>, vector<32x128xf32>
    %convert_element_type3A_830 = arith.fptosi %get3A_829 : vector<32x128xf32> to vector<32x128xi32>
    %max3A_831 = arith.constant -4 : i32
    %max3A_832 = vector.broadcast %max3A_831 : i32 to vector<32x128xi32>
    %max3A_833 = arith.maxsi %convert_element_type3A_830, %max3A_832 : vector<32x128xi32>
    %min3A_834 = arith.constant 4 : i32
    %min3A_835 = vector.broadcast %min3A_834 : i32 to vector<32x128xi32>
    %min3A_836 = arith.minsi %max3A_833, %min3A_835 : vector<32x128xi32>
    %mul3A_837 = arith.constant 3 : i32
    %mul3A_838 = vector.broadcast %mul3A_837 : i32 to vector<32x128xi32>
    %mul3A_839 = arith.muli %min3A_836, %mul3A_838 : vector<32x128xi32>
    %add3A_840 = arith.constant 12 : i32
    %add3A_841 = vector.broadcast %add3A_840 : i32 to vector<32x128xi32>
    %add3A_842 = arith.addi %mul3A_839, %add3A_841 : vector<32x128xi32>
    %shift_left3A_843 = arith.shli %broadcast_in_dim3A_2, %add3A_842 : vector<32x128xi32>
    %add3A_844 = arith.addi %add3A_826, %shift_left3A_843 : vector<32x128xi32>
    %get3A_845 = arith.constant 0 : index
    %get3A_846 = arith.constant 0 : index
    %get3A_847 = vector.load %arg3[%get3A_845, %get3A_846] : memref<32x128xi32, #tpu.memory_space<vmem>>, vector<32x128xi32>
    %shift_right_arithmetic3A_848 = arith.constant 0 : i32
    %shift_right_arithmetic3A_849 = vector.broadcast %shift_right_arithmetic3A_848 : i32 to vector<32x128xi32>
    %shift_right_arithmetic3A_850 = arith.shrsi %add3A_844, %shift_right_arithmetic3A_849 : vector<32x128xi32>
    %and3A_851 = arith.constant 7 : i32
    %and3A_852 = vector.broadcast %and3A_851 : i32 to vector<32x128xi32>
    %and3A_853 = arith.andi %shift_right_arithmetic3A_850, %and3A_852 : vector<32x128xi32>
    %add3A_854 = arith.addi %get3A_847, %and3A_853 : vector<32x128xi32>
    %swap3A_855 = arith.constant 0 : index
    %swap3A_856 = arith.constant 0 : index
    %swap3A_857 = vector.load %arg3[%swap3A_855, %swap3A_856] : memref<32x128xi32, #tpu.memory_space<vmem>>, vector<32x128xi32>
    tpu.vector_store %arg3[%swap3A_855, %swap3A_856], %add3A_854 {strides = array<i32>} : memref<32x128xi32, #tpu.memory_space<vmem>>, vector<32x128xi32>,
    %get3A_858 = arith.constant 0 : index
    %get3A_859 = arith.constant 0 : index
    %get3A_860 = vector.load %arg4[%get3A_858, %get3A_859] : memref<32x128xi32, #tpu.memory_space<vmem>>, vector<32x128xi32>
    %shift_right_arithmetic3A_861 = arith.constant 3 : i32
    %shift_right_arithmetic3A_862 = vector.broadcast %shift_right_arithmetic3A_861 : i32 to vector<32x128xi32>
    %shift_right_arithmetic3A_863 = arith.shrsi %add3A_844, %shift_right_arithmetic3A_862 : vector<32x128xi32>
    %and3A_864 = arith.constant 7 : i32
    %and3A_865 = vector.broadcast %and3A_864 : i32 to vector<32x128xi32>
    %and3A_866 = arith.andi %shift_right_arithmetic3A_863, %and3A_865 : vector<32x128xi32>
    %add3A_867 = arith.addi %get3A_860, %and3A_866 : vector<32x128xi32>
    %swap3A_868 = arith.constant 0 : index
    %swap3A_869 = arith.constant 0 : index
    %swap3A_870 = vector.load %arg4[%swap3A_868, %swap3A_869] : memref<32x128xi32, #tpu.memory_space<vmem>>, vector<32x128xi32>
    tpu.vector_store %arg4[%swap3A_868, %swap3A_869], %add3A_867 {strides = array<i32>} : memref<32x128xi32, #tpu.memory_space<vmem>>, vector<32x128xi32>,
    %get3A_871 = arith.constant 0 : index
    %get3A_872 = arith.constant 0 : index
    %get3A_873 = vector.load %arg5[%get3A_871, %get3A_872] : memref<32x128xi32, #tpu.memory_space<vmem>>, vector<32x128xi32>
    %shift_right_arithmetic3A_874 = arith.constant 6 : i32
    %shift_right_arithmetic3A_875 = vector.broadcast %shift_right_arithmetic3A_874 : i32 to vector<32x128xi32>
    %shift_right_arithmetic3A_876 = arith.shrsi %add3A_844, %shift_right_arithmetic3A_875 : vector<32x128xi32>
    %and3A_877 = arith.constant 7 : i32
    %and3A_878 = vector.broadcast %and3A_877 : i32 to vector<32x128xi32>
    %and3A_879 = arith.andi %shift_right_arithmetic3A_876, %and3A_878 : vector<32x128xi32>
    %add3A_880 = arith.addi %get3A_873, %and3A_879 : vector<32x128xi32>
    %swap3A_881 = arith.constant 0 : index
    %swap3A_882 = arith.constant 0 : index
    %swap3A_883 = vector.load %arg5[%swap3A_881, %swap3A_882] : memref<32x128xi32, #tpu.memory_space<vmem>>, vector<32x128xi32>
    tpu.vector_store %arg5[%swap3A_881, %swap3A_882], %add3A_880 {strides = array<i32>} : memref<32x128xi32, #tpu.memory_space<vmem>>, vector<32x128xi32>,
    %get3A_884 = arith.constant 0 : index
    %get3A_885 = arith.constant 0 : index
    %get3A_886 = vector.load %arg6[%get3A_884, %get3A_885] : memref<32x128xi32, #tpu.memory_space<vmem>>, vector<32x128xi32>
    %shift_right_arithmetic3A_887 = arith.constant 9 : i32
    %shift_right_arithmetic3A_888 = vector.broadcast %shift_right_arithmetic3A_887 : i32 to vector<32x128xi32>
    %shift_right_arithmetic3A_889 = arith.shrsi %add3A_844, %shift_right_arithmetic3A_888 : vector<32x128xi32>
    %and3A_890 = arith.constant 7 : i32
    %and3A_891 = vector.broadcast %and3A_890 : i32 to vector<32x128xi32>
    %and3A_892 = arith.andi %shift_right_arithmetic3A_889, %and3A_891 : vector<32x128xi32>
    %add3A_893 = arith.addi %get3A_886, %and3A_892 : vector<32x128xi32>
    %swap3A_894 = arith.constant 0 : index
    %swap3A_895 = arith.constant 0 : index
    %swap3A_896 = vector.load %arg6[%swap3A_894, %swap3A_895] : memref<32x128xi32, #tpu.memory_space<vmem>>, vector<32x128xi32>
    tpu.vector_store %arg6[%swap3A_894, %swap3A_895], %add3A_893 {strides = array<i32>} : memref<32x128xi32, #tpu.memory_space<vmem>>, vector<32x128xi32>,
    %get3A_897 = arith.constant 0 : index
    %get3A_898 = arith.constant 0 : index
    %get3A_899 = vector.load %arg7[%get3A_897, %get3A_898] : memref<32x128xi32, #tpu.memory_space<vmem>>, vector<32x128xi32>
    %shift_right_arithmetic3A_900 = arith.constant 12 : i32
    %shift_right_arithmetic3A_901 = vector.broadcast %shift_right_arithmetic3A_900 : i32 to vector<32x128xi32>
    %shift_right_arithmetic3A_902 = arith.shrsi %add3A_844, %shift_right_arithmetic3A_901 : vector<32x128xi32>
    %and3A_903 = arith.constant 7 : i32
    %and3A_904 = vector.broadcast %and3A_903 : i32 to vector<32x128xi32>
    %and3A_905 = arith.andi %shift_right_arithmetic3A_902, %and3A_904 : vector<32x128xi32>
    %add3A_906 = arith.addi %get3A_899, %and3A_905 : vector<32x128xi32>
    %swap3A_907 = arith.constant 0 : index
    %swap3A_908 = arith.constant 0 : index
    %swap3A_909 = vector.load %arg7[%swap3A_907, %swap3A_908] : memref<32x128xi32, #tpu.memory_space<vmem>>, vector<32x128xi32>
    tpu.vector_store %arg7[%swap3A_907, %swap3A_908], %add3A_906 {strides = array<i32>} : memref<32x128xi32, #tpu.memory_space<vmem>>, vector<32x128xi32>,
    %get3A_910 = arith.constant 0 : index
    %get3A_911 = arith.constant 0 : index
    %get3A_912 = vector.load %arg8[%get3A_910, %get3A_911] : memref<32x128xi32, #tpu.memory_space<vmem>>, vector<32x128xi32>
    %shift_right_arithmetic3A_913 = arith.constant 15 : i32
    %shift_right_arithmetic3A_914 = vector.broadcast %shift_right_arithmetic3A_913 : i32 to vector<32x128xi32>
    %shift_right_arithmetic3A_915 = arith.shrsi %add3A_844, %shift_right_arithmetic3A_914 : vector<32x128xi32>
    %and3A_916 = arith.constant 7 : i32
    %and3A_917 = vector.broadcast %and3A_916 : i32 to vector<32x128xi32>
    %and3A_918 = arith.andi %shift_right_arithmetic3A_915, %and3A_917 : vector<32x128xi32>
    %add3A_919 = arith.addi %get3A_912, %and3A_918 : vector<32x128xi32>
    %swap3A_920 = arith.constant 0 : index
    %swap3A_921 = arith.constant 0 : index
    %swap3A_922 = vector.load %arg8[%swap3A_920, %swap3A_921] : memref<32x128xi32, #tpu.memory_space<vmem>>, vector<32x128xi32>
    tpu.vector_store %arg8[%swap3A_920, %swap3A_921], %add3A_919 {strides = array<i32>} : memref<32x128xi32, #tpu.memory_space<vmem>>, vector<32x128xi32>,
    %get3A_923 = arith.constant 0 : index
    %get3A_924 = arith.constant 0 : index
    %get3A_925 = vector.load %arg9[%get3A_923, %get3A_924] : memref<32x128xi32, #tpu.memory_space<vmem>>, vector<32x128xi32>
    %shift_right_arithmetic3A_926 = arith.constant 18 : i32
    %shift_right_arithmetic3A_927 = vector.broadcast %shift_right_arithmetic3A_926 : i32 to vector<32x128xi32>
    %shift_right_arithmetic3A_928 = arith.shrsi %add3A_844, %shift_right_arithmetic3A_927 : vector<32x128xi32>
    %and3A_929 = arith.constant 7 : i32
    %and3A_930 = vector.broadcast %and3A_929 : i32 to vector<32x128xi32>
    %and3A_931 = arith.andi %shift_right_arithmetic3A_928, %and3A_930 : vector<32x128xi32>
    %add3A_932 = arith.addi %get3A_925, %and3A_931 : vector<32x128xi32>
    %swap3A_933 = arith.constant 0 : index
    %swap3A_934 = arith.constant 0 : index
    %swap3A_935 = vector.load %arg9[%swap3A_933, %swap3A_934] : memref<32x128xi32, #tpu.memory_space<vmem>>, vector<32x128xi32>
    tpu.vector_store %arg9[%swap3A_933, %swap3A_934], %add3A_932 {strides = array<i32>} : memref<32x128xi32, #tpu.memory_space<vmem>>, vector<32x128xi32>,
    %get3A_936 = arith.constant 0 : index
    %get3A_937 = arith.constant 0 : index
    %get3A_938 = vector.load %arg10[%get3A_936, %get3A_937] : memref<32x128xi32, #tpu.memory_space<vmem>>, vector<32x128xi32>
    %shift_right_arithmetic3A_939 = arith.constant 21 : i32
    %shift_right_arithmetic3A_940 = vector.broadcast %shift_right_arithmetic3A_939 : i32 to vector<32x128xi32>
    %shift_right_arithmetic3A_941 = arith.shrsi %add3A_844, %shift_right_arithmetic3A_940 : vector<32x128xi32>
    %and3A_942 = arith.constant 7 : i32
    %and3A_943 = vector.broadcast %and3A_942 : i32 to vector<32x128xi32>
    %and3A_944 = arith.andi %shift_right_arithmetic3A_941, %and3A_943 : vector<32x128xi32>
    %add3A_945 = arith.addi %get3A_938, %and3A_944 : vector<32x128xi32>
    %swap3A_946 = arith.constant 0 : index
    %swap3A_947 = arith.constant 0 : index
    %swap3A_948 = vector.load %arg10[%swap3A_946, %swap3A_947] : memref<32x128xi32, #tpu.memory_space<vmem>>, vector<32x128xi32>
    tpu.vector_store %arg10[%swap3A_946, %swap3A_947], %add3A_945 {strides = array<i32>} : memref<32x128xi32, #tpu.memory_space<vmem>>, vector<32x128xi32>,
    %get3A_949 = arith.constant 0 : index
    %get3A_950 = arith.constant 0 : index
    %get3A_951 = vector.load %arg11[%get3A_949, %get3A_950] : memref<32x128xi32, #tpu.memory_space<vmem>>, vector<32x128xi32>
    %shift_right_arithmetic3A_952 = arith.constant 24 : i32
    %shift_right_arithmetic3A_953 = vector.broadcast %shift_right_arithmetic3A_952 : i32 to vector<32x128xi32>
    %shift_right_arithmetic3A_954 = arith.shrsi %add3A_844, %shift_right_arithmetic3A_953 : vector<32x128xi32>
    %and3A_955 = arith.constant 7 : i32
    %and3A_956 = vector.broadcast %and3A_955 : i32 to vector<32x128xi32>
    %and3A_957 = arith.andi %shift_right_arithmetic3A_954, %and3A_956 : vector<32x128xi32>
    %add3A_958 = arith.addi %get3A_951, %and3A_957 : vector<32x128xi32>
    %swap3A_959 = arith.constant 0 : index
    %swap3A_960 = arith.constant 0 : index
    %swap3A_961 = vector.load %arg11[%swap3A_959, %swap3A_960] : memref<32x128xi32, #tpu.memory_space<vmem>>, vector<32x128xi32>
    tpu.vector_store %arg11[%swap3A_959, %swap3A_960], %add3A_958 {strides = array<i32>} : memref<32x128xi32, #tpu.memory_space<vmem>>, vector<32x128xi32>,
    %get3A_962 = arith.constant 0 : index
    %get3A_963 = arith.constant 3584 : index
    %get3A_964 = vector.load %arg1[%get3A_962, %get3A_963] : memref<32x8192xf32, #tpu.memory_space<vmem>>, vector<32x128xf32>
    %convert_element_type3A_965 = arith.fptosi %get3A_964 : vector<32x128xf32> to vector<32x128xi32>
    %max3A_966 = arith.constant -4 : i32
    %max3A_967 = vector.broadcast %max3A_966 : i32 to vector<32x128xi32>
    %max3A_968 = arith.maxsi %convert_element_type3A_965, %max3A_967 : vector<32x128xi32>
    %min3A_969 = arith.constant 4 : i32
    %min3A_970 = vector.broadcast %min3A_969 : i32 to vector<32x128xi32>
    %min3A_971 = arith.minsi %max3A_968, %min3A_970 : vector<32x128xi32>
    %mul3A_972 = arith.constant 3 : i32
    %mul3A_973 = vector.broadcast %mul3A_972 : i32 to vector<32x128xi32>
    %mul3A_974 = arith.muli %min3A_971, %mul3A_973 : vector<32x128xi32>
    %add3A_975 = arith.constant 12 : i32
    %add3A_976 = vector.broadcast %add3A_975 : i32 to vector<32x128xi32>
    %add3A_977 = arith.addi %mul3A_974, %add3A_976 : vector<32x128xi32>
    %shift_left3A_978 = arith.shli %broadcast_in_dim3A_2, %add3A_977 : vector<32x128xi32>
    %get3A_979 = arith.constant 0 : index
    %get3A_980 = arith.constant 3712 : index
    %get3A_981 = vector.load %arg1[%get3A_979, %get3A_980] : memref<32x8192xf32, #tpu.memory_space<vmem>>, vector<32x128xf32>
    %convert_element_type3A_982 = arith.fptosi %get3A_981 : vector<32x128xf32> to vector<32x128xi32>
    %max3A_983 = arith.constant -4 : i32
    %max3A_984 = vector.broadcast %max3A_983 : i32 to vector<32x128xi32>
    %max3A_985 = arith.maxsi %convert_element_type3A_982, %max3A_984 : vector<32x128xi32>
    %min3A_986 = arith.constant 4 : i32
    %min3A_987 = vector.broadcast %min3A_986 : i32 to vector<32x128xi32>
    %min3A_988 = arith.minsi %max3A_985, %min3A_987 : vector<32x128xi32>
    %mul3A_989 = arith.constant 3 : i32
    %mul3A_990 = vector.broadcast %mul3A_989 : i32 to vector<32x128xi32>
    %mul3A_991 = arith.muli %min3A_988, %mul3A_990 : vector<32x128xi32>
    %add3A_992 = arith.constant 12 : i32
    %add3A_993 = vector.broadcast %add3A_992 : i32 to vector<32x128xi32>
    %add3A_994 = arith.addi %mul3A_991, %add3A_993 : vector<32x128xi32>
    %shift_left3A_995 = arith.shli %broadcast_in_dim3A_2, %add3A_994 : vector<32x128xi32>
    %add3A_996 = arith.addi %shift_left3A_978, %shift_left3A_995 : vector<32x128xi32>
    %get3A_997 = arith.constant 0 : index
    %get3A_998 = arith.constant 3840 : index
    %get3A_999 = vector.load %arg1[%get3A_997, %get3A_998] : memref<32x8192xf32, #tpu.memory_space<vmem>>, vector<32x128xf32>
    %convert_element_type3A_1000 = arith.fptosi %get3A_999 : vector<32x128xf32> to vector<32x128xi32>
    %max3A_1001 = arith.constant -4 : i32
    %max3A_1002 = vector.broadcast %max3A_1001 : i32 to vector<32x128xi32>
    %max3A_1003 = arith.maxsi %convert_element_type3A_1000, %max3A_1002 : vector<32x128xi32>
    %min3A_1004 = arith.constant 4 : i32
    %min3A_1005 = vector.broadcast %min3A_1004 : i32 to vector<32x128xi32>
    %min3A_1006 = arith.minsi %max3A_1003, %min3A_1005 : vector<32x128xi32>
    %mul3A_1007 = arith.constant 3 : i32
    %mul3A_1008 = vector.broadcast %mul3A_1007 : i32 to vector<32x128xi32>
    %mul3A_1009 = arith.muli %min3A_1006, %mul3A_1008 : vector<32x128xi32>
    %add3A_1010 = arith.constant 12 : i32
    %add3A_1011 = vector.broadcast %add3A_1010 : i32 to vector<32x128xi32>
    %add3A_1012 = arith.addi %mul3A_1009, %add3A_1011 : vector<32x128xi32>
    %shift_left3A_1013 = arith.shli %broadcast_in_dim3A_2, %add3A_1012 : vector<32x128xi32>
    %add3A_1014 = arith.addi %add3A_996, %shift_left3A_1013 : vector<32x128xi32>
    %get3A_1015 = arith.constant 0 : index
    %get3A_1016 = arith.constant 3968 : index
    %get3A_1017 = vector.load %arg1[%get3A_1015, %get3A_1016] : memref<32x8192xf32, #tpu.memory_space<vmem>>, vector<32x128xf32>
    %convert_element_type3A_1018 = arith.fptosi %get3A_1017 : vector<32x128xf32> to vector<32x128xi32>
    %max3A_1019 = arith.constant -4 : i32
    %max3A_1020 = vector.broadcast %max3A_1019 : i32 to vector<32x128xi32>
    %max3A_1021 = arith.maxsi %convert_element_type3A_1018, %max3A_1020 : vector<32x128xi32>
    %min3A_1022 = arith.constant 4 : i32
    %min3A_1023 = vector.broadcast %min3A_1022 : i32 to vector<32x128xi32>
    %min3A_1024 = arith.minsi %max3A_1021, %min3A_1023 : vector<32x128xi32>
    %mul3A_1025 = arith.constant 3 : i32
    %mul3A_1026 = vector.broadcast %mul3A_1025 : i32 to vector<32x128xi32>
    %mul3A_1027 = arith.muli %min3A_1024, %mul3A_1026 : vector<32x128xi32>
    %add3A_1028 = arith.constant 12 : i32
    %add3A_1029 = vector.broadcast %add3A_1028 : i32 to vector<32x128xi32>
    %add3A_1030 = arith.addi %mul3A_1027, %add3A_1029 : vector<32x128xi32>
    %shift_left3A_1031 = arith.shli %broadcast_in_dim3A_2, %add3A_1030 : vector<32x128xi32>
    %add3A_1032 = arith.addi %add3A_1014, %shift_left3A_1031 : vector<32x128xi32>
    %get3A_1033 = arith.constant 0 : index
    %get3A_1034 = arith.constant 4096 : index
    %get3A_1035 = vector.load %arg1[%get3A_1033, %get3A_1034] : memref<32x8192xf32, #tpu.memory_space<vmem>>, vector<32x128xf32>
    %convert_element_type3A_1036 = arith.fptosi %get3A_1035 : vector<32x128xf32> to vector<32x128xi32>
    %max3A_1037 = arith.constant -4 : i32
    %max3A_1038 = vector.broadcast %max3A_1037 : i32 to vector<32x128xi32>
    %max3A_1039 = arith.maxsi %convert_element_type3A_1036, %max3A_1038 : vector<32x128xi32>
    %min3A_1040 = arith.constant 4 : i32
    %min3A_1041 = vector.broadcast %min3A_1040 : i32 to vector<32x128xi32>
    %min3A_1042 = arith.minsi %max3A_1039, %min3A_1041 : vector<32x128xi32>
    %mul3A_1043 = arith.constant 3 : i32
    %mul3A_1044 = vector.broadcast %mul3A_1043 : i32 to vector<32x128xi32>
    %mul3A_1045 = arith.muli %min3A_1042, %mul3A_1044 : vector<32x128xi32>
    %add3A_1046 = arith.constant 12 : i32
    %add3A_1047 = vector.broadcast %add3A_1046 : i32 to vector<32x128xi32>
    %add3A_1048 = arith.addi %mul3A_1045, %add3A_1047 : vector<32x128xi32>
    %shift_left3A_1049 = arith.shli %broadcast_in_dim3A_2, %add3A_1048 : vector<32x128xi32>
    %add3A_1050 = arith.addi %add3A_1032, %shift_left3A_1049 : vector<32x128xi32>
    %get3A_1051 = arith.constant 0 : index
    %get3A_1052 = arith.constant 4224 : index
    %get3A_1053 = vector.load %arg1[%get3A_1051, %get3A_1052] : memref<32x8192xf32, #tpu.memory_space<vmem>>, vector<32x128xf32>
    %convert_element_type3A_1054 = arith.fptosi %get3A_1053 : vector<32x128xf32> to vector<32x128xi32>
    %max3A_1055 = arith.constant -4 : i32
    %max3A_1056 = vector.broadcast %max3A_1055 : i32 to vector<32x128xi32>
    %max3A_1057 = arith.maxsi %convert_element_type3A_1054, %max3A_1056 : vector<32x128xi32>
    %min3A_1058 = arith.constant 4 : i32
    %min3A_1059 = vector.broadcast %min3A_1058 : i32 to vector<32x128xi32>
    %min3A_1060 = arith.minsi %max3A_1057, %min3A_1059 : vector<32x128xi32>
    %mul3A_1061 = arith.constant 3 : i32
    %mul3A_1062 = vector.broadcast %mul3A_1061 : i32 to vector<32x128xi32>
    %mul3A_1063 = arith.muli %min3A_1060, %mul3A_1062 : vector<32x128xi32>
    %add3A_1064 = arith.constant 12 : i32
    %add3A_1065 = vector.broadcast %add3A_1064 : i32 to vector<32x128xi32>
    %add3A_1066 = arith.addi %mul3A_1063, %add3A_1065 : vector<32x128xi32>
    %shift_left3A_1067 = arith.shli %broadcast_in_dim3A_2, %add3A_1066 : vector<32x128xi32>
    %add3A_1068 = arith.addi %add3A_1050, %shift_left3A_1067 : vector<32x128xi32>
    %get3A_1069 = arith.constant 0 : index
    %get3A_1070 = arith.constant 4352 : index
    %get3A_1071 = vector.load %arg1[%get3A_1069, %get3A_1070] : memref<32x8192xf32, #tpu.memory_space<vmem>>, vector<32x128xf32>
    %convert_element_type3A_1072 = arith.fptosi %get3A_1071 : vector<32x128xf32> to vector<32x128xi32>
    %max3A_1073 = arith.constant -4 : i32
    %max3A_1074 = vector.broadcast %max3A_1073 : i32 to vector<32x128xi32>
    %max3A_1075 = arith.maxsi %convert_element_type3A_1072, %max3A_1074 : vector<32x128xi32>
    %min3A_1076 = arith.constant 4 : i32
    %min3A_1077 = vector.broadcast %min3A_1076 : i32 to vector<32x128xi32>
    %min3A_1078 = arith.minsi %max3A_1075, %min3A_1077 : vector<32x128xi32>
    %mul3A_1079 = arith.constant 3 : i32
    %mul3A_1080 = vector.broadcast %mul3A_1079 : i32 to vector<32x128xi32>
    %mul3A_1081 = arith.muli %min3A_1078, %mul3A_1080 : vector<32x128xi32>
    %add3A_1082 = arith.constant 12 : i32
    %add3A_1083 = vector.broadcast %add3A_1082 : i32 to vector<32x128xi32>
    %add3A_1084 = arith.addi %mul3A_1081, %add3A_1083 : vector<32x128xi32>
    %shift_left3A_1085 = arith.shli %broadcast_in_dim3A_2, %add3A_1084 : vector<32x128xi32>
    %add3A_1086 = arith.addi %add3A_1068, %shift_left3A_1085 : vector<32x128xi32>
    %get3A_1087 = arith.constant 0 : index
    %get3A_1088 = arith.constant 0 : index
    %get3A_1089 = vector.load %arg3[%get3A_1087, %get3A_1088] : memref<32x128xi32, #tpu.memory_space<vmem>>, vector<32x128xi32>
    %shift_right_arithmetic3A_1090 = arith.constant 0 : i32
    %shift_right_arithmetic3A_1091 = vector.broadcast %shift_right_arithmetic3A_1090 : i32 to vector<32x128xi32>
    %shift_right_arithmetic3A_1092 = arith.shrsi %add3A_1086, %shift_right_arithmetic3A_1091 : vector<32x128xi32>
    %and3A_1093 = arith.constant 7 : i32
    %and3A_1094 = vector.broadcast %and3A_1093 : i32 to vector<32x128xi32>
    %and3A_1095 = arith.andi %shift_right_arithmetic3A_1092, %and3A_1094 : vector<32x128xi32>
    %add3A_1096 = arith.addi %get3A_1089, %and3A_1095 : vector<32x128xi32>
    %swap3A_1097 = arith.constant 0 : index
    %swap3A_1098 = arith.constant 0 : index
    %swap3A_1099 = vector.load %arg3[%swap3A_1097, %swap3A_1098] : memref<32x128xi32, #tpu.memory_space<vmem>>, vector<32x128xi32>
    tpu.vector_store %arg3[%swap3A_1097, %swap3A_1098], %add3A_1096 {strides = array<i32>} : memref<32x128xi32, #tpu.memory_space<vmem>>, vector<32x128xi32>,
    %get3A_1100 = arith.constant 0 : index
    %get3A_1101 = arith.constant 0 : index
    %get3A_1102 = vector.load %arg4[%get3A_1100, %get3A_1101] : memref<32x128xi32, #tpu.memory_space<vmem>>, vector<32x128xi32>
    %shift_right_arithmetic3A_1103 = arith.constant 3 : i32
    %shift_right_arithmetic3A_1104 = vector.broadcast %shift_right_arithmetic3A_1103 : i32 to vector<32x128xi32>
    %shift_right_arithmetic3A_1105 = arith.shrsi %add3A_1086, %shift_right_arithmetic3A_1104 : vector<32x128xi32>
    %and3A_1106 = arith.constant 7 : i32
    %and3A_1107 = vector.broadcast %and3A_1106 : i32 to vector<32x128xi32>
    %and3A_1108 = arith.andi %shift_right_arithmetic3A_1105, %and3A_1107 : vector<32x128xi32>
    %add3A_1109 = arith.addi %get3A_1102, %and3A_1108 : vector<32x128xi32>
    %swap3A_1110 = arith.constant 0 : index
    %swap3A_1111 = arith.constant 0 : index
    %swap3A_1112 = vector.load %arg4[%swap3A_1110, %swap3A_1111] : memref<32x128xi32, #tpu.memory_space<vmem>>, vector<32x128xi32>
    tpu.vector_store %arg4[%swap3A_1110, %swap3A_1111], %add3A_1109 {strides = array<i32>} : memref<32x128xi32, #tpu.memory_space<vmem>>, vector<32x128xi32>,
    %get3A_1113 = arith.constant 0 : index
    %get3A_1114 = arith.constant 0 : index
    %get3A_1115 = vector.load %arg5[%get3A_1113, %get3A_1114] : memref<32x128xi32, #tpu.memory_space<vmem>>, vector<32x128xi32>
    %shift_right_arithmetic3A_1116 = arith.constant 6 : i32
    %shift_right_arithmetic3A_1117 = vector.broadcast %shift_right_arithmetic3A_1116 : i32 to vector<32x128xi32>
    %shift_right_arithmetic3A_1118 = arith.shrsi %add3A_1086, %shift_right_arithmetic3A_1117 : vector<32x128xi32>
    %and3A_1119 = arith.constant 7 : i32
    %and3A_1120 = vector.broadcast %and3A_1119 : i32 to vector<32x128xi32>
    %and3A_1121 = arith.andi %shift_right_arithmetic3A_1118, %and3A_1120 : vector<32x128xi32>
    %add3A_1122 = arith.addi %get3A_1115, %and3A_1121 : vector<32x128xi32>
    %swap3A_1123 = arith.constant 0 : index
    %swap3A_1124 = arith.constant 0 : index
    %swap3A_1125 = vector.load %arg5[%swap3A_1123, %swap3A_1124] : memref<32x128xi32, #tpu.memory_space<vmem>>, vector<32x128xi32>
    tpu.vector_store %arg5[%swap3A_1123, %swap3A_1124], %add3A_1122 {strides = array<i32>} : memref<32x128xi32, #tpu.memory_space<vmem>>, vector<32x128xi32>,
    %get3A_1126 = arith.constant 0 : index
    %get3A_1127 = arith.constant 0 : index
    %get3A_1128 = vector.load %arg6[%get3A_1126, %get3A_1127] : memref<32x128xi32, #tpu.memory_space<vmem>>, vector<32x128xi32>
    %shift_right_arithmetic3A_1129 = arith.constant 9 : i32
    %shift_right_arithmetic3A_1130 = vector.broadcast %shift_right_arithmetic3A_1129 : i32 to vector<32x128xi32>
    %shift_right_arithmetic3A_1131 = arith.shrsi %add3A_1086, %shift_right_arithmetic3A_1130 : vector<32x128xi32>
    %and3A_1132 = arith.constant 7 : i32
    %and3A_1133 = vector.broadcast %and3A_1132 : i32 to vector<32x128xi32>
    %and3A_1134 = arith.andi %shift_right_arithmetic3A_1131, %and3A_1133 : vector<32x128xi32>
    %add3A_1135 = arith.addi %get3A_1128, %and3A_1134 : vector<32x128xi32>
    %swap3A_1136 = arith.constant 0 : index
    %swap3A_1137 = arith.constant 0 : index
    %swap3A_1138 = vector.load %arg6[%swap3A_1136, %swap3A_1137] : memref<32x128xi32, #tpu.memory_space<vmem>>, vector<32x128xi32>
    tpu.vector_store %arg6[%swap3A_1136, %swap3A_1137], %add3A_1135 {strides = array<i32>} : memref<32x128xi32, #tpu.memory_space<vmem>>, vector<32x128xi32>,
    %get3A_1139 = arith.constant 0 : index
    %get3A_1140 = arith.constant 0 : index
    %get3A_1141 = vector.load %arg7[%get3A_1139, %get3A_1140] : memref<32x128xi32, #tpu.memory_space<vmem>>, vector<32x128xi32>
    %shift_right_arithmetic3A_1142 = arith.constant 12 : i32
    %shift_right_arithmetic3A_1143 = vector.broadcast %shift_right_arithmetic3A_1142 : i32 to vector<32x128xi32>
    %shift_right_arithmetic3A_1144 = arith.shrsi %add3A_1086, %shift_right_arithmetic3A_1143 : vector<32x128xi32>
    %and3A_1145 = arith.constant 7 : i32
    %and3A_1146 = vector.broadcast %and3A_1145 : i32 to vector<32x128xi32>
    %and3A_1147 = arith.andi %shift_right_arithmetic3A_1144, %and3A_1146 : vector<32x128xi32>
    %add3A_1148 = arith.addi %get3A_1141, %and3A_1147 : vector<32x128xi32>
    %swap3A_1149 = arith.constant 0 : index
    %swap3A_1150 = arith.constant 0 : index
    %swap3A_1151 = vector.load %arg7[%swap3A_1149, %swap3A_1150] : memref<32x128xi32, #tpu.memory_space<vmem>>, vector<32x128xi32>
    tpu.vector_store %arg7[%swap3A_1149, %swap3A_1150], %add3A_1148 {strides = array<i32>} : memref<32x128xi32, #tpu.memory_space<vmem>>, vector<32x128xi32>,
    %get3A_1152 = arith.constant 0 : index
    %get3A_1153 = arith.constant 0 : index
    %get3A_1154 = vector.load %arg8[%get3A_1152, %get3A_1153] : memref<32x128xi32, #tpu.memory_space<vmem>>, vector<32x128xi32>
    %shift_right_arithmetic3A_1155 = arith.constant 15 : i32
    %shift_right_arithmetic3A_1156 = vector.broadcast %shift_right_arithmetic3A_1155 : i32 to vector<32x128xi32>
    %shift_right_arithmetic3A_1157 = arith.shrsi %add3A_1086, %shift_right_arithmetic3A_1156 : vector<32x128xi32>
    %and3A_1158 = arith.constant 7 : i32
    %and3A_1159 = vector.broadcast %and3A_1158 : i32 to vector<32x128xi32>
    %and3A_1160 = arith.andi %shift_right_arithmetic3A_1157, %and3A_1159 : vector<32x128xi32>
    %add3A_1161 = arith.addi %get3A_1154, %and3A_1160 : vector<32x128xi32>
    %swap3A_1162 = arith.constant 0 : index
    %swap3A_1163 = arith.constant 0 : index
    %swap3A_1164 = vector.load %arg8[%swap3A_1162, %swap3A_1163] : memref<32x128xi32, #tpu.memory_space<vmem>>, vector<32x128xi32>
    tpu.vector_store %arg8[%swap3A_1162, %swap3A_1163], %add3A_1161 {strides = array<i32>} : memref<32x128xi32, #tpu.memory_space<vmem>>, vector<32x128xi32>,
    %get3A_1165 = arith.constant 0 : index
    %get3A_1166 = arith.constant 0 : index
    %get3A_1167 = vector.load %arg9[%get3A_1165, %get3A_1166] : memref<32x128xi32, #tpu.memory_space<vmem>>, vector<32x128xi32>
    %shift_right_arithmetic3A_1168 = arith.constant 18 : i32
    %shift_right_arithmetic3A_1169 = vector.broadcast %shift_right_arithmetic3A_1168 : i32 to vector<32x128xi32>
    %shift_right_arithmetic3A_1170 = arith.shrsi %add3A_1086, %shift_right_arithmetic3A_1169 : vector<32x128xi32>
    %and3A_1171 = arith.constant 7 : i32
    %and3A_1172 = vector.broadcast %and3A_1171 : i32 to vector<32x128xi32>
    %and3A_1173 = arith.andi %shift_right_arithmetic3A_1170, %and3A_1172 : vector<32x128xi32>
    %add3A_1174 = arith.addi %get3A_1167, %and3A_1173 : vector<32x128xi32>
    %swap3A_1175 = arith.constant 0 : index
    %swap3A_1176 = arith.constant 0 : index
    %swap3A_1177 = vector.load %arg9[%swap3A_1175, %swap3A_1176] : memref<32x128xi32, #tpu.memory_space<vmem>>, vector<32x128xi32>
    tpu.vector_store %arg9[%swap3A_1175, %swap3A_1176], %add3A_1174 {strides = array<i32>} : memref<32x128xi32, #tpu.memory_space<vmem>>, vector<32x128xi32>,
    %get3A_1178 = arith.constant 0 : index
    %get3A_1179 = arith.constant 0 : index
    %get3A_1180 = vector.load %arg10[%get3A_1178, %get3A_1179] : memref<32x128xi32, #tpu.memory_space<vmem>>, vector<32x128xi32>
    %shift_right_arithmetic3A_1181 = arith.constant 21 : i32
    %shift_right_arithmetic3A_1182 = vector.broadcast %shift_right_arithmetic3A_1181 : i32 to vector<32x128xi32>
    %shift_right_arithmetic3A_1183 = arith.shrsi %add3A_1086, %shift_right_arithmetic3A_1182 : vector<32x128xi32>
    %and3A_1184 = arith.constant 7 : i32
    %and3A_1185 = vector.broadcast %and3A_1184 : i32 to vector<32x128xi32>
    %and3A_1186 = arith.andi %shift_right_arithmetic3A_1183, %and3A_1185 : vector<32x128xi32>
    %add3A_1187 = arith.addi %get3A_1180, %and3A_1186 : vector<32x128xi32>
    %swap3A_1188 = arith.constant 0 : index
    %swap3A_1189 = arith.constant 0 : index
    %swap3A_1190 = vector.load %arg10[%swap3A_1188, %swap3A_1189] : memref<32x128xi32, #tpu.memory_space<vmem>>, vector<32x128xi32>
    tpu.vector_store %arg10[%swap3A_1188, %swap3A_1189], %add3A_1187 {strides = array<i32>} : memref<32x128xi32, #tpu.memory_space<vmem>>, vector<32x128xi32>,
    %get3A_1191 = arith.constant 0 : index
    %get3A_1192 = arith.constant 0 : index
    %get3A_1193 = vector.load %arg11[%get3A_1191, %get3A_1192] : memref<32x128xi32, #tpu.memory_space<vmem>>, vector<32x128xi32>
    %shift_right_arithmetic3A_1194 = arith.constant 24 : i32
    %shift_right_arithmetic3A_1195 = vector.broadcast %shift_right_arithmetic3A_1194 : i32 to vector<32x128xi32>
    %shift_right_arithmetic3A_1196 = arith.shrsi %add3A_1086, %shift_right_arithmetic3A_1195 : vector<32x128xi32>
    %and3A_1197 = arith.constant 7 : i32
    %and3A_1198 = vector.broadcast %and3A_1197 : i32 to vector<32x128xi32>
    %and3A_1199 = arith.andi %shift_right_arithmetic3A_1196, %and3A_1198 : vector<32x128xi32>
    %add3A_1200 = arith.addi %get3A_1193, %and3A_1199 : vector<32x128xi32>
    %swap3A_1201 = arith.constant 0 : index
    %swap3A_1202 = arith.constant 0 : index
    %swap3A_1203 = vector.load %arg11[%swap3A_1201, %swap3A_1202] : memref<32x128xi32, #tpu.memory_space<vmem>>, vector<32x128xi32>
    tpu.vector_store %arg11[%swap3A_1201, %swap3A_1202], %add3A_1200 {strides = array<i32>} : memref<32x128xi32, #tpu.memory_space<vmem>>, vector<32x128xi32>,
    %get3A_1204 = arith.constant 0 : index
    %get3A_1205 = arith.constant 4480 : index
    %get3A_1206 = vector.load %arg1[%get3A_1204, %get3A_1205] : memref<32x8192xf32, #tpu.memory_space<vmem>>, vector<32x128xf32>
    %convert_element_type3A_1207 = arith.fptosi %get3A_1206 : vector<32x128xf32> to vector<32x128xi32>
    %max3A_1208 = arith.constant -4 : i32
    %max3A_1209 = vector.broadcast %max3A_1208 : i32 to vector<32x128xi32>
    %max3A_1210 = arith.maxsi %convert_element_type3A_1207, %max3A_1209 : vector<32x128xi32>
    %min3A_1211 = arith.constant 4 : i32
    %min3A_1212 = vector.broadcast %min3A_1211 : i32 to vector<32x128xi32>
    %min3A_1213 = arith.minsi %max3A_1210, %min3A_1212 : vector<32x128xi32>
    %mul3A_1214 = arith.constant 3 : i32
    %mul3A_1215 = vector.broadcast %mul3A_1214 : i32 to vector<32x128xi32>
    %mul3A_1216 = arith.muli %min3A_1213, %mul3A_1215 : vector<32x128xi32>
    %add3A_1217 = arith.constant 12 : i32
    %add3A_1218 = vector.broadcast %add3A_1217 : i32 to vector<32x128xi32>
    %add3A_1219 = arith.addi %mul3A_1216, %add3A_1218 : vector<32x128xi32>
    %shift_left3A_1220 = arith.shli %broadcast_in_dim3A_2, %add3A_1219 : vector<32x128xi32>
    %get3A_1221 = arith.constant 0 : index
    %get3A_1222 = arith.constant 4608 : index
    %get3A_1223 = vector.load %arg1[%get3A_1221, %get3A_1222] : memref<32x8192xf32, #tpu.memory_space<vmem>>, vector<32x128xf32>
    %convert_element_type3A_1224 = arith.fptosi %get3A_1223 : vector<32x128xf32> to vector<32x128xi32>
    %max3A_1225 = arith.constant -4 : i32
    %max3A_1226 = vector.broadcast %max3A_1225 : i32 to vector<32x128xi32>
    %max3A_1227 = arith.maxsi %convert_element_type3A_1224, %max3A_1226 : vector<32x128xi32>
    %min3A_1228 = arith.constant 4 : i32
    %min3A_1229 = vector.broadcast %min3A_1228 : i32 to vector<32x128xi32>
    %min3A_1230 = arith.minsi %max3A_1227, %min3A_1229 : vector<32x128xi32>
    %mul3A_1231 = arith.constant 3 : i32
    %mul3A_1232 = vector.broadcast %mul3A_1231 : i32 to vector<32x128xi32>
    %mul3A_1233 = arith.muli %min3A_1230, %mul3A_1232 : vector<32x128xi32>
    %add3A_1234 = arith.constant 12 : i32
    %add3A_1235 = vector.broadcast %add3A_1234 : i32 to vector<32x128xi32>
    %add3A_1236 = arith.addi %mul3A_1233, %add3A_1235 : vector<32x128xi32>
    %shift_left3A_1237 = arith.shli %broadcast_in_dim3A_2, %add3A_1236 : vector<32x128xi32>
    %add3A_1238 = arith.addi %shift_left3A_1220, %shift_left3A_1237 : vector<32x128xi32>
    %get3A_1239 = arith.constant 0 : index
    %get3A_1240 = arith.constant 4736 : index
    %get3A_1241 = vector.load %arg1[%get3A_1239, %get3A_1240] : memref<32x8192xf32, #tpu.memory_space<vmem>>, vector<32x128xf32>
    %convert_element_type3A_1242 = arith.fptosi %get3A_1241 : vector<32x128xf32> to vector<32x128xi32>
    %max3A_1243 = arith.constant -4 : i32
    %max3A_1244 = vector.broadcast %max3A_1243 : i32 to vector<32x128xi32>
    %max3A_1245 = arith.maxsi %convert_element_type3A_1242, %max3A_1244 : vector<32x128xi32>
    %min3A_1246 = arith.constant 4 : i32
    %min3A_1247 = vector.broadcast %min3A_1246 : i32 to vector<32x128xi32>
    %min3A_1248 = arith.minsi %max3A_1245, %min3A_1247 : vector<32x128xi32>
    %mul3A_1249 = arith.constant 3 : i32
    %mul3A_1250 = vector.broadcast %mul3A_1249 : i32 to vector<32x128xi32>
    %mul3A_1251 = arith.muli %min3A_1248, %mul3A_1250 : vector<32x128xi32>
    %add3A_1252 = arith.constant 12 : i32
    %add3A_1253 = vector.broadcast %add3A_1252 : i32 to vector<32x128xi32>
    %add3A_1254 = arith.addi %mul3A_1251, %add3A_1253 : vector<32x128xi32>
    %shift_left3A_1255 = arith.shli %broadcast_in_dim3A_2, %add3A_1254 : vector<32x128xi32>
    %add3A_1256 = arith.addi %add3A_1238, %shift_left3A_1255 : vector<32x128xi32>
    %get3A_1257 = arith.constant 0 : index
    %get3A_1258 = arith.constant 4864 : index
    %get3A_1259 = vector.load %arg1[%get3A_1257, %get3A_1258] : memref<32x8192xf32, #tpu.memory_space<vmem>>, vector<32x128xf32>
    %convert_element_type3A_1260 = arith.fptosi %get3A_1259 : vector<32x128xf32> to vector<32x128xi32>
    %max3A_1261 = arith.constant -4 : i32
    %max3A_1262 = vector.broadcast %max3A_1261 : i32 to vector<32x128xi32>
    %max3A_1263 = arith.maxsi %convert_element_type3A_1260, %max3A_1262 : vector<32x128xi32>
    %min3A_1264 = arith.constant 4 : i32
    %min3A_1265 = vector.broadcast %min3A_1264 : i32 to vector<32x128xi32>
    %min3A_1266 = arith.minsi %max3A_1263, %min3A_1265 : vector<32x128xi32>
    %mul3A_1267 = arith.constant 3 : i32
    %mul3A_1268 = vector.broadcast %mul3A_1267 : i32 to vector<32x128xi32>
    %mul3A_1269 = arith.muli %min3A_1266, %mul3A_1268 : vector<32x128xi32>
    %add3A_1270 = arith.constant 12 : i32
    %add3A_1271 = vector.broadcast %add3A_1270 : i32 to vector<32x128xi32>
    %add3A_1272 = arith.addi %mul3A_1269, %add3A_1271 : vector<32x128xi32>
    %shift_left3A_1273 = arith.shli %broadcast_in_dim3A_2, %add3A_1272 : vector<32x128xi32>
    %add3A_1274 = arith.addi %add3A_1256, %shift_left3A_1273 : vector<32x128xi32>
    %get3A_1275 = arith.constant 0 : index
    %get3A_1276 = arith.constant 4992 : index
    %get3A_1277 = vector.load %arg1[%get3A_1275, %get3A_1276] : memref<32x8192xf32, #tpu.memory_space<vmem>>, vector<32x128xf32>
    %convert_element_type3A_1278 = arith.fptosi %get3A_1277 : vector<32x128xf32> to vector<32x128xi32>
    %max3A_1279 = arith.constant -4 : i32
    %max3A_1280 = vector.broadcast %max3A_1279 : i32 to vector<32x128xi32>
    %max3A_1281 = arith.maxsi %convert_element_type3A_1278, %max3A_1280 : vector<32x128xi32>
    %min3A_1282 = arith.constant 4 : i32
    %min3A_1283 = vector.broadcast %min3A_1282 : i32 to vector<32x128xi32>
    %min3A_1284 = arith.minsi %max3A_1281, %min3A_1283 : vector<32x128xi32>
    %mul3A_1285 = arith.constant 3 : i32
    %mul3A_1286 = vector.broadcast %mul3A_1285 : i32 to vector<32x128xi32>
    %mul3A_1287 = arith.muli %min3A_1284, %mul3A_1286 : vector<32x128xi32>
    %add3A_1288 = arith.constant 12 : i32
    %add3A_1289 = vector.broadcast %add3A_1288 : i32 to vector<32x128xi32>
    %add3A_1290 = arith.addi %mul3A_1287, %add3A_1289 : vector<32x128xi32>
    %shift_left3A_1291 = arith.shli %broadcast_in_dim3A_2, %add3A_1290 : vector<32x128xi32>
    %add3A_1292 = arith.addi %add3A_1274, %shift_left3A_1291 : vector<32x128xi32>
    %get3A_1293 = arith.constant 0 : index
    %get3A_1294 = arith.constant 5120 : index
    %get3A_1295 = vector.load %arg1[%get3A_1293, %get3A_1294] : memref<32x8192xf32, #tpu.memory_space<vmem>>, vector<32x128xf32>
    %convert_element_type3A_1296 = arith.fptosi %get3A_1295 : vector<32x128xf32> to vector<32x128xi32>
    %max3A_1297 = arith.constant -4 : i32
    %max3A_1298 = vector.broadcast %max3A_1297 : i32 to vector<32x128xi32>
    %max3A_1299 = arith.maxsi %convert_element_type3A_1296, %max3A_1298 : vector<32x128xi32>
    %min3A_1300 = arith.constant 4 : i32
    %min3A_1301 = vector.broadcast %min3A_1300 : i32 to vector<32x128xi32>
    %min3A_1302 = arith.minsi %max3A_1299, %min3A_1301 : vector<32x128xi32>
    %mul3A_1303 = arith.constant 3 : i32
    %mul3A_1304 = vector.broadcast %mul3A_1303 : i32 to vector<32x128xi32>
    %mul3A_1305 = arith.muli %min3A_1302, %mul3A_1304 : vector<32x128xi32>
    %add3A_1306 = arith.constant 12 : i32
    %add3A_1307 = vector.broadcast %add3A_1306 : i32 to vector<32x128xi32>
    %add3A_1308 = arith.addi %mul3A_1305, %add3A_1307 : vector<32x128xi32>
    %shift_left3A_1309 = arith.shli %broadcast_in_dim3A_2, %add3A_1308 : vector<32x128xi32>
    %add3A_1310 = arith.addi %add3A_1292, %shift_left3A_1309 : vector<32x128xi32>
    %get3A_1311 = arith.constant 0 : index
    %get3A_1312 = arith.constant 5248 : index
    %get3A_1313 = vector.load %arg1[%get3A_1311, %get3A_1312] : memref<32x8192xf32, #tpu.memory_space<vmem>>, vector<32x128xf32>
    %convert_element_type3A_1314 = arith.fptosi %get3A_1313 : vector<32x128xf32> to vector<32x128xi32>
    %max3A_1315 = arith.constant -4 : i32
    %max3A_1316 = vector.broadcast %max3A_1315 : i32 to vector<32x128xi32>
    %max3A_1317 = arith.maxsi %convert_element_type3A_1314, %max3A_1316 : vector<32x128xi32>
    %min3A_1318 = arith.constant 4 : i32
    %min3A_1319 = vector.broadcast %min3A_1318 : i32 to vector<32x128xi32>
    %min3A_1320 = arith.minsi %max3A_1317, %min3A_1319 : vector<32x128xi32>
    %mul3A_1321 = arith.constant 3 : i32
    %mul3A_1322 = vector.broadcast %mul3A_1321 : i32 to vector<32x128xi32>
    %mul3A_1323 = arith.muli %min3A_1320, %mul3A_1322 : vector<32x128xi32>
    %add3A_1324 = arith.constant 12 : i32
    %add3A_1325 = vector.broadcast %add3A_1324 : i32 to vector<32x128xi32>
    %add3A_1326 = arith.addi %mul3A_1323, %add3A_1325 : vector<32x128xi32>
    %shift_left3A_1327 = arith.shli %broadcast_in_dim3A_2, %add3A_1326 : vector<32x128xi32>
    %add3A_1328 = arith.addi %add3A_1310, %shift_left3A_1327 : vector<32x128xi32>
    %get3A_1329 = arith.constant 0 : index
    %get3A_1330 = arith.constant 0 : index
    %get3A_1331 = vector.load %arg3[%get3A_1329, %get3A_1330] : memref<32x128xi32, #tpu.memory_space<vmem>>, vector<32x128xi32>
    %shift_right_arithmetic3A_1332 = arith.constant 0 : i32
    %shift_right_arithmetic3A_1333 = vector.broadcast %shift_right_arithmetic3A_1332 : i32 to vector<32x128xi32>
    %shift_right_arithmetic3A_1334 = arith.shrsi %add3A_1328, %shift_right_arithmetic3A_1333 : vector<32x128xi32>
    %and3A_1335 = arith.constant 7 : i32
    %and3A_1336 = vector.broadcast %and3A_1335 : i32 to vector<32x128xi32>
    %and3A_1337 = arith.andi %shift_right_arithmetic3A_1334, %and3A_1336 : vector<32x128xi32>
    %add3A_1338 = arith.addi %get3A_1331, %and3A_1337 : vector<32x128xi32>
    %swap3A_1339 = arith.constant 0 : index
    %swap3A_1340 = arith.constant 0 : index
    %swap3A_1341 = vector.load %arg3[%swap3A_1339, %swap3A_1340] : memref<32x128xi32, #tpu.memory_space<vmem>>, vector<32x128xi32>
    tpu.vector_store %arg3[%swap3A_1339, %swap3A_1340], %add3A_1338 {strides = array<i32>} : memref<32x128xi32, #tpu.memory_space<vmem>>, vector<32x128xi32>,
    %get3A_1342 = arith.constant 0 : index
    %get3A_1343 = arith.constant 0 : index
    %get3A_1344 = vector.load %arg4[%get3A_1342, %get3A_1343] : memref<32x128xi32, #tpu.memory_space<vmem>>, vector<32x128xi32>
    %shift_right_arithmetic3A_1345 = arith.constant 3 : i32
    %shift_right_arithmetic3A_1346 = vector.broadcast %shift_right_arithmetic3A_1345 : i32 to vector<32x128xi32>
    %shift_right_arithmetic3A_1347 = arith.shrsi %add3A_1328, %shift_right_arithmetic3A_1346 : vector<32x128xi32>
    %and3A_1348 = arith.constant 7 : i32
    %and3A_1349 = vector.broadcast %and3A_1348 : i32 to vector<32x128xi32>
    %and3A_1350 = arith.andi %shift_right_arithmetic3A_1347, %and3A_1349 : vector<32x128xi32>
    %add3A_1351 = arith.addi %get3A_1344, %and3A_1350 : vector<32x128xi32>
    %swap3A_1352 = arith.constant 0 : index
    %swap3A_1353 = arith.constant 0 : index
    %swap3A_1354 = vector.load %arg4[%swap3A_1352, %swap3A_1353] : memref<32x128xi32, #tpu.memory_space<vmem>>, vector<32x128xi32>
    tpu.vector_store %arg4[%swap3A_1352, %swap3A_1353], %add3A_1351 {strides = array<i32>} : memref<32x128xi32, #tpu.memory_space<vmem>>, vector<32x128xi32>,
    %get3A_1355 = arith.constant 0 : index
    %get3A_1356 = arith.constant 0 : index
    %get3A_1357 = vector.load %arg5[%get3A_1355, %get3A_1356] : memref<32x128xi32, #tpu.memory_space<vmem>>, vector<32x128xi32>
    %shift_right_arithmetic3A_1358 = arith.constant 6 : i32
    %shift_right_arithmetic3A_1359 = vector.broadcast %shift_right_arithmetic3A_1358 : i32 to vector<32x128xi32>
    %shift_right_arithmetic3A_1360 = arith.shrsi %add3A_1328, %shift_right_arithmetic3A_1359 : vector<32x128xi32>
    %and3A_1361 = arith.constant 7 : i32
    %and3A_1362 = vector.broadcast %and3A_1361 : i32 to vector<32x128xi32>
    %and3A_1363 = arith.andi %shift_right_arithmetic3A_1360, %and3A_1362 : vector<32x128xi32>
    %add3A_1364 = arith.addi %get3A_1357, %and3A_1363 : vector<32x128xi32>
    %swap3A_1365 = arith.constant 0 : index
    %swap3A_1366 = arith.constant 0 : index
    %swap3A_1367 = vector.load %arg5[%swap3A_1365, %swap3A_1366] : memref<32x128xi32, #tpu.memory_space<vmem>>, vector<32x128xi32>
    tpu.vector_store %arg5[%swap3A_1365, %swap3A_1366], %add3A_1364 {strides = array<i32>} : memref<32x128xi32, #tpu.memory_space<vmem>>, vector<32x128xi32>,
    %get3A_1368 = arith.constant 0 : index
    %get3A_1369 = arith.constant 0 : index
    %get3A_1370 = vector.load %arg6[%get3A_1368, %get3A_1369] : memref<32x128xi32, #tpu.memory_space<vmem>>, vector<32x128xi32>
    %shift_right_arithmetic3A_1371 = arith.constant 9 : i32
    %shift_right_arithmetic3A_1372 = vector.broadcast %shift_right_arithmetic3A_1371 : i32 to vector<32x128xi32>
    %shift_right_arithmetic3A_1373 = arith.shrsi %add3A_1328, %shift_right_arithmetic3A_1372 : vector<32x128xi32>
    %and3A_1374 = arith.constant 7 : i32
    %and3A_1375 = vector.broadcast %and3A_1374 : i32 to vector<32x128xi32>
    %and3A_1376 = arith.andi %shift_right_arithmetic3A_1373, %and3A_1375 : vector<32x128xi32>
    %add3A_1377 = arith.addi %get3A_1370, %and3A_1376 : vector<32x128xi32>
    %swap3A_1378 = arith.constant 0 : index
    %swap3A_1379 = arith.constant 0 : index
    %swap3A_1380 = vector.load %arg6[%swap3A_1378, %swap3A_1379] : memref<32x128xi32, #tpu.memory_space<vmem>>, vector<32x128xi32>
    tpu.vector_store %arg6[%swap3A_1378, %swap3A_1379], %add3A_1377 {strides = array<i32>} : memref<32x128xi32, #tpu.memory_space<vmem>>, vector<32x128xi32>,
    %get3A_1381 = arith.constant 0 : index
    %get3A_1382 = arith.constant 0 : index
    %get3A_1383 = vector.load %arg7[%get3A_1381, %get3A_1382] : memref<32x128xi32, #tpu.memory_space<vmem>>, vector<32x128xi32>
    %shift_right_arithmetic3A_1384 = arith.constant 12 : i32
    %shift_right_arithmetic3A_1385 = vector.broadcast %shift_right_arithmetic3A_1384 : i32 to vector<32x128xi32>
    %shift_right_arithmetic3A_1386 = arith.shrsi %add3A_1328, %shift_right_arithmetic3A_1385 : vector<32x128xi32>
    %and3A_1387 = arith.constant 7 : i32
    %and3A_1388 = vector.broadcast %and3A_1387 : i32 to vector<32x128xi32>
    %and3A_1389 = arith.andi %shift_right_arithmetic3A_1386, %and3A_1388 : vector<32x128xi32>
    %add3A_1390 = arith.addi %get3A_1383, %and3A_1389 : vector<32x128xi32>
    %swap3A_1391 = arith.constant 0 : index
    %swap3A_1392 = arith.constant 0 : index
    %swap3A_1393 = vector.load %arg7[%swap3A_1391, %swap3A_1392] : memref<32x128xi32, #tpu.memory_space<vmem>>, vector<32x128xi32>
    tpu.vector_store %arg7[%swap3A_1391, %swap3A_1392], %add3A_1390 {strides = array<i32>} : memref<32x128xi32, #tpu.memory_space<vmem>>, vector<32x128xi32>,
    %get3A_1394 = arith.constant 0 : index
    %get3A_1395 = arith.constant 0 : index
    %get3A_1396 = vector.load %arg8[%get3A_1394, %get3A_1395] : memref<32x128xi32, #tpu.memory_space<vmem>>, vector<32x128xi32>
    %shift_right_arithmetic3A_1397 = arith.constant 15 : i32
    %shift_right_arithmetic3A_1398 = vector.broadcast %shift_right_arithmetic3A_1397 : i32 to vector<32x128xi32>
    %shift_right_arithmetic3A_1399 = arith.shrsi %add3A_1328, %shift_right_arithmetic3A_1398 : vector<32x128xi32>
    %and3A_1400 = arith.constant 7 : i32
    %and3A_1401 = vector.broadcast %and3A_1400 : i32 to vector<32x128xi32>
    %and3A_1402 = arith.andi %shift_right_arithmetic3A_1399, %and3A_1401 : vector<32x128xi32>
    %add3A_1403 = arith.addi %get3A_1396, %and3A_1402 : vector<32x128xi32>
    %swap3A_1404 = arith.constant 0 : index
    %swap3A_1405 = arith.constant 0 : index
    %swap3A_1406 = vector.load %arg8[%swap3A_1404, %swap3A_1405] : memref<32x128xi32, #tpu.memory_space<vmem>>, vector<32x128xi32>
    tpu.vector_store %arg8[%swap3A_1404, %swap3A_1405], %add3A_1403 {strides = array<i32>} : memref<32x128xi32, #tpu.memory_space<vmem>>, vector<32x128xi32>,
    %get3A_1407 = arith.constant 0 : index
    %get3A_1408 = arith.constant 0 : index
    %get3A_1409 = vector.load %arg9[%get3A_1407, %get3A_1408] : memref<32x128xi32, #tpu.memory_space<vmem>>, vector<32x128xi32>
    %shift_right_arithmetic3A_1410 = arith.constant 18 : i32
    %shift_right_arithmetic3A_1411 = vector.broadcast %shift_right_arithmetic3A_1410 : i32 to vector<32x128xi32>
    %shift_right_arithmetic3A_1412 = arith.shrsi %add3A_1328, %shift_right_arithmetic3A_1411 : vector<32x128xi32>
    %and3A_1413 = arith.constant 7 : i32
    %and3A_1414 = vector.broadcast %and3A_1413 : i32 to vector<32x128xi32>
    %and3A_1415 = arith.andi %shift_right_arithmetic3A_1412, %and3A_1414 : vector<32x128xi32>
    %add3A_1416 = arith.addi %get3A_1409, %and3A_1415 : vector<32x128xi32>
    %swap3A_1417 = arith.constant 0 : index
    %swap3A_1418 = arith.constant 0 : index
    %swap3A_1419 = vector.load %arg9[%swap3A_1417, %swap3A_1418] : memref<32x128xi32, #tpu.memory_space<vmem>>, vector<32x128xi32>
    tpu.vector_store %arg9[%swap3A_1417, %swap3A_1418], %add3A_1416 {strides = array<i32>} : memref<32x128xi32, #tpu.memory_space<vmem>>, vector<32x128xi32>,
    %get3A_1420 = arith.constant 0 : index
    %get3A_1421 = arith.constant 0 : index
    %get3A_1422 = vector.load %arg10[%get3A_1420, %get3A_1421] : memref<32x128xi32, #tpu.memory_space<vmem>>, vector<32x128xi32>
    %shift_right_arithmetic3A_1423 = arith.constant 21 : i32
    %shift_right_arithmetic3A_1424 = vector.broadcast %shift_right_arithmetic3A_1423 : i32 to vector<32x128xi32>
    %shift_right_arithmetic3A_1425 = arith.shrsi %add3A_1328, %shift_right_arithmetic3A_1424 : vector<32x128xi32>
    %and3A_1426 = arith.constant 7 : i32
    %and3A_1427 = vector.broadcast %and3A_1426 : i32 to vector<32x128xi32>
    %and3A_1428 = arith.andi %shift_right_arithmetic3A_1425, %and3A_1427 : vector<32x128xi32>
    %add3A_1429 = arith.addi %get3A_1422, %and3A_1428 : vector<32x128xi32>
    %swap3A_1430 = arith.constant 0 : index
    %swap3A_1431 = arith.constant 0 : index
    %swap3A_1432 = vector.load %arg10[%swap3A_1430, %swap3A_1431] : memref<32x128xi32, #tpu.memory_space<vmem>>, vector<32x128xi32>
    tpu.vector_store %arg10[%swap3A_1430, %swap3A_1431], %add3A_1429 {strides = array<i32>} : memref<32x128xi32, #tpu.memory_space<vmem>>, vector<32x128xi32>,
    %get3A_1433 = arith.constant 0 : index
    %get3A_1434 = arith.constant 0 : index
    %get3A_1435 = vector.load %arg11[%get3A_1433, %get3A_1434] : memref<32x128xi32, #tpu.memory_space<vmem>>, vector<32x128xi32>
    %shift_right_arithmetic3A_1436 = arith.constant 24 : i32
    %shift_right_arithmetic3A_1437 = vector.broadcast %shift_right_arithmetic3A_1436 : i32 to vector<32x128xi32>
    %shift_right_arithmetic3A_1438 = arith.shrsi %add3A_1328, %shift_right_arithmetic3A_1437 : vector<32x128xi32>
    %and3A_1439 = arith.constant 7 : i32
    %and3A_1440 = vector.broadcast %and3A_1439 : i32 to vector<32x128xi32>
    %and3A_1441 = arith.andi %shift_right_arithmetic3A_1438, %and3A_1440 : vector<32x128xi32>
    %add3A_1442 = arith.addi %get3A_1435, %and3A_1441 : vector<32x128xi32>
    %swap3A_1443 = arith.constant 0 : index
    %swap3A_1444 = arith.constant 0 : index
    %swap3A_1445 = vector.load %arg11[%swap3A_1443, %swap3A_1444] : memref<32x128xi32, #tpu.memory_space<vmem>>, vector<32x128xi32>
    tpu.vector_store %arg11[%swap3A_1443, %swap3A_1444], %add3A_1442 {strides = array<i32>} : memref<32x128xi32, #tpu.memory_space<vmem>>, vector<32x128xi32>,
    %get3A_1446 = arith.constant 0 : index
    %get3A_1447 = arith.constant 5376 : index
    %get3A_1448 = vector.load %arg1[%get3A_1446, %get3A_1447] : memref<32x8192xf32, #tpu.memory_space<vmem>>, vector<32x128xf32>
    %convert_element_type3A_1449 = arith.fptosi %get3A_1448 : vector<32x128xf32> to vector<32x128xi32>
    %max3A_1450 = arith.constant -4 : i32
    %max3A_1451 = vector.broadcast %max3A_1450 : i32 to vector<32x128xi32>
    %max3A_1452 = arith.maxsi %convert_element_type3A_1449, %max3A_1451 : vector<32x128xi32>
    %min3A_1453 = arith.constant 4 : i32
    %min3A_1454 = vector.broadcast %min3A_1453 : i32 to vector<32x128xi32>
    %min3A_1455 = arith.minsi %max3A_1452, %min3A_1454 : vector<32x128xi32>
    %mul3A_1456 = arith.constant 3 : i32
    %mul3A_1457 = vector.broadcast %mul3A_1456 : i32 to vector<32x128xi32>
    %mul3A_1458 = arith.muli %min3A_1455, %mul3A_1457 : vector<32x128xi32>
    %add3A_1459 = arith.constant 12 : i32
    %add3A_1460 = vector.broadcast %add3A_1459 : i32 to vector<32x128xi32>
    %add3A_1461 = arith.addi %mul3A_1458, %add3A_1460 : vector<32x128xi32>
    %shift_left3A_1462 = arith.shli %broadcast_in_dim3A_2, %add3A_1461 : vector<32x128xi32>
    %get3A_1463 = arith.constant 0 : index
    %get3A_1464 = arith.constant 5504 : index
    %get3A_1465 = vector.load %arg1[%get3A_1463, %get3A_1464] : memref<32x8192xf32, #tpu.memory_space<vmem>>, vector<32x128xf32>
    %convert_element_type3A_1466 = arith.fptosi %get3A_1465 : vector<32x128xf32> to vector<32x128xi32>
    %max3A_1467 = arith.constant -4 : i32
    %max3A_1468 = vector.broadcast %max3A_1467 : i32 to vector<32x128xi32>
    %max3A_1469 = arith.maxsi %convert_element_type3A_1466, %max3A_1468 : vector<32x128xi32>
    %min3A_1470 = arith.constant 4 : i32
    %min3A_1471 = vector.broadcast %min3A_1470 : i32 to vector<32x128xi32>
    %min3A_1472 = arith.minsi %max3A_1469, %min3A_1471 : vector<32x128xi32>
    %mul3A_1473 = arith.constant 3 : i32
    %mul3A_1474 = vector.broadcast %mul3A_1473 : i32 to vector<32x128xi32>
    %mul3A_1475 = arith.muli %min3A_1472, %mul3A_1474 : vector<32x128xi32>
    %add3A_1476 = arith.constant 12 : i32
    %add3A_1477 = vector.broadcast %add3A_1476 : i32 to vector<32x128xi32>
    %add3A_1478 = arith.addi %mul3A_1475, %add3A_1477 : vector<32x128xi32>
    %shift_left3A_1479 = arith.shli %broadcast_in_dim3A_2, %add3A_1478 : vector<32x128xi32>
    %add3A_1480 = arith.addi %shift_left3A_1462, %shift_left3A_1479 : vector<32x128xi32>
    %get3A_1481 = arith.constant 0 : index
    %get3A_1482 = arith.constant 5632 : index
    %get3A_1483 = vector.load %arg1[%get3A_1481, %get3A_1482] : memref<32x8192xf32, #tpu.memory_space<vmem>>, vector<32x128xf32>
    %convert_element_type3A_1484 = arith.fptosi %get3A_1483 : vector<32x128xf32> to vector<32x128xi32>
    %max3A_1485 = arith.constant -4 : i32
    %max3A_1486 = vector.broadcast %max3A_1485 : i32 to vector<32x128xi32>
    %max3A_1487 = arith.maxsi %convert_element_type3A_1484, %max3A_1486 : vector<32x128xi32>
    %min3A_1488 = arith.constant 4 : i32
    %min3A_1489 = vector.broadcast %min3A_1488 : i32 to vector<32x128xi32>
    %min3A_1490 = arith.minsi %max3A_1487, %min3A_1489 : vector<32x128xi32>
    %mul3A_1491 = arith.constant 3 : i32
    %mul3A_1492 = vector.broadcast %mul3A_1491 : i32 to vector<32x128xi32>
    %mul3A_1493 = arith.muli %min3A_1490, %mul3A_1492 : vector<32x128xi32>
    %add3A_1494 = arith.constant 12 : i32
    %add3A_1495 = vector.broadcast %add3A_1494 : i32 to vector<32x128xi32>
    %add3A_1496 = arith.addi %mul3A_1493, %add3A_1495 : vector<32x128xi32>
    %shift_left3A_1497 = arith.shli %broadcast_in_dim3A_2, %add3A_1496 : vector<32x128xi32>
    %add3A_1498 = arith.addi %add3A_1480, %shift_left3A_1497 : vector<32x128xi32>
    %get3A_1499 = arith.constant 0 : index
    %get3A_1500 = arith.constant 5760 : index
    %get3A_1501 = vector.load %arg1[%get3A_1499, %get3A_1500] : memref<32x8192xf32, #tpu.memory_space<vmem>>, vector<32x128xf32>
    %convert_element_type3A_1502 = arith.fptosi %get3A_1501 : vector<32x128xf32> to vector<32x128xi32>
    %max3A_1503 = arith.constant -4 : i32
    %max3A_1504 = vector.broadcast %max3A_1503 : i32 to vector<32x128xi32>
    %max3A_1505 = arith.maxsi %convert_element_type3A_1502, %max3A_1504 : vector<32x128xi32>
    %min3A_1506 = arith.constant 4 : i32
    %min3A_1507 = vector.broadcast %min3A_1506 : i32 to vector<32x128xi32>
    %min3A_1508 = arith.minsi %max3A_1505, %min3A_1507 : vector<32x128xi32>
    %mul3A_1509 = arith.constant 3 : i32
    %mul3A_1510 = vector.broadcast %mul3A_1509 : i32 to vector<32x128xi32>
    %mul3A_1511 = arith.muli %min3A_1508, %mul3A_1510 : vector<32x128xi32>
    %add3A_1512 = arith.constant 12 : i32
    %add3A_1513 = vector.broadcast %add3A_1512 : i32 to vector<32x128xi32>
    %add3A_1514 = arith.addi %mul3A_1511, %add3A_1513 : vector<32x128xi32>
    %shift_left3A_1515 = arith.shli %broadcast_in_dim3A_2, %add3A_1514 : vector<32x128xi32>
    %add3A_1516 = arith.addi %add3A_1498, %shift_left3A_1515 : vector<32x128xi32>
    %get3A_1517 = arith.constant 0 : index
    %get3A_1518 = arith.constant 5888 : index
    %get3A_1519 = vector.load %arg1[%get3A_1517, %get3A_1518] : memref<32x8192xf32, #tpu.memory_space<vmem>>, vector<32x128xf32>
    %convert_element_type3A_1520 = arith.fptosi %get3A_1519 : vector<32x128xf32> to vector<32x128xi32>
    %max3A_1521 = arith.constant -4 : i32
    %max3A_1522 = vector.broadcast %max3A_1521 : i32 to vector<32x128xi32>
    %max3A_1523 = arith.maxsi %convert_element_type3A_1520, %max3A_1522 : vector<32x128xi32>
    %min3A_1524 = arith.constant 4 : i32
    %min3A_1525 = vector.broadcast %min3A_1524 : i32 to vector<32x128xi32>
    %min3A_1526 = arith.minsi %max3A_1523, %min3A_1525 : vector<32x128xi32>
    %mul3A_1527 = arith.constant 3 : i32
    %mul3A_1528 = vector.broadcast %mul3A_1527 : i32 to vector<32x128xi32>
    %mul3A_1529 = arith.muli %min3A_1526, %mul3A_1528 : vector<32x128xi32>
    %add3A_1530 = arith.constant 12 : i32
    %add3A_1531 = vector.broadcast %add3A_1530 : i32 to vector<32x128xi32>
    %add3A_1532 = arith.addi %mul3A_1529, %add3A_1531 : vector<32x128xi32>
    %shift_left3A_1533 = arith.shli %broadcast_in_dim3A_2, %add3A_1532 : vector<32x128xi32>
    %add3A_1534 = arith.addi %add3A_1516, %shift_left3A_1533 : vector<32x128xi32>
    %get3A_1535 = arith.constant 0 : index
    %get3A_1536 = arith.constant 6016 : index
    %get3A_1537 = vector.load %arg1[%get3A_1535, %get3A_1536] : memref<32x8192xf32, #tpu.memory_space<vmem>>, vector<32x128xf32>
    %convert_element_type3A_1538 = arith.fptosi %get3A_1537 : vector<32x128xf32> to vector<32x128xi32>
    %max3A_1539 = arith.constant -4 : i32
    %max3A_1540 = vector.broadcast %max3A_1539 : i32 to vector<32x128xi32>
    %max3A_1541 = arith.maxsi %convert_element_type3A_1538, %max3A_1540 : vector<32x128xi32>
    %min3A_1542 = arith.constant 4 : i32
    %min3A_1543 = vector.broadcast %min3A_1542 : i32 to vector<32x128xi32>
    %min3A_1544 = arith.minsi %max3A_1541, %min3A_1543 : vector<32x128xi32>
    %mul3A_1545 = arith.constant 3 : i32
    %mul3A_1546 = vector.broadcast %mul3A_1545 : i32 to vector<32x128xi32>
    %mul3A_1547 = arith.muli %min3A_1544, %mul3A_1546 : vector<32x128xi32>
    %add3A_1548 = arith.constant 12 : i32
    %add3A_1549 = vector.broadcast %add3A_1548 : i32 to vector<32x128xi32>
    %add3A_1550 = arith.addi %mul3A_1547, %add3A_1549 : vector<32x128xi32>
    %shift_left3A_1551 = arith.shli %broadcast_in_dim3A_2, %add3A_1550 : vector<32x128xi32>
    %add3A_1552 = arith.addi %add3A_1534, %shift_left3A_1551 : vector<32x128xi32>
    %get3A_1553 = arith.constant 0 : index
    %get3A_1554 = arith.constant 6144 : index
    %get3A_1555 = vector.load %arg1[%get3A_1553, %get3A_1554] : memref<32x8192xf32, #tpu.memory_space<vmem>>, vector<32x128xf32>
    %convert_element_type3A_1556 = arith.fptosi %get3A_1555 : vector<32x128xf32> to vector<32x128xi32>
    %max3A_1557 = arith.constant -4 : i32
    %max3A_1558 = vector.broadcast %max3A_1557 : i32 to vector<32x128xi32>
    %max3A_1559 = arith.maxsi %convert_element_type3A_1556, %max3A_1558 : vector<32x128xi32>
    %min3A_1560 = arith.constant 4 : i32
    %min3A_1561 = vector.broadcast %min3A_1560 : i32 to vector<32x128xi32>
    %min3A_1562 = arith.minsi %max3A_1559, %min3A_1561 : vector<32x128xi32>
    %mul3A_1563 = arith.constant 3 : i32
    %mul3A_1564 = vector.broadcast %mul3A_1563 : i32 to vector<32x128xi32>
    %mul3A_1565 = arith.muli %min3A_1562, %mul3A_1564 : vector<32x128xi32>
    %add3A_1566 = arith.constant 12 : i32
    %add3A_1567 = vector.broadcast %add3A_1566 : i32 to vector<32x128xi32>
    %add3A_1568 = arith.addi %mul3A_1565, %add3A_1567 : vector<32x128xi32>
    %shift_left3A_1569 = arith.shli %broadcast_in_dim3A_2, %add3A_1568 : vector<32x128xi32>
    %add3A_1570 = arith.addi %add3A_1552, %shift_left3A_1569 : vector<32x128xi32>
    %get3A_1571 = arith.constant 0 : index
    %get3A_1572 = arith.constant 0 : index
    %get3A_1573 = vector.load %arg3[%get3A_1571, %get3A_1572] : memref<32x128xi32, #tpu.memory_space<vmem>>, vector<32x128xi32>
    %shift_right_arithmetic3A_1574 = arith.constant 0 : i32
    %shift_right_arithmetic3A_1575 = vector.broadcast %shift_right_arithmetic3A_1574 : i32 to vector<32x128xi32>
    %shift_right_arithmetic3A_1576 = arith.shrsi %add3A_1570, %shift_right_arithmetic3A_1575 : vector<32x128xi32>
    %and3A_1577 = arith.constant 7 : i32
    %and3A_1578 = vector.broadcast %and3A_1577 : i32 to vector<32x128xi32>
    %and3A_1579 = arith.andi %shift_right_arithmetic3A_1576, %and3A_1578 : vector<32x128xi32>
    %add3A_1580 = arith.addi %get3A_1573, %and3A_1579 : vector<32x128xi32>
    %swap3A_1581 = arith.constant 0 : index
    %swap3A_1582 = arith.constant 0 : index
    %swap3A_1583 = vector.load %arg3[%swap3A_1581, %swap3A_1582] : memref<32x128xi32, #tpu.memory_space<vmem>>, vector<32x128xi32>
    tpu.vector_store %arg3[%swap3A_1581, %swap3A_1582], %add3A_1580 {strides = array<i32>} : memref<32x128xi32, #tpu.memory_space<vmem>>, vector<32x128xi32>,
    %get3A_1584 = arith.constant 0 : index
    %get3A_1585 = arith.constant 0 : index
    %get3A_1586 = vector.load %arg4[%get3A_1584, %get3A_1585] : memref<32x128xi32, #tpu.memory_space<vmem>>, vector<32x128xi32>
    %shift_right_arithmetic3A_1587 = arith.constant 3 : i32
    %shift_right_arithmetic3A_1588 = vector.broadcast %shift_right_arithmetic3A_1587 : i32 to vector<32x128xi32>
    %shift_right_arithmetic3A_1589 = arith.shrsi %add3A_1570, %shift_right_arithmetic3A_1588 : vector<32x128xi32>
    %and3A_1590 = arith.constant 7 : i32
    %and3A_1591 = vector.broadcast %and3A_1590 : i32 to vector<32x128xi32>
    %and3A_1592 = arith.andi %shift_right_arithmetic3A_1589, %and3A_1591 : vector<32x128xi32>
    %add3A_1593 = arith.addi %get3A_1586, %and3A_1592 : vector<32x128xi32>
    %swap3A_1594 = arith.constant 0 : index
    %swap3A_1595 = arith.constant 0 : index
    %swap3A_1596 = vector.load %arg4[%swap3A_1594, %swap3A_1595] : memref<32x128xi32, #tpu.memory_space<vmem>>, vector<32x128xi32>
    tpu.vector_store %arg4[%swap3A_1594, %swap3A_1595], %add3A_1593 {strides = array<i32>} : memref<32x128xi32, #tpu.memory_space<vmem>>, vector<32x128xi32>,
    %get3A_1597 = arith.constant 0 : index
    %get3A_1598 = arith.constant 0 : index
    %get3A_1599 = vector.load %arg5[%get3A_1597, %get3A_1598] : memref<32x128xi32, #tpu.memory_space<vmem>>, vector<32x128xi32>
    %shift_right_arithmetic3A_1600 = arith.constant 6 : i32
    %shift_right_arithmetic3A_1601 = vector.broadcast %shift_right_arithmetic3A_1600 : i32 to vector<32x128xi32>
    %shift_right_arithmetic3A_1602 = arith.shrsi %add3A_1570, %shift_right_arithmetic3A_1601 : vector<32x128xi32>
    %and3A_1603 = arith.constant 7 : i32
    %and3A_1604 = vector.broadcast %and3A_1603 : i32 to vector<32x128xi32>
    %and3A_1605 = arith.andi %shift_right_arithmetic3A_1602, %and3A_1604 : vector<32x128xi32>
    %add3A_1606 = arith.addi %get3A_1599, %and3A_1605 : vector<32x128xi32>
    %swap3A_1607 = arith.constant 0 : index
    %swap3A_1608 = arith.constant 0 : index
    %swap3A_1609 = vector.load %arg5[%swap3A_1607, %swap3A_1608] : memref<32x128xi32, #tpu.memory_space<vmem>>, vector<32x128xi32>
    tpu.vector_store %arg5[%swap3A_1607, %swap3A_1608], %add3A_1606 {strides = array<i32>} : memref<32x128xi32, #tpu.memory_space<vmem>>, vector<32x128xi32>,
    %get3A_1610 = arith.constant 0 : index
    %get3A_1611 = arith.constant 0 : index
    %get3A_1612 = vector.load %arg6[%get3A_1610, %get3A_1611] : memref<32x128xi32, #tpu.memory_space<vmem>>, vector<32x128xi32>
    %shift_right_arithmetic3A_1613 = arith.constant 9 : i32
    %shift_right_arithmetic3A_1614 = vector.broadcast %shift_right_arithmetic3A_1613 : i32 to vector<32x128xi32>
    %shift_right_arithmetic3A_1615 = arith.shrsi %add3A_1570, %shift_right_arithmetic3A_1614 : vector<32x128xi32>
    %and3A_1616 = arith.constant 7 : i32
    %and3A_1617 = vector.broadcast %and3A_1616 : i32 to vector<32x128xi32>
    %and3A_1618 = arith.andi %shift_right_arithmetic3A_1615, %and3A_1617 : vector<32x128xi32>
    %add3A_1619 = arith.addi %get3A_1612, %and3A_1618 : vector<32x128xi32>
    %swap3A_1620 = arith.constant 0 : index
    %swap3A_1621 = arith.constant 0 : index
    %swap3A_1622 = vector.load %arg6[%swap3A_1620, %swap3A_1621] : memref<32x128xi32, #tpu.memory_space<vmem>>, vector<32x128xi32>
    tpu.vector_store %arg6[%swap3A_1620, %swap3A_1621], %add3A_1619 {strides = array<i32>} : memref<32x128xi32, #tpu.memory_space<vmem>>, vector<32x128xi32>,
    %get3A_1623 = arith.constant 0 : index
    %get3A_1624 = arith.constant 0 : index
    %get3A_1625 = vector.load %arg7[%get3A_1623, %get3A_1624] : memref<32x128xi32, #tpu.memory_space<vmem>>, vector<32x128xi32>
    %shift_right_arithmetic3A_1626 = arith.constant 12 : i32
    %shift_right_arithmetic3A_1627 = vector.broadcast %shift_right_arithmetic3A_1626 : i32 to vector<32x128xi32>
    %shift_right_arithmetic3A_1628 = arith.shrsi %add3A_1570, %shift_right_arithmetic3A_1627 : vector<32x128xi32>
    %and3A_1629 = arith.constant 7 : i32
    %and3A_1630 = vector.broadcast %and3A_1629 : i32 to vector<32x128xi32>
    %and3A_1631 = arith.andi %shift_right_arithmetic3A_1628, %and3A_1630 : vector<32x128xi32>
    %add3A_1632 = arith.addi %get3A_1625, %and3A_1631 : vector<32x128xi32>
    %swap3A_1633 = arith.constant 0 : index
    %swap3A_1634 = arith.constant 0 : index
    %swap3A_1635 = vector.load %arg7[%swap3A_1633, %swap3A_1634] : memref<32x128xi32, #tpu.memory_space<vmem>>, vector<32x128xi32>
    tpu.vector_store %arg7[%swap3A_1633, %swap3A_1634], %add3A_1632 {strides = array<i32>} : memref<32x128xi32, #tpu.memory_space<vmem>>, vector<32x128xi32>,
    %get3A_1636 = arith.constant 0 : index
    %get3A_1637 = arith.constant 0 : index
    %get3A_1638 = vector.load %arg8[%get3A_1636, %get3A_1637] : memref<32x128xi32, #tpu.memory_space<vmem>>, vector<32x128xi32>
    %shift_right_arithmetic3A_1639 = arith.constant 15 : i32
    %shift_right_arithmetic3A_1640 = vector.broadcast %shift_right_arithmetic3A_1639 : i32 to vector<32x128xi32>
    %shift_right_arithmetic3A_1641 = arith.shrsi %add3A_1570, %shift_right_arithmetic3A_1640 : vector<32x128xi32>
    %and3A_1642 = arith.constant 7 : i32
    %and3A_1643 = vector.broadcast %and3A_1642 : i32 to vector<32x128xi32>
    %and3A_1644 = arith.andi %shift_right_arithmetic3A_1641, %and3A_1643 : vector<32x128xi32>
    %add3A_1645 = arith.addi %get3A_1638, %and3A_1644 : vector<32x128xi32>
    %swap3A_1646 = arith.constant 0 : index
    %swap3A_1647 = arith.constant 0 : index
    %swap3A_1648 = vector.load %arg8[%swap3A_1646, %swap3A_1647] : memref<32x128xi32, #tpu.memory_space<vmem>>, vector<32x128xi32>
    tpu.vector_store %arg8[%swap3A_1646, %swap3A_1647], %add3A_1645 {strides = array<i32>} : memref<32x128xi32, #tpu.memory_space<vmem>>, vector<32x128xi32>,
    %get3A_1649 = arith.constant 0 : index
    %get3A_1650 = arith.constant 0 : index
    %get3A_1651 = vector.load %arg9[%get3A_1649, %get3A_1650] : memref<32x128xi32, #tpu.memory_space<vmem>>, vector<32x128xi32>
    %shift_right_arithmetic3A_1652 = arith.constant 18 : i32
    %shift_right_arithmetic3A_1653 = vector.broadcast %shift_right_arithmetic3A_1652 : i32 to vector<32x128xi32>
    %shift_right_arithmetic3A_1654 = arith.shrsi %add3A_1570, %shift_right_arithmetic3A_1653 : vector<32x128xi32>
    %and3A_1655 = arith.constant 7 : i32
    %and3A_1656 = vector.broadcast %and3A_1655 : i32 to vector<32x128xi32>
    %and3A_1657 = arith.andi %shift_right_arithmetic3A_1654, %and3A_1656 : vector<32x128xi32>
    %add3A_1658 = arith.addi %get3A_1651, %and3A_1657 : vector<32x128xi32>
    %swap3A_1659 = arith.constant 0 : index
    %swap3A_1660 = arith.constant 0 : index
    %swap3A_1661 = vector.load %arg9[%swap3A_1659, %swap3A_1660] : memref<32x128xi32, #tpu.memory_space<vmem>>, vector<32x128xi32>
    tpu.vector_store %arg9[%swap3A_1659, %swap3A_1660], %add3A_1658 {strides = array<i32>} : memref<32x128xi32, #tpu.memory_space<vmem>>, vector<32x128xi32>,
    %get3A_1662 = arith.constant 0 : index
    %get3A_1663 = arith.constant 0 : index
    %get3A_1664 = vector.load %arg10[%get3A_1662, %get3A_1663] : memref<32x128xi32, #tpu.memory_space<vmem>>, vector<32x128xi32>
    %shift_right_arithmetic3A_1665 = arith.constant 21 : i32
    %shift_right_arithmetic3A_1666 = vector.broadcast %shift_right_arithmetic3A_1665 : i32 to vector<32x128xi32>
    %shift_right_arithmetic3A_1667 = arith.shrsi %add3A_1570, %shift_right_arithmetic3A_1666 : vector<32x128xi32>
    %and3A_1668 = arith.constant 7 : i32
    %and3A_1669 = vector.broadcast %and3A_1668 : i32 to vector<32x128xi32>
    %and3A_1670 = arith.andi %shift_right_arithmetic3A_1667, %and3A_1669 : vector<32x128xi32>
    %add3A_1671 = arith.addi %get3A_1664, %and3A_1670 : vector<32x128xi32>
    %swap3A_1672 = arith.constant 0 : index
    %swap3A_1673 = arith.constant 0 : index
    %swap3A_1674 = vector.load %arg10[%swap3A_1672, %swap3A_1673] : memref<32x128xi32, #tpu.memory_space<vmem>>, vector<32x128xi32>
    tpu.vector_store %arg10[%swap3A_1672, %swap3A_1673], %add3A_1671 {strides = array<i32>} : memref<32x128xi32, #tpu.memory_space<vmem>>, vector<32x128xi32>,
    %get3A_1675 = arith.constant 0 : index
    %get3A_1676 = arith.constant 0 : index
    %get3A_1677 = vector.load %arg11[%get3A_1675, %get3A_1676] : memref<32x128xi32, #tpu.memory_space<vmem>>, vector<32x128xi32>
    %shift_right_arithmetic3A_1678 = arith.constant 24 : i32
    %shift_right_arithmetic3A_1679 = vector.broadcast %shift_right_arithmetic3A_1678 : i32 to vector<32x128xi32>
    %shift_right_arithmetic3A_1680 = arith.shrsi %add3A_1570, %shift_right_arithmetic3A_1679 : vector<32x128xi32>
    %and3A_1681 = arith.constant 7 : i32
    %and3A_1682 = vector.broadcast %and3A_1681 : i32 to vector<32x128xi32>
    %and3A_1683 = arith.andi %shift_right_arithmetic3A_1680, %and3A_1682 : vector<32x128xi32>
    %add3A_1684 = arith.addi %get3A_1677, %and3A_1683 : vector<32x128xi32>
    %swap3A_1685 = arith.constant 0 : index
    %swap3A_1686 = arith.constant 0 : index
    %swap3A_1687 = vector.load %arg11[%swap3A_1685, %swap3A_1686] : memref<32x128xi32, #tpu.memory_space<vmem>>, vector<32x128xi32>
    tpu.vector_store %arg11[%swap3A_1685, %swap3A_1686], %add3A_1684 {strides = array<i32>} : memref<32x128xi32, #tpu.memory_space<vmem>>, vector<32x128xi32>,
    %get3A_1688 = arith.constant 0 : index
    %get3A_1689 = arith.constant 6272 : index
    %get3A_1690 = vector.load %arg1[%get3A_1688, %get3A_1689] : memref<32x8192xf32, #tpu.memory_space<vmem>>, vector<32x128xf32>
    %convert_element_type3A_1691 = arith.fptosi %get3A_1690 : vector<32x128xf32> to vector<32x128xi32>
    %max3A_1692 = arith.constant -4 : i32
    %max3A_1693 = vector.broadcast %max3A_1692 : i32 to vector<32x128xi32>
    %max3A_1694 = arith.maxsi %convert_element_type3A_1691, %max3A_1693 : vector<32x128xi32>
    %min3A_1695 = arith.constant 4 : i32
    %min3A_1696 = vector.broadcast %min3A_1695 : i32 to vector<32x128xi32>
    %min3A_1697 = arith.minsi %max3A_1694, %min3A_1696 : vector<32x128xi32>
    %mul3A_1698 = arith.constant 3 : i32
    %mul3A_1699 = vector.broadcast %mul3A_1698 : i32 to vector<32x128xi32>
    %mul3A_1700 = arith.muli %min3A_1697, %mul3A_1699 : vector<32x128xi32>
    %add3A_1701 = arith.constant 12 : i32
    %add3A_1702 = vector.broadcast %add3A_1701 : i32 to vector<32x128xi32>
    %add3A_1703 = arith.addi %mul3A_1700, %add3A_1702 : vector<32x128xi32>
    %shift_left3A_1704 = arith.shli %broadcast_in_dim3A_2, %add3A_1703 : vector<32x128xi32>
    %get3A_1705 = arith.constant 0 : index
    %get3A_1706 = arith.constant 6400 : index
    %get3A_1707 = vector.load %arg1[%get3A_1705, %get3A_1706] : memref<32x8192xf32, #tpu.memory_space<vmem>>, vector<32x128xf32>
    %convert_element_type3A_1708 = arith.fptosi %get3A_1707 : vector<32x128xf32> to vector<32x128xi32>
    %max3A_1709 = arith.constant -4 : i32
    %max3A_1710 = vector.broadcast %max3A_1709 : i32 to vector<32x128xi32>
    %max3A_1711 = arith.maxsi %convert_element_type3A_1708, %max3A_1710 : vector<32x128xi32>
    %min3A_1712 = arith.constant 4 : i32
    %min3A_1713 = vector.broadcast %min3A_1712 : i32 to vector<32x128xi32>
    %min3A_1714 = arith.minsi %max3A_1711, %min3A_1713 : vector<32x128xi32>
    %mul3A_1715 = arith.constant 3 : i32
    %mul3A_1716 = vector.broadcast %mul3A_1715 : i32 to vector<32x128xi32>
    %mul3A_1717 = arith.muli %min3A_1714, %mul3A_1716 : vector<32x128xi32>
    %add3A_1718 = arith.constant 12 : i32
    %add3A_1719 = vector.broadcast %add3A_1718 : i32 to vector<32x128xi32>
    %add3A_1720 = arith.addi %mul3A_1717, %add3A_1719 : vector<32x128xi32>
    %shift_left3A_1721 = arith.shli %broadcast_in_dim3A_2, %add3A_1720 : vector<32x128xi32>
    %add3A_1722 = arith.addi %shift_left3A_1704, %shift_left3A_1721 : vector<32x128xi32>
    %get3A_1723 = arith.constant 0 : index
    %get3A_1724 = arith.constant 6528 : index
    %get3A_1725 = vector.load %arg1[%get3A_1723, %get3A_1724] : memref<32x8192xf32, #tpu.memory_space<vmem>>, vector<32x128xf32>
    %convert_element_type3A_1726 = arith.fptosi %get3A_1725 : vector<32x128xf32> to vector<32x128xi32>
    %max3A_1727 = arith.constant -4 : i32
    %max3A_1728 = vector.broadcast %max3A_1727 : i32 to vector<32x128xi32>
    %max3A_1729 = arith.maxsi %convert_element_type3A_1726, %max3A_1728 : vector<32x128xi32>
    %min3A_1730 = arith.constant 4 : i32
    %min3A_1731 = vector.broadcast %min3A_1730 : i32 to vector<32x128xi32>
    %min3A_1732 = arith.minsi %max3A_1729, %min3A_1731 : vector<32x128xi32>
    %mul3A_1733 = arith.constant 3 : i32
    %mul3A_1734 = vector.broadcast %mul3A_1733 : i32 to vector<32x128xi32>
    %mul3A_1735 = arith.muli %min3A_1732, %mul3A_1734 : vector<32x128xi32>
    %add3A_1736 = arith.constant 12 : i32
    %add3A_1737 = vector.broadcast %add3A_1736 : i32 to vector<32x128xi32>
    %add3A_1738 = arith.addi %mul3A_1735, %add3A_1737 : vector<32x128xi32>
    %shift_left3A_1739 = arith.shli %broadcast_in_dim3A_2, %add3A_1738 : vector<32x128xi32>
    %add3A_1740 = arith.addi %add3A_1722, %shift_left3A_1739 : vector<32x128xi32>
    %get3A_1741 = arith.constant 0 : index
    %get3A_1742 = arith.constant 6656 : index
    %get3A_1743 = vector.load %arg1[%get3A_1741, %get3A_1742] : memref<32x8192xf32, #tpu.memory_space<vmem>>, vector<32x128xf32>
    %convert_element_type3A_1744 = arith.fptosi %get3A_1743 : vector<32x128xf32> to vector<32x128xi32>
    %max3A_1745 = arith.constant -4 : i32
    %max3A_1746 = vector.broadcast %max3A_1745 : i32 to vector<32x128xi32>
    %max3A_1747 = arith.maxsi %convert_element_type3A_1744, %max3A_1746 : vector<32x128xi32>
    %min3A_1748 = arith.constant 4 : i32
    %min3A_1749 = vector.broadcast %min3A_1748 : i32 to vector<32x128xi32>
    %min3A_1750 = arith.minsi %max3A_1747, %min3A_1749 : vector<32x128xi32>
    %mul3A_1751 = arith.constant 3 : i32
    %mul3A_1752 = vector.broadcast %mul3A_1751 : i32 to vector<32x128xi32>
    %mul3A_1753 = arith.muli %min3A_1750, %mul3A_1752 : vector<32x128xi32>
    %add3A_1754 = arith.constant 12 : i32
    %add3A_1755 = vector.broadcast %add3A_1754 : i32 to vector<32x128xi32>
    %add3A_1756 = arith.addi %mul3A_1753, %add3A_1755 : vector<32x128xi32>
    %shift_left3A_1757 = arith.shli %broadcast_in_dim3A_2, %add3A_1756 : vector<32x128xi32>
    %add3A_1758 = arith.addi %add3A_1740, %shift_left3A_1757 : vector<32x128xi32>
    %get3A_1759 = arith.constant 0 : index
    %get3A_1760 = arith.constant 6784 : index
    %get3A_1761 = vector.load %arg1[%get3A_1759, %get3A_1760] : memref<32x8192xf32, #tpu.memory_space<vmem>>, vector<32x128xf32>
    %convert_element_type3A_1762 = arith.fptosi %get3A_1761 : vector<32x128xf32> to vector<32x128xi32>
    %max3A_1763 = arith.constant -4 : i32
    %max3A_1764 = vector.broadcast %max3A_1763 : i32 to vector<32x128xi32>
    %max3A_1765 = arith.maxsi %convert_element_type3A_1762, %max3A_1764 : vector<32x128xi32>
    %min3A_1766 = arith.constant 4 : i32
    %min3A_1767 = vector.broadcast %min3A_1766 : i32 to vector<32x128xi32>
    %min3A_1768 = arith.minsi %max3A_1765, %min3A_1767 : vector<32x128xi32>
    %mul3A_1769 = arith.constant 3 : i32
    %mul3A_1770 = vector.broadcast %mul3A_1769 : i32 to vector<32x128xi32>
    %mul3A_1771 = arith.muli %min3A_1768, %mul3A_1770 : vector<32x128xi32>
    %add3A_1772 = arith.constant 12 : i32
    %add3A_1773 = vector.broadcast %add3A_1772 : i32 to vector<32x128xi32>
    %add3A_1774 = arith.addi %mul3A_1771, %add3A_1773 : vector<32x128xi32>
    %shift_left3A_1775 = arith.shli %broadcast_in_dim3A_2, %add3A_1774 : vector<32x128xi32>
    %add3A_1776 = arith.addi %add3A_1758, %shift_left3A_1775 : vector<32x128xi32>
    %get3A_1777 = arith.constant 0 : index
    %get3A_1778 = arith.constant 6912 : index
    %get3A_1779 = vector.load %arg1[%get3A_1777, %get3A_1778] : memref<32x8192xf32, #tpu.memory_space<vmem>>, vector<32x128xf32>
    %convert_element_type3A_1780 = arith.fptosi %get3A_1779 : vector<32x128xf32> to vector<32x128xi32>
    %max3A_1781 = arith.constant -4 : i32
    %max3A_1782 = vector.broadcast %max3A_1781 : i32 to vector<32x128xi32>
    %max3A_1783 = arith.maxsi %convert_element_type3A_1780, %max3A_1782 : vector<32x128xi32>
    %min3A_1784 = arith.constant 4 : i32
    %min3A_1785 = vector.broadcast %min3A_1784 : i32 to vector<32x128xi32>
    %min3A_1786 = arith.minsi %max3A_1783, %min3A_1785 : vector<32x128xi32>
    %mul3A_1787 = arith.constant 3 : i32
    %mul3A_1788 = vector.broadcast %mul3A_1787 : i32 to vector<32x128xi32>
    %mul3A_1789 = arith.muli %min3A_1786, %mul3A_1788 : vector<32x128xi32>
    %add3A_1790 = arith.constant 12 : i32
    %add3A_1791 = vector.broadcast %add3A_1790 : i32 to vector<32x128xi32>
    %add3A_1792 = arith.addi %mul3A_1789, %add3A_1791 : vector<32x128xi32>
    %shift_left3A_1793 = arith.shli %broadcast_in_dim3A_2, %add3A_1792 : vector<32x128xi32>
    %add3A_1794 = arith.addi %add3A_1776, %shift_left3A_1793 : vector<32x128xi32>
    %get3A_1795 = arith.constant 0 : index
    %get3A_1796 = arith.constant 7040 : index
    %get3A_1797 = vector.load %arg1[%get3A_1795, %get3A_1796] : memref<32x8192xf32, #tpu.memory_space<vmem>>, vector<32x128xf32>
    %convert_element_type3A_1798 = arith.fptosi %get3A_1797 : vector<32x128xf32> to vector<32x128xi32>
    %max3A_1799 = arith.constant -4 : i32
    %max3A_1800 = vector.broadcast %max3A_1799 : i32 to vector<32x128xi32>
    %max3A_1801 = arith.maxsi %convert_element_type3A_1798, %max3A_1800 : vector<32x128xi32>
    %min3A_1802 = arith.constant 4 : i32
    %min3A_1803 = vector.broadcast %min3A_1802 : i32 to vector<32x128xi32>
    %min3A_1804 = arith.minsi %max3A_1801, %min3A_1803 : vector<32x128xi32>
    %mul3A_1805 = arith.constant 3 : i32
    %mul3A_1806 = vector.broadcast %mul3A_1805 : i32 to vector<32x128xi32>
    %mul3A_1807 = arith.muli %min3A_1804, %mul3A_1806 : vector<32x128xi32>
    %add3A_1808 = arith.constant 12 : i32
    %add3A_1809 = vector.broadcast %add3A_1808 : i32 to vector<32x128xi32>
    %add3A_1810 = arith.addi %mul3A_1807, %add3A_1809 : vector<32x128xi32>
    %shift_left3A_1811 = arith.shli %broadcast_in_dim3A_2, %add3A_1810 : vector<32x128xi32>
    %add3A_1812 = arith.addi %add3A_1794, %shift_left3A_1811 : vector<32x128xi32>
    %get3A_1813 = arith.constant 0 : index
    %get3A_1814 = arith.constant 0 : index
    %get3A_1815 = vector.load %arg3[%get3A_1813, %get3A_1814] : memref<32x128xi32, #tpu.memory_space<vmem>>, vector<32x128xi32>
    %shift_right_arithmetic3A_1816 = arith.constant 0 : i32
    %shift_right_arithmetic3A_1817 = vector.broadcast %shift_right_arithmetic3A_1816 : i32 to vector<32x128xi32>
    %shift_right_arithmetic3A_1818 = arith.shrsi %add3A_1812, %shift_right_arithmetic3A_1817 : vector<32x128xi32>
    %and3A_1819 = arith.constant 7 : i32
    %and3A_1820 = vector.broadcast %and3A_1819 : i32 to vector<32x128xi32>
    %and3A_1821 = arith.andi %shift_right_arithmetic3A_1818, %and3A_1820 : vector<32x128xi32>
    %add3A_1822 = arith.addi %get3A_1815, %and3A_1821 : vector<32x128xi32>
    %swap3A_1823 = arith.constant 0 : index
    %swap3A_1824 = arith.constant 0 : index
    %swap3A_1825 = vector.load %arg3[%swap3A_1823, %swap3A_1824] : memref<32x128xi32, #tpu.memory_space<vmem>>, vector<32x128xi32>
    tpu.vector_store %arg3[%swap3A_1823, %swap3A_1824], %add3A_1822 {strides = array<i32>} : memref<32x128xi32, #tpu.memory_space<vmem>>, vector<32x128xi32>,
    %get3A_1826 = arith.constant 0 : index
    %get3A_1827 = arith.constant 0 : index
    %get3A_1828 = vector.load %arg4[%get3A_1826, %get3A_1827] : memref<32x128xi32, #tpu.memory_space<vmem>>, vector<32x128xi32>
    %shift_right_arithmetic3A_1829 = arith.constant 3 : i32
    %shift_right_arithmetic3A_1830 = vector.broadcast %shift_right_arithmetic3A_1829 : i32 to vector<32x128xi32>
    %shift_right_arithmetic3A_1831 = arith.shrsi %add3A_1812, %shift_right_arithmetic3A_1830 : vector<32x128xi32>
    %and3A_1832 = arith.constant 7 : i32
    %and3A_1833 = vector.broadcast %and3A_1832 : i32 to vector<32x128xi32>
    %and3A_1834 = arith.andi %shift_right_arithmetic3A_1831, %and3A_1833 : vector<32x128xi32>
    %add3A_1835 = arith.addi %get3A_1828, %and3A_1834 : vector<32x128xi32>
    %swap3A_1836 = arith.constant 0 : index
    %swap3A_1837 = arith.constant 0 : index
    %swap3A_1838 = vector.load %arg4[%swap3A_1836, %swap3A_1837] : memref<32x128xi32, #tpu.memory_space<vmem>>, vector<32x128xi32>
    tpu.vector_store %arg4[%swap3A_1836, %swap3A_1837], %add3A_1835 {strides = array<i32>} : memref<32x128xi32, #tpu.memory_space<vmem>>, vector<32x128xi32>,
    %get3A_1839 = arith.constant 0 : index
    %get3A_1840 = arith.constant 0 : index
    %get3A_1841 = vector.load %arg5[%get3A_1839, %get3A_1840] : memref<32x128xi32, #tpu.memory_space<vmem>>, vector<32x128xi32>
    %shift_right_arithmetic3A_1842 = arith.constant 6 : i32
    %shift_right_arithmetic3A_1843 = vector.broadcast %shift_right_arithmetic3A_1842 : i32 to vector<32x128xi32>
    %shift_right_arithmetic3A_1844 = arith.shrsi %add3A_1812, %shift_right_arithmetic3A_1843 : vector<32x128xi32>
    %and3A_1845 = arith.constant 7 : i32
    %and3A_1846 = vector.broadcast %and3A_1845 : i32 to vector<32x128xi32>
    %and3A_1847 = arith.andi %shift_right_arithmetic3A_1844, %and3A_1846 : vector<32x128xi32>
    %add3A_1848 = arith.addi %get3A_1841, %and3A_1847 : vector<32x128xi32>
    %swap3A_1849 = arith.constant 0 : index
    %swap3A_1850 = arith.constant 0 : index
    %swap3A_1851 = vector.load %arg5[%swap3A_1849, %swap3A_1850] : memref<32x128xi32, #tpu.memory_space<vmem>>, vector<32x128xi32>
    tpu.vector_store %arg5[%swap3A_1849, %swap3A_1850], %add3A_1848 {strides = array<i32>} : memref<32x128xi32, #tpu.memory_space<vmem>>, vector<32x128xi32>,
    %get3A_1852 = arith.constant 0 : index
    %get3A_1853 = arith.constant 0 : index
    %get3A_1854 = vector.load %arg6[%get3A_1852, %get3A_1853] : memref<32x128xi32, #tpu.memory_space<vmem>>, vector<32x128xi32>
    %shift_right_arithmetic3A_1855 = arith.constant 9 : i32
    %shift_right_arithmetic3A_1856 = vector.broadcast %shift_right_arithmetic3A_1855 : i32 to vector<32x128xi32>
    %shift_right_arithmetic3A_1857 = arith.shrsi %add3A_1812, %shift_right_arithmetic3A_1856 : vector<32x128xi32>
    %and3A_1858 = arith.constant 7 : i32
    %and3A_1859 = vector.broadcast %and3A_1858 : i32 to vector<32x128xi32>
    %and3A_1860 = arith.andi %shift_right_arithmetic3A_1857, %and3A_1859 : vector<32x128xi32>
    %add3A_1861 = arith.addi %get3A_1854, %and3A_1860 : vector<32x128xi32>
    %swap3A_1862 = arith.constant 0 : index
    %swap3A_1863 = arith.constant 0 : index
    %swap3A_1864 = vector.load %arg6[%swap3A_1862, %swap3A_1863] : memref<32x128xi32, #tpu.memory_space<vmem>>, vector<32x128xi32>
    tpu.vector_store %arg6[%swap3A_1862, %swap3A_1863], %add3A_1861 {strides = array<i32>} : memref<32x128xi32, #tpu.memory_space<vmem>>, vector<32x128xi32>,
    %get3A_1865 = arith.constant 0 : index
    %get3A_1866 = arith.constant 0 : index
    %get3A_1867 = vector.load %arg7[%get3A_1865, %get3A_1866] : memref<32x128xi32, #tpu.memory_space<vmem>>, vector<32x128xi32>
    %shift_right_arithmetic3A_1868 = arith.constant 12 : i32
    %shift_right_arithmetic3A_1869 = vector.broadcast %shift_right_arithmetic3A_1868 : i32 to vector<32x128xi32>
    %shift_right_arithmetic3A_1870 = arith.shrsi %add3A_1812, %shift_right_arithmetic3A_1869 : vector<32x128xi32>
    %and3A_1871 = arith.constant 7 : i32
    %and3A_1872 = vector.broadcast %and3A_1871 : i32 to vector<32x128xi32>
    %and3A_1873 = arith.andi %shift_right_arithmetic3A_1870, %and3A_1872 : vector<32x128xi32>
    %add3A_1874 = arith.addi %get3A_1867, %and3A_1873 : vector<32x128xi32>
    %swap3A_1875 = arith.constant 0 : index
    %swap3A_1876 = arith.constant 0 : index
    %swap3A_1877 = vector.load %arg7[%swap3A_1875, %swap3A_1876] : memref<32x128xi32, #tpu.memory_space<vmem>>, vector<32x128xi32>
    tpu.vector_store %arg7[%swap3A_1875, %swap3A_1876], %add3A_1874 {strides = array<i32>} : memref<32x128xi32, #tpu.memory_space<vmem>>, vector<32x128xi32>,
    %get3A_1878 = arith.constant 0 : index
    %get3A_1879 = arith.constant 0 : index
    %get3A_1880 = vector.load %arg8[%get3A_1878, %get3A_1879] : memref<32x128xi32, #tpu.memory_space<vmem>>, vector<32x128xi32>
    %shift_right_arithmetic3A_1881 = arith.constant 15 : i32
    %shift_right_arithmetic3A_1882 = vector.broadcast %shift_right_arithmetic3A_1881 : i32 to vector<32x128xi32>
    %shift_right_arithmetic3A_1883 = arith.shrsi %add3A_1812, %shift_right_arithmetic3A_1882 : vector<32x128xi32>
    %and3A_1884 = arith.constant 7 : i32
    %and3A_1885 = vector.broadcast %and3A_1884 : i32 to vector<32x128xi32>
    %and3A_1886 = arith.andi %shift_right_arithmetic3A_1883, %and3A_1885 : vector<32x128xi32>
    %add3A_1887 = arith.addi %get3A_1880, %and3A_1886 : vector<32x128xi32>
    %swap3A_1888 = arith.constant 0 : index
    %swap3A_1889 = arith.constant 0 : index
    %swap3A_1890 = vector.load %arg8[%swap3A_1888, %swap3A_1889] : memref<32x128xi32, #tpu.memory_space<vmem>>, vector<32x128xi32>
    tpu.vector_store %arg8[%swap3A_1888, %swap3A_1889], %add3A_1887 {strides = array<i32>} : memref<32x128xi32, #tpu.memory_space<vmem>>, vector<32x128xi32>,
    %get3A_1891 = arith.constant 0 : index
    %get3A_1892 = arith.constant 0 : index
    %get3A_1893 = vector.load %arg9[%get3A_1891, %get3A_1892] : memref<32x128xi32, #tpu.memory_space<vmem>>, vector<32x128xi32>
    %shift_right_arithmetic3A_1894 = arith.constant 18 : i32
    %shift_right_arithmetic3A_1895 = vector.broadcast %shift_right_arithmetic3A_1894 : i32 to vector<32x128xi32>
    %shift_right_arithmetic3A_1896 = arith.shrsi %add3A_1812, %shift_right_arithmetic3A_1895 : vector<32x128xi32>
    %and3A_1897 = arith.constant 7 : i32
    %and3A_1898 = vector.broadcast %and3A_1897 : i32 to vector<32x128xi32>
    %and3A_1899 = arith.andi %shift_right_arithmetic3A_1896, %and3A_1898 : vector<32x128xi32>
    %add3A_1900 = arith.addi %get3A_1893, %and3A_1899 : vector<32x128xi32>
    %swap3A_1901 = arith.constant 0 : index
    %swap3A_1902 = arith.constant 0 : index
    %swap3A_1903 = vector.load %arg9[%swap3A_1901, %swap3A_1902] : memref<32x128xi32, #tpu.memory_space<vmem>>, vector<32x128xi32>
    tpu.vector_store %arg9[%swap3A_1901, %swap3A_1902], %add3A_1900 {strides = array<i32>} : memref<32x128xi32, #tpu.memory_space<vmem>>, vector<32x128xi32>,
    %get3A_1904 = arith.constant 0 : index
    %get3A_1905 = arith.constant 0 : index
    %get3A_1906 = vector.load %arg10[%get3A_1904, %get3A_1905] : memref<32x128xi32, #tpu.memory_space<vmem>>, vector<32x128xi32>
    %shift_right_arithmetic3A_1907 = arith.constant 21 : i32
    %shift_right_arithmetic3A_1908 = vector.broadcast %shift_right_arithmetic3A_1907 : i32 to vector<32x128xi32>
    %shift_right_arithmetic3A_1909 = arith.shrsi %add3A_1812, %shift_right_arithmetic3A_1908 : vector<32x128xi32>
    %and3A_1910 = arith.constant 7 : i32
    %and3A_1911 = vector.broadcast %and3A_1910 : i32 to vector<32x128xi32>
    %and3A_1912 = arith.andi %shift_right_arithmetic3A_1909, %and3A_1911 : vector<32x128xi32>
    %add3A_1913 = arith.addi %get3A_1906, %and3A_1912 : vector<32x128xi32>
    %swap3A_1914 = arith.constant 0 : index
    %swap3A_1915 = arith.constant 0 : index
    %swap3A_1916 = vector.load %arg10[%swap3A_1914, %swap3A_1915] : memref<32x128xi32, #tpu.memory_space<vmem>>, vector<32x128xi32>
    tpu.vector_store %arg10[%swap3A_1914, %swap3A_1915], %add3A_1913 {strides = array<i32>} : memref<32x128xi32, #tpu.memory_space<vmem>>, vector<32x128xi32>,
    %get3A_1917 = arith.constant 0 : index
    %get3A_1918 = arith.constant 0 : index
    %get3A_1919 = vector.load %arg11[%get3A_1917, %get3A_1918] : memref<32x128xi32, #tpu.memory_space<vmem>>, vector<32x128xi32>
    %shift_right_arithmetic3A_1920 = arith.constant 24 : i32
    %shift_right_arithmetic3A_1921 = vector.broadcast %shift_right_arithmetic3A_1920 : i32 to vector<32x128xi32>
    %shift_right_arithmetic3A_1922 = arith.shrsi %add3A_1812, %shift_right_arithmetic3A_1921 : vector<32x128xi32>
    %and3A_1923 = arith.constant 7 : i32
    %and3A_1924 = vector.broadcast %and3A_1923 : i32 to vector<32x128xi32>
    %and3A_1925 = arith.andi %shift_right_arithmetic3A_1922, %and3A_1924 : vector<32x128xi32>
    %add3A_1926 = arith.addi %get3A_1919, %and3A_1925 : vector<32x128xi32>
    %swap3A_1927 = arith.constant 0 : index
    %swap3A_1928 = arith.constant 0 : index
    %swap3A_1929 = vector.load %arg11[%swap3A_1927, %swap3A_1928] : memref<32x128xi32, #tpu.memory_space<vmem>>, vector<32x128xi32>
    tpu.vector_store %arg11[%swap3A_1927, %swap3A_1928], %add3A_1926 {strides = array<i32>} : memref<32x128xi32, #tpu.memory_space<vmem>>, vector<32x128xi32>,
    %get3A_1930 = arith.constant 0 : index
    %get3A_1931 = arith.constant 7168 : index
    %get3A_1932 = vector.load %arg1[%get3A_1930, %get3A_1931] : memref<32x8192xf32, #tpu.memory_space<vmem>>, vector<32x128xf32>
    %convert_element_type3A_1933 = arith.fptosi %get3A_1932 : vector<32x128xf32> to vector<32x128xi32>
    %max3A_1934 = arith.constant -4 : i32
    %max3A_1935 = vector.broadcast %max3A_1934 : i32 to vector<32x128xi32>
    %max3A_1936 = arith.maxsi %convert_element_type3A_1933, %max3A_1935 : vector<32x128xi32>
    %min3A_1937 = arith.constant 4 : i32
    %min3A_1938 = vector.broadcast %min3A_1937 : i32 to vector<32x128xi32>
    %min3A_1939 = arith.minsi %max3A_1936, %min3A_1938 : vector<32x128xi32>
    %mul3A_1940 = arith.constant 3 : i32
    %mul3A_1941 = vector.broadcast %mul3A_1940 : i32 to vector<32x128xi32>
    %mul3A_1942 = arith.muli %min3A_1939, %mul3A_1941 : vector<32x128xi32>
    %add3A_1943 = arith.constant 12 : i32
    %add3A_1944 = vector.broadcast %add3A_1943 : i32 to vector<32x128xi32>
    %add3A_1945 = arith.addi %mul3A_1942, %add3A_1944 : vector<32x128xi32>
    %shift_left3A_1946 = arith.shli %broadcast_in_dim3A_2, %add3A_1945 : vector<32x128xi32>
    %get3A_1947 = arith.constant 0 : index
    %get3A_1948 = arith.constant 7296 : index
    %get3A_1949 = vector.load %arg1[%get3A_1947, %get3A_1948] : memref<32x8192xf32, #tpu.memory_space<vmem>>, vector<32x128xf32>
    %convert_element_type3A_1950 = arith.fptosi %get3A_1949 : vector<32x128xf32> to vector<32x128xi32>
    %max3A_1951 = arith.constant -4 : i32
    %max3A_1952 = vector.broadcast %max3A_1951 : i32 to vector<32x128xi32>
    %max3A_1953 = arith.maxsi %convert_element_type3A_1950, %max3A_1952 : vector<32x128xi32>
    %min3A_1954 = arith.constant 4 : i32
    %min3A_1955 = vector.broadcast %min3A_1954 : i32 to vector<32x128xi32>
    %min3A_1956 = arith.minsi %max3A_1953, %min3A_1955 : vector<32x128xi32>
    %mul3A_1957 = arith.constant 3 : i32
    %mul3A_1958 = vector.broadcast %mul3A_1957 : i32 to vector<32x128xi32>
    %mul3A_1959 = arith.muli %min3A_1956, %mul3A_1958 : vector<32x128xi32>
    %add3A_1960 = arith.constant 12 : i32
    %add3A_1961 = vector.broadcast %add3A_1960 : i32 to vector<32x128xi32>
    %add3A_1962 = arith.addi %mul3A_1959, %add3A_1961 : vector<32x128xi32>
    %shift_left3A_1963 = arith.shli %broadcast_in_dim3A_2, %add3A_1962 : vector<32x128xi32>
    %add3A_1964 = arith.addi %shift_left3A_1946, %shift_left3A_1963 : vector<32x128xi32>
    %get3A_1965 = arith.constant 0 : index
    %get3A_1966 = arith.constant 7424 : index
    %get3A_1967 = vector.load %arg1[%get3A_1965, %get3A_1966] : memref<32x8192xf32, #tpu.memory_space<vmem>>, vector<32x128xf32>
    %convert_element_type3A_1968 = arith.fptosi %get3A_1967 : vector<32x128xf32> to vector<32x128xi32>
    %max3A_1969 = arith.constant -4 : i32
    %max3A_1970 = vector.broadcast %max3A_1969 : i32 to vector<32x128xi32>
    %max3A_1971 = arith.maxsi %convert_element_type3A_1968, %max3A_1970 : vector<32x128xi32>
    %min3A_1972 = arith.constant 4 : i32
    %min3A_1973 = vector.broadcast %min3A_1972 : i32 to vector<32x128xi32>
    %min3A_1974 = arith.minsi %max3A_1971, %min3A_1973 : vector<32x128xi32>
    %mul3A_1975 = arith.constant 3 : i32
    %mul3A_1976 = vector.broadcast %mul3A_1975 : i32 to vector<32x128xi32>
    %mul3A_1977 = arith.muli %min3A_1974, %mul3A_1976 : vector<32x128xi32>
    %add3A_1978 = arith.constant 12 : i32
    %add3A_1979 = vector.broadcast %add3A_1978 : i32 to vector<32x128xi32>
    %add3A_1980 = arith.addi %mul3A_1977, %add3A_1979 : vector<32x128xi32>
    %shift_left3A_1981 = arith.shli %broadcast_in_dim3A_2, %add3A_1980 : vector<32x128xi32>
    %add3A_1982 = arith.addi %add3A_1964, %shift_left3A_1981 : vector<32x128xi32>
    %get3A_1983 = arith.constant 0 : index
    %get3A_1984 = arith.constant 7552 : index
    %get3A_1985 = vector.load %arg1[%get3A_1983, %get3A_1984] : memref<32x8192xf32, #tpu.memory_space<vmem>>, vector<32x128xf32>
    %convert_element_type3A_1986 = arith.fptosi %get3A_1985 : vector<32x128xf32> to vector<32x128xi32>
    %max3A_1987 = arith.constant -4 : i32
    %max3A_1988 = vector.broadcast %max3A_1987 : i32 to vector<32x128xi32>
    %max3A_1989 = arith.maxsi %convert_element_type3A_1986, %max3A_1988 : vector<32x128xi32>
    %min3A_1990 = arith.constant 4 : i32
    %min3A_1991 = vector.broadcast %min3A_1990 : i32 to vector<32x128xi32>
    %min3A_1992 = arith.minsi %max3A_1989, %min3A_1991 : vector<32x128xi32>
    %mul3A_1993 = arith.constant 3 : i32
    %mul3A_1994 = vector.broadcast %mul3A_1993 : i32 to vector<32x128xi32>
    %mul3A_1995 = arith.muli %min3A_1992, %mul3A_1994 : vector<32x128xi32>
    %add3A_1996 = arith.constant 12 : i32
    %add3A_1997 = vector.broadcast %add3A_1996 : i32 to vector<32x128xi32>
    %add3A_1998 = arith.addi %mul3A_1995, %add3A_1997 : vector<32x128xi32>
    %shift_left3A_1999 = arith.shli %broadcast_in_dim3A_2, %add3A_1998 : vector<32x128xi32>
    %add3A_2000 = arith.addi %add3A_1982, %shift_left3A_1999 : vector<32x128xi32>
    %get3A_2001 = arith.constant 0 : index
    %get3A_2002 = arith.constant 7680 : index
    %get3A_2003 = vector.load %arg1[%get3A_2001, %get3A_2002] : memref<32x8192xf32, #tpu.memory_space<vmem>>, vector<32x128xf32>
    %convert_element_type3A_2004 = arith.fptosi %get3A_2003 : vector<32x128xf32> to vector<32x128xi32>
    %max3A_2005 = arith.constant -4 : i32
    %max3A_2006 = vector.broadcast %max3A_2005 : i32 to vector<32x128xi32>
    %max3A_2007 = arith.maxsi %convert_element_type3A_2004, %max3A_2006 : vector<32x128xi32>
    %min3A_2008 = arith.constant 4 : i32
    %min3A_2009 = vector.broadcast %min3A_2008 : i32 to vector<32x128xi32>
    %min3A_2010 = arith.minsi %max3A_2007, %min3A_2009 : vector<32x128xi32>
    %mul3A_2011 = arith.constant 3 : i32
    %mul3A_2012 = vector.broadcast %mul3A_2011 : i32 to vector<32x128xi32>
    %mul3A_2013 = arith.muli %min3A_2010, %mul3A_2012 : vector<32x128xi32>
    %add3A_2014 = arith.constant 12 : i32
    %add3A_2015 = vector.broadcast %add3A_2014 : i32 to vector<32x128xi32>
    %add3A_2016 = arith.addi %mul3A_2013, %add3A_2015 : vector<32x128xi32>
    %shift_left3A_2017 = arith.shli %broadcast_in_dim3A_2, %add3A_2016 : vector<32x128xi32>
    %add3A_2018 = arith.addi %add3A_2000, %shift_left3A_2017 : vector<32x128xi32>
    %get3A_2019 = arith.constant 0 : index
    %get3A_2020 = arith.constant 7808 : index
    %get3A_2021 = vector.load %arg1[%get3A_2019, %get3A_2020] : memref<32x8192xf32, #tpu.memory_space<vmem>>, vector<32x128xf32>
    %convert_element_type3A_2022 = arith.fptosi %get3A_2021 : vector<32x128xf32> to vector<32x128xi32>
    %max3A_2023 = arith.constant -4 : i32
    %max3A_2024 = vector.broadcast %max3A_2023 : i32 to vector<32x128xi32>
    %max3A_2025 = arith.maxsi %convert_element_type3A_2022, %max3A_2024 : vector<32x128xi32>
    %min3A_2026 = arith.constant 4 : i32
    %min3A_2027 = vector.broadcast %min3A_2026 : i32 to vector<32x128xi32>
    %min3A_2028 = arith.minsi %max3A_2025, %min3A_2027 : vector<32x128xi32>
    %mul3A_2029 = arith.constant 3 : i32
    %mul3A_2030 = vector.broadcast %mul3A_2029 : i32 to vector<32x128xi32>
    %mul3A_2031 = arith.muli %min3A_2028, %mul3A_2030 : vector<32x128xi32>
    %add3A_2032 = arith.constant 12 : i32
    %add3A_2033 = vector.broadcast %add3A_2032 : i32 to vector<32x128xi32>
    %add3A_2034 = arith.addi %mul3A_2031, %add3A_2033 : vector<32x128xi32>
    %shift_left3A_2035 = arith.shli %broadcast_in_dim3A_2, %add3A_2034 : vector<32x128xi32>
    %add3A_2036 = arith.addi %add3A_2018, %shift_left3A_2035 : vector<32x128xi32>
    %get3A_2037 = arith.constant 0 : index
    %get3A_2038 = arith.constant 7936 : index
    %get3A_2039 = vector.load %arg1[%get3A_2037, %get3A_2038] : memref<32x8192xf32, #tpu.memory_space<vmem>>, vector<32x128xf32>
    %convert_element_type3A_2040 = arith.fptosi %get3A_2039 : vector<32x128xf32> to vector<32x128xi32>
    %max3A_2041 = arith.constant -4 : i32
    %max3A_2042 = vector.broadcast %max3A_2041 : i32 to vector<32x128xi32>
    %max3A_2043 = arith.maxsi %convert_element_type3A_2040, %max3A_2042 : vector<32x128xi32>
    %min3A_2044 = arith.constant 4 : i32
    %min3A_2045 = vector.broadcast %min3A_2044 : i32 to vector<32x128xi32>
    %min3A_2046 = arith.minsi %max3A_2043, %min3A_2045 : vector<32x128xi32>
    %mul3A_2047 = arith.constant 3 : i32
    %mul3A_2048 = vector.broadcast %mul3A_2047 : i32 to vector<32x128xi32>
    %mul3A_2049 = arith.muli %min3A_2046, %mul3A_2048 : vector<32x128xi32>
    %add3A_2050 = arith.constant 12 : i32
    %add3A_2051 = vector.broadcast %add3A_2050 : i32 to vector<32x128xi32>
    %add3A_2052 = arith.addi %mul3A_2049, %add3A_2051 : vector<32x128xi32>
    %shift_left3A_2053 = arith.shli %broadcast_in_dim3A_2, %add3A_2052 : vector<32x128xi32>
    %add3A_2054 = arith.addi %add3A_2036, %shift_left3A_2053 : vector<32x128xi32>
    %get3A_2055 = arith.constant 0 : index
    %get3A_2056 = arith.constant 0 : index
    %get3A_2057 = vector.load %arg3[%get3A_2055, %get3A_2056] : memref<32x128xi32, #tpu.memory_space<vmem>>, vector<32x128xi32>
    %shift_right_arithmetic3A_2058 = arith.constant 0 : i32
    %shift_right_arithmetic3A_2059 = vector.broadcast %shift_right_arithmetic3A_2058 : i32 to vector<32x128xi32>
    %shift_right_arithmetic3A_2060 = arith.shrsi %add3A_2054, %shift_right_arithmetic3A_2059 : vector<32x128xi32>
    %and3A_2061 = arith.constant 7 : i32
    %and3A_2062 = vector.broadcast %and3A_2061 : i32 to vector<32x128xi32>
    %and3A_2063 = arith.andi %shift_right_arithmetic3A_2060, %and3A_2062 : vector<32x128xi32>
    %add3A_2064 = arith.addi %get3A_2057, %and3A_2063 : vector<32x128xi32>
    %swap3A_2065 = arith.constant 0 : index
    %swap3A_2066 = arith.constant 0 : index
    %swap3A_2067 = vector.load %arg3[%swap3A_2065, %swap3A_2066] : memref<32x128xi32, #tpu.memory_space<vmem>>, vector<32x128xi32>
    tpu.vector_store %arg3[%swap3A_2065, %swap3A_2066], %add3A_2064 {strides = array<i32>} : memref<32x128xi32, #tpu.memory_space<vmem>>, vector<32x128xi32>,
    %get3A_2068 = arith.constant 0 : index
    %get3A_2069 = arith.constant 0 : index
    %get3A_2070 = vector.load %arg4[%get3A_2068, %get3A_2069] : memref<32x128xi32, #tpu.memory_space<vmem>>, vector<32x128xi32>
    %shift_right_arithmetic3A_2071 = arith.constant 3 : i32
    %shift_right_arithmetic3A_2072 = vector.broadcast %shift_right_arithmetic3A_2071 : i32 to vector<32x128xi32>
    %shift_right_arithmetic3A_2073 = arith.shrsi %add3A_2054, %shift_right_arithmetic3A_2072 : vector<32x128xi32>
    %and3A_2074 = arith.constant 7 : i32
    %and3A_2075 = vector.broadcast %and3A_2074 : i32 to vector<32x128xi32>
    %and3A_2076 = arith.andi %shift_right_arithmetic3A_2073, %and3A_2075 : vector<32x128xi32>
    %add3A_2077 = arith.addi %get3A_2070, %and3A_2076 : vector<32x128xi32>
    %swap3A_2078 = arith.constant 0 : index
    %swap3A_2079 = arith.constant 0 : index
    %swap3A_2080 = vector.load %arg4[%swap3A_2078, %swap3A_2079] : memref<32x128xi32, #tpu.memory_space<vmem>>, vector<32x128xi32>
    tpu.vector_store %arg4[%swap3A_2078, %swap3A_2079], %add3A_2077 {strides = array<i32>} : memref<32x128xi32, #tpu.memory_space<vmem>>, vector<32x128xi32>,
    %get3A_2081 = arith.constant 0 : index
    %get3A_2082 = arith.constant 0 : index
    %get3A_2083 = vector.load %arg5[%get3A_2081, %get3A_2082] : memref<32x128xi32, #tpu.memory_space<vmem>>, vector<32x128xi32>
    %shift_right_arithmetic3A_2084 = arith.constant 6 : i32
    %shift_right_arithmetic3A_2085 = vector.broadcast %shift_right_arithmetic3A_2084 : i32 to vector<32x128xi32>
    %shift_right_arithmetic3A_2086 = arith.shrsi %add3A_2054, %shift_right_arithmetic3A_2085 : vector<32x128xi32>
    %and3A_2087 = arith.constant 7 : i32
    %and3A_2088 = vector.broadcast %and3A_2087 : i32 to vector<32x128xi32>
    %and3A_2089 = arith.andi %shift_right_arithmetic3A_2086, %and3A_2088 : vector<32x128xi32>
    %add3A_2090 = arith.addi %get3A_2083, %and3A_2089 : vector<32x128xi32>
    %swap3A_2091 = arith.constant 0 : index
    %swap3A_2092 = arith.constant 0 : index
    %swap3A_2093 = vector.load %arg5[%swap3A_2091, %swap3A_2092] : memref<32x128xi32, #tpu.memory_space<vmem>>, vector<32x128xi32>
    tpu.vector_store %arg5[%swap3A_2091, %swap3A_2092], %add3A_2090 {strides = array<i32>} : memref<32x128xi32, #tpu.memory_space<vmem>>, vector<32x128xi32>,
    %get3A_2094 = arith.constant 0 : index
    %get3A_2095 = arith.constant 0 : index
    %get3A_2096 = vector.load %arg6[%get3A_2094, %get3A_2095] : memref<32x128xi32, #tpu.memory_space<vmem>>, vector<32x128xi32>
    %shift_right_arithmetic3A_2097 = arith.constant 9 : i32
    %shift_right_arithmetic3A_2098 = vector.broadcast %shift_right_arithmetic3A_2097 : i32 to vector<32x128xi32>
    %shift_right_arithmetic3A_2099 = arith.shrsi %add3A_2054, %shift_right_arithmetic3A_2098 : vector<32x128xi32>
    %and3A_2100 = arith.constant 7 : i32
    %and3A_2101 = vector.broadcast %and3A_2100 : i32 to vector<32x128xi32>
    %and3A_2102 = arith.andi %shift_right_arithmetic3A_2099, %and3A_2101 : vector<32x128xi32>
    %add3A_2103 = arith.addi %get3A_2096, %and3A_2102 : vector<32x128xi32>
    %swap3A_2104 = arith.constant 0 : index
    %swap3A_2105 = arith.constant 0 : index
    %swap3A_2106 = vector.load %arg6[%swap3A_2104, %swap3A_2105] : memref<32x128xi32, #tpu.memory_space<vmem>>, vector<32x128xi32>
    tpu.vector_store %arg6[%swap3A_2104, %swap3A_2105], %add3A_2103 {strides = array<i32>} : memref<32x128xi32, #tpu.memory_space<vmem>>, vector<32x128xi32>,
    %get3A_2107 = arith.constant 0 : index
    %get3A_2108 = arith.constant 0 : index
    %get3A_2109 = vector.load %arg7[%get3A_2107, %get3A_2108] : memref<32x128xi32, #tpu.memory_space<vmem>>, vector<32x128xi32>
    %shift_right_arithmetic3A_2110 = arith.constant 12 : i32
    %shift_right_arithmetic3A_2111 = vector.broadcast %shift_right_arithmetic3A_2110 : i32 to vector<32x128xi32>
    %shift_right_arithmetic3A_2112 = arith.shrsi %add3A_2054, %shift_right_arithmetic3A_2111 : vector<32x128xi32>
    %and3A_2113 = arith.constant 7 : i32
    %and3A_2114 = vector.broadcast %and3A_2113 : i32 to vector<32x128xi32>
    %and3A_2115 = arith.andi %shift_right_arithmetic3A_2112, %and3A_2114 : vector<32x128xi32>
    %add3A_2116 = arith.addi %get3A_2109, %and3A_2115 : vector<32x128xi32>
    %swap3A_2117 = arith.constant 0 : index
    %swap3A_2118 = arith.constant 0 : index
    %swap3A_2119 = vector.load %arg7[%swap3A_2117, %swap3A_2118] : memref<32x128xi32, #tpu.memory_space<vmem>>, vector<32x128xi32>
    tpu.vector_store %arg7[%swap3A_2117, %swap3A_2118], %add3A_2116 {strides = array<i32>} : memref<32x128xi32, #tpu.memory_space<vmem>>, vector<32x128xi32>,
    %get3A_2120 = arith.constant 0 : index
    %get3A_2121 = arith.constant 0 : index
    %get3A_2122 = vector.load %arg8[%get3A_2120, %get3A_2121] : memref<32x128xi32, #tpu.memory_space<vmem>>, vector<32x128xi32>
    %shift_right_arithmetic3A_2123 = arith.constant 15 : i32
    %shift_right_arithmetic3A_2124 = vector.broadcast %shift_right_arithmetic3A_2123 : i32 to vector<32x128xi32>
    %shift_right_arithmetic3A_2125 = arith.shrsi %add3A_2054, %shift_right_arithmetic3A_2124 : vector<32x128xi32>
    %and3A_2126 = arith.constant 7 : i32
    %and3A_2127 = vector.broadcast %and3A_2126 : i32 to vector<32x128xi32>
    %and3A_2128 = arith.andi %shift_right_arithmetic3A_2125, %and3A_2127 : vector<32x128xi32>
    %add3A_2129 = arith.addi %get3A_2122, %and3A_2128 : vector<32x128xi32>
    %swap3A_2130 = arith.constant 0 : index
    %swap3A_2131 = arith.constant 0 : index
    %swap3A_2132 = vector.load %arg8[%swap3A_2130, %swap3A_2131] : memref<32x128xi32, #tpu.memory_space<vmem>>, vector<32x128xi32>
    tpu.vector_store %arg8[%swap3A_2130, %swap3A_2131], %add3A_2129 {strides = array<i32>} : memref<32x128xi32, #tpu.memory_space<vmem>>, vector<32x128xi32>,
    %get3A_2133 = arith.constant 0 : index
    %get3A_2134 = arith.constant 0 : index
    %get3A_2135 = vector.load %arg9[%get3A_2133, %get3A_2134] : memref<32x128xi32, #tpu.memory_space<vmem>>, vector<32x128xi32>
    %shift_right_arithmetic3A_2136 = arith.constant 18 : i32
    %shift_right_arithmetic3A_2137 = vector.broadcast %shift_right_arithmetic3A_2136 : i32 to vector<32x128xi32>
    %shift_right_arithmetic3A_2138 = arith.shrsi %add3A_2054, %shift_right_arithmetic3A_2137 : vector<32x128xi32>
    %and3A_2139 = arith.constant 7 : i32
    %and3A_2140 = vector.broadcast %and3A_2139 : i32 to vector<32x128xi32>
    %and3A_2141 = arith.andi %shift_right_arithmetic3A_2138, %and3A_2140 : vector<32x128xi32>
    %add3A_2142 = arith.addi %get3A_2135, %and3A_2141 : vector<32x128xi32>
    %swap3A_2143 = arith.constant 0 : index
    %swap3A_2144 = arith.constant 0 : index
    %swap3A_2145 = vector.load %arg9[%swap3A_2143, %swap3A_2144] : memref<32x128xi32, #tpu.memory_space<vmem>>, vector<32x128xi32>
    tpu.vector_store %arg9[%swap3A_2143, %swap3A_2144], %add3A_2142 {strides = array<i32>} : memref<32x128xi32, #tpu.memory_space<vmem>>, vector<32x128xi32>,
    %get3A_2146 = arith.constant 0 : index
    %get3A_2147 = arith.constant 0 : index
    %get3A_2148 = vector.load %arg10[%get3A_2146, %get3A_2147] : memref<32x128xi32, #tpu.memory_space<vmem>>, vector<32x128xi32>
    %shift_right_arithmetic3A_2149 = arith.constant 21 : i32
    %shift_right_arithmetic3A_2150 = vector.broadcast %shift_right_arithmetic3A_2149 : i32 to vector<32x128xi32>
    %shift_right_arithmetic3A_2151 = arith.shrsi %add3A_2054, %shift_right_arithmetic3A_2150 : vector<32x128xi32>
    %and3A_2152 = arith.constant 7 : i32
    %and3A_2153 = vector.broadcast %and3A_2152 : i32 to vector<32x128xi32>
    %and3A_2154 = arith.andi %shift_right_arithmetic3A_2151, %and3A_2153 : vector<32x128xi32>
    %add3A_2155 = arith.addi %get3A_2148, %and3A_2154 : vector<32x128xi32>
    %swap3A_2156 = arith.constant 0 : index
    %swap3A_2157 = arith.constant 0 : index
    %swap3A_2158 = vector.load %arg10[%swap3A_2156, %swap3A_2157] : memref<32x128xi32, #tpu.memory_space<vmem>>, vector<32x128xi32>
    tpu.vector_store %arg10[%swap3A_2156, %swap3A_2157], %add3A_2155 {strides = array<i32>} : memref<32x128xi32, #tpu.memory_space<vmem>>, vector<32x128xi32>,
    %get3A_2159 = arith.constant 0 : index
    %get3A_2160 = arith.constant 0 : index
    %get3A_2161 = vector.load %arg11[%get3A_2159, %get3A_2160] : memref<32x128xi32, #tpu.memory_space<vmem>>, vector<32x128xi32>
    %shift_right_arithmetic3A_2162 = arith.constant 24 : i32
    %shift_right_arithmetic3A_2163 = vector.broadcast %shift_right_arithmetic3A_2162 : i32 to vector<32x128xi32>
    %shift_right_arithmetic3A_2164 = arith.shrsi %add3A_2054, %shift_right_arithmetic3A_2163 : vector<32x128xi32>
    %and3A_2165 = arith.constant 7 : i32
    %and3A_2166 = vector.broadcast %and3A_2165 : i32 to vector<32x128xi32>
    %and3A_2167 = arith.andi %shift_right_arithmetic3A_2164, %and3A_2166 : vector<32x128xi32>
    %add3A_2168 = arith.addi %get3A_2161, %and3A_2167 : vector<32x128xi32>
    %swap3A_2169 = arith.constant 0 : index
    %swap3A_2170 = arith.constant 0 : index
    %swap3A_2171 = vector.load %arg11[%swap3A_2169, %swap3A_2170] : memref<32x128xi32, #tpu.memory_space<vmem>>, vector<32x128xi32>
    tpu.vector_store %arg11[%swap3A_2169, %swap3A_2170], %add3A_2168 {strides = array<i32>} : memref<32x128xi32, #tpu.memory_space<vmem>>, vector<32x128xi32>,
    %get3A_2172 = arith.constant 0 : index
    %get3A_2173 = arith.constant 8064 : index
    %get3A_2174 = vector.load %arg1[%get3A_2172, %get3A_2173] : memref<32x8192xf32, #tpu.memory_space<vmem>>, vector<32x128xf32>
    %convert_element_type3A_2175 = arith.fptosi %get3A_2174 : vector<32x128xf32> to vector<32x128xi32>
    %max3A_2176 = arith.constant -4 : i32
    %max3A_2177 = vector.broadcast %max3A_2176 : i32 to vector<32x128xi32>
    %max3A_2178 = arith.maxsi %convert_element_type3A_2175, %max3A_2177 : vector<32x128xi32>
    %min3A_2179 = arith.constant 4 : i32
    %min3A_2180 = vector.broadcast %min3A_2179 : i32 to vector<32x128xi32>
    %min3A_2181 = arith.minsi %max3A_2178, %min3A_2180 : vector<32x128xi32>
    %mul3A_2182 = arith.constant 3 : i32
    %mul3A_2183 = vector.broadcast %mul3A_2182 : i32 to vector<32x128xi32>
    %mul3A_2184 = arith.muli %min3A_2181, %mul3A_2183 : vector<32x128xi32>
    %add3A_2185 = arith.constant 12 : i32
    %add3A_2186 = vector.broadcast %add3A_2185 : i32 to vector<32x128xi32>
    %add3A_2187 = arith.addi %mul3A_2184, %add3A_2186 : vector<32x128xi32>
    %shift_left3A_2188 = arith.shli %broadcast_in_dim3A_2, %add3A_2187 : vector<32x128xi32>
    %get3A_2189 = arith.constant 0 : index
    %get3A_2190 = arith.constant 0 : index
    %get3A_2191 = vector.load %arg3[%get3A_2189, %get3A_2190] : memref<32x128xi32, #tpu.memory_space<vmem>>, vector<32x128xi32>
    %shift_right_arithmetic3A_2192 = arith.constant 0 : i32
    %shift_right_arithmetic3A_2193 = vector.broadcast %shift_right_arithmetic3A_2192 : i32 to vector<32x128xi32>
    %shift_right_arithmetic3A_2194 = arith.shrsi %shift_left3A_2188, %shift_right_arithmetic3A_2193 : vector<32x128xi32>
    %and3A_2195 = arith.constant 7 : i32
    %and3A_2196 = vector.broadcast %and3A_2195 : i32 to vector<32x128xi32>
    %and3A_2197 = arith.andi %shift_right_arithmetic3A_2194, %and3A_2196 : vector<32x128xi32>
    %add3A_2198 = arith.addi %get3A_2191, %and3A_2197 : vector<32x128xi32>
    %swap3A_2199 = arith.constant 0 : index
    %swap3A_2200 = arith.constant 0 : index
    %swap3A_2201 = vector.load %arg3[%swap3A_2199, %swap3A_2200] : memref<32x128xi32, #tpu.memory_space<vmem>>, vector<32x128xi32>
    tpu.vector_store %arg3[%swap3A_2199, %swap3A_2200], %add3A_2198 {strides = array<i32>} : memref<32x128xi32, #tpu.memory_space<vmem>>, vector<32x128xi32>,
    %get3A_2202 = arith.constant 0 : index
    %get3A_2203 = arith.constant 0 : index
    %get3A_2204 = vector.load %arg4[%get3A_2202, %get3A_2203] : memref<32x128xi32, #tpu.memory_space<vmem>>, vector<32x128xi32>
    %shift_right_arithmetic3A_2205 = arith.constant 3 : i32
    %shift_right_arithmetic3A_2206 = vector.broadcast %shift_right_arithmetic3A_2205 : i32 to vector<32x128xi32>
    %shift_right_arithmetic3A_2207 = arith.shrsi %shift_left3A_2188, %shift_right_arithmetic3A_2206 : vector<32x128xi32>
    %and3A_2208 = arith.constant 7 : i32
    %and3A_2209 = vector.broadcast %and3A_2208 : i32 to vector<32x128xi32>
    %and3A_2210 = arith.andi %shift_right_arithmetic3A_2207, %and3A_2209 : vector<32x128xi32>
    %add3A_2211 = arith.addi %get3A_2204, %and3A_2210 : vector<32x128xi32>
    %swap3A_2212 = arith.constant 0 : index
    %swap3A_2213 = arith.constant 0 : index
    %swap3A_2214 = vector.load %arg4[%swap3A_2212, %swap3A_2213] : memref<32x128xi32, #tpu.memory_space<vmem>>, vector<32x128xi32>
    tpu.vector_store %arg4[%swap3A_2212, %swap3A_2213], %add3A_2211 {strides = array<i32>} : memref<32x128xi32, #tpu.memory_space<vmem>>, vector<32x128xi32>,
    %get3A_2215 = arith.constant 0 : index
    %get3A_2216 = arith.constant 0 : index
    %get3A_2217 = vector.load %arg5[%get3A_2215, %get3A_2216] : memref<32x128xi32, #tpu.memory_space<vmem>>, vector<32x128xi32>
    %shift_right_arithmetic3A_2218 = arith.constant 6 : i32
    %shift_right_arithmetic3A_2219 = vector.broadcast %shift_right_arithmetic3A_2218 : i32 to vector<32x128xi32>
    %shift_right_arithmetic3A_2220 = arith.shrsi %shift_left3A_2188, %shift_right_arithmetic3A_2219 : vector<32x128xi32>
    %and3A_2221 = arith.constant 7 : i32
    %and3A_2222 = vector.broadcast %and3A_2221 : i32 to vector<32x128xi32>
    %and3A_2223 = arith.andi %shift_right_arithmetic3A_2220, %and3A_2222 : vector<32x128xi32>
    %add3A_2224 = arith.addi %get3A_2217, %and3A_2223 : vector<32x128xi32>
    %swap3A_2225 = arith.constant 0 : index
    %swap3A_2226 = arith.constant 0 : index
    %swap3A_2227 = vector.load %arg5[%swap3A_2225, %swap3A_2226] : memref<32x128xi32, #tpu.memory_space<vmem>>, vector<32x128xi32>
    tpu.vector_store %arg5[%swap3A_2225, %swap3A_2226], %add3A_2224 {strides = array<i32>} : memref<32x128xi32, #tpu.memory_space<vmem>>, vector<32x128xi32>,
    %get3A_2228 = arith.constant 0 : index
    %get3A_2229 = arith.constant 0 : index
    %get3A_2230 = vector.load %arg6[%get3A_2228, %get3A_2229] : memref<32x128xi32, #tpu.memory_space<vmem>>, vector<32x128xi32>
    %shift_right_arithmetic3A_2231 = arith.constant 9 : i32
    %shift_right_arithmetic3A_2232 = vector.broadcast %shift_right_arithmetic3A_2231 : i32 to vector<32x128xi32>
    %shift_right_arithmetic3A_2233 = arith.shrsi %shift_left3A_2188, %shift_right_arithmetic3A_2232 : vector<32x128xi32>
    %and3A_2234 = arith.constant 7 : i32
    %and3A_2235 = vector.broadcast %and3A_2234 : i32 to vector<32x128xi32>
    %and3A_2236 = arith.andi %shift_right_arithmetic3A_2233, %and3A_2235 : vector<32x128xi32>
    %add3A_2237 = arith.addi %get3A_2230, %and3A_2236 : vector<32x128xi32>
    %swap3A_2238 = arith.constant 0 : index
    %swap3A_2239 = arith.constant 0 : index
    %swap3A_2240 = vector.load %arg6[%swap3A_2238, %swap3A_2239] : memref<32x128xi32, #tpu.memory_space<vmem>>, vector<32x128xi32>
    tpu.vector_store %arg6[%swap3A_2238, %swap3A_2239], %add3A_2237 {strides = array<i32>} : memref<32x128xi32, #tpu.memory_space<vmem>>, vector<32x128xi32>,
    %get3A_2241 = arith.constant 0 : index
    %get3A_2242 = arith.constant 0 : index
    %get3A_2243 = vector.load %arg7[%get3A_2241, %get3A_2242] : memref<32x128xi32, #tpu.memory_space<vmem>>, vector<32x128xi32>
    %shift_right_arithmetic3A_2244 = arith.constant 12 : i32
    %shift_right_arithmetic3A_2245 = vector.broadcast %shift_right_arithmetic3A_2244 : i32 to vector<32x128xi32>
    %shift_right_arithmetic3A_2246 = arith.shrsi %shift_left3A_2188, %shift_right_arithmetic3A_2245 : vector<32x128xi32>
    %and3A_2247 = arith.constant 7 : i32
    %and3A_2248 = vector.broadcast %and3A_2247 : i32 to vector<32x128xi32>
    %and3A_2249 = arith.andi %shift_right_arithmetic3A_2246, %and3A_2248 : vector<32x128xi32>
    %add3A_2250 = arith.addi %get3A_2243, %and3A_2249 : vector<32x128xi32>
    %swap3A_2251 = arith.constant 0 : index
    %swap3A_2252 = arith.constant 0 : index
    %swap3A_2253 = vector.load %arg7[%swap3A_2251, %swap3A_2252] : memref<32x128xi32, #tpu.memory_space<vmem>>, vector<32x128xi32>
    tpu.vector_store %arg7[%swap3A_2251, %swap3A_2252], %add3A_2250 {strides = array<i32>} : memref<32x128xi32, #tpu.memory_space<vmem>>, vector<32x128xi32>,
    %get3A_2254 = arith.constant 0 : index
    %get3A_2255 = arith.constant 0 : index
    %get3A_2256 = vector.load %arg8[%get3A_2254, %get3A_2255] : memref<32x128xi32, #tpu.memory_space<vmem>>, vector<32x128xi32>
    %shift_right_arithmetic3A_2257 = arith.constant 15 : i32
    %shift_right_arithmetic3A_2258 = vector.broadcast %shift_right_arithmetic3A_2257 : i32 to vector<32x128xi32>
    %shift_right_arithmetic3A_2259 = arith.shrsi %shift_left3A_2188, %shift_right_arithmetic3A_2258 : vector<32x128xi32>
    %and3A_2260 = arith.constant 7 : i32
    %and3A_2261 = vector.broadcast %and3A_2260 : i32 to vector<32x128xi32>
    %and3A_2262 = arith.andi %shift_right_arithmetic3A_2259, %and3A_2261 : vector<32x128xi32>
    %add3A_2263 = arith.addi %get3A_2256, %and3A_2262 : vector<32x128xi32>
    %swap3A_2264 = arith.constant 0 : index
    %swap3A_2265 = arith.constant 0 : index
    %swap3A_2266 = vector.load %arg8[%swap3A_2264, %swap3A_2265] : memref<32x128xi32, #tpu.memory_space<vmem>>, vector<32x128xi32>
    tpu.vector_store %arg8[%swap3A_2264, %swap3A_2265], %add3A_2263 {strides = array<i32>} : memref<32x128xi32, #tpu.memory_space<vmem>>, vector<32x128xi32>,
    %get3A_2267 = arith.constant 0 : index
    %get3A_2268 = arith.constant 0 : index
    %get3A_2269 = vector.load %arg9[%get3A_2267, %get3A_2268] : memref<32x128xi32, #tpu.memory_space<vmem>>, vector<32x128xi32>
    %shift_right_arithmetic3A_2270 = arith.constant 18 : i32
    %shift_right_arithmetic3A_2271 = vector.broadcast %shift_right_arithmetic3A_2270 : i32 to vector<32x128xi32>
    %shift_right_arithmetic3A_2272 = arith.shrsi %shift_left3A_2188, %shift_right_arithmetic3A_2271 : vector<32x128xi32>
    %and3A_2273 = arith.constant 7 : i32
    %and3A_2274 = vector.broadcast %and3A_2273 : i32 to vector<32x128xi32>
    %and3A_2275 = arith.andi %shift_right_arithmetic3A_2272, %and3A_2274 : vector<32x128xi32>
    %add3A_2276 = arith.addi %get3A_2269, %and3A_2275 : vector<32x128xi32>
    %swap3A_2277 = arith.constant 0 : index
    %swap3A_2278 = arith.constant 0 : index
    %swap3A_2279 = vector.load %arg9[%swap3A_2277, %swap3A_2278] : memref<32x128xi32, #tpu.memory_space<vmem>>, vector<32x128xi32>
    tpu.vector_store %arg9[%swap3A_2277, %swap3A_2278], %add3A_2276 {strides = array<i32>} : memref<32x128xi32, #tpu.memory_space<vmem>>, vector<32x128xi32>,
    %get3A_2280 = arith.constant 0 : index
    %get3A_2281 = arith.constant 0 : index
    %get3A_2282 = vector.load %arg10[%get3A_2280, %get3A_2281] : memref<32x128xi32, #tpu.memory_space<vmem>>, vector<32x128xi32>
    %shift_right_arithmetic3A_2283 = arith.constant 21 : i32
    %shift_right_arithmetic3A_2284 = vector.broadcast %shift_right_arithmetic3A_2283 : i32 to vector<32x128xi32>
    %shift_right_arithmetic3A_2285 = arith.shrsi %shift_left3A_2188, %shift_right_arithmetic3A_2284 : vector<32x128xi32>
    %and3A_2286 = arith.constant 7 : i32
    %and3A_2287 = vector.broadcast %and3A_2286 : i32 to vector<32x128xi32>
    %and3A_2288 = arith.andi %shift_right_arithmetic3A_2285, %and3A_2287 : vector<32x128xi32>
    %add3A_2289 = arith.addi %get3A_2282, %and3A_2288 : vector<32x128xi32>
    %swap3A_2290 = arith.constant 0 : index
    %swap3A_2291 = arith.constant 0 : index
    %swap3A_2292 = vector.load %arg10[%swap3A_2290, %swap3A_2291] : memref<32x128xi32, #tpu.memory_space<vmem>>, vector<32x128xi32>
    tpu.vector_store %arg10[%swap3A_2290, %swap3A_2291], %add3A_2289 {strides = array<i32>} : memref<32x128xi32, #tpu.memory_space<vmem>>, vector<32x128xi32>,
    %get3A_2293 = arith.constant 0 : index
    %get3A_2294 = arith.constant 0 : index
    %get3A_2295 = vector.load %arg11[%get3A_2293, %get3A_2294] : memref<32x128xi32, #tpu.memory_space<vmem>>, vector<32x128xi32>
    %shift_right_arithmetic3A_2296 = arith.constant 24 : i32
    %shift_right_arithmetic3A_2297 = vector.broadcast %shift_right_arithmetic3A_2296 : i32 to vector<32x128xi32>
    %shift_right_arithmetic3A_2298 = arith.shrsi %shift_left3A_2188, %shift_right_arithmetic3A_2297 : vector<32x128xi32>
    %and3A_2299 = arith.constant 7 : i32
    %and3A_2300 = vector.broadcast %and3A_2299 : i32 to vector<32x128xi32>
    %and3A_2301 = arith.andi %shift_right_arithmetic3A_2298, %and3A_2300 : vector<32x128xi32>
    %add3A_2302 = arith.addi %get3A_2295, %and3A_2301 : vector<32x128xi32>
    %swap3A_2303 = arith.constant 0 : index
    %swap3A_2304 = arith.constant 0 : index
    %swap3A_2305 = vector.load %arg11[%swap3A_2303, %swap3A_2304] : memref<32x128xi32, #tpu.memory_space<vmem>>, vector<32x128xi32>
    tpu.vector_store %arg11[%swap3A_2303, %swap3A_2304], %add3A_2302 {strides = array<i32>} : memref<32x128xi32, #tpu.memory_space<vmem>>, vector<32x128xi32>,
    %eq3A_2306 = arith.constant 79 : i32
    %eq3A_2307 = arith.cmpi eq, %arg0, %eq3A_2306 : i32
    %convert_element_type3A_2308 = arith.extui %eq3A_2307 : i1 to i32
    %cond3A_2309 = arith.constant 0 : i32
    %cond3A_2310 = arith.cmpi ne, %convert_element_type3A_2308, %cond3A_2309 : i32
    scf.if %cond3A_2310 {
      %get3A_2311 = arith.constant 0 : index
      %get3A_2312 = arith.constant 0 : index
      %get3A_2313 = vector.load %arg3[%get3A_2311, %get3A_2312] : memref<32x128xi32, #tpu.memory_space<vmem>>, vector<32x128xi32>
      %reduce_sum3A = arith.constant dense<0> : vector<32xi32>
      %reduce_sum3A_2314 = vector.multi_reduction <add>, %get3A_2313, %reduce_sum3A [1] : vector<32x128xi32> to vector<32xi32>
      %broadcast_in_dim3A_2315 = vector.shape_cast %reduce_sum3A_2314 : vector<32xi32> to vector<32x1xi32>
      %convert_element_type3A_2316 = arith.sitofp %broadcast_in_dim3A_2315 : vector<32x1xi32> to vector<32x1xf32>
      %get3A_2317 = arith.constant 0 : index
      %get3A_2318 = arith.constant 0 : index
      %get3A_2319 = vector.load %arg4[%get3A_2317, %get3A_2318] : memref<32x128xi32, #tpu.memory_space<vmem>>, vector<32x128xi32>
      %reduce_sum3A_2320 = arith.constant dense<0> : vector<32xi32>
      %reduce_sum3A_2321 = vector.multi_reduction <add>, %get3A_2319, %reduce_sum3A_2320 [1] : vector<32x128xi32> to vector<32xi32>
      %broadcast_in_dim3A_2322 = vector.shape_cast %reduce_sum3A_2321 : vector<32xi32> to vector<32x1xi32>
      %convert_element_type3A_2323 = arith.sitofp %broadcast_in_dim3A_2322 : vector<32x1xi32> to vector<32x1xf32>
      %get3A_2324 = arith.constant 0 : index
      %get3A_2325 = arith.constant 0 : index
      %get3A_2326 = vector.load %arg5[%get3A_2324, %get3A_2325] : memref<32x128xi32, #tpu.memory_space<vmem>>, vector<32x128xi32>
      %reduce_sum3A_2327 = arith.constant dense<0> : vector<32xi32>
      %reduce_sum3A_2328 = vector.multi_reduction <add>, %get3A_2326, %reduce_sum3A_2327 [1] : vector<32x128xi32> to vector<32xi32>
      %broadcast_in_dim3A_2329 = vector.shape_cast %reduce_sum3A_2328 : vector<32xi32> to vector<32x1xi32>
      %convert_element_type3A_2330 = arith.sitofp %broadcast_in_dim3A_2329 : vector<32x1xi32> to vector<32x1xf32>
      %get3A_2331 = arith.constant 0 : index
      %get3A_2332 = arith.constant 0 : index
      %get3A_2333 = vector.load %arg6[%get3A_2331, %get3A_2332] : memref<32x128xi32, #tpu.memory_space<vmem>>, vector<32x128xi32>
      %reduce_sum3A_2334 = arith.constant dense<0> : vector<32xi32>
      %reduce_sum3A_2335 = vector.multi_reduction <add>, %get3A_2333, %reduce_sum3A_2334 [1] : vector<32x128xi32> to vector<32xi32>
      %broadcast_in_dim3A_2336 = vector.shape_cast %reduce_sum3A_2335 : vector<32xi32> to vector<32x1xi32>
      %convert_element_type3A_2337 = arith.sitofp %broadcast_in_dim3A_2336 : vector<32x1xi32> to vector<32x1xf32>
      %get3A_2338 = arith.constant 0 : index
      %get3A_2339 = arith.constant 0 : index
      %get3A_2340 = vector.load %arg7[%get3A_2338, %get3A_2339] : memref<32x128xi32, #tpu.memory_space<vmem>>, vector<32x128xi32>
      %reduce_sum3A_2341 = arith.constant dense<0> : vector<32xi32>
      %reduce_sum3A_2342 = vector.multi_reduction <add>, %get3A_2340, %reduce_sum3A_2341 [1] : vector<32x128xi32> to vector<32xi32>
      %broadcast_in_dim3A_2343 = vector.shape_cast %reduce_sum3A_2342 : vector<32xi32> to vector<32x1xi32>
      %convert_element_type3A_2344 = arith.sitofp %broadcast_in_dim3A_2343 : vector<32x1xi32> to vector<32x1xf32>
      %get3A_2345 = arith.constant 0 : index
      %get3A_2346 = arith.constant 0 : index
      %get3A_2347 = vector.load %arg8[%get3A_2345, %get3A_2346] : memref<32x128xi32, #tpu.memory_space<vmem>>, vector<32x128xi32>
      %reduce_sum3A_2348 = arith.constant dense<0> : vector<32xi32>
      %reduce_sum3A_2349 = vector.multi_reduction <add>, %get3A_2347, %reduce_sum3A_2348 [1] : vector<32x128xi32> to vector<32xi32>
      %broadcast_in_dim3A_2350 = vector.shape_cast %reduce_sum3A_2349 : vector<32xi32> to vector<32x1xi32>
      %convert_element_type3A_2351 = arith.sitofp %broadcast_in_dim3A_2350 : vector<32x1xi32> to vector<32x1xf32>
      %get3A_2352 = arith.constant 0 : index
      %get3A_2353 = arith.constant 0 : index
      %get3A_2354 = vector.load %arg9[%get3A_2352, %get3A_2353] : memref<32x128xi32, #tpu.memory_space<vmem>>, vector<32x128xi32>
      %reduce_sum3A_2355 = arith.constant dense<0> : vector<32xi32>
      %reduce_sum3A_2356 = vector.multi_reduction <add>, %get3A_2354, %reduce_sum3A_2355 [1] : vector<32x128xi32> to vector<32xi32>
      %broadcast_in_dim3A_2357 = vector.shape_cast %reduce_sum3A_2356 : vector<32xi32> to vector<32x1xi32>
      %convert_element_type3A_2358 = arith.sitofp %broadcast_in_dim3A_2357 : vector<32x1xi32> to vector<32x1xf32>
      %get3A_2359 = arith.constant 0 : index
      %get3A_2360 = arith.constant 0 : index
      %get3A_2361 = vector.load %arg10[%get3A_2359, %get3A_2360] : memref<32x128xi32, #tpu.memory_space<vmem>>, vector<32x128xi32>
      %reduce_sum3A_2362 = arith.constant dense<0> : vector<32xi32>
      %reduce_sum3A_2363 = vector.multi_reduction <add>, %get3A_2361, %reduce_sum3A_2362 [1] : vector<32x128xi32> to vector<32xi32>
      %broadcast_in_dim3A_2364 = vector.shape_cast %reduce_sum3A_2363 : vector<32xi32> to vector<32x1xi32>
      %convert_element_type3A_2365 = arith.sitofp %broadcast_in_dim3A_2364 : vector<32x1xi32> to vector<32x1xf32>
      %get3A_2366 = arith.constant 0 : index
      %get3A_2367 = arith.constant 0 : index
      %get3A_2368 = vector.load %arg11[%get3A_2366, %get3A_2367] : memref<32x128xi32, #tpu.memory_space<vmem>>, vector<32x128xi32>
      %reduce_sum3A_2369 = arith.constant dense<0> : vector<32xi32>
      %reduce_sum3A_2370 = vector.multi_reduction <add>, %get3A_2368, %reduce_sum3A_2369 [1] : vector<32x128xi32> to vector<32xi32>
      %broadcast_in_dim3A_2371 = vector.shape_cast %reduce_sum3A_2370 : vector<32xi32> to vector<32x1xi32>
      %convert_element_type3A_2372 = arith.sitofp %broadcast_in_dim3A_2371 : vector<32x1xi32> to vector<32x1xf32>
      %iota3A = tpu.iota {dimensions = array<i32: 1>} : vector<32x128xi32>
      %broadcast_in_dim3A_2373 = arith.constant 0.000000e+00 : f32
      %broadcast_in_dim3A_2374 = vector.broadcast %broadcast_in_dim3A_2373 : f32 to vector<32x128xf32>
      %eq3A_2375 = arith.constant 0 : i32
      %eq3A_2376 = vector.broadcast %eq3A_2375 : i32 to vector<32x128xi32>
      %eq3A_2377 = arith.cmpi eq, %iota3A, %eq3A_2376 : vector<32x128xi32>
      %broadcast_in_dim3A_2378 = vector.shape_cast %convert_element_type3A_2316 : vector<32x1xf32> to vector<32x1xf32>
      %broadcast_in_dim3A_2379 = vector.broadcast %broadcast_in_dim3A_2378 : vector<32x1xf32> to vector<32x128xf32>
      %select_n3A = arith.select %eq3A_2377, %broadcast_in_dim3A_2379, %broadcast_in_dim3A_2374 : vector<32x128xi1>, vector<32x128xf32>
      %eq3A_2380 = arith.constant 12 : i32
      %eq3A_2381 = vector.broadcast %eq3A_2380 : i32 to vector<32x128xi32>
      %eq3A_2382 = arith.cmpi eq, %iota3A, %eq3A_2381 : vector<32x128xi32>
      %broadcast_in_dim3A_2383 = vector.shape_cast %convert_element_type3A_2323 : vector<32x1xf32> to vector<32x1xf32>
      %broadcast_in_dim3A_2384 = vector.broadcast %broadcast_in_dim3A_2383 : vector<32x1xf32> to vector<32x128xf32>
      %select_n3A_2385 = arith.select %eq3A_2382, %broadcast_in_dim3A_2384, %select_n3A : vector<32x128xi1>, vector<32x128xf32>
      %eq3A_2386 = arith.constant 25 : i32
      %eq3A_2387 = vector.broadcast %eq3A_2386 : i32 to vector<32x128xi32>
      %eq3A_2388 = arith.cmpi eq, %iota3A, %eq3A_2387 : vector<32x128xi32>
      %broadcast_in_dim3A_2389 = vector.shape_cast %convert_element_type3A_2330 : vector<32x1xf32> to vector<32x1xf32>
      %broadcast_in_dim3A_2390 = vector.broadcast %broadcast_in_dim3A_2389 : vector<32x1xf32> to vector<32x128xf32>
      %select_n3A_2391 = arith.select %eq3A_2388, %broadcast_in_dim3A_2390, %select_n3A_2385 : vector<32x128xi1>, vector<32x128xf32>
      %eq3A_2392 = arith.constant 37 : i32
      %eq3A_2393 = vector.broadcast %eq3A_2392 : i32 to vector<32x128xi32>
      %eq3A_2394 = arith.cmpi eq, %iota3A, %eq3A_2393 : vector<32x128xi32>
      %broadcast_in_dim3A_2395 = vector.shape_cast %convert_element_type3A_2337 : vector<32x1xf32> to vector<32x1xf32>
      %broadcast_in_dim3A_2396 = vector.broadcast %broadcast_in_dim3A_2395 : vector<32x1xf32> to vector<32x128xf32>
      %select_n3A_2397 = arith.select %eq3A_2394, %broadcast_in_dim3A_2396, %select_n3A_2391 : vector<32x128xi1>, vector<32x128xf32>
      %eq3A_2398 = arith.constant 50 : i32
      %eq3A_2399 = vector.broadcast %eq3A_2398 : i32 to vector<32x128xi32>
      %eq3A_2400 = arith.cmpi eq, %iota3A, %eq3A_2399 : vector<32x128xi32>
      %broadcast_in_dim3A_2401 = vector.shape_cast %convert_element_type3A_2344 : vector<32x1xf32> to vector<32x1xf32>
      %broadcast_in_dim3A_2402 = vector.broadcast %broadcast_in_dim3A_2401 : vector<32x1xf32> to vector<32x128xf32>
      %select_n3A_2403 = arith.select %eq3A_2400, %broadcast_in_dim3A_2402, %select_n3A_2397 : vector<32x128xi1>, vector<32x128xf32>
      %eq3A_2404 = arith.constant 62 : i32
      %eq3A_2405 = vector.broadcast %eq3A_2404 : i32 to vector<32x128xi32>
      %eq3A_2406 = arith.cmpi eq, %iota3A, %eq3A_2405 : vector<32x128xi32>
      %broadcast_in_dim3A_2407 = vector.shape_cast %convert_element_type3A_2351 : vector<32x1xf32> to vector<32x1xf32>
      %broadcast_in_dim3A_2408 = vector.broadcast %broadcast_in_dim3A_2407 : vector<32x1xf32> to vector<32x128xf32>
      %select_n3A_2409 = arith.select %eq3A_2406, %broadcast_in_dim3A_2408, %select_n3A_2403 : vector<32x128xi1>, vector<32x128xf32>
      %eq3A_2410 = arith.constant 75 : i32
      %eq3A_2411 = vector.broadcast %eq3A_2410 : i32 to vector<32x128xi32>
      %eq3A_2412 = arith.cmpi eq, %iota3A, %eq3A_2411 : vector<32x128xi32>
      %broadcast_in_dim3A_2413 = vector.shape_cast %convert_element_type3A_2358 : vector<32x1xf32> to vector<32x1xf32>
      %broadcast_in_dim3A_2414 = vector.broadcast %broadcast_in_dim3A_2413 : vector<32x1xf32> to vector<32x128xf32>
      %select_n3A_2415 = arith.select %eq3A_2412, %broadcast_in_dim3A_2414, %select_n3A_2409 : vector<32x128xi1>, vector<32x128xf32>
      %eq3A_2416 = arith.constant 87 : i32
      %eq3A_2417 = vector.broadcast %eq3A_2416 : i32 to vector<32x128xi32>
      %eq3A_2418 = arith.cmpi eq, %iota3A, %eq3A_2417 : vector<32x128xi32>
      %broadcast_in_dim3A_2419 = vector.shape_cast %convert_element_type3A_2365 : vector<32x1xf32> to vector<32x1xf32>
      %broadcast_in_dim3A_2420 = vector.broadcast %broadcast_in_dim3A_2419 : vector<32x1xf32> to vector<32x128xf32>
      %select_n3A_2421 = arith.select %eq3A_2418, %broadcast_in_dim3A_2420, %select_n3A_2415 : vector<32x128xi1>, vector<32x128xf32>
      %eq3A_2422 = arith.constant 99 : i32
      %eq3A_2423 = vector.broadcast %eq3A_2422 : i32 to vector<32x128xi32>
      %eq3A_2424 = arith.cmpi eq, %iota3A, %eq3A_2423 : vector<32x128xi32>
      %broadcast_in_dim3A_2425 = vector.shape_cast %convert_element_type3A_2372 : vector<32x1xf32> to vector<32x1xf32>
      %broadcast_in_dim3A_2426 = vector.broadcast %broadcast_in_dim3A_2425 : vector<32x1xf32> to vector<32x128xf32>
      %select_n3A_2427 = arith.select %eq3A_2424, %broadcast_in_dim3A_2426, %select_n3A_2421 : vector<32x128xi1>, vector<32x128xf32>
      %swap3A_2428 = arith.constant 0 : index
      %swap3A_2429 = arith.constant 0 : index
      %swap3A_2430 = vector.load %arg2[%swap3A_2428, %swap3A_2429] : memref<32x128xf32, #tpu.memory_space<vmem>>, vector<32x128xf32>
      tpu.vector_store %arg2[%swap3A_2428, %swap3A_2429], %select_n3A_2427 {strides = array<i32>} : memref<32x128xf32, #tpu.memory_space<vmem>>, vector<32x128xf32>,
    } else {
    }
    return
  }
  func.func @transform_0(%arg0: i32) -> (i32, i32) {
    %add3A = arith.constant 48 : i32
    %add3A_0 = arith.addi %add3A, %arg0 : i32
    %c0_i32 = arith.constant 0 : i32
    %c0_i32_1 = arith.constant 0 : i32
    return %c0_i32, %add3A_0 : i32, i32
  }
  func.func @transform_1(%arg0: i32) -> (i32, i32) {
    %c0_i32 = arith.constant 0 : i32
    %c0_i32_0 = arith.constant 0 : i32
    %c0_i32_1 = arith.constant 0 : i32
    return %c0_i32, %c0_i32_0 : i32, i32
  }
}

</mosaic_0001>

<sc_bundles>
// kernel: kernel.4.cloned.1.call-start
scs
__scs_entry_jumppad:
0x0: {  	(pc) =	sbr.rel $0x88, $3  }
0x1: {  	(tag) =	ssettag $0x0;
	lr =	simm.s32 $0x1  }
0x2: {  	[smem:$0x3FA0] =	sst lr;
	_ =	strace $0xD0000000  }
0x3: {  	_ = 	snop  }
0x4: {  	_ = 	snop  }
0x5: {  	_ = 	snop  }
0x6: {  	_ = 	snop  }
0x7: {  	_ = 	snop  }
__scs_overlays_trampoline_lowered:
0x8: {  	[smem:$0x3FAF] =	sst s0  }
0x9: {  	[smem:$0x3FB0] =	sst s1  }
0xa: {  	[smem:$0x3FB1] =	sst s2  }
0xb: {  	[smem:$0x3FB2] =	sst s3  }
0xc: {  	[smem:$0x3FB3] =	sst s4  }
0xd: {  	[smem:$0x3FB4] =	sst s5  }
0xe: {  	[smem:$0x3FB5] =	sst s6  }
0xf: {  	[smem:$0x3FB6] =	sst s7  }
0x10: {  	[smem:$0x3FB7] =	sst s8  }
0x11: {  	[smem:$0x3FB8] =	sst s9;
	s0 =	simm.s32 @!p0 $0x0  }
0x12: {  	s1 =	sld [smem:$0x3F9E];
	s0 =	simm.s32 @p0 $0x1  }
0x13: {  	[smem:$0x3FB9] =	sst s0;
	s0 =	simm.s32 @!p1 $0x0  }
0x14: {  	s2 =	sld [smem:$0x3F9D];
	s0 =	simm.s32 @p1 $0x1  }
0x15: {  	[smem:$0x3FBA] =	sst s0;
	s0 =	simm.s32 @!p2 $0x0  }
0x16: {  	s3 =	sld [smem:$0x3FDB];
	s0 =	simm.s32 @p2 $0x1  }
0x17: {  	s4 =	simm.s32 $0x1BF5;
	[smem:$0x3FBC] =	sst s0  }
0x18: {  	s0 =	sld [smem:$0x3F9F];
	_ =	swait.ge [sflag:s4], $0x0  }
0x19: {  	s7 =	sld [smem:$0x3FA0]  }
0x1a: {  	s8 =	sadd.s32 $0xFFFFE003, lr  }
0x1b: {  	s9 =	sadd.s32 $0xFFFFFEF7, lr;
	s5 =	simm.s32 $0xFFFFFFFF;
	p2 =	slt.u32 s8, $0xFFFFF086  }
0x1c: {  	p1 =	slt.u32 s9, $0xF7A;
	s5 =	simm.s32 @!p2 $0x0  }
0x1d: {  	s5 =	simm.s32 @p1 $0x1;
	p0 =	seq.s32 s7, s2  }
0x1e: {  	s7 =	smul.u32 @!p0 $0xF7A, s2;
	p2 =	seq.s32 @!p0 s5, $0x0  }
0x1f: {  	s9 =	smul.u32 $0xF7A, s1;
	s8 =	simm.s32 @!p0 $0x1BF5;
	p2 =	por !p2, p0  }
0x20: {  	[sflag:s8] =	ssyncset.s32 @!p0 $0xFFFFF086;
	s6 =	sadd.s32 @!p0 s3, s7;
	s7 =	simm.s32 @!p0 $0x108  }
0x21: {  	s3 =	sadd.s32 s3, s9;
	s6 =	sadd.s32 @!p0 $0x88, s6;
	s7 =	simm.s32 @p2 $0x1082  }
0x22: {  	[simem:s7], [sflag:s8] =	dma.local @!p0 [hbm:s6], $0xF7A  }
0x23: {  	s9 =	sor.u32 $0xD0000000, s2;
	s6 =	simm.s32 $0x108;
	_ =	swait.ge @!p0 [sflag:s8], $0x0  }
0x24: {  	s3 =	sadd.s32 $0x88, s3;
	s6 =	simm.s32 @!p1 $0x1082;
	[sflag:s4] =	ssyncset.s32 $0xFFFFF086  }
0x25: {  	[simem:s6], [sflag:s4] =	dma.local [hbm:s3], $0xF7A  }
0x26: {  	[smem:$0x3FA0] =	sst s1;
	(tag) =	ssettag s2;
	_ =	strace s9  }
0x27: {  	s1 =	sld [smem:$0x3FB0]  }
0x28: {  	s2 =	sld [smem:$0x3FB1]  }
0x29: {  	s4 =	sld [smem:$0x3FB3]  }
0x2a: {  	p0 =	seq.s32 s5, $0x0;
	s5 =	sld [smem:$0x3FB4]  }
0x2b: {  	s6 =	sld [smem:$0x3FB5]  }
0x2c: {  	s7 =	sld [smem:$0x3FB6]  }
0x2d: {  	s3 =	simm.s32 $0x108;
	s8 =	sld [smem:$0x3FB7]  }
0x2e: {  	s3 =	simm.s32 @!p0 $0x1082;
	s9 =	sld [smem:$0x3FB8]  }
0x2f: {  	lr =	sadd.s32 s0, s3;
	s0 =	sld [smem:$0x3FAF]  }
0x30: {  	s3 =	sld [smem:$0x3FB2]  }
0x31: {  	[smem:$0x3FBB] =	sst s10  }
0x32: {  	s10 =	sld [smem:$0x3FB9];
	_ =	sdelay $0x3  }
0x33: {  	p0 =	seq.s32 s10, $0x1;
	s10 =	sld [smem:$0x3FBB];
	_ =	sdelay $0x3  }
0x34: {  	[smem:$0x3FBB] =	sst s10  }
0x35: {  	s10 =	sld [smem:$0x3FBA];
	_ =	sdelay $0x3  }
0x36: {  	p1 =	seq.s32 s10, $0x1;
	s10 =	sld [smem:$0x3FBB];
	_ =	sdelay $0x3  }
0x37: {  	[smem:$0x3FBB] =	sst s10  }
0x38: {  	s10 =	sld [smem:$0x3FBC]  }
0x39: {  	_ = 	snop;
	(pc) =	sbr.ind lr, $3  }
0x3a: {  	_ = 	snop  }
0x3b: {  	_ = 	snop  }
0x3c: {  	p2 =	seq.s32 s10, $0x1;
	s10 =	sld [smem:$0x3FBB]  }
0x3d: {  	_ =	shalt  }
0x3e: {  	_ =	shalt  }
0x3f: {  	_ =	shalt  }
0x40: {  	_ =	shalt  }
0x41: {  	_ =	shalt  }
0x42: {  	_ =	shalt  }
0x43: {  	_ =	shalt  }
0x44: {  	_ =	shalt  }
0x45: {  	_ =	shalt  }
0x46: {  	_ =	shalt  }
0x47: {  	_ =	shalt  }
0x48: {  	_ =	shalt  }
0x49: {  	_ =	shalt  }
0x4a: {  	_ =	shalt  }
0x4b: {  	_ =	shalt  }
0x4c: {  	_ =	shalt  }
0x4d: {  	_ =	shalt  }
0x4e: {  	_ =	shalt  }
0x4f: {  	_ =	shalt  }
0x50: {  	_ =	shalt  }
0x51: {  	_ =	shalt  }
0x52: {  	_ =	shalt  }
0x53: {  	_ =	shalt  }
0x54: {  	_ =	shalt  }
0x55: {  	_ =	shalt  }
0x56: {  	_ =	shalt  }
0x57: {  	_ =	shalt  }
0x58: {  	_ =	shalt  }
0x59: {  	_ =	shalt  }
0x5a: {  	_ =	shalt  }
0x5b: {  	_ =	shalt  }
0x5c: {  	_ =	shalt  }
0x5d: {  	_ =	shalt  }
0x5e: {  	_ =	shalt  }
0x5f: {  	_ =	shalt  }
0x60: {  	_ =	shalt  }
0x61: {  	_ =	shalt  }
0x62: {  	_ =	shalt  }
0x63: {  	_ =	shalt  }
0x64: {  	_ =	shalt  }
0x65: {  	_ =	shalt  }
0x66: {  	_ =	shalt  }
0x67: {  	_ =	shalt  }
0x68: {  	_ =	shalt  }
0x69: {  	_ =	shalt  }
0x6a: {  	_ =	shalt  }
0x6b: {  	_ =	shalt  }
0x6c: {  	_ =	shalt  }
0x6d: {  	_ =	shalt  }
0x6e: {  	_ =	shalt  }
0x6f: {  	_ =	shalt  }
0x70: {  	_ =	shalt  }
0x71: {  	_ =	shalt  }
0x72: {  	_ =	shalt  }
0x73: {  	_ =	shalt  }
0x74: {  	_ =	shalt  }
0x75: {  	_ =	shalt  }
0x76: {  	_ =	shalt  }
0x77: {  	_ =	shalt  }
0x78: {  	_ =	shalt  }
0x79: {  	_ =	shalt  }
0x7a: {  	_ =	shalt  }
0x7b: {  	_ =	shalt  }
0x7c: {  	_ =	shalt  }
0x7d: {  	_ =	shalt  }
0x7e: {  	_ =	shalt  }
0x7f: {  	_ =	shalt  }
0x80: {  	_ =	shalt  }
0x81: {  	_ =	shalt  }
0x82: {  	_ =	shalt  }
0x83: {  	_ =	shalt  }
0x84: {  	_ =	shalt  }
0x85: {  	_ =	shalt  }
0x86: {  	_ =	shalt  }
0x87: {  	_ =	shalt  }
.Lfunc_end0:
.L_simem_size_0:
called_computation_lowered:
.L_overlay_start_0:
0x88: {  	s2 =	sld [smem:$0x3FD9]  }
0x89: {  	s3 =	sld [smem:$0x3FFE];
	_ =	sdelay $0x1  }
0x8a: {  	s1 =	srdreg.scid  }
0x8b: {  	s0 =	sand.u32 $0x1, s1  }
0x8c: {  	s17 =	sshll.u32 s0, $0xA;
	s2 =	sadd.s32 s3, s2  }
0x8d: {  	s2 =	sadd.s32 s2, s17  }
0x8e: {  	[smem:$0x3FC7] =	sst s2  }
0x8f: {  	_ = 	snop  }
0x90: {  	s2 =	sld [smem:$0x3FC9];
	(tm) =	ssettm $0x1  }
0x91: {  	s18 =	sld [smem:$0x3FFB];
	_ =	sdelay $0x3  }
0x92: {  	_ =	strace s18  }
0x93: {  	s3 =	sld [smem:$0x3FFC];
	_ =	sdelay $0x3  }
0x94: {  	_ =	strace s3  }
0x95: {  	s3 =	sld [smem:$0x3FFD];
	_ =	sdelay $0x3  }
0x96: {  	_ =	strace s3  }
0x97: {  	_ =	strace $0x8FFFFFFF  }
0x98: {  	s19 =	sld [smem:$0x3FDB];
	_ =	sdelay $0x1  }
0x99: {  	s4 =	simm.s32 $_scs_section_size  }
0x9a: {  	s5 =	simm.s32 $_size__tile_overlayer_lowered;
	s6 =	simm.s32 $_tile_overlayer_lowered  }
0x9b: {  	s22 =	simm.s32 $0x1BFF;
	s21 =	sshll.u32 s6, $0x1;
	s3 =	sadd.s32 s4, s19  }
0x9c: {  	s7 =	simm.s32 $0x0;
	s20 =	sshll.u32 s5, $0x1;
	s5 =	sadd.s32 s21, s3  }
0x9d: {  	[timem:s7], [sflag:s22] =	dma.local [hbm:s5], s20  }
0x9e: {  	_ =	swait.ge [sflag:s22], s20  }
0x9f: {  	s4 =	ssub.s32 $0x0, s20;
	[sflag:s22] =	ssyncset.done $0x0  }
0xa0: {  	[sflag:s22] =	ssyncadd.s32 s4;
	_ =	sdelay $0x1  }
0xa1: {  	s23 =	simm.s32 $0x1B8B  }
0xa2: {  	_ =	swait.ge [sflag:s23], $0x1  }
0xa3: {  	[sflag:s23] =	ssyncset.done $0x0  }
0xa4: {  	s25 =	simm.s32 $0x1B8E;
	s24 =	sld [smem:$0x3FFE];
	[sflag:s23] =	ssyncadd.s32 $0xFFFFFFFF  }
0xa5: {  	s26 =	simm.s32 $execute0_lowered;
	[smem:$0x3FD2] =	sst s25  }
0xa6: {  	s5 =	sshll.u32 s26, $0x1;
	_ =	strace $0x80000046;
	[dreg:$0x1] =	wrdreg $0xFFFFFFFF  }
0xa7: {  	s28 =	simm.s32 $_size_execute0_lowered;
	s3 =	sadd.s32 s3, s5;
	[dreg:$0x0] =	wrdreg $0x0  }
0xa8: {  	s5 =	sshll.u32 s28, $0x1;
	[dreg:$0x2] =	wrdreg s3  }
0xa9: {  	[dreg:$0x3] =	wrdreg s5  }
0xaa: {  	[dreg:$0x4] =	wrdreg $0xC0  }
0xab: {  	_ =	task [dreg:s7], $0x5FFFF  }
0xac: {  	[dreg:$0x1] =	wrdreg $0xFFFFFFFF  }
0xad: {  	[dreg:$0x0] =	wrdreg $0x60  }
0xae: {  	[dreg:$0x2] =	wrdreg s2  }
0xaf: {  	[dreg:$0x3] =	wrdreg s24  }
0xb0: {  	[dreg:$0x4] =	wrdreg $0x9  }
0xb1: {  	_ =	task.clear_ibuf [dreg:s7], $0x5FFFF;
	_ =	strace $0x90000046  }
0xb2: {  	s29 =	simm.s32 $0x9;
	_ =	strace $0x80000048  }
0xb3: {  	_ =	swait.ge [sflag:s29], $0x1  }
0xb4: {  	[sflag:s29] =	ssyncadd.s32 $0xFFFFFFFF  }
0xb5: {  	_ =	strace $0x90000048  }
0xb6: {  	_ =	sfence  }
0xb7: {  	s30 =	sld [smem:$0x0];
	_ =	sdelay $0x2  }
0xb8: {  	s31 =	sshll.u32 s1, $0xD;
	s1 =	sshrl.u32 s1, $0x2  }
0xb9: {  	s3 =	sand.u32 $0x4000, s31;
	s1 =	sadd.s32 s1, s30  }
0xba: {  	s0 =	sor.u32 s3, s0;
	s1 =	sshll.u32 s1, $0x11  }
0xbb: {  	s0 =	sor.u32 s1, s0  }
0xbc: {  	s0 =	sadd.s32 $0x8F2B, s0  }
0xbd: {  	[sflag:s0] =	ssyncadd.remote.s32 $0x1  }
0xbe: {  	_ =	sfence.sel $0xFFFF  }
0xbf: {  	[dreg:$0x0] =	wrdreg $0xFFFFFFFF;
	(pc) =	sbr.abs _section_cstart, $3  }
0xc0: {  	[dreg:$0x1] =	wrdreg $0xFFFFFFFF  }
0xc1: {  	_ =	task.clear_ibuf [dreg:s7], $0x2FFFF;
	_ =	strace $0x9FFFFFFF  }
0xc2: {  	(tm) =	ssettm $0x7FFFFFFF  }
0xc3: {  	_ =	shalt  }
tec
execute0_lowered:
.L_overlay_start_1:
0x0: {  	(tag) =	ssettag $0x1  }
0x1: {  	v0 =	vimm.s32 $0xEFCDAB89;
	v1 =	vimm.s32 $0x67452301;
	v2 =	vimm.s32 $0xDCFE98BA;
	s1 =	rddreg [dreg:$0x0]  }
0x2: {  	s5 =	rddreg [dreg:$0x1];
	v3 =	vimm.s32 $0x54761032;
	v4 =	vimm.s32 $0xBA98FEDC;
	v5 =	vimm.s32 $0x32107654  }
0x3: {  	s0 =	rddreg [dreg:$0x2];
	v6 =	vimm.s32 $0xFEDCBA98;
	v7 =	vimm.s32 $0x76543210;
	vm0 =	vmmov $0x1  }
0x4: {  	s4 =	srdreg.scid;
	s2 =	stileid.u32;
	vm1 =	vcmask $0x2F34;
	vm2 =	vcmask $0x2328;
	vm3 =	vcmask $0x1318  }
0x5: {  	s3 =	simm.s32 $0x0;
	s11 =	simm.s32 $0x400;
	vm4 =	vcmask $0x370C;
	vm5 =	vcmask $0x73C;
	s12 =	simm.s32 $0x4000;
	vm6 =	vcmask $0x2B30  }
0x6: {  	s13 =	simm.s32 $0x1;
	s14 =	simm.s32 $0x2;
	vm7 =	vcmask $0x1B20;
	vm8 =	vcmask $0xB10;
	s15 =	simm.s32 $0x8000;
	v0 =	vunpack.c.l.s4.s8 v0  }
0x7: {  	s16 =	simm.s32 $0x3;
	s17 =	simm.s32 $0x0;
	v1 =	vunpack.c.l.s4.s8 v1;
	v2 =	vunpack.c.l.s4.s8 v2;
	v3 =	vunpack.c.l.s4.s8 v3;
	s4 =	sand.u32 $0x1, s4  }
0x8: {  	s6 =	sshll.u32 s2, $0x8;
	v4 =	vunpack.c.l.s4.s8 v4;
	v5 =	vunpack.c.l.s4.s8 v5;
	s7 =	sshrl.u32 s2, $0x2;
	v6 =	vunpack.c.l.s4.s8 v6;
	[smem:$0x7FF] =	sst s3  }
0x9: {  	v7 =	vunpack.c.l.s4.s8 v7;
	vm4 =	vmor vm5, vm4;
	s8 =	sshll.u32 s4, $0x7;
	s6 =	sand.u32 $0x300, s6;
	s29 =	sshll.u32 s7, $0x17;
	v0 =	vunpack.c.0.s8.s32 v0  }
0xa: {  	_ =	strace $0x80000047;
	s30 =	ssub.s32 $0x2, s4;
	v1 =	vunpack.c.0.s8.s32 v1;
	v2 =	vunpack.c.0.s8.s32 v2;
	v3 =	vunpack.c.0.s8.s32 v3;
	s6 =	sor.u32 s8, s6  }
0xb: {  	vm5 =	vcmask $0x373C;
	s7 =	sshll.u32 s7, $0xA;
	v4 =	vunpack.c.0.s8.s32 v4;
	v5 =	vunpack.c.0.s8.s32 v5;
	s9 =	sshrl.u32 s30, $0x1;
	s8 =	sor.u32 s29, s6  }
0xc: {  	v6 =	vunpack.c.0.s8.s32 v6;
	s6 =	sor.u32 s7, s6;
	s9 =	ssub.s32 s30, s9;
	v1 =	vcombine.low v1, v0;
	v2 =	vcombine.low v3, v2;
	s31 =	sshrl.u32 s8, $0x3  }
0xd: {  	v3 =	vcombine.low v5, v4;
	v4 =	vunpack.c.0.s8.s32 v7;
	s6 =	sshrl.u32 s6, $0x3;
	v0 =	vimm.s32 $0x1;
	s7 =	sor.u32 $0x60000, s8;
	s9 =	smax.u32 s9, $0x1  }
0xe: {  	v5 =	vand.u32 $0xF, v6;
	s4 =	sadd.s32 s1, s31;
	s10 =	sadd.s32 s6, s5;
	s6 =	sor.u32 $0x40000, s8;
	v1 =	vand.u32 $0xF, v1;
	v2 =	vand.u32 $0xF, v2  }
0xf: {  	s5 =	sadd.s32 $0x4000, s4;
	v3 =	vand.u32 $0xF, v3;
	v4 =	vcombine.low v5, v4;
	s8 =	sadd.s32 $0x400, s10;
	s10 =	simm.s32 $0x80;
	v5 =	vimm.f32 $0.0e+00  }
.LBB2_1:
0x10: {  	[tilespmem:s3], [sflag:$0x1] =	stream.strided.gather [hbm4b:s4+s10], $0x4000, s11, s10, $0x38;
	v6 =	vimm.s32 $0x0;
	v9 =	vimm.s32 $0x0;
	v7 =	vimm.s32 $0x0;
	[tilespmem:$0x8080] =	vst v63  }
0x11: {  	v11 =	vimm.s32 $0x0;
	v10 =	vimm.s32 $0x0;
	v13 =	vimm.s32 $0x0;
	s18 =	simm.s32 $0x0  }
0x12: {  	v12 =	vimm.s32 $0x0;
	v15 =	vimm.s32 $0x0;
	v8 =	vimm.s32 $0x0;
	[tilespmem:s12], [sflag:$0x2] =	stream.strided.gather [hbm4b:s5+s10], $0x4000, s11, s10, $0x38;
	[tilespmem:$0x8080] =	vst v63  }
.LBB2_2:
0x13: {  	_ =	swait.ge [sflag:s13], $0x4000  }
0x14: {  	[sflag:s13] =	ssyncset.done $0x0  }
0x15: {  	s19 =	simm.s32 $0x0;
	[sflag:s13] =	ssyncadd.s32 $0xFFFFC000  }
0x16: {  	v14 =	vld [tilespmem:s19+$0x60]  }
0x17: {  	v16 =	vld [tilespmem:s19+$0x50]  }
0x18: {  	v17 =	vld [tilespmem:s19+$0x40]  }
0x19: {  	v18 =	vld [tilespmem:s19+$0x30]  }
0x1a: {  	v19 =	vld [tilespmem:s19+$0x20]  }
0x1b: {  	v20 =	vld [tilespmem:s19+$0x0]  }
0x1c: {  	v21 =	vld [tilespmem:s19+$0x10];
	_ =	sdelay $0x1  }
0x1d: {  	v16 =	vtrunc.f32 v16;
	v14 =	vtrunc.f32 v14  }
0x1e: {  	v18 =	vtrunc.f32 v18;
	v17 =	vtrunc.f32 v17  }
0x1f: {  	v20 =	vtrunc.f32 v20;
	v19 =	vtrunc.f32 v19  }
0x20: {  	v21 =	vtrunc.f32 v21;
	v14 =	vcvt.f32.s32 v14  }
0x21: {  	v17 =	vcvt.f32.s32 v17;
	v16 =	vcvt.f32.s32 v16  }
0x22: {  	v19 =	vcvt.f32.s32 v19;
	v18 =	vcvt.f32.s32 v18  }
0x23: {  	v20 =	vcvt.f32.s32 v20;
	v21 =	vcvt.f32.s32 v21;
	vm9 =	vgt.s32 v14, $0xFFFFFFFC  }
0x24: {  	vm10 =	vgt.s32 v18, $0xFFFFFFFC;
	vm11 =	vgt.s32 v17, $0xFFFFFFFC;
	vm12 =	vgt.s32 v16, $0xFFFFFFFC  }
0x25: {  	vm13 =	vgt.s32 v20, $0xFFFFFFFC;
	vm14 =	vgt.s32 v21, $0xFFFFFFFC;
	vm15 =	vgt.s32 v19, $0xFFFFFFFC  }
0x26: {  	v17 =	vnsel vm11, $0xFFFFFFFC, v17;
	v16 =	vnsel vm12, $0xFFFFFFFC, v16;
	v14 =	vnsel vm9, $0xFFFFFFFC, v14  }
0x27: {  	v20 =	vnsel vm13, $0xFFFFFFFC, v20;
	v19 =	vnsel vm15, $0xFFFFFFFC, v19;
	v18 =	vnsel vm10, $0xFFFFFFFC, v18  }
0x28: {  	v21 =	vnsel vm14, $0xFFFFFFFC, v21;
	vm9 =	vlt.s32 v16, $0x4;
	vm10 =	vlt.s32 v14, $0x4  }
0x29: {  	vm11 =	vlt.s32 v19, $0x4;
	vm12 =	vlt.s32 v18, $0x4;
	vm13 =	vlt.s32 v17, $0x4  }
0x2a: {  	vm14 =	vlt.s32 v20, $0x4;
	vm15 =	vlt.s32 v21, $0x4;
	v14 =	vnsel vm10, $0x4, v14  }
0x2b: {  	v18 =	vnsel vm12, $0x4, v18;
	v17 =	vnsel vm13, $0x4, v17;
	v16 =	vnsel vm9, $0x4, v16  }
0x2c: {  	v20 =	vnsel vm14, $0x4, v20;
	v21 =	vnsel vm15, $0x4, v21;
	v19 =	vnsel vm11, $0x4, v19  }
0x2d: {  	v20 =	vmul.u32 $0x3, v20;
	v21 =	vmul.u32 $0x3, v21;
	v14 =	vmul.u32 $0x3, v14  }
0x2e: {  	v19 =	vmul.u32 $0x3, v19;
	v17 =	vmul.u32 $0x3, v17;
	v16 =	vmul.u32 $0x3, v16  }
0x2f: {  	v18 =	vmul.u32 $0x3, v18;
	v20 =	vadd.s32 $0xC, v20;
	v21 =	vadd.s32 $0xC, v21  }
0x30: {  	v19 =	vadd.s32 $0xC, v19;
	v20 =	vshll.u32 v0, v20;
	v21 =	vshll.u32 v0, v21  }
0x31: {  	v18 =	vadd.s32 $0xC, v18;
	v19 =	vshll.u32 v0, v19;
	v20 =	vadd.s32 v20, v21  }
0x32: {  	v17 =	vadd.s32 $0xC, v17;
	v18 =	vshll.u32 v0, v18;
	v19 =	vadd.s32 v19, v20  }
0x33: {  	s31 =	simm.s32 $0x70;
	v16 =	vadd.s32 $0xC, v16;
	v17 =	vshll.u32 v0, v17;
	v18 =	vadd.s32 v18, v19  }
0x34: {  	v25 =	vld [tilespmem:s31+$0x20];
	v14 =	vadd.s32 $0xC, v14;
	v16 =	vshll.u32 v0, v16;
	v17 =	vadd.s32 v17, v18  }
0x35: {  	v14 =	vshll.u32 v0, v14;
	v21 =	vld [tilespmem:s31+$0x40];
	v16 =	vadd.s32 v16, v17  }
0x36: {  	v19 =	vld [tilespmem:s31+$0x50];
	v20 =	vadd.s32 v14, v16  }
0x37: {  	v28 =	vld [tilespmem:s31+$0x0];
	v16 =	vshrl.u32 v20, $0x3;
	v17 =	vshrl.u32 v20, $0x6;
	v14 =	vshrl.u32 v20, $0x15  }
0x38: {  	v18 =	vld [tilespmem:s31+$0x60];
	v23 =	vshrl.u32 v20, $0x9;
	v24 =	vshrl.u32 v20, $0xC;
	v26 =	vshrl.u32 v20, $0xF  }
0x39: {  	v27 =	vshrl.u32 v20, $0x12;
	v14 =	vand.u32 $0x7, v14;
	v29 =	vand.u32 $0x7, v17  }
0x3a: {  	v22 =	vld [tilespmem:s31+$0x30];
	v30 =	vand.u32 $0x7, v23;
	v32 =	vand.u32 $0x7, v24;
	v26 =	vand.u32 $0x7, v26  }
0x3b: {  	v31 =	vld [tilespmem:s31+$0x10];
	v17 =	vand.u32 $0x7, v27;
	v19 =	vtrunc.f32 v19;
	v23 =	vtrunc.f32 v21  }
0x3c: {  	v21 =	vtrunc.f32 v28;
	v24 =	vtrunc.f32 v25;
	v14 =	vadd.s32 v9, v14  }
0x3d: {  	v9 =	vand.u32 $0x7, v16;
	v16 =	vand.u32 $0x7, v20;
	v18 =	vtrunc.f32 v18  }
0x3e: {  	v12 =	vadd.s32 v12, v29;
	v13 =	vadd.s32 v13, v30;
	v10 =	vadd.s32 v10, v32  }
0x3f: {  	v9 =	vadd.s32 v15, v9;
	v15 =	vshrl.u32 v20, $0x18;
	v20 =	vtrunc.f32 v22  }
0x40: {  	s19 =	simm.s32 $0x380;
	v11 =	vadd.s32 v11, v26;
	v22 =	vtrunc.f32 v31;
	v18 =	vcvt.f32.s32 v18  }
.LBB2_3:
0x41: {  	p0 =	sne.s32 s19, $0xFDC0;
	v23 =	vcvt.f32.s32 v23;
	v19 =	vcvt.f32.s32 v19;
	v7 =	vadd.s32 v7, v17  }
0x42: {  	v17 =	vcvt.f32.s32 v24;
	v20 =	vcvt.f32.s32 v20;
	v8 =	vadd.s32 v8, v16  }
0x43: {  	v16 =	vcvt.f32.s32 v21;
	v21 =	vcvt.f32.s32 v22;
	vm9 =	vgt.s32 v18, $0xFFFFFFFC  }
0x44: {  	vm10 =	vgt.s32 v20, $0xFFFFFFFC;
	vm11 =	vgt.s32 v23, $0xFFFFFFFC;
	vm12 =	vgt.s32 v19, $0xFFFFFFFC  }
0x45: {  	vm13 =	vgt.s32 v16, $0xFFFFFFFC;
	vm14 =	vgt.s32 v21, $0xFFFFFFFC;
	vm15 =	vgt.s32 v17, $0xFFFFFFFC  }
0x46: {  	v18 =	vnsel vm9, $0xFFFFFFFC, v18;
	v22 =	vnsel vm11, $0xFFFFFFFC, v23;
	v19 =	vnsel vm12, $0xFFFFFFFC, v19  }
0x47: {  	v16 =	vnsel vm13, $0xFFFFFFFC, v16;
	v17 =	vnsel vm15, $0xFFFFFFFC, v17;
	v20 =	vnsel vm10, $0xFFFFFFFC, v20  }
0x48: {  	v21 =	vnsel vm14, $0xFFFFFFFC, v21;
	vm10 =	vlt.s32 v18, $0x4;
	vm9 =	vlt.s32 v19, $0x4  }
0x49: {  	vm11 =	vlt.s32 v17, $0x4;
	vm12 =	vlt.s32 v20, $0x4;
	vm13 =	vlt.s32 v22, $0x4  }
0x4a: {  	vm14 =	vlt.s32 v16, $0x4;
	vm15 =	vlt.s32 v21, $0x4;
	v18 =	vnsel vm10, $0x4, v18  }
0x4b: {  	v20 =	vnsel vm12, $0x4, v20;
	v22 =	vnsel vm13, $0x4, v22;
	v19 =	vnsel vm9, $0x4, v19  }
0x4c: {  	v16 =	vnsel vm14, $0x4, v16;
	v21 =	vnsel vm15, $0x4, v21;
	v17 =	vnsel vm11, $0x4, v17  }
0x4d: {  	v18 =	vmul.u32 $0x3, v18;
	v16 =	vmul.u32 $0x3, v16;
	v21 =	vmul.u32 $0x3, v21  }
0x4e: {  	v17 =	vmul.u32 $0x3, v17;
	v22 =	vmul.u32 $0x3, v22;
	v19 =	vmul.u32 $0x3, v19  }
0x4f: {  	v20 =	vmul.u32 $0x3, v20;
	v16 =	vadd.s32 $0xC, v16;
	v21 =	vadd.s32 $0xC, v21  }
0x50: {  	v17 =	vadd.s32 $0xC, v17;
	v16 =	vshll.u32 v0, v16;
	v21 =	vshll.u32 v0, v21  }
0x51: {  	v20 =	vadd.s32 $0xC, v20;
	v17 =	vshll.u32 v0, v17;
	v16 =	vadd.s32 v16, v21  }
0x52: {  	v20 =	vshll.u32 v0, v20;
	v21 =	vadd.s32 $0xC, v22;
	v16 =	vadd.s32 v17, v16  }
0x53: {  	v19 =	vadd.s32 $0xC, v19;
	v17 =	vshll.u32 v0, v21;
	v16 =	vadd.s32 v20, v16  }
0x54: {  	s20 =	sshra.s32 s19, $0x2;
	v18 =	vadd.s32 $0xC, v18;
	v19 =	vshll.u32 v0, v19;
	v16 =	vadd.s32 v17, v16  }
0x55: {  	v6 =	vadd.s32 v6, v15;
	v17 =	vshll.u32 v0, v18;
	v16 =	vadd.s32 v19, v16;
	v20 =	vld [tilespmem:s20+$0x60]  }
0x56: {  	v15 =	vadd.s32 v17, v16;
	v18 =	vld [tilespmem:s20+$0x50]  }
0x57: {  	v16 =	vshrl.u32 v15, $0x3;
	v17 =	vshrl.u32 v15, $0x6;
	v19 =	vshrl.u32 v15, $0x15;
	v21 =	vld [tilespmem:s20+$0x40]  }
0x58: {  	v23 =	vshrl.u32 v15, $0x9;
	v24 =	vshrl.u32 v15, $0xC;
	v19 =	vand.u32 $0x7, v19;
	v22 =	vld [tilespmem:s20+$0x30]  }
0x59: {  	v26 =	vshrl.u32 v15, $0xF;
	v27 =	vshrl.u32 v15, $0x12;
	v14 =	vadd.s32 v14, v19;
	v25 =	vld [tilespmem:s20+$0x20]  }
0x5a: {  	v29 =	vand.u32 $0x7, v17;
	v30 =	vand.u32 $0x7, v23;
	v19 =	vand.u32 $0x7, v16;
	v28 =	vld [tilespmem:s20+$0x0]  }
0x5b: {  	v32 =	vand.u32 $0x7, v24;
	v26 =	vand.u32 $0x7, v26;
	v17 =	vand.u32 $0x7, v27;
	v31 =	vld [tilespmem:s20+$0x10]  }
.Ltmp0:
0x5c: {  	v16 =	vand.u32 $0x7, v15;
	v15 =	vshrl.u32 v15, $0x18;
	v9 =	vadd.s32 v9, v19;
	(pc) =	sbr.rel @p0 .LBB2_3-.Ltmp0, $4  }
0x5d: {  	v12 =	vadd.s32 v12, v29;
	v19 =	vtrunc.f32 v18;
	v18 =	vtrunc.f32 v20  }
0x5e: {  	v13 =	vadd.s32 v13, v30;
	v23 =	vtrunc.f32 v21;
	v20 =	vtrunc.f32 v22  }
0x5f: {  	v10 =	vadd.s32 v10, v32;
	v24 =	vtrunc.f32 v25;
	v21 =	vtrunc.f32 v28  }
0x60: {  	s19 =	sadd.s32 $0x1C0, s19;
	v11 =	vadd.s32 v11, v26;
	v18 =	vcvt.f32.s32 v18;
	v22 =	vtrunc.f32 v31  }
0x61: {  	v23 =	vcvt.f32.s32 v23;
	v19 =	vcvt.f32.s32 v19  }
0x62: {  	v24 =	vcvt.f32.s32 v24;
	v20 =	vcvt.f32.s32 v20  }
0x63: {  	v21 =	vcvt.f32.s32 v21;
	v22 =	vcvt.f32.s32 v22;
	vm9 =	vgt.s32 v18, $0xFFFFFFFC  }
0x64: {  	vm10 =	vgt.s32 v20, $0xFFFFFFFC;
	vm11 =	vgt.s32 v23, $0xFFFFFFFC;
	vm12 =	vgt.s32 v19, $0xFFFFFFFC  }
0x65: {  	vm13 =	vgt.s32 v21, $0xFFFFFFFC;
	v18 =	vnsel vm9, $0xFFFFFFFC, v18;
	v23 =	vnsel vm11, $0xFFFFFFFC, v23  }
0x66: {  	vm11 =	vgt.s32 v22, $0xFFFFFFFC;
	v19 =	vnsel vm12, $0xFFFFFFFC, v19;
	vm12 =	vgt.s32 v24, $0xFFFFFFFC  }
0x67: {  	v21 =	vnsel vm13, $0xFFFFFFFC, v21;
	v20 =	vnsel vm10, $0xFFFFFFFC, v20;
	vm10 =	vlt.s32 v18, $0x4  }
0x68: {  	v24 =	vnsel vm12, $0xFFFFFFFC, v24;
	v22 =	vnsel vm11, $0xFFFFFFFC, v22;
	vm9 =	vlt.s32 v19, $0x4  }
0x69: {  	vm12 =	vlt.s32 v20, $0x4;
	vm13 =	vlt.s32 v23, $0x4;
	v18 =	vnsel vm10, $0x4, v18  }
0x6a: {  	vm10 =	vlt.s32 v21, $0x4;
	vm11 =	vlt.s32 v24, $0x4;
	v20 =	vnsel vm12, $0x4, v20  }
0x6b: {  	vm12 =	vlt.s32 v22, $0x4;
	v23 =	vnsel vm13, $0x4, v23;
	v19 =	vnsel vm9, $0x4, v19  }
0x6c: {  	v21 =	vnsel vm10, $0x4, v21;
	v18 =	vmul.u32 $0x3, v18;
	v22 =	vnsel vm12, $0x4, v22  }
0x6d: {  	v24 =	vnsel vm11, $0x4, v24;
	v21 =	vmul.u32 $0x3, v21;
	v22 =	vmul.u32 $0x3, v22  }
0x6e: {  	v23 =	vmul.u32 $0x3, v23;
	v19 =	vmul.u32 $0x3, v19;
	v24 =	vmul.u32 $0x3, v24  }
0x6f: {  	v20 =	vmul.u32 $0x3, v20;
	v21 =	vadd.s32 $0xC, v21;
	v22 =	vadd.s32 $0xC, v22  }
0x70: {  	v21 =	vshll.u32 v0, v21;
	v24 =	vadd.s32 $0xC, v24;
	v22 =	vshll.u32 v0, v22  }
0x71: {  	v20 =	vadd.s32 $0xC, v20;
	v24 =	vshll.u32 v0, v24;
	v21 =	vadd.s32 v21, v22  }
0x72: {  	v20 =	vshll.u32 v0, v20;
	v22 =	vadd.s32 $0xC, v23;
	v21 =	vadd.s32 v24, v21  }
0x73: {  	v19 =	vadd.s32 $0xC, v19;
	v22 =	vshll.u32 v0, v22;
	v20 =	vadd.s32 v20, v21  }
0x74: {  	s19 =	sshll.u32 s18, $0x1;
	v18 =	vadd.s32 $0xC, v18;
	v19 =	vshll.u32 v0, v19;
	v21 =	vld [tilespmem:$0x3FE0];
	v20 =	vadd.s32 v22, v20  }
0x75: {  	v7 =	vadd.s32 v7, v17;
	s20 =	smin.u32 s19, $0x15;
	v17 =	vshll.u32 v0, v18;
	v22 =	vld [tilespmem:$0x3FF0];
	v18 =	vadd.s32 v19, v20  }
0x76: {  	v8 =	vadd.s32 v8, v16;
	v6 =	vadd.s32 v6, v15;
	s20 =	sshll.u32 s20, $0x11;
	v15 =	vadd.s32 v17, v18  }
0x77: {  	s20 =	sadd.s32 s6, s20;
	v16 =	vshrl.u32 v15, $0x3;
	v17 =	vshrl.u32 v15, $0x6;
	v18 =	vshrl.u32 v15, $0x15  }
0x78: {  	s20 =	sshrl.u32 s20, $0x3;
	v19 =	vshrl.u32 v15, $0x9;
	v20 =	vshrl.u32 v15, $0xC;
	v23 =	vshrl.u32 v15, $0xF  }
0x79: {  	s21 =	simm.s32 $0x0;
	s20 =	sadd.s32 s1, s20;
	v24 =	vshrl.u32 v15, $0x12;
	v18 =	vand.u32 $0x7, v18;
	v21 =	vtrunc.f32 v21  }
0x7a: {  	[tilespmem:s21], [sflag:$0x1] =	stream.strided.gather [hbm4b:s20+s10], $0x4000, s11, s10, $0x38;
	v16 =	vand.u32 $0x7, v16;
	v17 =	vand.u32 $0x7, v17;
	v22 =	vtrunc.f32 v22;
	[tilespmem:$0x8080] =	vst v63  }
0x7b: {  	_ =	swait.ge [sflag:s14], $0x4000;
	v21 =	vcvt.f32.s32 v21;
	v14 =	vadd.s32 v14, v18;
	v22 =	vcvt.f32.s32 v22  }
0x7c: {  	[sflag:s14] =	ssyncset.done $0x0;
	v18 =	vand.u32 $0x7, v19;
	v19 =	vand.u32 $0x7, v20;
	v9 =	vadd.s32 v9, v16  }
0x7d: {  	s30 =	simm.s32 $0x0;
	[sflag:s14] =	ssyncadd.s32 $0xFFFFC000;
	v12 =	vadd.s32 v12, v17;
	vm9 =	vgt.s32 v21, $0xFFFFFFFC;
	vm10 =	vgt.s32 v22, $0xFFFFFFFC  }
0x7e: {  	v10 =	vadd.s32 v10, v19;
	v19 =	vld [tilespmem:s30+$0x4040];
	v20 =	vnsel vm9, $0xFFFFFFFC, v21;
	v21 =	vnsel vm10, $0xFFFFFFFC, v22  }
0x7f: {  	v13 =	vadd.s32 v13, v18;
	vm9 =	vlt.s32 v20, $0x4;
	vm10 =	vlt.s32 v21, $0x4  }
0x80: {  	v22 =	vand.u32 $0x7, v23;
	v20 =	vnsel vm9, $0x4, v20;
	v21 =	vnsel vm10, $0x4, v21  }
0x81: {  	v23 =	vand.u32 $0x7, v24;
	v20 =	vmul.u32 $0x3, v20;
	v21 =	vmul.u32 $0x3, v21  }
0x82: {  	v24 =	vand.u32 $0x7, v15;
	v15 =	vshrl.u32 v15, $0x18;
	v11 =	vadd.s32 v11, v22  }
0x83: {  	v19 =	vtrunc.f32 v19;
	v16 =	vadd.s32 $0xC, v20;
	v17 =	vadd.s32 $0xC, v21  }
0x84: {  	v19 =	vcvt.f32.s32 v19;
	v16 =	vshll.u32 v0, v16;
	v17 =	vshll.u32 v0, v17  }
0x85: {  	v18 =	vld [tilespmem:s30+$0x4060];
	v7 =	vadd.s32 v7, v23;
	v8 =	vadd.s32 v8, v24;
	v16 =	vadd.s32 v16, v17  }
0x86: {  	v6 =	vadd.s32 v6, v15;
	v22 =	vld [tilespmem:s30+$0x4030];
	vm11 =	vgt.s32 v19, $0xFFFFFFFC;
	v15 =	vshrl.u32 v16, $0x15  }
0x87: {  	v23 =	vld [tilespmem:s30+$0x4000];
	v20 =	vshrl.u32 v16, $0x18;
	v21 =	vshrl.u32 v16, $0x12;
	v15 =	vand.u32 $0x7, v15  }
0x88: {  	v17 =	vld [tilespmem:s30+$0x4050];
	v6 =	vadd.s32 v6, v20;
	v15 =	vadd.s32 v14, v15;
	v14 =	vand.u32 $0x7, v21  }
0x89: {  	v20 =	vld [tilespmem:s30+$0x4020];
	v21 =	vshrl.u32 v16, $0xC;
	v7 =	vadd.s32 v7, v14;
	v14 =	vshrl.u32 v16, $0xF  }
0x8a: {  	v19 =	vnsel vm11, $0xFFFFFFFC, v19;
	v21 =	vand.u32 $0x7, v21;
	v14 =	vand.u32 $0x7, v14  }
0x8b: {  	v24 =	vshrl.u32 v16, $0x9;
	v26 =	vadd.s32 v11, v14;
	v11 =	vadd.s32 v10, v21  }
0x8c: {  	v25 =	vld [tilespmem:s30+$0x4010];
	v10 =	vand.u32 $0x7, v24;
	v14 =	vtrunc.f32 v18;
	v18 =	vtrunc.f32 v22  }
0x8d: {  	v21 =	vtrunc.f32 v23;
	v22 =	vshrl.u32 v16, $0x3;
	v10 =	vadd.s32 v13, v10  }
0x8e: {  	v13 =	vtrunc.f32 v17;
	v17 =	vshrl.u32 v16, $0x6;
	v20 =	vtrunc.f32 v20  }
0x8f: {  	v14 =	vcvt.f32.s32 v14;
	v22 =	vand.u32 $0x7, v22;
	v18 =	vcvt.f32.s32 v18  }
0x90: {  	v21 =	vcvt.f32.s32 v21;
	v17 =	vand.u32 $0x7, v17;
	v13 =	vcvt.f32.s32 v13  }
0x91: {  	v20 =	vcvt.f32.s32 v20;
	v12 =	vadd.s32 v12, v17;
	v17 =	vtrunc.f32 v25  }
0x92: {  	vm9 =	vgt.s32 v14, $0xFFFFFFFC;
	vm10 =	vgt.s32 v18, $0xFFFFFFFC;
	vm13 =	vgt.s32 v21, $0xFFFFFFFC  }
0x93: {  	v17 =	vcvt.f32.s32 v17;
	vm12 =	vgt.s32 v13, $0xFFFFFFFC;
	vm11 =	vgt.s32 v20, $0xFFFFFFFC  }
0x94: {  	v14 =	vnsel vm9, $0xFFFFFFFC, v14;
	v21 =	vnsel vm13, $0xFFFFFFFC, v21;
	v18 =	vnsel vm10, $0xFFFFFFFC, v18  }
0x95: {  	vm13 =	vlt.s32 v19, $0x4;
	v13 =	vnsel vm12, $0xFFFFFFFC, v13;
	v20 =	vnsel vm11, $0xFFFFFFFC, v20  }
0x96: {  	vm10 =	vlt.s32 v14, $0x4;
	vm12 =	vlt.s32 v18, $0x4;
	v19 =	vnsel vm13, $0x4, v19  }
0x97: {  	vm14 =	vgt.s32 v17, $0xFFFFFFFC;
	vm9 =	vlt.s32 v13, $0x4;
	vm11 =	vlt.s32 v20, $0x4  }
0x98: {  	v14 =	vnsel vm10, $0x4, v14;
	v18 =	vnsel vm12, $0x4, v18;
	v17 =	vnsel vm14, $0xFFFFFFFC, v17  }
0x99: {  	v19 =	vmul.u32 $0x3, v19;
	vm14 =	vlt.s32 v21, $0x4;
	vm10 =	vlt.s32 v17, $0x4  }
0x9a: {  	v13 =	vnsel vm9, $0x4, v13;
	v21 =	vnsel vm14, $0x4, v21;
	v17 =	vnsel vm10, $0x4, v17  }
0x9b: {  	v20 =	vnsel vm11, $0x4, v20;
	v21 =	vmul.u32 $0x3, v21;
	v17 =	vmul.u32 $0x3, v17  }
0x9c: {  	v14 =	vmul.u32 $0x3, v14;
	v18 =	vmul.u32 $0x3, v18;
	v20 =	vmul.u32 $0x3, v20  }
0x9d: {  	v13 =	vmul.u32 $0x3, v13;
	v21 =	vadd.s32 $0xC, v21;
	v17 =	vadd.s32 $0xC, v17  }
0x9e: {  	s31 =	simm.s32 $0x70;
	v20 =	vadd.s32 $0xC, v20;
	v21 =	vshll.u32 v0, v21;
	v17 =	vshll.u32 v0, v17  }
0x9f: {  	v24 =	vld [tilespmem:s31+$0x4020];
	v18 =	vadd.s32 $0xC, v18;
	v20 =	vshll.u32 v0, v20;
	v17 =	vadd.s32 v21, v17  }
0xa0: {  	v19 =	vadd.s32 $0xC, v19;
	v18 =	vshll.u32 v0, v18;
	v17 =	vadd.s32 v20, v17  }
0xa1: {  	v19 =	vshll.u32 v0, v19;
	v13 =	vadd.s32 $0xC, v13;
	v17 =	vadd.s32 v18, v17  }
0xa2: {  	v14 =	vadd.s32 $0xC, v14;
	v13 =	vshll.u32 v0, v13;
	v17 =	vadd.s32 v19, v17  }
0xa3: {  	v16 =	vand.u32 $0x7, v16;
	v19 =	vshll.u32 v0, v14;
	v13 =	vadd.s32 v13, v17  }
0xa4: {  	v9 =	vadd.s32 v9, v22;
	v24 =	vtrunc.f32 v24;
	v21 =	vld [tilespmem:s31+$0x4040];
	v19 =	vadd.s32 v19, v13  }
0xa5: {  	v18 =	vld [tilespmem:s31+$0x4060];
	v14 =	vadd.s32 v8, v16;
	v8 =	vshrl.u32 v19, $0x3;
	v16 =	vshrl.u32 v19, $0x6  }
0xa6: {  	v28 =	vld [tilespmem:s31+$0x4000];
	v13 =	vshrl.u32 v19, $0x15;
	v17 =	vshrl.u32 v19, $0x9;
	v23 =	vshrl.u32 v19, $0xC  }
0xa7: {  	v20 =	vld [tilespmem:s31+$0x4050];
	v25 =	vshrl.u32 v19, $0xF;
	v27 =	vshrl.u32 v19, $0x12;
	v13 =	vand.u32 $0x7, v13  }
0xa8: {  	v22 =	vld [tilespmem:s31+$0x4030];
	v8 =	vand.u32 $0x7, v8;
	v29 =	vand.u32 $0x7, v16;
	v30 =	vand.u32 $0x7, v17  }
0xa9: {  	v31 =	vld [tilespmem:s31+$0x4010];
	v32 =	vand.u32 $0x7, v23;
	v25 =	vand.u32 $0x7, v25;
	v17 =	vand.u32 $0x7, v27  }
0xaa: {  	v16 =	vand.u32 $0x7, v19;
	v18 =	vtrunc.f32 v18;
	v23 =	vtrunc.f32 v21  }
0xab: {  	v21 =	vtrunc.f32 v28;
	v13 =	vadd.s32 v15, v13;
	v8 =	vadd.s32 v9, v8  }
0xac: {  	v15 =	vshrl.u32 v19, $0x18;
	v19 =	vtrunc.f32 v20;
	v9 =	vadd.s32 v12, v29  }
0xad: {  	v20 =	vtrunc.f32 v22;
	v10 =	vadd.s32 v10, v30;
	v11 =	vadd.s32 v11, v32  }
0xae: {  	s20 =	simm.s32 $0x380;
	v22 =	vtrunc.f32 v31;
	v18 =	vcvt.f32.s32 v18;
	v12 =	vadd.s32 v26, v25  }
.LBB2_5:
0xaf: {  	p0 =	sne.s32 s20, $0xFDC0;
	v23 =	vcvt.f32.s32 v23;
	v19 =	vcvt.f32.s32 v19;
	v7 =	vadd.s32 v7, v17  }
0xb0: {  	v17 =	vcvt.f32.s32 v24;
	v20 =	vcvt.f32.s32 v20;
	v14 =	vadd.s32 v14, v16  }
0xb1: {  	v16 =	vcvt.f32.s32 v21;
	v21 =	vcvt.f32.s32 v22;
	vm9 =	vgt.s32 v18, $0xFFFFFFFC  }
0xb2: {  	vm10 =	vgt.s32 v20, $0xFFFFFFFC;
	vm11 =	vgt.s32 v23, $0xFFFFFFFC;
	vm12 =	vgt.s32 v19, $0xFFFFFFFC  }
0xb3: {  	vm13 =	vgt.s32 v16, $0xFFFFFFFC;
	vm14 =	vgt.s32 v21, $0xFFFFFFFC;
	vm15 =	vgt.s32 v17, $0xFFFFFFFC  }
0xb4: {  	v18 =	vnsel vm9, $0xFFFFFFFC, v18;
	v22 =	vnsel vm11, $0xFFFFFFFC, v23;
	v19 =	vnsel vm12, $0xFFFFFFFC, v19  }
0xb5: {  	v16 =	vnsel vm13, $0xFFFFFFFC, v16;
	v17 =	vnsel vm15, $0xFFFFFFFC, v17;
	v20 =	vnsel vm10, $0xFFFFFFFC, v20  }
0xb6: {  	v21 =	vnsel vm14, $0xFFFFFFFC, v21;
	vm10 =	vlt.s32 v18, $0x4;
	vm9 =	vlt.s32 v19, $0x4  }
0xb7: {  	vm11 =	vlt.s32 v17, $0x4;
	vm12 =	vlt.s32 v20, $0x4;
	vm13 =	vlt.s32 v22, $0x4  }
0xb8: {  	vm14 =	vlt.s32 v16, $0x4;
	vm15 =	vlt.s32 v21, $0x4;
	v18 =	vnsel vm10, $0x4, v18  }
0xb9: {  	v20 =	vnsel vm12, $0x4, v20;
	v22 =	vnsel vm13, $0x4, v22;
	v19 =	vnsel vm9, $0x4, v19  }
0xba: {  	v16 =	vnsel vm14, $0x4, v16;
	v21 =	vnsel vm15, $0x4, v21;
	v17 =	vnsel vm11, $0x4, v17  }
0xbb: {  	v18 =	vmul.u32 $0x3, v18;
	v16 =	vmul.u32 $0x3, v16;
	v21 =	vmul.u32 $0x3, v21  }
0xbc: {  	v17 =	vmul.u32 $0x3, v17;
	v22 =	vmul.u32 $0x3, v22;
	v19 =	vmul.u32 $0x3, v19  }
0xbd: {  	v20 =	vmul.u32 $0x3, v20;
	v16 =	vadd.s32 $0xC, v16;
	v21 =	vadd.s32 $0xC, v21  }
0xbe: {  	v17 =	vadd.s32 $0xC, v17;
	v16 =	vshll.u32 v0, v16;
	v21 =	vshll.u32 v0, v21  }
0xbf: {  	v20 =	vadd.s32 $0xC, v20;
	v17 =	vshll.u32 v0, v17;
	v16 =	vadd.s32 v16, v21  }
0xc0: {  	v20 =	vshll.u32 v0, v20;
	v21 =	vadd.s32 $0xC, v22;
	v16 =	vadd.s32 v17, v16  }
0xc1: {  	v19 =	vadd.s32 $0xC, v19;
	v17 =	vshll.u32 v0, v21;
	v16 =	vadd.s32 v20, v16  }
0xc2: {  	s21 =	sshra.s32 s20, $0x2;
	v18 =	vadd.s32 $0xC, v18;
	v19 =	vshll.u32 v0, v19;
	v16 =	vadd.s32 v17, v16  }
0xc3: {  	v6 =	vadd.s32 v6, v15;
	v17 =	vshll.u32 v0, v18;
	v16 =	vadd.s32 v19, v16;
	v20 =	vld [tilespmem:s21+$0x4060]  }
0xc4: {  	v15 =	vadd.s32 v17, v16;
	v18 =	vld [tilespmem:s21+$0x4050]  }
0xc5: {  	v16 =	vshrl.u32 v15, $0x3;
	v17 =	vshrl.u32 v15, $0x6;
	v19 =	vshrl.u32 v15, $0x15;
	v21 =	vld [tilespmem:s21+$0x4040]  }
0xc6: {  	v23 =	vshrl.u32 v15, $0x9;
	v24 =	vshrl.u32 v15, $0xC;
	v19 =	vand.u32 $0x7, v19;
	v22 =	vld [tilespmem:s21+$0x4030]  }
0xc7: {  	v26 =	vshrl.u32 v15, $0xF;
	v27 =	vshrl.u32 v15, $0x12;
	v13 =	vadd.s32 v13, v19;
	v25 =	vld [tilespmem:s21+$0x4020]  }
0xc8: {  	v29 =	vand.u32 $0x7, v17;
	v30 =	vand.u32 $0x7, v23;
	v19 =	vand.u32 $0x7, v16;
	v28 =	vld [tilespmem:s21+$0x4000]  }
0xc9: {  	v32 =	vand.u32 $0x7, v24;
	v26 =	vand.u32 $0x7, v26;
	v17 =	vand.u32 $0x7, v27;
	v31 =	vld [tilespmem:s21+$0x4010]  }
.Ltmp1:
0xca: {  	v16 =	vand.u32 $0x7, v15;
	v15 =	vshrl.u32 v15, $0x18;
	v8 =	vadd.s32 v8, v19;
	(pc) =	sbr.rel @p0 .LBB2_5-.Ltmp1, $4  }
0xcb: {  	v9 =	vadd.s32 v9, v29;
	v19 =	vtrunc.f32 v18;
	v18 =	vtrunc.f32 v20  }
0xcc: {  	v10 =	vadd.s32 v10, v30;
	v23 =	vtrunc.f32 v21;
	v20 =	vtrunc.f32 v22  }
0xcd: {  	v11 =	vadd.s32 v11, v32;
	v24 =	vtrunc.f32 v25;
	v21 =	vtrunc.f32 v28  }
0xce: {  	s20 =	sadd.s32 $0x1C0, s20;
	v12 =	vadd.s32 v12, v26;
	v18 =	vcvt.f32.s32 v18;
	v22 =	vtrunc.f32 v31  }
0xcf: {  	v23 =	vcvt.f32.s32 v23;
	v19 =	vcvt.f32.s32 v19  }
0xd0: {  	v24 =	vcvt.f32.s32 v24;
	v20 =	vcvt.f32.s32 v20  }
0xd1: {  	v21 =	vcvt.f32.s32 v21;
	v22 =	vcvt.f32.s32 v22;
	v7 =	vadd.s32 v7, v17  }
0xd2: {  	v14 =	vadd.s32 v14, v16;
	vm9 =	vgt.s32 v18, $0xFFFFFFFC;
	vm10 =	vgt.s32 v20, $0xFFFFFFFC  }
0xd3: {  	vm11 =	vgt.s32 v23, $0xFFFFFFFC;
	vm12 =	vgt.s32 v19, $0xFFFFFFFC;
	vm13 =	vgt.s32 v21, $0xFFFFFFFC  }
0xd4: {  	v18 =	vnsel vm9, $0xFFFFFFFC, v18;
	v23 =	vnsel vm11, $0xFFFFFFFC, v23;
	vm11 =	vgt.s32 v22, $0xFFFFFFFC  }
0xd5: {  	v19 =	vnsel vm12, $0xFFFFFFFC, v19;
	vm12 =	vgt.s32 v24, $0xFFFFFFFC;
	v21 =	vnsel vm13, $0xFFFFFFFC, v21  }
0xd6: {  	v20 =	vnsel vm10, $0xFFFFFFFC, v20;
	vm10 =	vlt.s32 v18, $0x4;
	v24 =	vnsel vm12, $0xFFFFFFFC, v24  }
0xd7: {  	v22 =	vnsel vm11, $0xFFFFFFFC, v22;
	vm9 =	vlt.s32 v19, $0x4;
	vm12 =	vlt.s32 v20, $0x4  }
0xd8: {  	vm13 =	vlt.s32 v23, $0x4;
	v18 =	vnsel vm10, $0x4, v18;
	vm10 =	vlt.s32 v21, $0x4  }
0xd9: {  	vm11 =	vlt.s32 v24, $0x4;
	v20 =	vnsel vm12, $0x4, v20;
	vm12 =	vlt.s32 v22, $0x4  }
0xda: {  	v23 =	vnsel vm13, $0x4, v23;
	v19 =	vnsel vm9, $0x4, v19;
	v21 =	vnsel vm10, $0x4, v21  }
0xdb: {  	v18 =	vmul.u32 $0x3, v18;
	v22 =	vnsel vm12, $0x4, v22;
	v24 =	vnsel vm11, $0x4, v24  }
0xdc: {  	v21 =	vmul.u32 $0x3, v21;
	v23 =	vmul.u32 $0x3, v23;
	v22 =	vmul.u32 $0x3, v22  }
0xdd: {  	v19 =	vmul.u32 $0x3, v19;
	v20 =	vmul.u32 $0x3, v20;
	v24 =	vmul.u32 $0x3, v24  }
0xde: {  	v48 =	vld [tilespmem:$0x7FE0];
	v18 =	vadd.s32 $0xC, v18;
	v21 =	vadd.s32 $0xC, v21;
	v22 =	vadd.s32 $0xC, v22  }
0xdf: {  	v21 =	vshll.u32 v0, v21;
	v24 =	vadd.s32 $0xC, v24;
	v22 =	vshll.u32 v0, v22  }
0xe0: {  	v49 =	vld [tilespmem:$0x7FF0];
	v20 =	vadd.s32 $0xC, v20;
	v24 =	vshll.u32 v0, v24;
	v21 =	vadd.s32 v21, v22  }
0xe1: {  	v47 =	vadd.s32 $0xC, v23;
	v20 =	vshll.u32 v0, v20;
	v21 =	vadd.s32 v24, v21  }
0xe2: {  	v19 =	vadd.s32 $0xC, v19;
	v22 =	vshll.u32 v0, v47;
	v20 =	vadd.s32 v20, v21  }
0xe3: {  	v19 =	vshll.u32 v0, v19;
	v21 =	vtrunc.f32 v48;
	v20 =	vadd.s32 v22, v20  }
0xe4: {  	v17 =	vshll.u32 v0, v18;
	v21 =	vcvt.f32.s32 v21;
	v50 =	vadd.s32 v19, v20  }
0xe5: {  	v6 =	vadd.s32 v6, v15;
	v22 =	vtrunc.f32 v49;
	v15 =	vadd.s32 v17, v50  }
0xe6: {  	v22 =	vcvt.f32.s32 v22;
	vm9 =	vgt.s32 v21, $0xFFFFFFFC;
	v16 =	vshrl.u32 v15, $0x3  }
0xe7: {  	v17 =	vshrl.u32 v15, $0x6;
	v18 =	vshrl.u32 v15, $0x15;
	v51 =	vshrl.u32 v15, $0x9  }
0xe8: {  	v52 =	vshrl.u32 v15, $0xC;
	v53 =	vshrl.u32 v15, $0xF;
	v54 =	vshrl.u32 v15, $0x12  }
0xe9: {  	vm10 =	vgt.s32 v22, $0xFFFFFFFC;
	v57 =	vnsel vm9, $0xFFFFFFFC, v21;
	v61 =	vand.u32 $0x7, v15  }
0xea: {  	v15 =	vshrl.u32 v15, $0x18;
	v18 =	vand.u32 $0x7, v18;
	v16 =	vand.u32 $0x7, v16  }
0xeb: {  	v17 =	vand.u32 $0x7, v17;
	v55 =	vand.u32 $0x7, v51;
	v58 =	vnsel vm10, $0xFFFFFFFC, v22  }
0xec: {  	v56 =	vand.u32 $0x7, v52;
	vm9 =	vlt.s32 v57, $0x4;
	vm10 =	vlt.s32 v58, $0x4  }
0xed: {  	v59 =	vand.u32 $0x7, v53;
	v20 =	vnsel vm9, $0x4, v57;
	v21 =	vnsel vm10, $0x4, v58  }
0xee: {  	v60 =	vand.u32 $0x7, v54;
	v20 =	vmul.u32 $0x3, v20;
	v21 =	vmul.u32 $0x3, v21  }
0xef: {  	v14 =	vadd.s32 v14, v61;
	v8 =	vadd.s32 v8, v16;
	v16 =	vadd.s32 v9, v17  }
0xf0: {  	v17 =	vadd.s32 v10, v55;
	v9 =	vadd.s32 $0xC, v20;
	v10 =	vadd.s32 $0xC, v21  }
0xf1: {  	v6 =	vadd.s32 v6, v15;
	v9 =	vshll.u32 v0, v9;
	v10 =	vshll.u32 v0, v10  }
0xf2: {  	v62 =	vadd.s32 v11, v56;
	v11 =	vadd.s32 v12, v59;
	v12 =	vadd.s32 v9, v10  }
0xf3: {  	v13 =	vadd.s32 v13, v18;
	v7 =	vadd.s32 v7, v60;
	v9 =	vshrl.u32 v12, $0x15  }
0xf4: {  	v10 =	vshrl.u32 v12, $0x18;
	v15 =	vshrl.u32 v12, $0x12;
	v9 =	vand.u32 $0x7, v9  }
0xf5: {  	s18 =	sadd.s32 $0x1, s18;
	v6 =	vadd.s32 v6, v10;
	v10 =	vand.u32 $0x7, v15;
	v9 =	vadd.s32 v13, v9  }
0xf6: {  	s19 =	smin.u32 s19, $0x14;
	p0 =	sne.s32 s18, $0xC;
	v7 =	vadd.s32 v7, v10;
	v10 =	vshrl.u32 v12, $0xF;
	v13 =	vshrl.u32 v12, $0xC  }
.Ltmp2:
0xf7: {  	s19 =	sshll.u32 s19, $0x11;
	v15 =	vshrl.u32 v12, $0x9;
	v10 =	vand.u32 $0x7, v10;
	v13 =	vand.u32 $0x7, v13;
	(pc) =	sbr.rel @p0 .LBB2_2-.Ltmp2, $4  }
0xf8: {  	s19 =	sadd.s32 s7, s19;
	v11 =	vadd.s32 v11, v10;
	v10 =	vadd.s32 v62, v13;
	v13 =	vand.u32 $0x7, v15  }
0xf9: {  	s19 =	sshrl.u32 s19, $0x3;
	v15 =	vshrl.u32 v12, $0x6;
	v13 =	vadd.s32 v17, v13;
	v17 =	vshrl.u32 v12, $0x3  }
0xfa: {  	s19 =	sadd.s32 s1, s19;
	v63 =	vand.u32 $0x7, v12;
	v15 =	vand.u32 $0x7, v15;
	v17 =	vand.u32 $0x7, v17  }
0xfb: {  	[tilespmem:s12], [sflag:$0x2] =	stream.strided.gather [hbm4b:s19+s10], $0x4000, s11, s10, $0x38;
	v12 =	vadd.s32 v16, v15;
	v15 =	vadd.s32 v8, v17;
	v8 =	vadd.s32 v14, v63;
	[tilespmem:$0x8080] =	vst v63  }
0xfc: {  	v14 =	vperm.xlane v8, v1  }
0xfd: {  	v16 =	vperm.xlane v15, v1;
	v39 =	vperm.xlane v12, v1  }
0xfe: {  	v40 =	vperm.xlane v13, v1;
	v41 =	vperm.xlane v10, v1  }
0xff: {  	v43 =	vperm.xlane v11, v1;
	v45 =	vperm.xlane v7, v1  }
0x100: {  	v51 =	vperm.xlane v9, v1;
	v53 =	vperm.xlane v6, v1;
	v8 =	vadd.s32 v8, v14  }
0x101: {  	v15 =	vadd.s32 v15, v16;
	v12 =	vadd.s32 v12, v39;
	v13 =	vadd.s32 v13, v40  }
0x102: {  	v10 =	vadd.s32 v10, v41;
	v11 =	vadd.s32 v11, v43;
	v7 =	vadd.s32 v7, v45  }
0x103: {  	v9 =	vadd.s32 v9, v51;
	v14 =	vperm.xlane v8, v2;
	v16 =	vperm.xlane v15, v2  }
0x104: {  	v6 =	vadd.s32 v6, v53;
	v48 =	vperm.xlane v11, v2;
	v49 =	vperm.xlane v7, v2  }
0x105: {  	v54 =	vperm.xlane v9, v2;
	v56 =	vperm.xlane v6, v2;
	v8 =	vadd.s32 v14, v8  }
0x106: {  	v15 =	vadd.s32 v16, v15;
	v14 =	vperm.xlane v12, v2;
	v11 =	vadd.s32 v48, v11  }
0x107: {  	v7 =	vadd.s32 v49, v7;
	v9 =	vadd.s32 v54, v9;
	v17 =	vperm.xlane v8, v3  }
0x108: {  	v6 =	vadd.s32 v56, v6;
	v16 =	vperm.xlane v15, v3;
	v52 =	vperm.xlane v7, v3  }
0x109: {  	v57 =	vperm.xlane v9, v3;
	v58 =	vperm.xlane v6, v3;
	v12 =	vadd.s32 v14, v12  }
0x10a: {  	v14 =	vperm.xlane v10, v2;
	v8 =	vadd.s32 v17, v8;
	v15 =	vadd.s32 v16, v15  }
0x10b: {  	v42 =	vperm.xlane v12, v3;
	v16 =	vperm.xlane v13, v2;
	v7 =	vadd.s32 v52, v7  }
0x10c: {  	v9 =	vadd.s32 v57, v9;
	v6 =	vadd.s32 v58, v6;
	v17 =	vperm.xlane v8, v4  }
0x10d: {  	v18 =	vperm.xlane v15, v4;
	v10 =	vadd.s32 v14, v10;
	v55 =	vperm.xlane v7, v4  }
0x10e: {  	v59 =	vperm.xlane v9, v4;
	v60 =	vperm.xlane v6, v4;
	v12 =	vadd.s32 v42, v12  }
0x10f: {  	v13 =	vadd.s32 v16, v13;
	v47 =	vperm.xlane v10, v3;
	v16 =	vperm.xlane v11, v3  }
0x110: {  	_ =	swait.ge [sflag:s13], $0x4000;
	v8 =	vadd.s32 v17, v8;
	v15 =	vadd.s32 v18, v15;
	v44 =	vperm.xlane v12, v4  }
0x111: {  	[sflag:s13] =	ssyncset.done $0x0;
	v46 =	vperm.xlane v13, v3;
	v7 =	vadd.s32 v55, v7;
	v9 =	vadd.s32 v59, v9  }
0x112: {  	[sflag:s13] =	ssyncadd.s32 $0xFFFFC000;
	v6 =	vadd.s32 v60, v6;
	v10 =	vadd.s32 v47, v10;
	v8 =	vcvt.s32.f32 v8  }
0x113: {  	_ =	swait.ge [sflag:s14], $0x4000;
	v11 =	vadd.s32 v16, v11;
	v15 =	vcvt.s32.f32 v15;
	v7 =	vcvt.s32.f32 v7  }
0x114: {  	[sflag:s14] =	ssyncset.done $0x0;
	v9 =	vcvt.s32.f32 v9;
	v6 =	vcvt.s32.f32 v6;
	v12 =	vadd.s32 v44, v12  }
0x115: {  	[sflag:s14] =	ssyncadd.s32 $0xFFFFC000;
	v13 =	vadd.s32 v46, v13;
	v17 =	vperm.xlane v10, v4;
	v16 =	vperm.xlane v11, v4  }
0x116: {  	[tilespmem:$0x8070] =	vst v5;
	v50 =	vperm.xlane v13, v4;
	v12 =	vcvt.s32.f32 v12;
	v7 =	vsel vm6, $0x0, v7  }
0x117: {  	v8 =	vnsel vm0, $0x0, v8;
	v6 =	vsel vm8, $0x0, v6;
	v10 =	vadd.s32 v17, v10;
	[tilespmem:$0x8040] =	vst v7  }
0x118: {  	v11 =	vadd.s32 v16, v11;
	v8 =	vsel vm1, v8, v15;
	[tilespmem:$0x8060] =	vst v6;
	v13 =	vadd.s32 v50, v13  }
0x119: {  	v7 =	vsel vm7, $0x0, v9;
	v10 =	vcvt.s32.f32 v10;
	[tilespmem:$0x8000] =	vst v8;
	v13 =	vcvt.s32.f32 v13  }
0x11a: {  	v11 =	vcvt.s32.f32 v11;
	v61 =	vsel vm2, $0x0, v12;
	[tilespmem:$0x8050] =	vst v7  }
0x11b: {  	s17 =	sadd.s32 $0x1, s17;
	[tilespmem:$0x8010] =	vst v61;
	v10 =	vsel vm4, $0x0, v10;
	v62 =	vsel vm3, $0x0, v13  }
0x11c: {  	p0 =	sne.s32 s17, s9;
	v63 =	vsel vm5, v10, v11;
	[tilespmem:$0x8020] =	vst v62  }
.Ltmp3:
0x11d: {  	[tilespmem:$0x8030] =	vst v63;
	(pc) =	sbr.rel @p0 .LBB2_1-.Ltmp3, $4  }
0x11e: {  	[hbm4b:s8+s3] =	stream.linear.scatter [tilespmem:s15], [sflag:$0x3], $0x80, $0x38;
	[tilespmem:$0x8080] =	vst v63  }
0x11f: {  	_ =	swait.ge [sflag:s16], $0x80  }
0x120: {  	[sflag:s16] =	ssyncset.done $0x0  }
0x121: {  	[sflag:s16] =	ssyncadd.s32 $0xFFFFFF80  }
0x122: {  	_ =	sfence.sel $0x180000  }
0x123: {  	[bflag:$0x0] =	sbarrier.arrive $0xFFFF  }
0x124: {  	p0 =	sne.s32 s2, $0x0;
	_ =	strace $0x90000047  }
0x125: {  	s0 =	sadd.s32 @!p0 $0x100000, s0;
	[bflag:$0x2] =	sbarrier.arrive $0xFFFF  }
0x126: {  	[sflag:s0] =	ssyncadd.tile.s32 @!p0 $0x1;
	_ =	shalt  }
.Lfunc_end2:
_tile_overlayer_lowered:
.L_overlay_start_2:
0x127: {  	(tag) =	ssettag $0x2  }
0x128: {  	s0 =	rddreg [dreg:$0x0];
	s2 =	stileid.u32  }
0x129: {  	s1 =	rddreg [dreg:$0x1];
	p0 =	sne.s32 s2, $0x0  }
0x12a: {  	s3 =	rddreg [dreg:$0x2];
	[bflag:$0x3] =	sbarrier.arrive $0xFFFF;
	s2 =	simm.s32 @!p0 $0x1C03  }
0x12b: {  	[timem:s3], [sflag:s2] =	dma.local @!p0 [hbm:s0], s1  }
0x12c: {  	s0 =	simm.s32 @!p0 $0x3  }
0x12d: {  	_ =	swait.ge @!p0 [sflag:s0], s1  }
0x12e: {  	s1 =	ssub.s32 @!p0 $0x0, s1;
	[sflag:s0] =	ssyncset.done @!p0 $0x0  }
0x12f: {  	[sflag:s0] =	ssyncadd.s32 @!p0 s1  }
0x130: {  	[bflag:$0x3] =	sbarrier.arrive $0xFFFF  }
0x131: {  	_ =	shalt  }

</sc_bundles>
